<compile_context>
chip_gen: v7x
topology: tpu7x:2x2x1
jax: 0.10.2.dev20260603
libtpu: 0.0.44.dev20260713+nightly
codegen_flags: <defaults>
</compile_context>

<pallas_src>
import functools

import jax
import jax.numpy as jnp
from jax import lax
from jax.experimental import pallas as pl
from jax.experimental.pallas import tpu as pltpu
from jax.experimental.pallas import tpu_sc as plsc

_N = 320000
_S = 5000
_SPAD = 5120
_NT = 16
_NA = _N // _NT
_C = 80
_NBC = 25
_BLK = _C * _NBC
_NBLK = _NA // _BLK


_R = 3200
_Q = _N // 4


def _mlp_body(x0_ref, x1_ref, x2_ref, x3_ref, w1t_ref, b1_ref, w2_ref,
              b2_ref, o_ref):
    rows = []
    for xr in (x0_ref, x1_ref, x2_ref, x3_ref):
        h = jnp.dot(xr[...], w1t_ref[...], preferred_element_type=jnp.float32)
        h = h + b1_ref[...]
        h = h * jax.nn.sigmoid(h)
        rows.append(lax.dot_general(
            w2_ref[...], h, (((1,), (1,)), ((), ())),
            preferred_element_type=jnp.float32))
    o_ref[...] = jnp.concatenate(rows, axis=0) + b2_ref[0, 0]


def _mlp(x, W1, b1, W2, b2):
    n, hdim = x.shape
    hh = W1.shape[0]
    nb = _Q // _R

    def xspec(i):
        return pl.BlockSpec((_R, hdim), lambda g, i=i: (i * nb + g, 0))

    return pl.pallas_call(
        _mlp_body,
        grid=(nb,),
        in_specs=[
            xspec(0), xspec(1), xspec(2), xspec(3),
            pl.BlockSpec((hdim, hh), lambda g: (0, 0)),
            pl.BlockSpec((1, hh), lambda g: (0, 0)),
            pl.BlockSpec((1, hh), lambda g: (0, 0)),
            pl.BlockSpec((1, 1), lambda g: (0, 0)),
        ],
        out_specs=pl.BlockSpec((4, _R), lambda g: (0, g)),
        out_shape=jax.ShapeDtypeStruct((4, _Q), jnp.float32),
        compiler_params=pltpu.CompilerParams(
            dimension_semantics=("arbitrary",),
        ),
    )(x, x, x, x, W1.T, b1.reshape(1, hh), W2, b2.reshape(1, 1))



_mesh = plsc.VectorSubcoreMesh(core_axis_name="c", subcore_axis_name="s")
_NW = 2 * _NT
_NAW = _N // _NW
_NBLKW = _NAW // _BLK
_STRIPE = _SPAD // _NT


@functools.partial(
    pl.kernel,
    out_type=jax.ShapeDtypeStruct((2 * 4 * _SPAD,), jnp.float32),
    mesh=_mesh,
    scratch_types=[
        pltpu.VMEM((_SPAD,), jnp.float32),
        pltpu.VMEM((_SPAD,), jnp.float32),
        pltpu.VMEM((_SPAD,), jnp.float32),
        pltpu.VMEM((_SPAD,), jnp.float32),
        pltpu.VMEM_SHARED((_NT * _SPAD,), jnp.float32),
        pltpu.VMEM_SHARED((_NT * _SPAD,), jnp.float32),
        pltpu.VMEM_SHARED((_NT * _SPAD,), jnp.float32),
        pltpu.VMEM_SHARED((_NT * _SPAD,), jnp.float32),
        pltpu.VMEM((_SPAD,), jnp.float32),
        pltpu.VMEM((_SPAD,), jnp.float32),
        pltpu.VMEM((_SPAD,), jnp.float32),
        pltpu.VMEM((_SPAD,), jnp.float32),
        pltpu.VMEM((_STRIPE,), jnp.float32),
        pltpu.VMEM((_STRIPE,), jnp.float32),
        pltpu.VMEM((_STRIPE,), jnp.float32),
        pltpu.VMEM((_STRIPE,), jnp.float32),
        pltpu.VMEM((2 * _BLK,), jnp.int32),
        pltpu.VMEM((2 * _BLK,), jnp.int32),
        pltpu.VMEM((2 * _BLK,), jnp.float32),
        pltpu.VMEM((2 * _BLK,), jnp.float32),
        pltpu.VMEM((2 * _BLK,), jnp.float32),
        pltpu.VMEM((128,), jnp.float32),
        pltpu.SemaphoreType.DMA,
        pltpu.SemaphoreType.DMA,
        pltpu.SemaphoreType.DMA,
    ],
    compiler_params=pltpu.CompilerParams(needs_layout_passes=False),
)
def _sc_sums(z_hbm, b_hbm, px_hbm, py_hbm, pz_hbm, mass_hbm, part_hbm,
             apx, apy, apz, apm, stx, sty, stz, stm,
             mbx, mby, mbz, mbm, mcx, mcy, mcz, mcm,
             zblk, bblk, pxb, pyb, pzb, massr, msem, isem0, isem1):
    cid = lax.axis_index("c")
    sid = lax.axis_index("s")
    zero16 = jnp.zeros((16,), jnp.float32)
    isems = (isem0, isem1)

    pltpu.sync_copy(mass_hbm, massr)

    base = (cid * _NT + sid) * _NAW

    def fire(jb, par):
        a0 = base + jb * _BLK
        off = par * _BLK
        sem = isems[par]
        return [
            pltpu.async_copy(z_hbm.at[pl.ds(a0, _BLK)],
                             zblk.at[pl.ds(off, _BLK)], sem),
            pltpu.async_copy(b_hbm.at[pl.ds(a0, _BLK)],
                             bblk.at[pl.ds(off, _BLK)], sem),
            pltpu.async_copy(px_hbm.at[pl.ds(a0, _BLK)],
                             pxb.at[pl.ds(off, _BLK)], sem),
            pltpu.async_copy(py_hbm.at[pl.ds(a0, _BLK)],
                             pyb.at[pl.ds(off, _BLK)], sem),
            pltpu.async_copy(pz_hbm.at[pl.ds(a0, _BLK)],
                             pzb.at[pl.ds(off, _BLK)], sem),
        ]

    pend = [fire(0, 0), None]

    def zrow(i, carry):
        r0 = i * 16
        apx[pl.ds(r0, 16)] = zero16
        apy[pl.ds(r0, 16)] = zero16
        apz[pl.ds(r0, 16)] = zero16
        apm[pl.ds(r0, 16)] = zero16
        return carry

    lax.fori_loop(0, _SPAD // 16, zrow, 0)

    for jb in range(_NBLKW):
        par = jb % 2
        if jb + 1 < _NBLKW:
            pend[1 - par] = fire(jb + 1, 1 - par)
        for hd in pend[par]:
            hd.wait()
        off = par * _BLK

        def grp(i, carry, off=off):
            s = off + 16 * i
            zi = zblk[pl.ds(s, 16)]
            m = plsc.load_gather(massr, [zi])
            b = bblk[pl.ds(s, 16)]
            plsc.addupdate_scatter(apx, [b], m * pxb[pl.ds(s, 16)])
            plsc.addupdate_scatter(apy, [b], m * pyb[pl.ds(s, 16)])
            plsc.addupdate_scatter(apz, [b], m * pzb[pl.ds(s, 16)])
            plsc.addupdate_scatter(apm, [b], m)
            return carry

        lax.fori_loop(0, _BLK // 16, grp, 0)

    pltpu.sync_copy(apx, stx.at[pl.ds(sid * _SPAD, _SPAD)])
    pltpu.sync_copy(apy, sty.at[pl.ds(sid * _SPAD, _SPAD)])
    pltpu.sync_copy(apz, stz.at[pl.ds(sid * _SPAD, _SPAD)])
    pltpu.sync_copy(apm, stm.at[pl.ds(sid * _SPAD, _SPAD)])
    plsc.subcore_barrier()

    st0 = sid * _STRIPE
    handles = []
    for st, mb in ((stx, mbx), (sty, mby), (stz, mbz), (stm, mbm)):
        for t in range(_NT):
            handles.append(pltpu.async_copy(
                st.at[pl.ds(t * _SPAD + st0, _STRIPE)],
                mb.at[pl.ds(t * _STRIPE, _STRIPE)], msem))
    for hd in handles:
        hd.wait()

    def mrow(i, carry):
        r0 = i * 16
        sx = mbx[pl.ds(r0, 16)]
        sy = mby[pl.ds(r0, 16)]
        sz = mbz[pl.ds(r0, 16)]
        sm = mbm[pl.ds(r0, 16)]
        for t in range(1, _NT):
            sx = sx + mbx[pl.ds(t * _STRIPE + r0, 16)]
            sy = sy + mby[pl.ds(t * _STRIPE + r0, 16)]
            sz = sz + mbz[pl.ds(t * _STRIPE + r0, 16)]
            sm = sm + mbm[pl.ds(t * _STRIPE + r0, 16)]
        mcx[pl.ds(r0, 16)] = sx
        mcy[pl.ds(r0, 16)] = sy
        mcz[pl.ds(r0, 16)] = sz
        mcm[pl.ds(r0, 16)] = sm
        return carry

    lax.fori_loop(0, _STRIPE // 16, mrow, 0)

    pbase = cid * 4 * _SPAD
    pltpu.sync_copy(mcx, part_hbm.at[pl.ds(pbase + 0 * _SPAD + st0, _STRIPE)])
    pltpu.sync_copy(mcy, part_hbm.at[pl.ds(pbase + 1 * _SPAD + st0, _STRIPE)])
    pltpu.sync_copy(mcz, part_hbm.at[pl.ds(pbase + 2 * _SPAD + st0, _STRIPE)])
    pltpu.sync_copy(mcm, part_hbm.at[pl.ds(pbase + 3 * _SPAD + st0, _STRIPE)])


@functools.partial(
    pl.kernel,
    out_type=(
        jax.ShapeDtypeStruct((_N,), jnp.float32),
        jax.ShapeDtypeStruct((_N,), jnp.float32),
        jax.ShapeDtypeStruct((_N,), jnp.float32),
    ),
    mesh=_mesh,
    scratch_types=[
        pltpu.VMEM((_SPAD,), jnp.float32),
        pltpu.VMEM((_SPAD,), jnp.float32),
        pltpu.VMEM((_SPAD,), jnp.float32),
        pltpu.VMEM((3 * _STRIPE,), jnp.float32),
        pltpu.VMEM((3 * _STRIPE,), jnp.float32),
        pltpu.VMEM((_STRIPE,), jnp.float32),
        pltpu.VMEM((_STRIPE,), jnp.float32),
        pltpu.VMEM_SHARED((_SPAD,), jnp.float32),
        pltpu.VMEM_SHARED((_SPAD,), jnp.float32),
        pltpu.VMEM_SHARED((_SPAD,), jnp.float32),
        pltpu.VMEM((_STRIPE,), jnp.float32),
        pltpu.VMEM((_STRIPE,), jnp.float32),
        pltpu.VMEM((_STRIPE,), jnp.float32),
        pltpu.VMEM((2 * _BLK,), jnp.int32),
        pltpu.VMEM((2 * _BLK,), jnp.float32),
        pltpu.VMEM((2 * _BLK,), jnp.float32),
        pltpu.VMEM((2 * _BLK,), jnp.float32),
        pltpu.VMEM((2 * _BLK,), jnp.float32),
        pltpu.VMEM((2 * _BLK,), jnp.float32),
        pltpu.VMEM((2 * _BLK,), jnp.float32),
        pltpu.VMEM((2 * _BLK,), jnp.float32),
        pltpu.SemaphoreType.DMA,
        pltpu.SemaphoreType.DMA,
        pltpu.SemaphoreType.DMA,
        pltpu.SemaphoreType.DMA,
        pltpu.SemaphoreType.DMA,
    ],
    compiler_params=pltpu.CompilerParams(needs_layout_passes=False),
)
def _sc_out(part_hbm, b_hbm, px_hbm, py_hbm, pz_hbm, h_hbm,
            ox_hbm, oy_hbm, oz_hbm,
            cbx, cby, cbz, t0, t1, d0, d1, cshx, cshy, cshz, mcx, mcy, mcz,
            bblk, pxb, pyb, pzb, hblk, oxb, oyb, ozb,
            gsem, isem0, isem1, osem0, osem1):
    cid = lax.axis_index("c")
    sid = lax.axis_index("s")

    st0v = sid * _STRIPE
    hs = [
        pltpu.async_copy(
            part_hbm.at[pl.ds(3 * _SPAD + st0v, _STRIPE)],
            d0.at[pl.ds(0, _STRIPE)], gsem),
        pltpu.async_copy(
            part_hbm.at[pl.ds(7 * _SPAD + st0v, _STRIPE)],
            d1.at[pl.ds(0, _STRIPE)], gsem),
    ]
    for q in range(3):
        hs.append(pltpu.async_copy(
            part_hbm.at[pl.ds(q * _SPAD + st0v, _STRIPE)],
            t0.at[pl.ds(q * _STRIPE, _STRIPE)], gsem))
        hs.append(pltpu.async_copy(
            part_hbm.at[pl.ds((4 + q) * _SPAD + st0v, _STRIPE)],
            t1.at[pl.ds(q * _STRIPE, _STRIPE)], gsem))
    for hd in hs:
        hd.wait()

    def srow(i, carry):
        r0 = i * 16
        sm = d0[pl.ds(r0, 16)] + d1[pl.ds(r0, 16)]
        inv = 1.0 / jnp.where(sm == 0.0, 1.0, sm)
        for q, mc in ((0, mcx), (1, mcy), (2, mcz)):
            mc[pl.ds(r0, 16)] = (
                t0[pl.ds(q * _STRIPE + r0, 16)]
                + t1[pl.ds(q * _STRIPE + r0, 16)]) * inv
        return carry

    lax.fori_loop(0, _STRIPE // 16, srow, 0)

    pltpu.sync_copy(mcx, cshx.at[pl.ds(st0v, _STRIPE)])
    pltpu.sync_copy(mcy, cshy.at[pl.ds(st0v, _STRIPE)])
    pltpu.sync_copy(mcz, cshz.at[pl.ds(st0v, _STRIPE)])
    plsc.subcore_barrier()
    pltpu.sync_copy(cshx, cbx)
    pltpu.sync_copy(cshy, cby)
    pltpu.sync_copy(cshz, cbz)

    base = (cid * _NT + sid) * _NAW
    isems = (isem0, isem1)
    osems = (osem0, osem1)

    def fire(jb, par):
        a0 = base + jb * _BLK
        off = par * _BLK
        sem = isems[par]
        return [
            pltpu.async_copy(b_hbm.at[pl.ds(a0, _BLK)],
                             bblk.at[pl.ds(off, _BLK)], sem),
            pltpu.async_copy(px_hbm.at[pl.ds(a0, _BLK)],
                             pxb.at[pl.ds(off, _BLK)], sem),
            pltpu.async_copy(py_hbm.at[pl.ds(a0, _BLK)],
                             pyb.at[pl.ds(off, _BLK)], sem),
            pltpu.async_copy(pz_hbm.at[pl.ds(a0, _BLK)],
                             pzb.at[pl.ds(off, _BLK)], sem),
            pltpu.async_copy(h_hbm.at[pl.ds(a0, _BLK)],
                             hblk.at[pl.ds(off, _BLK)], sem),
        ]

    pend = [fire(0, 0), None]
    opend = [None, None]

    for jb in range(_NBLKW):
        par = jb % 2
        if jb + 1 < _NBLKW:
            pend[1 - par] = fire(jb + 1, 1 - par)
        for hd in pend[par]:
            hd.wait()
        if opend[par] is not None:
            for hd in opend[par]:
                hd.wait()
        off = par * _BLK

        def grp(i, carry, off=off):
            s = off + 16 * i
            bi = bblk[pl.ds(s, 16)]
            hh = hblk[pl.ds(s, 16)]
            oxb[pl.ds(s, 16)] = hh * (
                pxb[pl.ds(s, 16)] - plsc.load_gather(cbx, [bi]))
            oyb[pl.ds(s, 16)] = hh * (
                pyb[pl.ds(s, 16)] - plsc.load_gather(cby, [bi]))
            ozb[pl.ds(s, 16)] = hh * (
                pzb[pl.ds(s, 16)] - plsc.load_gather(cbz, [bi]))
            return carry

        lax.fori_loop(0, _BLK // 16, grp, 0)
        a0 = base + jb * _BLK
        osem = osems[par]
        opend[par] = [
            pltpu.async_copy(oxb.at[pl.ds(off, _BLK)],
                             ox_hbm.at[pl.ds(a0, _BLK)], osem),
            pltpu.async_copy(oyb.at[pl.ds(off, _BLK)],
                             oy_hbm.at[pl.ds(a0, _BLK)], osem),
            pltpu.async_copy(ozb.at[pl.ds(off, _BLK)],
                             oz_hbm.at[pl.ds(a0, _BLK)], osem),
        ]

    for op in opend:
        if op is not None:
            for hd in op:
                hd.wait()


def kernel(x, v, z, pos, batch, W1, b1, W2, b2, atomic_mass):
    n = x.shape[0]
    zf = z.astype(jnp.int32)
    bf = batch.astype(jnp.int32)
    px, py, pz = pos[:, 0], pos[:, 1], pos[:, 2]
    massp = jnp.pad(atomic_mass, (0, 128 - atomic_mass.shape[0]))
    part = _sc_sums(zf, bf, px, py, pz, massp)
    h = _mlp(x, W1, b1, W2, b2).reshape(-1)
    ox, oy, oz = _sc_out(part, bf, px, py, pz, h)
    return jnp.stack([ox, oy, oz], axis=1)

# --- scband reference (transcript-rebuilt; emitter-appended) ---
"""Pipeline reference for scband-dipole-moment-37795712205500 (READ-ONLY COPY).

The authoritative reference and input builder live on the scoring server;
editing this copy changes nothing except your own understanding.
"""

import jax, jax.numpy as jnp
import numpy as np

N = 320000
H = 128
S = 5000
NUM_ELEMENTS = 119

def setup_inputs(seed: int = 0) -> dict:
    key = jax.random.key(seed)
    ks = jax.random.split(key, 10)
    x = jax.random.normal(ks[0], (N, H), dtype=jnp.float32)
    v = jnp.zeros((N, 3), dtype=jnp.float32)
    z = jax.random.randint(ks[1], (N,), 0, 100)
    pos = jax.random.normal(ks[2], (N, 3), dtype=jnp.float32)
    batch = jnp.sort(jax.random.randint(ks[3], (N,), 0, S))
    # output_network params (Linear(H, H//2) -> SiLU -> Linear(H//2, 1)), xavier-uniform style
    lim1 = float(np.sqrt(6.0 / (H + H // 2)))
    W1 = jax.random.uniform(ks[4], (H // 2, H), minval=-lim1, maxval=lim1, dtype=jnp.float32)
    b1 = jnp.zeros((H // 2,), dtype=jnp.float32)
    lim2 = float(np.sqrt(6.0 / (H // 2 + 1)))
    W2 = jax.random.uniform(ks[5], (1, H // 2), minval=-lim2, maxval=lim2, dtype=jnp.float32)
    b2 = jnp.zeros((1,), dtype=jnp.float32)
    # atomic_mass buffer (periodic table masses)
    atomic_mass = jax.random.uniform(ks[6], (NUM_ELEMENTS,), minval=1.0, maxval=240.0, dtype=jnp.float32)
    return {"x": x, "v": v, "z": z, "pos": pos, "batch": batch,
            "W1": W1, "b1": b1, "W2": W2, "b2": b2, "atomic_mass": atomic_mass}

def reference(x, v, z, pos, batch, W1, b1, W2, b2, atomic_mass):
    # output_network: Linear -> SiLU -> Linear
    h = x @ W1.T + b1
    h = h * jax.nn.sigmoid(h)  # SiLU
    h = h @ W2.T + b2  # [N, 1]
    # mass-weighted center per molecule
    mass = jnp.take(atomic_mass, z, axis=0)[:, None]  # [N, 1]
    num = jax.ops.segment_sum(mass * pos, batch, num_segments=S)  # [S, 3]
    den = jax.ops.segment_sum(mass, batch, num_segments=S)        # [S, 1]
    den = jnp.where(den == 0, 1.0, den)  # guard empty (never-referenced) segments
    c = num / den
    out = h * (pos - jnp.take(c, batch, axis=0))  # [N, 3]
    return out

if __name__ == "__main__":
    import jax
    _d = setup_inputs()
    print(jax.jit(kernel)(*tuple(_d.values())))

</pallas_src>

<mosaic_0001>
#map = affine_map<(d0, d1) -> (0)>
module attributes {stable_mosaic.version = 14 : i64} {
  func.func @_sc_sums(%arg0: i32, %arg1: i32, %arg2: memref<320000xi32, #tpu.memory_space<hbm>>, %arg3: memref<320000xi32, #tpu.memory_space<hbm>>, %arg4: memref<320000xf32, #tpu.memory_space<hbm>>, %arg5: memref<320000xf32, #tpu.memory_space<hbm>>, %arg6: memref<320000xf32, #tpu.memory_space<hbm>>, %arg7: memref<128xf32, #tpu.memory_space<hbm>>, %arg8: memref<40960xf32, #tpu.memory_space<hbm>>, %arg9: memref<5120xf32, #tpu.memory_space<vmem>>, %arg10: memref<5120xf32, #tpu.memory_space<vmem>>, %arg11: memref<5120xf32, #tpu.memory_space<vmem>>, %arg12: memref<5120xf32, #tpu.memory_space<vmem>>, %arg13: memref<81920xf32, #tpu.memory_space<vmem_shared>>, %arg14: memref<81920xf32, #tpu.memory_space<vmem_shared>>, %arg15: memref<81920xf32, #tpu.memory_space<vmem_shared>>, %arg16: memref<81920xf32, #tpu.memory_space<vmem_shared>>, %arg17: memref<5120xf32, #tpu.memory_space<vmem>>, %arg18: memref<5120xf32, #tpu.memory_space<vmem>>, %arg19: memref<5120xf32, #tpu.memory_space<vmem>>, %arg20: memref<5120xf32, #tpu.memory_space<vmem>>, %arg21: memref<320xf32, #tpu.memory_space<vmem>>, %arg22: memref<320xf32, #tpu.memory_space<vmem>>, %arg23: memref<320xf32, #tpu.memory_space<vmem>>, %arg24: memref<320xf32, #tpu.memory_space<vmem>>, %arg25: memref<4000xi32, #tpu.memory_space<vmem>>, %arg26: memref<4000xi32, #tpu.memory_space<vmem>>, %arg27: memref<4000xf32, #tpu.memory_space<vmem>>, %arg28: memref<4000xf32, #tpu.memory_space<vmem>>, %arg29: memref<4000xf32, #tpu.memory_space<vmem>>, %arg30: memref<128xf32, #tpu.memory_space<vmem>>, %arg31: memref<!tpu.dma_semaphore, #tpu.memory_space<semaphore_mem>>, %arg32: memref<!tpu.dma_semaphore, #tpu.memory_space<semaphore_mem>>, %arg33: memref<!tpu.dma_semaphore, #tpu.memory_space<semaphore_mem>>) attributes {dimension_semantics = [#tpu.dimension_semantics<core_parallel>, #tpu.dimension_semantics<subcore_parallel>], iteration_bounds = array<i64: 2, 16>, scalar_prefetch = 0 : i64, scratch_operands = 25 : i64, tpu.core_type = #tpu.core_type<sc_vector_subcore>, window_params = [{transform_indices = #map}, {transform_indices = #map}, {transform_indices = #map}, {transform_indices = #map}, {transform_indices = #map}, {transform_indices = #map}, {transform_indices = #map}]} {
    %broadcast_in_dim3A = arith.constant 0.000000e+00 : f32
    %broadcast_in_dim3A_0 = vector.broadcast %broadcast_in_dim3A : f32 to vector<16xf32>
    "tpu.region"() ({
      %run_scoped3A = tpu.sem_alloc : memref<!tpu.dma_semaphore, #tpu.memory_space<semaphore_mem>>
      tpu.enqueue_dma source(%arg7 : memref<128xf32, #tpu.memory_space<hbm>>) target(%arg30 : memref<128xf32, #tpu.memory_space<vmem>>) target_semaphore(%run_scoped3A : memref<!tpu.dma_semaphore, #tpu.memory_space<semaphore_mem>>)
      tpu.wait_dma2 semaphore(%run_scoped3A : memref<!tpu.dma_semaphore, #tpu.memory_space<semaphore_mem>>) src(%arg7 : memref<128xf32, #tpu.memory_space<hbm>>) dst(%arg30 : memref<128xf32, #tpu.memory_space<vmem>>)
      tpu.yield
    }) : () -> ()
    %mul3A = arith.constant 16 : i32
    %mul3A_1 = arith.muli %arg0, %mul3A : i32
    %add3A = arith.addi %mul3A_1, %arg1 : i32
    %mul3A_2 = arith.constant 10000 : i32
    %mul3A_3 = arith.muli %add3A, %mul3A_2 : i32
    %add3A_4 = arith.constant 0 : i32
    %add3A_5 = arith.addi %mul3A_3, %add3A_4 : i32
    %dma_start3A = arith.constant 0 : i32
    %dma_start3A_6 = tpu.memref_slice %arg25[%dma_start3A] : memref<4000xi32, #tpu.memory_space<vmem>> -> memref<2000xi32, #tpu.memory_space<vmem>>
    %dma_start3A_7 = tpu.memref_slice %arg2[%add3A_5] : memref<320000xi32, #tpu.memory_space<hbm>> -> memref<2000xi32, #tpu.memory_space<hbm>>
    %dma_start3A_8 = arith.constant 0 : i32
    %dma_start3A_9 = tpu.memref_slice %arg25[%dma_start3A_8] : memref<4000xi32, #tpu.memory_space<vmem>> -> memref<2000xi32, #tpu.memory_space<vmem>>
    %dma_start3A_10 = tpu.memref_slice %arg2[%add3A_5] : memref<320000xi32, #tpu.memory_space<hbm>> -> memref<2000xi32, #tpu.memory_space<hbm>>
    tpu.enqueue_dma source(%dma_start3A_10 : memref<2000xi32, #tpu.memory_space<hbm>>) target(%dma_start3A_9 : memref<2000xi32, #tpu.memory_space<vmem>>) target_semaphore(%arg32 : memref<!tpu.dma_semaphore, #tpu.memory_space<semaphore_mem>>)
    %dma_start3A_11 = arith.constant 0 : i32
    %dma_start3A_12 = tpu.memref_slice %arg26[%dma_start3A_11] : memref<4000xi32, #tpu.memory_space<vmem>> -> memref<2000xi32, #tpu.memory_space<vmem>>
    %dma_start3A_13 = tpu.memref_slice %arg3[%add3A_5] : memref<320000xi32, #tpu.memory_space<hbm>> -> memref<2000xi32, #tpu.memory_space<hbm>>
    %dma_start3A_14 = arith.constant 0 : i32
    %dma_start3A_15 = tpu.memref_slice %arg26[%dma_start3A_14] : memref<4000xi32, #tpu.memory_space<vmem>> -> memref<2000xi32, #tpu.memory_space<vmem>>
    %dma_start3A_16 = tpu.memref_slice %arg3[%add3A_5] : memref<320000xi32, #tpu.memory_space<hbm>> -> memref<2000xi32, #tpu.memory_space<hbm>>
    tpu.enqueue_dma source(%dma_start3A_16 : memref<2000xi32, #tpu.memory_space<hbm>>) target(%dma_start3A_15 : memref<2000xi32, #tpu.memory_space<vmem>>) target_semaphore(%arg32 : memref<!tpu.dma_semaphore, #tpu.memory_space<semaphore_mem>>)
    %dma_start3A_17 = arith.constant 0 : i32
    %dma_start3A_18 = tpu.memref_slice %arg27[%dma_start3A_17] : memref<4000xf32, #tpu.memory_space<vmem>> -> memref<2000xf32, #tpu.memory_space<vmem>>
    %dma_start3A_19 = tpu.memref_slice %arg4[%add3A_5] : memref<320000xf32, #tpu.memory_space<hbm>> -> memref<2000xf32, #tpu.memory_space<hbm>>
    %dma_start3A_20 = arith.constant 0 : i32
    %dma_start3A_21 = tpu.memref_slice %arg27[%dma_start3A_20] : memref<4000xf32, #tpu.memory_space<vmem>> -> memref<2000xf32, #tpu.memory_space<vmem>>
    %dma_start3A_22 = tpu.memref_slice %arg4[%add3A_5] : memref<320000xf32, #tpu.memory_space<hbm>> -> memref<2000xf32, #tpu.memory_space<hbm>>
    tpu.enqueue_dma source(%dma_start3A_22 : memref<2000xf32, #tpu.memory_space<hbm>>) target(%dma_start3A_21 : memref<2000xf32, #tpu.memory_space<vmem>>) target_semaphore(%arg32 : memref<!tpu.dma_semaphore, #tpu.memory_space<semaphore_mem>>)
    %dma_start3A_23 = arith.constant 0 : i32
    %dma_start3A_24 = tpu.memref_slice %arg28[%dma_start3A_23] : memref<4000xf32, #tpu.memory_space<vmem>> -> memref<2000xf32, #tpu.memory_space<vmem>>
    %dma_start3A_25 = tpu.memref_slice %arg5[%add3A_5] : memref<320000xf32, #tpu.memory_space<hbm>> -> memref<2000xf32, #tpu.memory_space<hbm>>
    %dma_start3A_26 = arith.constant 0 : i32
    %dma_start3A_27 = tpu.memref_slice %arg28[%dma_start3A_26] : memref<4000xf32, #tpu.memory_space<vmem>> -> memref<2000xf32, #tpu.memory_space<vmem>>
    %dma_start3A_28 = tpu.memref_slice %arg5[%add3A_5] : memref<320000xf32, #tpu.memory_space<hbm>> -> memref<2000xf32, #tpu.memory_space<hbm>>
    tpu.enqueue_dma source(%dma_start3A_28 : memref<2000xf32, #tpu.memory_space<hbm>>) target(%dma_start3A_27 : memref<2000xf32, #tpu.memory_space<vmem>>) target_semaphore(%arg32 : memref<!tpu.dma_semaphore, #tpu.memory_space<semaphore_mem>>)
    %dma_start3A_29 = arith.constant 0 : i32
    %dma_start3A_30 = tpu.memref_slice %arg29[%dma_start3A_29] : memref<4000xf32, #tpu.memory_space<vmem>> -> memref<2000xf32, #tpu.memory_space<vmem>>
    %dma_start3A_31 = tpu.memref_slice %arg6[%add3A_5] : memref<320000xf32, #tpu.memory_space<hbm>> -> memref<2000xf32, #tpu.memory_space<hbm>>
    %dma_start3A_32 = arith.constant 0 : i32
    %dma_start3A_33 = tpu.memref_slice %arg29[%dma_start3A_32] : memref<4000xf32, #tpu.memory_space<vmem>> -> memref<2000xf32, #tpu.memory_space<vmem>>
    %dma_start3A_34 = tpu.memref_slice %arg6[%add3A_5] : memref<320000xf32, #tpu.memory_space<hbm>> -> memref<2000xf32, #tpu.memory_space<hbm>>
    tpu.enqueue_dma source(%dma_start3A_34 : memref<2000xf32, #tpu.memory_space<hbm>>) target(%dma_start3A_33 : memref<2000xf32, #tpu.memory_space<vmem>>) target_semaphore(%arg32 : memref<!tpu.dma_semaphore, #tpu.memory_space<semaphore_mem>>)
    %scan3A = arith.constant 0 : i32
    %scan3A_35 = arith.constant 0 : i32
    %scan3A_36 = arith.constant 320 : i32
    %scan3A_37 = arith.addi %scan3A_35, %scan3A_36 : i32
    %scan3A_38 = arith.constant 1 : i32
    scf.for %scan3A_1275 = %scan3A_35 to %scan3A_37 step %scan3A_38  : i32 {
      %mul3A_1276 = arith.constant 16 : i32
      %mul3A_1277 = arith.muli %scan3A_1275, %mul3A_1276 : i32
      %swap3A = arith.index_cast %mul3A_1277 : i32 to index
      %swap3A_1278 = tpu.vector_load %arg9[%swap3A] {strides = array<i32>} : memref<5120xf32, #tpu.memory_space<vmem>>, vector<16xf32>,
      tpu.vector_store %arg9[%swap3A], %broadcast_in_dim3A_0 {strides = array<i32>} : memref<5120xf32, #tpu.memory_space<vmem>>, vector<16xf32>,
      %swap3A_1279 = arith.index_cast %mul3A_1277 : i32 to index
      %swap3A_1280 = tpu.vector_load %arg10[%swap3A_1279] {strides = array<i32>} : memref<5120xf32, #tpu.memory_space<vmem>>, vector<16xf32>,
      tpu.vector_store %arg10[%swap3A_1279], %broadcast_in_dim3A_0 {strides = array<i32>} : memref<5120xf32, #tpu.memory_space<vmem>>, vector<16xf32>,
      %swap3A_1281 = arith.index_cast %mul3A_1277 : i32 to index
      %swap3A_1282 = tpu.vector_load %arg11[%swap3A_1281] {strides = array<i32>} : memref<5120xf32, #tpu.memory_space<vmem>>, vector<16xf32>,
      tpu.vector_store %arg11[%swap3A_1281], %broadcast_in_dim3A_0 {strides = array<i32>} : memref<5120xf32, #tpu.memory_space<vmem>>, vector<16xf32>,
      %swap3A_1283 = arith.index_cast %mul3A_1277 : i32 to index
      %swap3A_1284 = tpu.vector_load %arg12[%swap3A_1283] {strides = array<i32>} : memref<5120xf32, #tpu.memory_space<vmem>>, vector<16xf32>,
      tpu.vector_store %arg12[%swap3A_1283], %broadcast_in_dim3A_0 {strides = array<i32>} : memref<5120xf32, #tpu.memory_space<vmem>>, vector<16xf32>,
    }
    %scan3A_39 = arith.constant 320 : i32
    %add3A_40 = arith.constant 2000 : i32
    %add3A_41 = arith.addi %mul3A_3, %add3A_40 : i32
    %dma_start3A_42 = arith.constant 2000 : i32
    %dma_start3A_43 = tpu.memref_slice %arg25[%dma_start3A_42] : memref<4000xi32, #tpu.memory_space<vmem>> -> memref<2000xi32, #tpu.memory_space<vmem>>
    %dma_start3A_44 = tpu.memref_slice %arg2[%add3A_41] : memref<320000xi32, #tpu.memory_space<hbm>> -> memref<2000xi32, #tpu.memory_space<hbm>>
    %dma_start3A_45 = arith.constant 2000 : i32
    %dma_start3A_46 = tpu.memref_slice %arg25[%dma_start3A_45] : memref<4000xi32, #tpu.memory_space<vmem>> -> memref<2000xi32, #tpu.memory_space<vmem>>
    %dma_start3A_47 = tpu.memref_slice %arg2[%add3A_41] : memref<320000xi32, #tpu.memory_space<hbm>> -> memref<2000xi32, #tpu.memory_space<hbm>>
    tpu.enqueue_dma source(%dma_start3A_47 : memref<2000xi32, #tpu.memory_space<hbm>>) target(%dma_start3A_46 : memref<2000xi32, #tpu.memory_space<vmem>>) target_semaphore(%arg33 : memref<!tpu.dma_semaphore, #tpu.memory_space<semaphore_mem>>)
    %dma_start3A_48 = arith.constant 2000 : i32
    %dma_start3A_49 = tpu.memref_slice %arg26[%dma_start3A_48] : memref<4000xi32, #tpu.memory_space<vmem>> -> memref<2000xi32, #tpu.memory_space<vmem>>
    %dma_start3A_50 = tpu.memref_slice %arg3[%add3A_41] : memref<320000xi32, #tpu.memory_space<hbm>> -> memref<2000xi32, #tpu.memory_space<hbm>>
    %dma_start3A_51 = arith.constant 2000 : i32
    %dma_start3A_52 = tpu.memref_slice %arg26[%dma_start3A_51] : memref<4000xi32, #tpu.memory_space<vmem>> -> memref<2000xi32, #tpu.memory_space<vmem>>
    %dma_start3A_53 = tpu.memref_slice %arg3[%add3A_41] : memref<320000xi32, #tpu.memory_space<hbm>> -> memref<2000xi32, #tpu.memory_space<hbm>>
    tpu.enqueue_dma source(%dma_start3A_53 : memref<2000xi32, #tpu.memory_space<hbm>>) target(%dma_start3A_52 : memref<2000xi32, #tpu.memory_space<vmem>>) target_semaphore(%arg33 : memref<!tpu.dma_semaphore, #tpu.memory_space<semaphore_mem>>)
    %dma_start3A_54 = arith.constant 2000 : i32
    %dma_start3A_55 = tpu.memref_slice %arg27[%dma_start3A_54] : memref<4000xf32, #tpu.memory_space<vmem>> -> memref<2000xf32, #tpu.memory_space<vmem>>
    %dma_start3A_56 = tpu.memref_slice %arg4[%add3A_41] : memref<320000xf32, #tpu.memory_space<hbm>> -> memref<2000xf32, #tpu.memory_space<hbm>>
    %dma_start3A_57 = arith.constant 2000 : i32
    %dma_start3A_58 = tpu.memref_slice %arg27[%dma_start3A_57] : memref<4000xf32, #tpu.memory_space<vmem>> -> memref<2000xf32, #tpu.memory_space<vmem>>
    %dma_start3A_59 = tpu.memref_slice %arg4[%add3A_41] : memref<320000xf32, #tpu.memory_space<hbm>> -> memref<2000xf32, #tpu.memory_space<hbm>>
    tpu.enqueue_dma source(%dma_start3A_59 : memref<2000xf32, #tpu.memory_space<hbm>>) target(%dma_start3A_58 : memref<2000xf32, #tpu.memory_space<vmem>>) target_semaphore(%arg33 : memref<!tpu.dma_semaphore, #tpu.memory_space<semaphore_mem>>)
    %dma_start3A_60 = arith.constant 2000 : i32
    %dma_start3A_61 = tpu.memref_slice %arg28[%dma_start3A_60] : memref<4000xf32, #tpu.memory_space<vmem>> -> memref<2000xf32, #tpu.memory_space<vmem>>
    %dma_start3A_62 = tpu.memref_slice %arg5[%add3A_41] : memref<320000xf32, #tpu.memory_space<hbm>> -> memref<2000xf32, #tpu.memory_space<hbm>>
    %dma_start3A_63 = arith.constant 2000 : i32
    %dma_start3A_64 = tpu.memref_slice %arg28[%dma_start3A_63] : memref<4000xf32, #tpu.memory_space<vmem>> -> memref<2000xf32, #tpu.memory_space<vmem>>
    %dma_start3A_65 = tpu.memref_slice %arg5[%add3A_41] : memref<320000xf32, #tpu.memory_space<hbm>> -> memref<2000xf32, #tpu.memory_space<hbm>>
    tpu.enqueue_dma source(%dma_start3A_65 : memref<2000xf32, #tpu.memory_space<hbm>>) target(%dma_start3A_64 : memref<2000xf32, #tpu.memory_space<vmem>>) target_semaphore(%arg33 : memref<!tpu.dma_semaphore, #tpu.memory_space<semaphore_mem>>)
    %dma_start3A_66 = arith.constant 2000 : i32
    %dma_start3A_67 = tpu.memref_slice %arg29[%dma_start3A_66] : memref<4000xf32, #tpu.memory_space<vmem>> -> memref<2000xf32, #tpu.memory_space<vmem>>
    %dma_start3A_68 = tpu.memref_slice %arg6[%add3A_41] : memref<320000xf32, #tpu.memory_space<hbm>> -> memref<2000xf32, #tpu.memory_space<hbm>>
    %dma_start3A_69 = arith.constant 2000 : i32
    %dma_start3A_70 = tpu.memref_slice %arg29[%dma_start3A_69] : memref<4000xf32, #tpu.memory_space<vmem>> -> memref<2000xf32, #tpu.memory_space<vmem>>
    %dma_start3A_71 = tpu.memref_slice %arg6[%add3A_41] : memref<320000xf32, #tpu.memory_space<hbm>> -> memref<2000xf32, #tpu.memory_space<hbm>>
    tpu.enqueue_dma source(%dma_start3A_71 : memref<2000xf32, #tpu.memory_space<hbm>>) target(%dma_start3A_70 : memref<2000xf32, #tpu.memory_space<vmem>>) target_semaphore(%arg33 : memref<!tpu.dma_semaphore, #tpu.memory_space<semaphore_mem>>)
    %dma_wait3A = arith.constant 0 : i32
    %dma_wait3A_72 = tpu.memref_slice %arg25[%dma_wait3A] : memref<4000xi32, #tpu.memory_space<vmem>> -> memref<2000xi32, #tpu.memory_space<vmem>>
    %dma_wait3A_73 = tpu.memref_slice %arg2[%add3A_5] : memref<320000xi32, #tpu.memory_space<hbm>> -> memref<2000xi32, #tpu.memory_space<hbm>>
    %dma_wait3A_74 = arith.constant 0 : i32
    %dma_wait3A_75 = tpu.memref_slice %arg25[%dma_wait3A_74] : memref<4000xi32, #tpu.memory_space<vmem>> -> memref<2000xi32, #tpu.memory_space<vmem>>
    %dma_wait3A_76 = tpu.memref_slice %arg2[%add3A_5] : memref<320000xi32, #tpu.memory_space<hbm>> -> memref<2000xi32, #tpu.memory_space<hbm>>
    tpu.wait_dma2 semaphore(%arg32 : memref<!tpu.dma_semaphore, #tpu.memory_space<semaphore_mem>>) src(%dma_wait3A_76 : memref<2000xi32, #tpu.memory_space<hbm>>) dst(%dma_wait3A_75 : memref<2000xi32, #tpu.memory_space<vmem>>)
    %dma_wait3A_77 = arith.constant 0 : i32
    %dma_wait3A_78 = tpu.memref_slice %arg26[%dma_wait3A_77] : memref<4000xi32, #tpu.memory_space<vmem>> -> memref<2000xi32, #tpu.memory_space<vmem>>
    %dma_wait3A_79 = tpu.memref_slice %arg3[%add3A_5] : memref<320000xi32, #tpu.memory_space<hbm>> -> memref<2000xi32, #tpu.memory_space<hbm>>
    %dma_wait3A_80 = arith.constant 0 : i32
    %dma_wait3A_81 = tpu.memref_slice %arg26[%dma_wait3A_80] : memref<4000xi32, #tpu.memory_space<vmem>> -> memref<2000xi32, #tpu.memory_space<vmem>>
    %dma_wait3A_82 = tpu.memref_slice %arg3[%add3A_5] : memref<320000xi32, #tpu.memory_space<hbm>> -> memref<2000xi32, #tpu.memory_space<hbm>>
    tpu.wait_dma2 semaphore(%arg32 : memref<!tpu.dma_semaphore, #tpu.memory_space<semaphore_mem>>) src(%dma_wait3A_82 : memref<2000xi32, #tpu.memory_space<hbm>>) dst(%dma_wait3A_81 : memref<2000xi32, #tpu.memory_space<vmem>>)
    %dma_wait3A_83 = arith.constant 0 : i32
    %dma_wait3A_84 = tpu.memref_slice %arg27[%dma_wait3A_83] : memref<4000xf32, #tpu.memory_space<vmem>> -> memref<2000xf32, #tpu.memory_space<vmem>>
    %dma_wait3A_85 = tpu.memref_slice %arg4[%add3A_5] : memref<320000xf32, #tpu.memory_space<hbm>> -> memref<2000xf32, #tpu.memory_space<hbm>>
    %dma_wait3A_86 = arith.constant 0 : i32
    %dma_wait3A_87 = tpu.memref_slice %arg27[%dma_wait3A_86] : memref<4000xf32, #tpu.memory_space<vmem>> -> memref<2000xf32, #tpu.memory_space<vmem>>
    %dma_wait3A_88 = tpu.memref_slice %arg4[%add3A_5] : memref<320000xf32, #tpu.memory_space<hbm>> -> memref<2000xf32, #tpu.memory_space<hbm>>
    tpu.wait_dma2 semaphore(%arg32 : memref<!tpu.dma_semaphore, #tpu.memory_space<semaphore_mem>>) src(%dma_wait3A_88 : memref<2000xf32, #tpu.memory_space<hbm>>) dst(%dma_wait3A_87 : memref<2000xf32, #tpu.memory_space<vmem>>)
    %dma_wait3A_89 = arith.constant 0 : i32
    %dma_wait3A_90 = tpu.memref_slice %arg28[%dma_wait3A_89] : memref<4000xf32, #tpu.memory_space<vmem>> -> memref<2000xf32, #tpu.memory_space<vmem>>
    %dma_wait3A_91 = tpu.memref_slice %arg5[%add3A_5] : memref<320000xf32, #tpu.memory_space<hbm>> -> memref<2000xf32, #tpu.memory_space<hbm>>
    %dma_wait3A_92 = arith.constant 0 : i32
    %dma_wait3A_93 = tpu.memref_slice %arg28[%dma_wait3A_92] : memref<4000xf32, #tpu.memory_space<vmem>> -> memref<2000xf32, #tpu.memory_space<vmem>>
    %dma_wait3A_94 = tpu.memref_slice %arg5[%add3A_5] : memref<320000xf32, #tpu.memory_space<hbm>> -> memref<2000xf32, #tpu.memory_space<hbm>>
    tpu.wait_dma2 semaphore(%arg32 : memref<!tpu.dma_semaphore, #tpu.memory_space<semaphore_mem>>) src(%dma_wait3A_94 : memref<2000xf32, #tpu.memory_space<hbm>>) dst(%dma_wait3A_93 : memref<2000xf32, #tpu.memory_space<vmem>>)
    %dma_wait3A_95 = arith.constant 0 : i32
    %dma_wait3A_96 = tpu.memref_slice %arg29[%dma_wait3A_95] : memref<4000xf32, #tpu.memory_space<vmem>> -> memref<2000xf32, #tpu.memory_space<vmem>>
    %dma_wait3A_97 = tpu.memref_slice %arg6[%add3A_5] : memref<320000xf32, #tpu.memory_space<hbm>> -> memref<2000xf32, #tpu.memory_space<hbm>>
    %dma_wait3A_98 = arith.constant 0 : i32
    %dma_wait3A_99 = tpu.memref_slice %arg29[%dma_wait3A_98] : memref<4000xf32, #tpu.memory_space<vmem>> -> memref<2000xf32, #tpu.memory_space<vmem>>
    %dma_wait3A_100 = tpu.memref_slice %arg6[%add3A_5] : memref<320000xf32, #tpu.memory_space<hbm>> -> memref<2000xf32, #tpu.memory_space<hbm>>
    tpu.wait_dma2 semaphore(%arg32 : memref<!tpu.dma_semaphore, #tpu.memory_space<semaphore_mem>>) src(%dma_wait3A_100 : memref<2000xf32, #tpu.memory_space<hbm>>) dst(%dma_wait3A_99 : memref<2000xf32, #tpu.memory_space<vmem>>)
    %scan3A_101 = arith.constant 0 : i32
    %scan3A_102 = arith.constant 0 : i32
    %scan3A_103 = arith.constant 125 : i32
    %scan3A_104 = arith.addi %scan3A_102, %scan3A_103 : i32
    %scan3A_105 = arith.constant 1 : i32
    scf.for %scan3A_1275 = %scan3A_102 to %scan3A_104 step %scan3A_105  : i32 {
      %mul3A_1276 = arith.constant 16 : i32
      %mul3A_1277 = arith.muli %mul3A_1276, %scan3A_1275 : i32
      %add3A_1278 = arith.constant 0 : i32
      %add3A_1279 = arith.addi %add3A_1278, %mul3A_1277 : i32
      %get3A = arith.index_cast %add3A_1279 : i32 to index
      %get3A_1280 = tpu.vector_load %arg25[%get3A] {strides = array<i32>} : memref<4000xi32, #tpu.memory_space<vmem>>, vector<16xi32>,
      %gather3A = tpu.vector_load_idx %arg30[%get3A_1280] : memref<128xf32, #tpu.memory_space<vmem>>[vector<16xi32>], vector<16xf32>,
      %get3A_1281 = arith.index_cast %add3A_1279 : i32 to index
      %get3A_1282 = tpu.vector_load %arg26[%get3A_1281] {strides = array<i32>} : memref<4000xi32, #tpu.memory_space<vmem>>, vector<16xi32>,
      %get3A_1283 = arith.index_cast %add3A_1279 : i32 to index
      %get3A_1284 = tpu.vector_load %arg27[%get3A_1283] {strides = array<i32>} : memref<4000xf32, #tpu.memory_space<vmem>>, vector<16xf32>,
      %mul3A_1285 = arith.mulf %gather3A, %get3A_1284 : vector<16xf32>
      tpu.vector_store_idx %arg9[%get3A_1282], %mul3A_1285 {add = true} : memref<5120xf32, #tpu.memory_space<vmem>>[vector<16xi32>], vector<16xf32>,
      %get3A_1286 = arith.index_cast %add3A_1279 : i32 to index
      %get3A_1287 = tpu.vector_load %arg28[%get3A_1286] {strides = array<i32>} : memref<4000xf32, #tpu.memory_space<vmem>>, vector<16xf32>,
      %mul3A_1288 = arith.mulf %gather3A, %get3A_1287 : vector<16xf32>
      tpu.vector_store_idx %arg10[%get3A_1282], %mul3A_1288 {add = true} : memref<5120xf32, #tpu.memory_space<vmem>>[vector<16xi32>], vector<16xf32>,
      %get3A_1289 = arith.index_cast %add3A_1279 : i32 to index
      %get3A_1290 = tpu.vector_load %arg29[%get3A_1289] {strides = array<i32>} : memref<4000xf32, #tpu.memory_space<vmem>>, vector<16xf32>,
      %mul3A_1291 = arith.mulf %gather3A, %get3A_1290 : vector<16xf32>
      tpu.vector_store_idx %arg11[%get3A_1282], %mul3A_1291 {add = true} : memref<5120xf32, #tpu.memory_space<vmem>>[vector<16xi32>], vector<16xf32>,
      tpu.vector_store_idx %arg12[%get3A_1282], %gather3A {add = true} : memref<5120xf32, #tpu.memory_space<vmem>>[vector<16xi32>], vector<16xf32>,
    }
    %scan3A_106 = arith.constant 125 : i32
    %add3A_107 = arith.constant 4000 : i32
    %add3A_108 = arith.addi %mul3A_3, %add3A_107 : i32
    %dma_start3A_109 = arith.constant 0 : i32
    %dma_start3A_110 = tpu.memref_slice %arg25[%dma_start3A_109] : memref<4000xi32, #tpu.memory_space<vmem>> -> memref<2000xi32, #tpu.memory_space<vmem>>
    %dma_start3A_111 = tpu.memref_slice %arg2[%add3A_108] : memref<320000xi32, #tpu.memory_space<hbm>> -> memref<2000xi32, #tpu.memory_space<hbm>>
    %dma_start3A_112 = arith.constant 0 : i32
    %dma_start3A_113 = tpu.memref_slice %arg25[%dma_start3A_112] : memref<4000xi32, #tpu.memory_space<vmem>> -> memref<2000xi32, #tpu.memory_space<vmem>>
    %dma_start3A_114 = tpu.memref_slice %arg2[%add3A_108] : memref<320000xi32, #tpu.memory_space<hbm>> -> memref<2000xi32, #tpu.memory_space<hbm>>
    tpu.enqueue_dma source(%dma_start3A_114 : memref<2000xi32, #tpu.memory_space<hbm>>) target(%dma_start3A_113 : memref<2000xi32, #tpu.memory_space<vmem>>) target_semaphore(%arg32 : memref<!tpu.dma_semaphore, #tpu.memory_space<semaphore_mem>>)
    %dma_start3A_115 = arith.constant 0 : i32
    %dma_start3A_116 = tpu.memref_slice %arg26[%dma_start3A_115] : memref<4000xi32, #tpu.memory_space<vmem>> -> memref<2000xi32, #tpu.memory_space<vmem>>
    %dma_start3A_117 = tpu.memref_slice %arg3[%add3A_108] : memref<320000xi32, #tpu.memory_space<hbm>> -> memref<2000xi32, #tpu.memory_space<hbm>>
    %dma_start3A_118 = arith.constant 0 : i32
    %dma_start3A_119 = tpu.memref_slice %arg26[%dma_start3A_118] : memref<4000xi32, #tpu.memory_space<vmem>> -> memref<2000xi32, #tpu.memory_space<vmem>>
    %dma_start3A_120 = tpu.memref_slice %arg3[%add3A_108] : memref<320000xi32, #tpu.memory_space<hbm>> -> memref<2000xi32, #tpu.memory_space<hbm>>
    tpu.enqueue_dma source(%dma_start3A_120 : memref<2000xi32, #tpu.memory_space<hbm>>) target(%dma_start3A_119 : memref<2000xi32, #tpu.memory_space<vmem>>) target_semaphore(%arg32 : memref<!tpu.dma_semaphore, #tpu.memory_space<semaphore_mem>>)
    %dma_start3A_121 = arith.constant 0 : i32
    %dma_start3A_122 = tpu.memref_slice %arg27[%dma_start3A_121] : memref<4000xf32, #tpu.memory_space<vmem>> -> memref<2000xf32, #tpu.memory_space<vmem>>
    %dma_start3A_123 = tpu.memref_slice %arg4[%add3A_108] : memref<320000xf32, #tpu.memory_space<hbm>> -> memref<2000xf32, #tpu.memory_space<hbm>>
    %dma_start3A_124 = arith.constant 0 : i32
    %dma_start3A_125 = tpu.memref_slice %arg27[%dma_start3A_124] : memref<4000xf32, #tpu.memory_space<vmem>> -> memref<2000xf32, #tpu.memory_space<vmem>>
    %dma_start3A_126 = tpu.memref_slice %arg4[%add3A_108] : memref<320000xf32, #tpu.memory_space<hbm>> -> memref<2000xf32, #tpu.memory_space<hbm>>
    tpu.enqueue_dma source(%dma_start3A_126 : memref<2000xf32, #tpu.memory_space<hbm>>) target(%dma_start3A_125 : memref<2000xf32, #tpu.memory_space<vmem>>) target_semaphore(%arg32 : memref<!tpu.dma_semaphore, #tpu.memory_space<semaphore_mem>>)
    %dma_start3A_127 = arith.constant 0 : i32
    %dma_start3A_128 = tpu.memref_slice %arg28[%dma_start3A_127] : memref<4000xf32, #tpu.memory_space<vmem>> -> memref<2000xf32, #tpu.memory_space<vmem>>
    %dma_start3A_129 = tpu.memref_slice %arg5[%add3A_108] : memref<320000xf32, #tpu.memory_space<hbm>> -> memref<2000xf32, #tpu.memory_space<hbm>>
    %dma_start3A_130 = arith.constant 0 : i32
    %dma_start3A_131 = tpu.memref_slice %arg28[%dma_start3A_130] : memref<4000xf32, #tpu.memory_space<vmem>> -> memref<2000xf32, #tpu.memory_space<vmem>>
    %dma_start3A_132 = tpu.memref_slice %arg5[%add3A_108] : memref<320000xf32, #tpu.memory_space<hbm>> -> memref<2000xf32, #tpu.memory_space<hbm>>
    tpu.enqueue_dma source(%dma_start3A_132 : memref<2000xf32, #tpu.memory_space<hbm>>) target(%dma_start3A_131 : memref<2000xf32, #tpu.memory_space<vmem>>) target_semaphore(%arg32 : memref<!tpu.dma_semaphore, #tpu.memory_space<semaphore_mem>>)
    %dma_start3A_133 = arith.constant 0 : i32
    %dma_start3A_134 = tpu.memref_slice %arg29[%dma_start3A_133] : memref<4000xf32, #tpu.memory_space<vmem>> -> memref<2000xf32, #tpu.memory_space<vmem>>
    %dma_start3A_135 = tpu.memref_slice %arg6[%add3A_108] : memref<320000xf32, #tpu.memory_space<hbm>> -> memref<2000xf32, #tpu.memory_space<hbm>>
    %dma_start3A_136 = arith.constant 0 : i32
    %dma_start3A_137 = tpu.memref_slice %arg29[%dma_start3A_136] : memref<4000xf32, #tpu.memory_space<vmem>> -> memref<2000xf32, #tpu.memory_space<vmem>>
    %dma_start3A_138 = tpu.memref_slice %arg6[%add3A_108] : memref<320000xf32, #tpu.memory_space<hbm>> -> memref<2000xf32, #tpu.memory_space<hbm>>
    tpu.enqueue_dma source(%dma_start3A_138 : memref<2000xf32, #tpu.memory_space<hbm>>) target(%dma_start3A_137 : memref<2000xf32, #tpu.memory_space<vmem>>) target_semaphore(%arg32 : memref<!tpu.dma_semaphore, #tpu.memory_space<semaphore_mem>>)
    %dma_wait3A_139 = arith.constant 2000 : i32
    %dma_wait3A_140 = tpu.memref_slice %arg25[%dma_wait3A_139] : memref<4000xi32, #tpu.memory_space<vmem>> -> memref<2000xi32, #tpu.memory_space<vmem>>
    %dma_wait3A_141 = tpu.memref_slice %arg2[%add3A_41] : memref<320000xi32, #tpu.memory_space<hbm>> -> memref<2000xi32, #tpu.memory_space<hbm>>
    %dma_wait3A_142 = arith.constant 2000 : i32
    %dma_wait3A_143 = tpu.memref_slice %arg25[%dma_wait3A_142] : memref<4000xi32, #tpu.memory_space<vmem>> -> memref<2000xi32, #tpu.memory_space<vmem>>
    %dma_wait3A_144 = tpu.memref_slice %arg2[%add3A_41] : memref<320000xi32, #tpu.memory_space<hbm>> -> memref<2000xi32, #tpu.memory_space<hbm>>
    tpu.wait_dma2 semaphore(%arg33 : memref<!tpu.dma_semaphore, #tpu.memory_space<semaphore_mem>>) src(%dma_wait3A_144 : memref<2000xi32, #tpu.memory_space<hbm>>) dst(%dma_wait3A_143 : memref<2000xi32, #tpu.memory_space<vmem>>)
    %dma_wait3A_145 = arith.constant 2000 : i32
    %dma_wait3A_146 = tpu.memref_slice %arg26[%dma_wait3A_145] : memref<4000xi32, #tpu.memory_space<vmem>> -> memref<2000xi32, #tpu.memory_space<vmem>>
    %dma_wait3A_147 = tpu.memref_slice %arg3[%add3A_41] : memref<320000xi32, #tpu.memory_space<hbm>> -> memref<2000xi32, #tpu.memory_space<hbm>>
    %dma_wait3A_148 = arith.constant 2000 : i32
    %dma_wait3A_149 = tpu.memref_slice %arg26[%dma_wait3A_148] : memref<4000xi32, #tpu.memory_space<vmem>> -> memref<2000xi32, #tpu.memory_space<vmem>>
    %dma_wait3A_150 = tpu.memref_slice %arg3[%add3A_41] : memref<320000xi32, #tpu.memory_space<hbm>> -> memref<2000xi32, #tpu.memory_space<hbm>>
    tpu.wait_dma2 semaphore(%arg33 : memref<!tpu.dma_semaphore, #tpu.memory_space<semaphore_mem>>) src(%dma_wait3A_150 : memref<2000xi32, #tpu.memory_space<hbm>>) dst(%dma_wait3A_149 : memref<2000xi32, #tpu.memory_space<vmem>>)
    %dma_wait3A_151 = arith.constant 2000 : i32
    %dma_wait3A_152 = tpu.memref_slice %arg27[%dma_wait3A_151] : memref<4000xf32, #tpu.memory_space<vmem>> -> memref<2000xf32, #tpu.memory_space<vmem>>
    %dma_wait3A_153 = tpu.memref_slice %arg4[%add3A_41] : memref<320000xf32, #tpu.memory_space<hbm>> -> memref<2000xf32, #tpu.memory_space<hbm>>
    %dma_wait3A_154 = arith.constant 2000 : i32
    %dma_wait3A_155 = tpu.memref_slice %arg27[%dma_wait3A_154] : memref<4000xf32, #tpu.memory_space<vmem>> -> memref<2000xf32, #tpu.memory_space<vmem>>
    %dma_wait3A_156 = tpu.memref_slice %arg4[%add3A_41] : memref<320000xf32, #tpu.memory_space<hbm>> -> memref<2000xf32, #tpu.memory_space<hbm>>
    tpu.wait_dma2 semaphore(%arg33 : memref<!tpu.dma_semaphore, #tpu.memory_space<semaphore_mem>>) src(%dma_wait3A_156 : memref<2000xf32, #tpu.memory_space<hbm>>) dst(%dma_wait3A_155 : memref<2000xf32, #tpu.memory_space<vmem>>)
    %dma_wait3A_157 = arith.constant 2000 : i32
    %dma_wait3A_158 = tpu.memref_slice %arg28[%dma_wait3A_157] : memref<4000xf32, #tpu.memory_space<vmem>> -> memref<2000xf32, #tpu.memory_space<vmem>>
    %dma_wait3A_159 = tpu.memref_slice %arg5[%add3A_41] : memref<320000xf32, #tpu.memory_space<hbm>> -> memref<2000xf32, #tpu.memory_space<hbm>>
    %dma_wait3A_160 = arith.constant 2000 : i32
    %dma_wait3A_161 = tpu.memref_slice %arg28[%dma_wait3A_160] : memref<4000xf32, #tpu.memory_space<vmem>> -> memref<2000xf32, #tpu.memory_space<vmem>>
    %dma_wait3A_162 = tpu.memref_slice %arg5[%add3A_41] : memref<320000xf32, #tpu.memory_space<hbm>> -> memref<2000xf32, #tpu.memory_space<hbm>>
    tpu.wait_dma2 semaphore(%arg33 : memref<!tpu.dma_semaphore, #tpu.memory_space<semaphore_mem>>) src(%dma_wait3A_162 : memref<2000xf32, #tpu.memory_space<hbm>>) dst(%dma_wait3A_161 : memref<2000xf32, #tpu.memory_space<vmem>>)
    %dma_wait3A_163 = arith.constant 2000 : i32
    %dma_wait3A_164 = tpu.memref_slice %arg29[%dma_wait3A_163] : memref<4000xf32, #tpu.memory_space<vmem>> -> memref<2000xf32, #tpu.memory_space<vmem>>
    %dma_wait3A_165 = tpu.memref_slice %arg6[%add3A_41] : memref<320000xf32, #tpu.memory_space<hbm>> -> memref<2000xf32, #tpu.memory_space<hbm>>
    %dma_wait3A_166 = arith.constant 2000 : i32
    %dma_wait3A_167 = tpu.memref_slice %arg29[%dma_wait3A_166] : memref<4000xf32, #tpu.memory_space<vmem>> -> memref<2000xf32, #tpu.memory_space<vmem>>
    %dma_wait3A_168 = tpu.memref_slice %arg6[%add3A_41] : memref<320000xf32, #tpu.memory_space<hbm>> -> memref<2000xf32, #tpu.memory_space<hbm>>
    tpu.wait_dma2 semaphore(%arg33 : memref<!tpu.dma_semaphore, #tpu.memory_space<semaphore_mem>>) src(%dma_wait3A_168 : memref<2000xf32, #tpu.memory_space<hbm>>) dst(%dma_wait3A_167 : memref<2000xf32, #tpu.memory_space<vmem>>)
    %scan3A_169 = arith.constant 0 : i32
    %scan3A_170 = arith.constant 0 : i32
    %scan3A_171 = arith.constant 125 : i32
    %scan3A_172 = arith.addi %scan3A_170, %scan3A_171 : i32
    %scan3A_173 = arith.constant 1 : i32
    scf.for %scan3A_1275 = %scan3A_170 to %scan3A_172 step %scan3A_173  : i32 {
      %mul3A_1276 = arith.constant 16 : i32
      %mul3A_1277 = arith.muli %mul3A_1276, %scan3A_1275 : i32
      %add3A_1278 = arith.constant 2000 : i32
      %add3A_1279 = arith.addi %add3A_1278, %mul3A_1277 : i32
      %get3A = arith.index_cast %add3A_1279 : i32 to index
      %get3A_1280 = tpu.vector_load %arg25[%get3A] {strides = array<i32>} : memref<4000xi32, #tpu.memory_space<vmem>>, vector<16xi32>,
      %gather3A = tpu.vector_load_idx %arg30[%get3A_1280] : memref<128xf32, #tpu.memory_space<vmem>>[vector<16xi32>], vector<16xf32>,
      %get3A_1281 = arith.index_cast %add3A_1279 : i32 to index
      %get3A_1282 = tpu.vector_load %arg26[%get3A_1281] {strides = array<i32>} : memref<4000xi32, #tpu.memory_space<vmem>>, vector<16xi32>,
      %get3A_1283 = arith.index_cast %add3A_1279 : i32 to index
      %get3A_1284 = tpu.vector_load %arg27[%get3A_1283] {strides = array<i32>} : memref<4000xf32, #tpu.memory_space<vmem>>, vector<16xf32>,
      %mul3A_1285 = arith.mulf %gather3A, %get3A_1284 : vector<16xf32>
      tpu.vector_store_idx %arg9[%get3A_1282], %mul3A_1285 {add = true} : memref<5120xf32, #tpu.memory_space<vmem>>[vector<16xi32>], vector<16xf32>,
      %get3A_1286 = arith.index_cast %add3A_1279 : i32 to index
      %get3A_1287 = tpu.vector_load %arg28[%get3A_1286] {strides = array<i32>} : memref<4000xf32, #tpu.memory_space<vmem>>, vector<16xf32>,
      %mul3A_1288 = arith.mulf %gather3A, %get3A_1287 : vector<16xf32>
      tpu.vector_store_idx %arg10[%get3A_1282], %mul3A_1288 {add = true} : memref<5120xf32, #tpu.memory_space<vmem>>[vector<16xi32>], vector<16xf32>,
      %get3A_1289 = arith.index_cast %add3A_1279 : i32 to index
      %get3A_1290 = tpu.vector_load %arg29[%get3A_1289] {strides = array<i32>} : memref<4000xf32, #tpu.memory_space<vmem>>, vector<16xf32>,
      %mul3A_1291 = arith.mulf %gather3A, %get3A_1290 : vector<16xf32>
      tpu.vector_store_idx %arg11[%get3A_1282], %mul3A_1291 {add = true} : memref<5120xf32, #tpu.memory_space<vmem>>[vector<16xi32>], vector<16xf32>,
      tpu.vector_store_idx %arg12[%get3A_1282], %gather3A {add = true} : memref<5120xf32, #tpu.memory_space<vmem>>[vector<16xi32>], vector<16xf32>,
    }
    %scan3A_174 = arith.constant 125 : i32
    %add3A_175 = arith.constant 6000 : i32
    %add3A_176 = arith.addi %mul3A_3, %add3A_175 : i32
    %dma_start3A_177 = arith.constant 2000 : i32
    %dma_start3A_178 = tpu.memref_slice %arg25[%dma_start3A_177] : memref<4000xi32, #tpu.memory_space<vmem>> -> memref<2000xi32, #tpu.memory_space<vmem>>
    %dma_start3A_179 = tpu.memref_slice %arg2[%add3A_176] : memref<320000xi32, #tpu.memory_space<hbm>> -> memref<2000xi32, #tpu.memory_space<hbm>>
    %dma_start3A_180 = arith.constant 2000 : i32
    %dma_start3A_181 = tpu.memref_slice %arg25[%dma_start3A_180] : memref<4000xi32, #tpu.memory_space<vmem>> -> memref<2000xi32, #tpu.memory_space<vmem>>
    %dma_start3A_182 = tpu.memref_slice %arg2[%add3A_176] : memref<320000xi32, #tpu.memory_space<hbm>> -> memref<2000xi32, #tpu.memory_space<hbm>>
    tpu.enqueue_dma source(%dma_start3A_182 : memref<2000xi32, #tpu.memory_space<hbm>>) target(%dma_start3A_181 : memref<2000xi32, #tpu.memory_space<vmem>>) target_semaphore(%arg33 : memref<!tpu.dma_semaphore, #tpu.memory_space<semaphore_mem>>)
    %dma_start3A_183 = arith.constant 2000 : i32
    %dma_start3A_184 = tpu.memref_slice %arg26[%dma_start3A_183] : memref<4000xi32, #tpu.memory_space<vmem>> -> memref<2000xi32, #tpu.memory_space<vmem>>
    %dma_start3A_185 = tpu.memref_slice %arg3[%add3A_176] : memref<320000xi32, #tpu.memory_space<hbm>> -> memref<2000xi32, #tpu.memory_space<hbm>>
    %dma_start3A_186 = arith.constant 2000 : i32
    %dma_start3A_187 = tpu.memref_slice %arg26[%dma_start3A_186] : memref<4000xi32, #tpu.memory_space<vmem>> -> memref<2000xi32, #tpu.memory_space<vmem>>
    %dma_start3A_188 = tpu.memref_slice %arg3[%add3A_176] : memref<320000xi32, #tpu.memory_space<hbm>> -> memref<2000xi32, #tpu.memory_space<hbm>>
    tpu.enqueue_dma source(%dma_start3A_188 : memref<2000xi32, #tpu.memory_space<hbm>>) target(%dma_start3A_187 : memref<2000xi32, #tpu.memory_space<vmem>>) target_semaphore(%arg33 : memref<!tpu.dma_semaphore, #tpu.memory_space<semaphore_mem>>)
    %dma_start3A_189 = arith.constant 2000 : i32
    %dma_start3A_190 = tpu.memref_slice %arg27[%dma_start3A_189] : memref<4000xf32, #tpu.memory_space<vmem>> -> memref<2000xf32, #tpu.memory_space<vmem>>
    %dma_start3A_191 = tpu.memref_slice %arg4[%add3A_176] : memref<320000xf32, #tpu.memory_space<hbm>> -> memref<2000xf32, #tpu.memory_space<hbm>>
    %dma_start3A_192 = arith.constant 2000 : i32
    %dma_start3A_193 = tpu.memref_slice %arg27[%dma_start3A_192] : memref<4000xf32, #tpu.memory_space<vmem>> -> memref<2000xf32, #tpu.memory_space<vmem>>
    %dma_start3A_194 = tpu.memref_slice %arg4[%add3A_176] : memref<320000xf32, #tpu.memory_space<hbm>> -> memref<2000xf32, #tpu.memory_space<hbm>>
    tpu.enqueue_dma source(%dma_start3A_194 : memref<2000xf32, #tpu.memory_space<hbm>>) target(%dma_start3A_193 : memref<2000xf32, #tpu.memory_space<vmem>>) target_semaphore(%arg33 : memref<!tpu.dma_semaphore, #tpu.memory_space<semaphore_mem>>)
    %dma_start3A_195 = arith.constant 2000 : i32
    %dma_start3A_196 = tpu.memref_slice %arg28[%dma_start3A_195] : memref<4000xf32, #tpu.memory_space<vmem>> -> memref<2000xf32, #tpu.memory_space<vmem>>
    %dma_start3A_197 = tpu.memref_slice %arg5[%add3A_176] : memref<320000xf32, #tpu.memory_space<hbm>> -> memref<2000xf32, #tpu.memory_space<hbm>>
    %dma_start3A_198 = arith.constant 2000 : i32
    %dma_start3A_199 = tpu.memref_slice %arg28[%dma_start3A_198] : memref<4000xf32, #tpu.memory_space<vmem>> -> memref<2000xf32, #tpu.memory_space<vmem>>
    %dma_start3A_200 = tpu.memref_slice %arg5[%add3A_176] : memref<320000xf32, #tpu.memory_space<hbm>> -> memref<2000xf32, #tpu.memory_space<hbm>>
    tpu.enqueue_dma source(%dma_start3A_200 : memref<2000xf32, #tpu.memory_space<hbm>>) target(%dma_start3A_199 : memref<2000xf32, #tpu.memory_space<vmem>>) target_semaphore(%arg33 : memref<!tpu.dma_semaphore, #tpu.memory_space<semaphore_mem>>)
    %dma_start3A_201 = arith.constant 2000 : i32
    %dma_start3A_202 = tpu.memref_slice %arg29[%dma_start3A_201] : memref<4000xf32, #tpu.memory_space<vmem>> -> memref<2000xf32, #tpu.memory_space<vmem>>
    %dma_start3A_203 = tpu.memref_slice %arg6[%add3A_176] : memref<320000xf32, #tpu.memory_space<hbm>> -> memref<2000xf32, #tpu.memory_space<hbm>>
    %dma_start3A_204 = arith.constant 2000 : i32
    %dma_start3A_205 = tpu.memref_slice %arg29[%dma_start3A_204] : memref<4000xf32, #tpu.memory_space<vmem>> -> memref<2000xf32, #tpu.memory_space<vmem>>
    %dma_start3A_206 = tpu.memref_slice %arg6[%add3A_176] : memref<320000xf32, #tpu.memory_space<hbm>> -> memref<2000xf32, #tpu.memory_space<hbm>>
    tpu.enqueue_dma source(%dma_start3A_206 : memref<2000xf32, #tpu.memory_space<hbm>>) target(%dma_start3A_205 : memref<2000xf32, #tpu.memory_space<vmem>>) target_semaphore(%arg33 : memref<!tpu.dma_semaphore, #tpu.memory_space<semaphore_mem>>)
    %dma_wait3A_207 = arith.constant 0 : i32
    %dma_wait3A_208 = tpu.memref_slice %arg25[%dma_wait3A_207] : memref<4000xi32, #tpu.memory_space<vmem>> -> memref<2000xi32, #tpu.memory_space<vmem>>
    %dma_wait3A_209 = tpu.memref_slice %arg2[%add3A_108] : memref<320000xi32, #tpu.memory_space<hbm>> -> memref<2000xi32, #tpu.memory_space<hbm>>
    %dma_wait3A_210 = arith.constant 0 : i32
    %dma_wait3A_211 = tpu.memref_slice %arg25[%dma_wait3A_210] : memref<4000xi32, #tpu.memory_space<vmem>> -> memref<2000xi32, #tpu.memory_space<vmem>>
    %dma_wait3A_212 = tpu.memref_slice %arg2[%add3A_108] : memref<320000xi32, #tpu.memory_space<hbm>> -> memref<2000xi32, #tpu.memory_space<hbm>>
    tpu.wait_dma2 semaphore(%arg32 : memref<!tpu.dma_semaphore, #tpu.memory_space<semaphore_mem>>) src(%dma_wait3A_212 : memref<2000xi32, #tpu.memory_space<hbm>>) dst(%dma_wait3A_211 : memref<2000xi32, #tpu.memory_space<vmem>>)
    %dma_wait3A_213 = arith.constant 0 : i32
    %dma_wait3A_214 = tpu.memref_slice %arg26[%dma_wait3A_213] : memref<4000xi32, #tpu.memory_space<vmem>> -> memref<2000xi32, #tpu.memory_space<vmem>>
    %dma_wait3A_215 = tpu.memref_slice %arg3[%add3A_108] : memref<320000xi32, #tpu.memory_space<hbm>> -> memref<2000xi32, #tpu.memory_space<hbm>>
    %dma_wait3A_216 = arith.constant 0 : i32
    %dma_wait3A_217 = tpu.memref_slice %arg26[%dma_wait3A_216] : memref<4000xi32, #tpu.memory_space<vmem>> -> memref<2000xi32, #tpu.memory_space<vmem>>
    %dma_wait3A_218 = tpu.memref_slice %arg3[%add3A_108] : memref<320000xi32, #tpu.memory_space<hbm>> -> memref<2000xi32, #tpu.memory_space<hbm>>
    tpu.wait_dma2 semaphore(%arg32 : memref<!tpu.dma_semaphore, #tpu.memory_space<semaphore_mem>>) src(%dma_wait3A_218 : memref<2000xi32, #tpu.memory_space<hbm>>) dst(%dma_wait3A_217 : memref<2000xi32, #tpu.memory_space<vmem>>)
    %dma_wait3A_219 = arith.constant 0 : i32
    %dma_wait3A_220 = tpu.memref_slice %arg27[%dma_wait3A_219] : memref<4000xf32, #tpu.memory_space<vmem>> -> memref<2000xf32, #tpu.memory_space<vmem>>
    %dma_wait3A_221 = tpu.memref_slice %arg4[%add3A_108] : memref<320000xf32, #tpu.memory_space<hbm>> -> memref<2000xf32, #tpu.memory_space<hbm>>
    %dma_wait3A_222 = arith.constant 0 : i32
    %dma_wait3A_223 = tpu.memref_slice %arg27[%dma_wait3A_222] : memref<4000xf32, #tpu.memory_space<vmem>> -> memref<2000xf32, #tpu.memory_space<vmem>>
    %dma_wait3A_224 = tpu.memref_slice %arg4[%add3A_108] : memref<320000xf32, #tpu.memory_space<hbm>> -> memref<2000xf32, #tpu.memory_space<hbm>>
    tpu.wait_dma2 semaphore(%arg32 : memref<!tpu.dma_semaphore, #tpu.memory_space<semaphore_mem>>) src(%dma_wait3A_224 : memref<2000xf32, #tpu.memory_space<hbm>>) dst(%dma_wait3A_223 : memref<2000xf32, #tpu.memory_space<vmem>>)
    %dma_wait3A_225 = arith.constant 0 : i32
    %dma_wait3A_226 = tpu.memref_slice %arg28[%dma_wait3A_225] : memref<4000xf32, #tpu.memory_space<vmem>> -> memref<2000xf32, #tpu.memory_space<vmem>>
    %dma_wait3A_227 = tpu.memref_slice %arg5[%add3A_108] : memref<320000xf32, #tpu.memory_space<hbm>> -> memref<2000xf32, #tpu.memory_space<hbm>>
    %dma_wait3A_228 = arith.constant 0 : i32
    %dma_wait3A_229 = tpu.memref_slice %arg28[%dma_wait3A_228] : memref<4000xf32, #tpu.memory_space<vmem>> -> memref<2000xf32, #tpu.memory_space<vmem>>
    %dma_wait3A_230 = tpu.memref_slice %arg5[%add3A_108] : memref<320000xf32, #tpu.memory_space<hbm>> -> memref<2000xf32, #tpu.memory_space<hbm>>
    tpu.wait_dma2 semaphore(%arg32 : memref<!tpu.dma_semaphore, #tpu.memory_space<semaphore_mem>>) src(%dma_wait3A_230 : memref<2000xf32, #tpu.memory_space<hbm>>) dst(%dma_wait3A_229 : memref<2000xf32, #tpu.memory_space<vmem>>)
    %dma_wait3A_231 = arith.constant 0 : i32
    %dma_wait3A_232 = tpu.memref_slice %arg29[%dma_wait3A_231] : memref<4000xf32, #tpu.memory_space<vmem>> -> memref<2000xf32, #tpu.memory_space<vmem>>
    %dma_wait3A_233 = tpu.memref_slice %arg6[%add3A_108] : memref<320000xf32, #tpu.memory_space<hbm>> -> memref<2000xf32, #tpu.memory_space<hbm>>
    %dma_wait3A_234 = arith.constant 0 : i32
    %dma_wait3A_235 = tpu.memref_slice %arg29[%dma_wait3A_234] : memref<4000xf32, #tpu.memory_space<vmem>> -> memref<2000xf32, #tpu.memory_space<vmem>>
    %dma_wait3A_236 = tpu.memref_slice %arg6[%add3A_108] : memref<320000xf32, #tpu.memory_space<hbm>> -> memref<2000xf32, #tpu.memory_space<hbm>>
    tpu.wait_dma2 semaphore(%arg32 : memref<!tpu.dma_semaphore, #tpu.memory_space<semaphore_mem>>) src(%dma_wait3A_236 : memref<2000xf32, #tpu.memory_space<hbm>>) dst(%dma_wait3A_235 : memref<2000xf32, #tpu.memory_space<vmem>>)
    %scan3A_237 = arith.constant 0 : i32
    %scan3A_238 = arith.constant 0 : i32
    %scan3A_239 = arith.constant 125 : i32
    %scan3A_240 = arith.addi %scan3A_238, %scan3A_239 : i32
    %scan3A_241 = arith.constant 1 : i32
    scf.for %scan3A_1275 = %scan3A_238 to %scan3A_240 step %scan3A_241  : i32 {
      %mul3A_1276 = arith.constant 16 : i32
      %mul3A_1277 = arith.muli %mul3A_1276, %scan3A_1275 : i32
      %add3A_1278 = arith.constant 0 : i32
      %add3A_1279 = arith.addi %add3A_1278, %mul3A_1277 : i32
      %get3A = arith.index_cast %add3A_1279 : i32 to index
      %get3A_1280 = tpu.vector_load %arg25[%get3A] {strides = array<i32>} : memref<4000xi32, #tpu.memory_space<vmem>>, vector<16xi32>,
      %gather3A = tpu.vector_load_idx %arg30[%get3A_1280] : memref<128xf32, #tpu.memory_space<vmem>>[vector<16xi32>], vector<16xf32>,
      %get3A_1281 = arith.index_cast %add3A_1279 : i32 to index
      %get3A_1282 = tpu.vector_load %arg26[%get3A_1281] {strides = array<i32>} : memref<4000xi32, #tpu.memory_space<vmem>>, vector<16xi32>,
      %get3A_1283 = arith.index_cast %add3A_1279 : i32 to index
      %get3A_1284 = tpu.vector_load %arg27[%get3A_1283] {strides = array<i32>} : memref<4000xf32, #tpu.memory_space<vmem>>, vector<16xf32>,
      %mul3A_1285 = arith.mulf %gather3A, %get3A_1284 : vector<16xf32>
      tpu.vector_store_idx %arg9[%get3A_1282], %mul3A_1285 {add = true} : memref<5120xf32, #tpu.memory_space<vmem>>[vector<16xi32>], vector<16xf32>,
      %get3A_1286 = arith.index_cast %add3A_1279 : i32 to index
      %get3A_1287 = tpu.vector_load %arg28[%get3A_1286] {strides = array<i32>} : memref<4000xf32, #tpu.memory_space<vmem>>, vector<16xf32>,
      %mul3A_1288 = arith.mulf %gather3A, %get3A_1287 : vector<16xf32>
      tpu.vector_store_idx %arg10[%get3A_1282], %mul3A_1288 {add = true} : memref<5120xf32, #tpu.memory_space<vmem>>[vector<16xi32>], vector<16xf32>,
      %get3A_1289 = arith.index_cast %add3A_1279 : i32 to index
      %get3A_1290 = tpu.vector_load %arg29[%get3A_1289] {strides = array<i32>} : memref<4000xf32, #tpu.memory_space<vmem>>, vector<16xf32>,
      %mul3A_1291 = arith.mulf %gather3A, %get3A_1290 : vector<16xf32>
      tpu.vector_store_idx %arg11[%get3A_1282], %mul3A_1291 {add = true} : memref<5120xf32, #tpu.memory_space<vmem>>[vector<16xi32>], vector<16xf32>,
      tpu.vector_store_idx %arg12[%get3A_1282], %gather3A {add = true} : memref<5120xf32, #tpu.memory_space<vmem>>[vector<16xi32>], vector<16xf32>,
    }
    %scan3A_242 = arith.constant 125 : i32
    %add3A_243 = arith.constant 8000 : i32
    %add3A_244 = arith.addi %mul3A_3, %add3A_243 : i32
    %dma_start3A_245 = arith.constant 0 : i32
    %dma_start3A_246 = tpu.memref_slice %arg25[%dma_start3A_245] : memref<4000xi32, #tpu.memory_space<vmem>> -> memref<2000xi32, #tpu.memory_space<vmem>>
    %dma_start3A_247 = tpu.memref_slice %arg2[%add3A_244] : memref<320000xi32, #tpu.memory_space<hbm>> -> memref<2000xi32, #tpu.memory_space<hbm>>
    %dma_start3A_248 = arith.constant 0 : i32
    %dma_start3A_249 = tpu.memref_slice %arg25[%dma_start3A_248] : memref<4000xi32, #tpu.memory_space<vmem>> -> memref<2000xi32, #tpu.memory_space<vmem>>
    %dma_start3A_250 = tpu.memref_slice %arg2[%add3A_244] : memref<320000xi32, #tpu.memory_space<hbm>> -> memref<2000xi32, #tpu.memory_space<hbm>>
    tpu.enqueue_dma source(%dma_start3A_250 : memref<2000xi32, #tpu.memory_space<hbm>>) target(%dma_start3A_249 : memref<2000xi32, #tpu.memory_space<vmem>>) target_semaphore(%arg32 : memref<!tpu.dma_semaphore, #tpu.memory_space<semaphore_mem>>)
    %dma_start3A_251 = arith.constant 0 : i32
    %dma_start3A_252 = tpu.memref_slice %arg26[%dma_start3A_251] : memref<4000xi32, #tpu.memory_space<vmem>> -> memref<2000xi32, #tpu.memory_space<vmem>>
    %dma_start3A_253 = tpu.memref_slice %arg3[%add3A_244] : memref<320000xi32, #tpu.memory_space<hbm>> -> memref<2000xi32, #tpu.memory_space<hbm>>
    %dma_start3A_254 = arith.constant 0 : i32
    %dma_start3A_255 = tpu.memref_slice %arg26[%dma_start3A_254] : memref<4000xi32, #tpu.memory_space<vmem>> -> memref<2000xi32, #tpu.memory_space<vmem>>
    %dma_start3A_256 = tpu.memref_slice %arg3[%add3A_244] : memref<320000xi32, #tpu.memory_space<hbm>> -> memref<2000xi32, #tpu.memory_space<hbm>>
    tpu.enqueue_dma source(%dma_start3A_256 : memref<2000xi32, #tpu.memory_space<hbm>>) target(%dma_start3A_255 : memref<2000xi32, #tpu.memory_space<vmem>>) target_semaphore(%arg32 : memref<!tpu.dma_semaphore, #tpu.memory_space<semaphore_mem>>)
    %dma_start3A_257 = arith.constant 0 : i32
    %dma_start3A_258 = tpu.memref_slice %arg27[%dma_start3A_257] : memref<4000xf32, #tpu.memory_space<vmem>> -> memref<2000xf32, #tpu.memory_space<vmem>>
    %dma_start3A_259 = tpu.memref_slice %arg4[%add3A_244] : memref<320000xf32, #tpu.memory_space<hbm>> -> memref<2000xf32, #tpu.memory_space<hbm>>
    %dma_start3A_260 = arith.constant 0 : i32
    %dma_start3A_261 = tpu.memref_slice %arg27[%dma_start3A_260] : memref<4000xf32, #tpu.memory_space<vmem>> -> memref<2000xf32, #tpu.memory_space<vmem>>
    %dma_start3A_262 = tpu.memref_slice %arg4[%add3A_244] : memref<320000xf32, #tpu.memory_space<hbm>> -> memref<2000xf32, #tpu.memory_space<hbm>>
    tpu.enqueue_dma source(%dma_start3A_262 : memref<2000xf32, #tpu.memory_space<hbm>>) target(%dma_start3A_261 : memref<2000xf32, #tpu.memory_space<vmem>>) target_semaphore(%arg32 : memref<!tpu.dma_semaphore, #tpu.memory_space<semaphore_mem>>)
    %dma_start3A_263 = arith.constant 0 : i32
    %dma_start3A_264 = tpu.memref_slice %arg28[%dma_start3A_263] : memref<4000xf32, #tpu.memory_space<vmem>> -> memref<2000xf32, #tpu.memory_space<vmem>>
    %dma_start3A_265 = tpu.memref_slice %arg5[%add3A_244] : memref<320000xf32, #tpu.memory_space<hbm>> -> memref<2000xf32, #tpu.memory_space<hbm>>
    %dma_start3A_266 = arith.constant 0 : i32
    %dma_start3A_267 = tpu.memref_slice %arg28[%dma_start3A_266] : memref<4000xf32, #tpu.memory_space<vmem>> -> memref<2000xf32, #tpu.memory_space<vmem>>
    %dma_start3A_268 = tpu.memref_slice %arg5[%add3A_244] : memref<320000xf32, #tpu.memory_space<hbm>> -> memref<2000xf32, #tpu.memory_space<hbm>>
    tpu.enqueue_dma source(%dma_start3A_268 : memref<2000xf32, #tpu.memory_space<hbm>>) target(%dma_start3A_267 : memref<2000xf32, #tpu.memory_space<vmem>>) target_semaphore(%arg32 : memref<!tpu.dma_semaphore, #tpu.memory_space<semaphore_mem>>)
    %dma_start3A_269 = arith.constant 0 : i32
    %dma_start3A_270 = tpu.memref_slice %arg29[%dma_start3A_269] : memref<4000xf32, #tpu.memory_space<vmem>> -> memref<2000xf32, #tpu.memory_space<vmem>>
    %dma_start3A_271 = tpu.memref_slice %arg6[%add3A_244] : memref<320000xf32, #tpu.memory_space<hbm>> -> memref<2000xf32, #tpu.memory_space<hbm>>
    %dma_start3A_272 = arith.constant 0 : i32
    %dma_start3A_273 = tpu.memref_slice %arg29[%dma_start3A_272] : memref<4000xf32, #tpu.memory_space<vmem>> -> memref<2000xf32, #tpu.memory_space<vmem>>
    %dma_start3A_274 = tpu.memref_slice %arg6[%add3A_244] : memref<320000xf32, #tpu.memory_space<hbm>> -> memref<2000xf32, #tpu.memory_space<hbm>>
    tpu.enqueue_dma source(%dma_start3A_274 : memref<2000xf32, #tpu.memory_space<hbm>>) target(%dma_start3A_273 : memref<2000xf32, #tpu.memory_space<vmem>>) target_semaphore(%arg32 : memref<!tpu.dma_semaphore, #tpu.memory_space<semaphore_mem>>)
    %dma_wait3A_275 = arith.constant 2000 : i32
    %dma_wait3A_276 = tpu.memref_slice %arg25[%dma_wait3A_275] : memref<4000xi32, #tpu.memory_space<vmem>> -> memref<2000xi32, #tpu.memory_space<vmem>>
    %dma_wait3A_277 = tpu.memref_slice %arg2[%add3A_176] : memref<320000xi32, #tpu.memory_space<hbm>> -> memref<2000xi32, #tpu.memory_space<hbm>>
    %dma_wait3A_278 = arith.constant 2000 : i32
    %dma_wait3A_279 = tpu.memref_slice %arg25[%dma_wait3A_278] : memref<4000xi32, #tpu.memory_space<vmem>> -> memref<2000xi32, #tpu.memory_space<vmem>>
    %dma_wait3A_280 = tpu.memref_slice %arg2[%add3A_176] : memref<320000xi32, #tpu.memory_space<hbm>> -> memref<2000xi32, #tpu.memory_space<hbm>>
    tpu.wait_dma2 semaphore(%arg33 : memref<!tpu.dma_semaphore, #tpu.memory_space<semaphore_mem>>) src(%dma_wait3A_280 : memref<2000xi32, #tpu.memory_space<hbm>>) dst(%dma_wait3A_279 : memref<2000xi32, #tpu.memory_space<vmem>>)
    %dma_wait3A_281 = arith.constant 2000 : i32
    %dma_wait3A_282 = tpu.memref_slice %arg26[%dma_wait3A_281] : memref<4000xi32, #tpu.memory_space<vmem>> -> memref<2000xi32, #tpu.memory_space<vmem>>
    %dma_wait3A_283 = tpu.memref_slice %arg3[%add3A_176] : memref<320000xi32, #tpu.memory_space<hbm>> -> memref<2000xi32, #tpu.memory_space<hbm>>
    %dma_wait3A_284 = arith.constant 2000 : i32
    %dma_wait3A_285 = tpu.memref_slice %arg26[%dma_wait3A_284] : memref<4000xi32, #tpu.memory_space<vmem>> -> memref<2000xi32, #tpu.memory_space<vmem>>
    %dma_wait3A_286 = tpu.memref_slice %arg3[%add3A_176] : memref<320000xi32, #tpu.memory_space<hbm>> -> memref<2000xi32, #tpu.memory_space<hbm>>
    tpu.wait_dma2 semaphore(%arg33 : memref<!tpu.dma_semaphore, #tpu.memory_space<semaphore_mem>>) src(%dma_wait3A_286 : memref<2000xi32, #tpu.memory_space<hbm>>) dst(%dma_wait3A_285 : memref<2000xi32, #tpu.memory_space<vmem>>)
    %dma_wait3A_287 = arith.constant 2000 : i32
    %dma_wait3A_288 = tpu.memref_slice %arg27[%dma_wait3A_287] : memref<4000xf32, #tpu.memory_space<vmem>> -> memref<2000xf32, #tpu.memory_space<vmem>>
    %dma_wait3A_289 = tpu.memref_slice %arg4[%add3A_176] : memref<320000xf32, #tpu.memory_space<hbm>> -> memref<2000xf32, #tpu.memory_space<hbm>>
    %dma_wait3A_290 = arith.constant 2000 : i32
    %dma_wait3A_291 = tpu.memref_slice %arg27[%dma_wait3A_290] : memref<4000xf32, #tpu.memory_space<vmem>> -> memref<2000xf32, #tpu.memory_space<vmem>>
    %dma_wait3A_292 = tpu.memref_slice %arg4[%add3A_176] : memref<320000xf32, #tpu.memory_space<hbm>> -> memref<2000xf32, #tpu.memory_space<hbm>>
    tpu.wait_dma2 semaphore(%arg33 : memref<!tpu.dma_semaphore, #tpu.memory_space<semaphore_mem>>) src(%dma_wait3A_292 : memref<2000xf32, #tpu.memory_space<hbm>>) dst(%dma_wait3A_291 : memref<2000xf32, #tpu.memory_space<vmem>>)
    %dma_wait3A_293 = arith.constant 2000 : i32
    %dma_wait3A_294 = tpu.memref_slice %arg28[%dma_wait3A_293] : memref<4000xf32, #tpu.memory_space<vmem>> -> memref<2000xf32, #tpu.memory_space<vmem>>
    %dma_wait3A_295 = tpu.memref_slice %arg5[%add3A_176] : memref<320000xf32, #tpu.memory_space<hbm>> -> memref<2000xf32, #tpu.memory_space<hbm>>
    %dma_wait3A_296 = arith.constant 2000 : i32
    %dma_wait3A_297 = tpu.memref_slice %arg28[%dma_wait3A_296] : memref<4000xf32, #tpu.memory_space<vmem>> -> memref<2000xf32, #tpu.memory_space<vmem>>
    %dma_wait3A_298 = tpu.memref_slice %arg5[%add3A_176] : memref<320000xf32, #tpu.memory_space<hbm>> -> memref<2000xf32, #tpu.memory_space<hbm>>
    tpu.wait_dma2 semaphore(%arg33 : memref<!tpu.dma_semaphore, #tpu.memory_space<semaphore_mem>>) src(%dma_wait3A_298 : memref<2000xf32, #tpu.memory_space<hbm>>) dst(%dma_wait3A_297 : memref<2000xf32, #tpu.memory_space<vmem>>)
    %dma_wait3A_299 = arith.constant 2000 : i32
    %dma_wait3A_300 = tpu.memref_slice %arg29[%dma_wait3A_299] : memref<4000xf32, #tpu.memory_space<vmem>> -> memref<2000xf32, #tpu.memory_space<vmem>>
    %dma_wait3A_301 = tpu.memref_slice %arg6[%add3A_176] : memref<320000xf32, #tpu.memory_space<hbm>> -> memref<2000xf32, #tpu.memory_space<hbm>>
    %dma_wait3A_302 = arith.constant 2000 : i32
    %dma_wait3A_303 = tpu.memref_slice %arg29[%dma_wait3A_302] : memref<4000xf32, #tpu.memory_space<vmem>> -> memref<2000xf32, #tpu.memory_space<vmem>>
    %dma_wait3A_304 = tpu.memref_slice %arg6[%add3A_176] : memref<320000xf32, #tpu.memory_space<hbm>> -> memref<2000xf32, #tpu.memory_space<hbm>>
    tpu.wait_dma2 semaphore(%arg33 : memref<!tpu.dma_semaphore, #tpu.memory_space<semaphore_mem>>) src(%dma_wait3A_304 : memref<2000xf32, #tpu.memory_space<hbm>>) dst(%dma_wait3A_303 : memref<2000xf32, #tpu.memory_space<vmem>>)
    %scan3A_305 = arith.constant 0 : i32
    %scan3A_306 = arith.constant 0 : i32
    %scan3A_307 = arith.constant 125 : i32
    %scan3A_308 = arith.addi %scan3A_306, %scan3A_307 : i32
    %scan3A_309 = arith.constant 1 : i32
    scf.for %scan3A_1275 = %scan3A_306 to %scan3A_308 step %scan3A_309  : i32 {
      %mul3A_1276 = arith.constant 16 : i32
      %mul3A_1277 = arith.muli %mul3A_1276, %scan3A_1275 : i32
      %add3A_1278 = arith.constant 2000 : i32
      %add3A_1279 = arith.addi %add3A_1278, %mul3A_1277 : i32
      %get3A = arith.index_cast %add3A_1279 : i32 to index
      %get3A_1280 = tpu.vector_load %arg25[%get3A] {strides = array<i32>} : memref<4000xi32, #tpu.memory_space<vmem>>, vector<16xi32>,
      %gather3A = tpu.vector_load_idx %arg30[%get3A_1280] : memref<128xf32, #tpu.memory_space<vmem>>[vector<16xi32>], vector<16xf32>,
      %get3A_1281 = arith.index_cast %add3A_1279 : i32 to index
      %get3A_1282 = tpu.vector_load %arg26[%get3A_1281] {strides = array<i32>} : memref<4000xi32, #tpu.memory_space<vmem>>, vector<16xi32>,
      %get3A_1283 = arith.index_cast %add3A_1279 : i32 to index
      %get3A_1284 = tpu.vector_load %arg27[%get3A_1283] {strides = array<i32>} : memref<4000xf32, #tpu.memory_space<vmem>>, vector<16xf32>,
      %mul3A_1285 = arith.mulf %gather3A, %get3A_1284 : vector<16xf32>
      tpu.vector_store_idx %arg9[%get3A_1282], %mul3A_1285 {add = true} : memref<5120xf32, #tpu.memory_space<vmem>>[vector<16xi32>], vector<16xf32>,
      %get3A_1286 = arith.index_cast %add3A_1279 : i32 to index
      %get3A_1287 = tpu.vector_load %arg28[%get3A_1286] {strides = array<i32>} : memref<4000xf32, #tpu.memory_space<vmem>>, vector<16xf32>,
      %mul3A_1288 = arith.mulf %gather3A, %get3A_1287 : vector<16xf32>
      tpu.vector_store_idx %arg10[%get3A_1282], %mul3A_1288 {add = true} : memref<5120xf32, #tpu.memory_space<vmem>>[vector<16xi32>], vector<16xf32>,
      %get3A_1289 = arith.index_cast %add3A_1279 : i32 to index
      %get3A_1290 = tpu.vector_load %arg29[%get3A_1289] {strides = array<i32>} : memref<4000xf32, #tpu.memory_space<vmem>>, vector<16xf32>,
      %mul3A_1291 = arith.mulf %gather3A, %get3A_1290 : vector<16xf32>
      tpu.vector_store_idx %arg11[%get3A_1282], %mul3A_1291 {add = true} : memref<5120xf32, #tpu.memory_space<vmem>>[vector<16xi32>], vector<16xf32>,
      tpu.vector_store_idx %arg12[%get3A_1282], %gather3A {add = true} : memref<5120xf32, #tpu.memory_space<vmem>>[vector<16xi32>], vector<16xf32>,
    }
    %scan3A_310 = arith.constant 125 : i32
    %dma_wait3A_311 = arith.constant 0 : i32
    %dma_wait3A_312 = tpu.memref_slice %arg25[%dma_wait3A_311] : memref<4000xi32, #tpu.memory_space<vmem>> -> memref<2000xi32, #tpu.memory_space<vmem>>
    %dma_wait3A_313 = tpu.memref_slice %arg2[%add3A_244] : memref<320000xi32, #tpu.memory_space<hbm>> -> memref<2000xi32, #tpu.memory_space<hbm>>
    %dma_wait3A_314 = arith.constant 0 : i32
    %dma_wait3A_315 = tpu.memref_slice %arg25[%dma_wait3A_314] : memref<4000xi32, #tpu.memory_space<vmem>> -> memref<2000xi32, #tpu.memory_space<vmem>>
    %dma_wait3A_316 = tpu.memref_slice %arg2[%add3A_244] : memref<320000xi32, #tpu.memory_space<hbm>> -> memref<2000xi32, #tpu.memory_space<hbm>>
    tpu.wait_dma2 semaphore(%arg32 : memref<!tpu.dma_semaphore, #tpu.memory_space<semaphore_mem>>) src(%dma_wait3A_316 : memref<2000xi32, #tpu.memory_space<hbm>>) dst(%dma_wait3A_315 : memref<2000xi32, #tpu.memory_space<vmem>>)
    %dma_wait3A_317 = arith.constant 0 : i32
    %dma_wait3A_318 = tpu.memref_slice %arg26[%dma_wait3A_317] : memref<4000xi32, #tpu.memory_space<vmem>> -> memref<2000xi32, #tpu.memory_space<vmem>>
    %dma_wait3A_319 = tpu.memref_slice %arg3[%add3A_244] : memref<320000xi32, #tpu.memory_space<hbm>> -> memref<2000xi32, #tpu.memory_space<hbm>>
    %dma_wait3A_320 = arith.constant 0 : i32
    %dma_wait3A_321 = tpu.memref_slice %arg26[%dma_wait3A_320] : memref<4000xi32, #tpu.memory_space<vmem>> -> memref<2000xi32, #tpu.memory_space<vmem>>
    %dma_wait3A_322 = tpu.memref_slice %arg3[%add3A_244] : memref<320000xi32, #tpu.memory_space<hbm>> -> memref<2000xi32, #tpu.memory_space<hbm>>
    tpu.wait_dma2 semaphore(%arg32 : memref<!tpu.dma_semaphore, #tpu.memory_space<semaphore_mem>>) src(%dma_wait3A_322 : memref<2000xi32, #tpu.memory_space<hbm>>) dst(%dma_wait3A_321 : memref<2000xi32, #tpu.memory_space<vmem>>)
    %dma_wait3A_323 = arith.constant 0 : i32
    %dma_wait3A_324 = tpu.memref_slice %arg27[%dma_wait3A_323] : memref<4000xf32, #tpu.memory_space<vmem>> -> memref<2000xf32, #tpu.memory_space<vmem>>
    %dma_wait3A_325 = tpu.memref_slice %arg4[%add3A_244] : memref<320000xf32, #tpu.memory_space<hbm>> -> memref<2000xf32, #tpu.memory_space<hbm>>
    %dma_wait3A_326 = arith.constant 0 : i32
    %dma_wait3A_327 = tpu.memref_slice %arg27[%dma_wait3A_326] : memref<4000xf32, #tpu.memory_space<vmem>> -> memref<2000xf32, #tpu.memory_space<vmem>>
    %dma_wait3A_328 = tpu.memref_slice %arg4[%add3A_244] : memref<320000xf32, #tpu.memory_space<hbm>> -> memref<2000xf32, #tpu.memory_space<hbm>>
    tpu.wait_dma2 semaphore(%arg32 : memref<!tpu.dma_semaphore, #tpu.memory_space<semaphore_mem>>) src(%dma_wait3A_328 : memref<2000xf32, #tpu.memory_space<hbm>>) dst(%dma_wait3A_327 : memref<2000xf32, #tpu.memory_space<vmem>>)
    %dma_wait3A_329 = arith.constant 0 : i32
    %dma_wait3A_330 = tpu.memref_slice %arg28[%dma_wait3A_329] : memref<4000xf32, #tpu.memory_space<vmem>> -> memref<2000xf32, #tpu.memory_space<vmem>>
    %dma_wait3A_331 = tpu.memref_slice %arg5[%add3A_244] : memref<320000xf32, #tpu.memory_space<hbm>> -> memref<2000xf32, #tpu.memory_space<hbm>>
    %dma_wait3A_332 = arith.constant 0 : i32
    %dma_wait3A_333 = tpu.memref_slice %arg28[%dma_wait3A_332] : memref<4000xf32, #tpu.memory_space<vmem>> -> memref<2000xf32, #tpu.memory_space<vmem>>
    %dma_wait3A_334 = tpu.memref_slice %arg5[%add3A_244] : memref<320000xf32, #tpu.memory_space<hbm>> -> memref<2000xf32, #tpu.memory_space<hbm>>
    tpu.wait_dma2 semaphore(%arg32 : memref<!tpu.dma_semaphore, #tpu.memory_space<semaphore_mem>>) src(%dma_wait3A_334 : memref<2000xf32, #tpu.memory_space<hbm>>) dst(%dma_wait3A_333 : memref<2000xf32, #tpu.memory_space<vmem>>)
    %dma_wait3A_335 = arith.constant 0 : i32
    %dma_wait3A_336 = tpu.memref_slice %arg29[%dma_wait3A_335] : memref<4000xf32, #tpu.memory_space<vmem>> -> memref<2000xf32, #tpu.memory_space<vmem>>
    %dma_wait3A_337 = tpu.memref_slice %arg6[%add3A_244] : memref<320000xf32, #tpu.memory_space<hbm>> -> memref<2000xf32, #tpu.memory_space<hbm>>
    %dma_wait3A_338 = arith.constant 0 : i32
    %dma_wait3A_339 = tpu.memref_slice %arg29[%dma_wait3A_338] : memref<4000xf32, #tpu.memory_space<vmem>> -> memref<2000xf32, #tpu.memory_space<vmem>>
    %dma_wait3A_340 = tpu.memref_slice %arg6[%add3A_244] : memref<320000xf32, #tpu.memory_space<hbm>> -> memref<2000xf32, #tpu.memory_space<hbm>>
    tpu.wait_dma2 semaphore(%arg32 : memref<!tpu.dma_semaphore, #tpu.memory_space<semaphore_mem>>) src(%dma_wait3A_340 : memref<2000xf32, #tpu.memory_space<hbm>>) dst(%dma_wait3A_339 : memref<2000xf32, #tpu.memory_space<vmem>>)
    %scan3A_341 = arith.constant 0 : i32
    %scan3A_342 = arith.constant 0 : i32
    %scan3A_343 = arith.constant 125 : i32
    %scan3A_344 = arith.addi %scan3A_342, %scan3A_343 : i32
    %scan3A_345 = arith.constant 1 : i32
    scf.for %scan3A_1275 = %scan3A_342 to %scan3A_344 step %scan3A_345  : i32 {
      %mul3A_1276 = arith.constant 16 : i32
      %mul3A_1277 = arith.muli %mul3A_1276, %scan3A_1275 : i32
      %add3A_1278 = arith.constant 0 : i32
      %add3A_1279 = arith.addi %add3A_1278, %mul3A_1277 : i32
      %get3A = arith.index_cast %add3A_1279 : i32 to index
      %get3A_1280 = tpu.vector_load %arg25[%get3A] {strides = array<i32>} : memref<4000xi32, #tpu.memory_space<vmem>>, vector<16xi32>,
      %gather3A = tpu.vector_load_idx %arg30[%get3A_1280] : memref<128xf32, #tpu.memory_space<vmem>>[vector<16xi32>], vector<16xf32>,
      %get3A_1281 = arith.index_cast %add3A_1279 : i32 to index
      %get3A_1282 = tpu.vector_load %arg26[%get3A_1281] {strides = array<i32>} : memref<4000xi32, #tpu.memory_space<vmem>>, vector<16xi32>,
      %get3A_1283 = arith.index_cast %add3A_1279 : i32 to index
      %get3A_1284 = tpu.vector_load %arg27[%get3A_1283] {strides = array<i32>} : memref<4000xf32, #tpu.memory_space<vmem>>, vector<16xf32>,
      %mul3A_1285 = arith.mulf %gather3A, %get3A_1284 : vector<16xf32>
      tpu.vector_store_idx %arg9[%get3A_1282], %mul3A_1285 {add = true} : memref<5120xf32, #tpu.memory_space<vmem>>[vector<16xi32>], vector<16xf32>,
      %get3A_1286 = arith.index_cast %add3A_1279 : i32 to index
      %get3A_1287 = tpu.vector_load %arg28[%get3A_1286] {strides = array<i32>} : memref<4000xf32, #tpu.memory_space<vmem>>, vector<16xf32>,
      %mul3A_1288 = arith.mulf %gather3A, %get3A_1287 : vector<16xf32>
      tpu.vector_store_idx %arg10[%get3A_1282], %mul3A_1288 {add = true} : memref<5120xf32, #tpu.memory_space<vmem>>[vector<16xi32>], vector<16xf32>,
      %get3A_1289 = arith.index_cast %add3A_1279 : i32 to index
      %get3A_1290 = tpu.vector_load %arg29[%get3A_1289] {strides = array<i32>} : memref<4000xf32, #tpu.memory_space<vmem>>, vector<16xf32>,
      %mul3A_1291 = arith.mulf %gather3A, %get3A_1290 : vector<16xf32>
      tpu.vector_store_idx %arg11[%get3A_1282], %mul3A_1291 {add = true} : memref<5120xf32, #tpu.memory_space<vmem>>[vector<16xi32>], vector<16xf32>,
      tpu.vector_store_idx %arg12[%get3A_1282], %gather3A {add = true} : memref<5120xf32, #tpu.memory_space<vmem>>[vector<16xi32>], vector<16xf32>,
    }
    %scan3A_346 = arith.constant 125 : i32
    %mul3A_347 = arith.constant 5120 : i32
    %mul3A_348 = arith.muli %arg1, %mul3A_347 : i32
    "tpu.region"() ({
      %run_scoped3A = tpu.sem_alloc : memref<!tpu.dma_semaphore, #tpu.memory_space<semaphore_mem>>
      %dma_start3A_1275 = tpu.memref_slice %arg13[%mul3A_348] : memref<81920xf32, #tpu.memory_space<vmem_shared>> -> memref<5120xf32, #tpu.memory_space<vmem_shared>>
      %dma_start3A_1276 = tpu.memref_slice %arg13[%mul3A_348] : memref<81920xf32, #tpu.memory_space<vmem_shared>> -> memref<5120xf32, #tpu.memory_space<vmem_shared>>
      tpu.enqueue_dma source(%arg9 : memref<5120xf32, #tpu.memory_space<vmem>>) target(%dma_start3A_1276 : memref<5120xf32, #tpu.memory_space<vmem_shared>>) target_semaphore(%run_scoped3A : memref<!tpu.dma_semaphore, #tpu.memory_space<semaphore_mem>>)
      %dma_wait3A_1277 = tpu.memref_slice %arg13[%mul3A_348] : memref<81920xf32, #tpu.memory_space<vmem_shared>> -> memref<5120xf32, #tpu.memory_space<vmem_shared>>
      %dma_wait3A_1278 = tpu.memref_slice %arg13[%mul3A_348] : memref<81920xf32, #tpu.memory_space<vmem_shared>> -> memref<5120xf32, #tpu.memory_space<vmem_shared>>
      tpu.wait_dma2 semaphore(%run_scoped3A : memref<!tpu.dma_semaphore, #tpu.memory_space<semaphore_mem>>) src(%arg9 : memref<5120xf32, #tpu.memory_space<vmem>>) dst(%dma_wait3A_1278 : memref<5120xf32, #tpu.memory_space<vmem_shared>>)
      tpu.yield
    }) : () -> ()
    %mul3A_349 = arith.constant 5120 : i32
    %mul3A_350 = arith.muli %arg1, %mul3A_349 : i32
    "tpu.region"() ({
      %run_scoped3A = tpu.sem_alloc : memref<!tpu.dma_semaphore, #tpu.memory_space<semaphore_mem>>
      %dma_start3A_1275 = tpu.memref_slice %arg14[%mul3A_350] : memref<81920xf32, #tpu.memory_space<vmem_shared>> -> memref<5120xf32, #tpu.memory_space<vmem_shared>>
      %dma_start3A_1276 = tpu.memref_slice %arg14[%mul3A_350] : memref<81920xf32, #tpu.memory_space<vmem_shared>> -> memref<5120xf32, #tpu.memory_space<vmem_shared>>
      tpu.enqueue_dma source(%arg10 : memref<5120xf32, #tpu.memory_space<vmem>>) target(%dma_start3A_1276 : memref<5120xf32, #tpu.memory_space<vmem_shared>>) target_semaphore(%run_scoped3A : memref<!tpu.dma_semaphore, #tpu.memory_space<semaphore_mem>>)
      %dma_wait3A_1277 = tpu.memref_slice %arg14[%mul3A_350] : memref<81920xf32, #tpu.memory_space<vmem_shared>> -> memref<5120xf32, #tpu.memory_space<vmem_shared>>
      %dma_wait3A_1278 = tpu.memref_slice %arg14[%mul3A_350] : memref<81920xf32, #tpu.memory_space<vmem_shared>> -> memref<5120xf32, #tpu.memory_space<vmem_shared>>
      tpu.wait_dma2 semaphore(%run_scoped3A : memref<!tpu.dma_semaphore, #tpu.memory_space<semaphore_mem>>) src(%arg10 : memref<5120xf32, #tpu.memory_space<vmem>>) dst(%dma_wait3A_1278 : memref<5120xf32, #tpu.memory_space<vmem_shared>>)
      tpu.yield
    }) : () -> ()
    %mul3A_351 = arith.constant 5120 : i32
    %mul3A_352 = arith.muli %arg1, %mul3A_351 : i32
    "tpu.region"() ({
      %run_scoped3A = tpu.sem_alloc : memref<!tpu.dma_semaphore, #tpu.memory_space<semaphore_mem>>
      %dma_start3A_1275 = tpu.memref_slice %arg15[%mul3A_352] : memref<81920xf32, #tpu.memory_space<vmem_shared>> -> memref<5120xf32, #tpu.memory_space<vmem_shared>>
      %dma_start3A_1276 = tpu.memref_slice %arg15[%mul3A_352] : memref<81920xf32, #tpu.memory_space<vmem_shared>> -> memref<5120xf32, #tpu.memory_space<vmem_shared>>
      tpu.enqueue_dma source(%arg11 : memref<5120xf32, #tpu.memory_space<vmem>>) target(%dma_start3A_1276 : memref<5120xf32, #tpu.memory_space<vmem_shared>>) target_semaphore(%run_scoped3A : memref<!tpu.dma_semaphore, #tpu.memory_space<semaphore_mem>>)
      %dma_wait3A_1277 = tpu.memref_slice %arg15[%mul3A_352] : memref<81920xf32, #tpu.memory_space<vmem_shared>> -> memref<5120xf32, #tpu.memory_space<vmem_shared>>
      %dma_wait3A_1278 = tpu.memref_slice %arg15[%mul3A_352] : memref<81920xf32, #tpu.memory_space<vmem_shared>> -> memref<5120xf32, #tpu.memory_space<vmem_shared>>
      tpu.wait_dma2 semaphore(%run_scoped3A : memref<!tpu.dma_semaphore, #tpu.memory_space<semaphore_mem>>) src(%arg11 : memref<5120xf32, #tpu.memory_space<vmem>>) dst(%dma_wait3A_1278 : memref<5120xf32, #tpu.memory_space<vmem_shared>>)
      tpu.yield
    }) : () -> ()
    %mul3A_353 = arith.constant 5120 : i32
    %mul3A_354 = arith.muli %arg1, %mul3A_353 : i32
    "tpu.region"() ({
      %run_scoped3A = tpu.sem_alloc : memref<!tpu.dma_semaphore, #tpu.memory_space<semaphore_mem>>
      %dma_start3A_1275 = tpu.memref_slice %arg16[%mul3A_354] : memref<81920xf32, #tpu.memory_space<vmem_shared>> -> memref<5120xf32, #tpu.memory_space<vmem_shared>>
      %dma_start3A_1276 = tpu.memref_slice %arg16[%mul3A_354] : memref<81920xf32, #tpu.memory_space<vmem_shared>> -> memref<5120xf32, #tpu.memory_space<vmem_shared>>
      tpu.enqueue_dma source(%arg12 : memref<5120xf32, #tpu.memory_space<vmem>>) target(%dma_start3A_1276 : memref<5120xf32, #tpu.memory_space<vmem_shared>>) target_semaphore(%run_scoped3A : memref<!tpu.dma_semaphore, #tpu.memory_space<semaphore_mem>>)
      %dma_wait3A_1277 = tpu.memref_slice %arg16[%mul3A_354] : memref<81920xf32, #tpu.memory_space<vmem_shared>> -> memref<5120xf32, #tpu.memory_space<vmem_shared>>
      %dma_wait3A_1278 = tpu.memref_slice %arg16[%mul3A_354] : memref<81920xf32, #tpu.memory_space<vmem_shared>> -> memref<5120xf32, #tpu.memory_space<vmem_shared>>
      tpu.wait_dma2 semaphore(%run_scoped3A : memref<!tpu.dma_semaphore, #tpu.memory_space<semaphore_mem>>) src(%arg12 : memref<5120xf32, #tpu.memory_space<vmem>>) dst(%dma_wait3A_1278 : memref<5120xf32, #tpu.memory_space<vmem_shared>>)
      tpu.yield
    }) : () -> ()
    %barrier3A = arith.constant 0 : index
    tpu.barrier barrier_id(%barrier3A)
    %mul3A_355 = arith.constant 320 : i32
    %mul3A_356 = arith.muli %arg1, %mul3A_355 : i32
    %add3A_357 = arith.constant 0 : i32
    %add3A_358 = arith.addi %add3A_357, %mul3A_356 : i32
    %dma_start3A_359 = arith.constant 0 : i32
    %dma_start3A_360 = tpu.memref_slice %arg17[%dma_start3A_359] : memref<5120xf32, #tpu.memory_space<vmem>> -> memref<320xf32, #tpu.memory_space<vmem>>
    %dma_start3A_361 = tpu.memref_slice %arg13[%add3A_358] : memref<81920xf32, #tpu.memory_space<vmem_shared>> -> memref<320xf32, #tpu.memory_space<vmem_shared>>
    %dma_start3A_362 = arith.constant 0 : i32
    %dma_start3A_363 = tpu.memref_slice %arg17[%dma_start3A_362] : memref<5120xf32, #tpu.memory_space<vmem>> -> memref<320xf32, #tpu.memory_space<vmem>>
    %dma_start3A_364 = tpu.memref_slice %arg13[%add3A_358] : memref<81920xf32, #tpu.memory_space<vmem_shared>> -> memref<320xf32, #tpu.memory_space<vmem_shared>>
    tpu.enqueue_dma source(%dma_start3A_364 : memref<320xf32, #tpu.memory_space<vmem_shared>>) target(%dma_start3A_363 : memref<320xf32, #tpu.memory_space<vmem>>) target_semaphore(%arg31 : memref<!tpu.dma_semaphore, #tpu.memory_space<semaphore_mem>>)
    %add3A_365 = arith.constant 5120 : i32
    %add3A_366 = arith.addi %add3A_365, %mul3A_356 : i32
    %dma_start3A_367 = arith.constant 320 : i32
    %dma_start3A_368 = tpu.memref_slice %arg17[%dma_start3A_367] : memref<5120xf32, #tpu.memory_space<vmem>> -> memref<320xf32, #tpu.memory_space<vmem>>
    %dma_start3A_369 = tpu.memref_slice %arg13[%add3A_366] : memref<81920xf32, #tpu.memory_space<vmem_shared>> -> memref<320xf32, #tpu.memory_space<vmem_shared>>
    %dma_start3A_370 = arith.constant 320 : i32
    %dma_start3A_371 = tpu.memref_slice %arg17[%dma_start3A_370] : memref<5120xf32, #tpu.memory_space<vmem>> -> memref<320xf32, #tpu.memory_space<vmem>>
    %dma_start3A_372 = tpu.memref_slice %arg13[%add3A_366] : memref<81920xf32, #tpu.memory_space<vmem_shared>> -> memref<320xf32, #tpu.memory_space<vmem_shared>>
    tpu.enqueue_dma source(%dma_start3A_372 : memref<320xf32, #tpu.memory_space<vmem_shared>>) target(%dma_start3A_371 : memref<320xf32, #tpu.memory_space<vmem>>) target_semaphore(%arg31 : memref<!tpu.dma_semaphore, #tpu.memory_space<semaphore_mem>>)
    %add3A_373 = arith.constant 10240 : i32
    %add3A_374 = arith.addi %add3A_373, %mul3A_356 : i32
    %dma_start3A_375 = arith.constant 640 : i32
    %dma_start3A_376 = tpu.memref_slice %arg17[%dma_start3A_375] : memref<5120xf32, #tpu.memory_space<vmem>> -> memref<320xf32, #tpu.memory_space<vmem>>
    %dma_start3A_377 = tpu.memref_slice %arg13[%add3A_374] : memref<81920xf32, #tpu.memory_space<vmem_shared>> -> memref<320xf32, #tpu.memory_space<vmem_shared>>
    %dma_start3A_378 = arith.constant 640 : i32
    %dma_start3A_379 = tpu.memref_slice %arg17[%dma_start3A_378] : memref<5120xf32, #tpu.memory_space<vmem>> -> memref<320xf32, #tpu.memory_space<vmem>>
    %dma_start3A_380 = tpu.memref_slice %arg13[%add3A_374] : memref<81920xf32, #tpu.memory_space<vmem_shared>> -> memref<320xf32, #tpu.memory_space<vmem_shared>>
    tpu.enqueue_dma source(%dma_start3A_380 : memref<320xf32, #tpu.memory_space<vmem_shared>>) target(%dma_start3A_379 : memref<320xf32, #tpu.memory_space<vmem>>) target_semaphore(%arg31 : memref<!tpu.dma_semaphore, #tpu.memory_space<semaphore_mem>>)
    %add3A_381 = arith.constant 15360 : i32
    %add3A_382 = arith.addi %add3A_381, %mul3A_356 : i32
    %dma_start3A_383 = arith.constant 960 : i32
    %dma_start3A_384 = tpu.memref_slice %arg17[%dma_start3A_383] : memref<5120xf32, #tpu.memory_space<vmem>> -> memref<320xf32, #tpu.memory_space<vmem>>
    %dma_start3A_385 = tpu.memref_slice %arg13[%add3A_382] : memref<81920xf32, #tpu.memory_space<vmem_shared>> -> memref<320xf32, #tpu.memory_space<vmem_shared>>
    %dma_start3A_386 = arith.constant 960 : i32
    %dma_start3A_387 = tpu.memref_slice %arg17[%dma_start3A_386] : memref<5120xf32, #tpu.memory_space<vmem>> -> memref<320xf32, #tpu.memory_space<vmem>>
    %dma_start3A_388 = tpu.memref_slice %arg13[%add3A_382] : memref<81920xf32, #tpu.memory_space<vmem_shared>> -> memref<320xf32, #tpu.memory_space<vmem_shared>>
    tpu.enqueue_dma source(%dma_start3A_388 : memref<320xf32, #tpu.memory_space<vmem_shared>>) target(%dma_start3A_387 : memref<320xf32, #tpu.memory_space<vmem>>) target_semaphore(%arg31 : memref<!tpu.dma_semaphore, #tpu.memory_space<semaphore_mem>>)
    %add3A_389 = arith.constant 20480 : i32
    %add3A_390 = arith.addi %add3A_389, %mul3A_356 : i32
    %dma_start3A_391 = arith.constant 1280 : i32
    %dma_start3A_392 = tpu.memref_slice %arg17[%dma_start3A_391] : memref<5120xf32, #tpu.memory_space<vmem>> -> memref<320xf32, #tpu.memory_space<vmem>>
    %dma_start3A_393 = tpu.memref_slice %arg13[%add3A_390] : memref<81920xf32, #tpu.memory_space<vmem_shared>> -> memref<320xf32, #tpu.memory_space<vmem_shared>>
    %dma_start3A_394 = arith.constant 1280 : i32
    %dma_start3A_395 = tpu.memref_slice %arg17[%dma_start3A_394] : memref<5120xf32, #tpu.memory_space<vmem>> -> memref<320xf32, #tpu.memory_space<vmem>>
    %dma_start3A_396 = tpu.memref_slice %arg13[%add3A_390] : memref<81920xf32, #tpu.memory_space<vmem_shared>> -> memref<320xf32, #tpu.memory_space<vmem_shared>>
    tpu.enqueue_dma source(%dma_start3A_396 : memref<320xf32, #tpu.memory_space<vmem_shared>>) target(%dma_start3A_395 : memref<320xf32, #tpu.memory_space<vmem>>) target_semaphore(%arg31 : memref<!tpu.dma_semaphore, #tpu.memory_space<semaphore_mem>>)
    %add3A_397 = arith.constant 25600 : i32
    %add3A_398 = arith.addi %add3A_397, %mul3A_356 : i32
    %dma_start3A_399 = arith.constant 1600 : i32
    %dma_start3A_400 = tpu.memref_slice %arg17[%dma_start3A_399] : memref<5120xf32, #tpu.memory_space<vmem>> -> memref<320xf32, #tpu.memory_space<vmem>>
    %dma_start3A_401 = tpu.memref_slice %arg13[%add3A_398] : memref<81920xf32, #tpu.memory_space<vmem_shared>> -> memref<320xf32, #tpu.memory_space<vmem_shared>>
    %dma_start3A_402 = arith.constant 1600 : i32
    %dma_start3A_403 = tpu.memref_slice %arg17[%dma_start3A_402] : memref<5120xf32, #tpu.memory_space<vmem>> -> memref<320xf32, #tpu.memory_space<vmem>>
    %dma_start3A_404 = tpu.memref_slice %arg13[%add3A_398] : memref<81920xf32, #tpu.memory_space<vmem_shared>> -> memref<320xf32, #tpu.memory_space<vmem_shared>>
    tpu.enqueue_dma source(%dma_start3A_404 : memref<320xf32, #tpu.memory_space<vmem_shared>>) target(%dma_start3A_403 : memref<320xf32, #tpu.memory_space<vmem>>) target_semaphore(%arg31 : memref<!tpu.dma_semaphore, #tpu.memory_space<semaphore_mem>>)
    %add3A_405 = arith.constant 30720 : i32
    %add3A_406 = arith.addi %add3A_405, %mul3A_356 : i32
    %dma_start3A_407 = arith.constant 1920 : i32
    %dma_start3A_408 = tpu.memref_slice %arg17[%dma_start3A_407] : memref<5120xf32, #tpu.memory_space<vmem>> -> memref<320xf32, #tpu.memory_space<vmem>>
    %dma_start3A_409 = tpu.memref_slice %arg13[%add3A_406] : memref<81920xf32, #tpu.memory_space<vmem_shared>> -> memref<320xf32, #tpu.memory_space<vmem_shared>>
    %dma_start3A_410 = arith.constant 1920 : i32
    %dma_start3A_411 = tpu.memref_slice %arg17[%dma_start3A_410] : memref<5120xf32, #tpu.memory_space<vmem>> -> memref<320xf32, #tpu.memory_space<vmem>>
    %dma_start3A_412 = tpu.memref_slice %arg13[%add3A_406] : memref<81920xf32, #tpu.memory_space<vmem_shared>> -> memref<320xf32, #tpu.memory_space<vmem_shared>>
    tpu.enqueue_dma source(%dma_start3A_412 : memref<320xf32, #tpu.memory_space<vmem_shared>>) target(%dma_start3A_411 : memref<320xf32, #tpu.memory_space<vmem>>) target_semaphore(%arg31 : memref<!tpu.dma_semaphore, #tpu.memory_space<semaphore_mem>>)
    %add3A_413 = arith.constant 35840 : i32
    %add3A_414 = arith.addi %add3A_413, %mul3A_356 : i32
    %dma_start3A_415 = arith.constant 2240 : i32
    %dma_start3A_416 = tpu.memref_slice %arg17[%dma_start3A_415] : memref<5120xf32, #tpu.memory_space<vmem>> -> memref<320xf32, #tpu.memory_space<vmem>>
    %dma_start3A_417 = tpu.memref_slice %arg13[%add3A_414] : memref<81920xf32, #tpu.memory_space<vmem_shared>> -> memref<320xf32, #tpu.memory_space<vmem_shared>>
    %dma_start3A_418 = arith.constant 2240 : i32
    %dma_start3A_419 = tpu.memref_slice %arg17[%dma_start3A_418] : memref<5120xf32, #tpu.memory_space<vmem>> -> memref<320xf32, #tpu.memory_space<vmem>>
    %dma_start3A_420 = tpu.memref_slice %arg13[%add3A_414] : memref<81920xf32, #tpu.memory_space<vmem_shared>> -> memref<320xf32, #tpu.memory_space<vmem_shared>>
    tpu.enqueue_dma source(%dma_start3A_420 : memref<320xf32, #tpu.memory_space<vmem_shared>>) target(%dma_start3A_419 : memref<320xf32, #tpu.memory_space<vmem>>) target_semaphore(%arg31 : memref<!tpu.dma_semaphore, #tpu.memory_space<semaphore_mem>>)
    %add3A_421 = arith.constant 40960 : i32
    %add3A_422 = arith.addi %add3A_421, %mul3A_356 : i32
    %dma_start3A_423 = arith.constant 2560 : i32
    %dma_start3A_424 = tpu.memref_slice %arg17[%dma_start3A_423] : memref<5120xf32, #tpu.memory_space<vmem>> -> memref<320xf32, #tpu.memory_space<vmem>>
    %dma_start3A_425 = tpu.memref_slice %arg13[%add3A_422] : memref<81920xf32, #tpu.memory_space<vmem_shared>> -> memref<320xf32, #tpu.memory_space<vmem_shared>>
    %dma_start3A_426 = arith.constant 2560 : i32
    %dma_start3A_427 = tpu.memref_slice %arg17[%dma_start3A_426] : memref<5120xf32, #tpu.memory_space<vmem>> -> memref<320xf32, #tpu.memory_space<vmem>>
    %dma_start3A_428 = tpu.memref_slice %arg13[%add3A_422] : memref<81920xf32, #tpu.memory_space<vmem_shared>> -> memref<320xf32, #tpu.memory_space<vmem_shared>>
    tpu.enqueue_dma source(%dma_start3A_428 : memref<320xf32, #tpu.memory_space<vmem_shared>>) target(%dma_start3A_427 : memref<320xf32, #tpu.memory_space<vmem>>) target_semaphore(%arg31 : memref<!tpu.dma_semaphore, #tpu.memory_space<semaphore_mem>>)
    %add3A_429 = arith.constant 46080 : i32
    %add3A_430 = arith.addi %add3A_429, %mul3A_356 : i32
    %dma_start3A_431 = arith.constant 2880 : i32
    %dma_start3A_432 = tpu.memref_slice %arg17[%dma_start3A_431] : memref<5120xf32, #tpu.memory_space<vmem>> -> memref<320xf32, #tpu.memory_space<vmem>>
    %dma_start3A_433 = tpu.memref_slice %arg13[%add3A_430] : memref<81920xf32, #tpu.memory_space<vmem_shared>> -> memref<320xf32, #tpu.memory_space<vmem_shared>>
    %dma_start3A_434 = arith.constant 2880 : i32
    %dma_start3A_435 = tpu.memref_slice %arg17[%dma_start3A_434] : memref<5120xf32, #tpu.memory_space<vmem>> -> memref<320xf32, #tpu.memory_space<vmem>>
    %dma_start3A_436 = tpu.memref_slice %arg13[%add3A_430] : memref<81920xf32, #tpu.memory_space<vmem_shared>> -> memref<320xf32, #tpu.memory_space<vmem_shared>>
    tpu.enqueue_dma source(%dma_start3A_436 : memref<320xf32, #tpu.memory_space<vmem_shared>>) target(%dma_start3A_435 : memref<320xf32, #tpu.memory_space<vmem>>) target_semaphore(%arg31 : memref<!tpu.dma_semaphore, #tpu.memory_space<semaphore_mem>>)
    %add3A_437 = arith.constant 51200 : i32
    %add3A_438 = arith.addi %add3A_437, %mul3A_356 : i32
    %dma_start3A_439 = arith.constant 3200 : i32
    %dma_start3A_440 = tpu.memref_slice %arg17[%dma_start3A_439] : memref<5120xf32, #tpu.memory_space<vmem>> -> memref<320xf32, #tpu.memory_space<vmem>>
    %dma_start3A_441 = tpu.memref_slice %arg13[%add3A_438] : memref<81920xf32, #tpu.memory_space<vmem_shared>> -> memref<320xf32, #tpu.memory_space<vmem_shared>>
    %dma_start3A_442 = arith.constant 3200 : i32
    %dma_start3A_443 = tpu.memref_slice %arg17[%dma_start3A_442] : memref<5120xf32, #tpu.memory_space<vmem>> -> memref<320xf32, #tpu.memory_space<vmem>>
    %dma_start3A_444 = tpu.memref_slice %arg13[%add3A_438] : memref<81920xf32, #tpu.memory_space<vmem_shared>> -> memref<320xf32, #tpu.memory_space<vmem_shared>>
    tpu.enqueue_dma source(%dma_start3A_444 : memref<320xf32, #tpu.memory_space<vmem_shared>>) target(%dma_start3A_443 : memref<320xf32, #tpu.memory_space<vmem>>) target_semaphore(%arg31 : memref<!tpu.dma_semaphore, #tpu.memory_space<semaphore_mem>>)
    %add3A_445 = arith.constant 56320 : i32
    %add3A_446 = arith.addi %add3A_445, %mul3A_356 : i32
    %dma_start3A_447 = arith.constant 3520 : i32
    %dma_start3A_448 = tpu.memref_slice %arg17[%dma_start3A_447] : memref<5120xf32, #tpu.memory_space<vmem>> -> memref<320xf32, #tpu.memory_space<vmem>>
    %dma_start3A_449 = tpu.memref_slice %arg13[%add3A_446] : memref<81920xf32, #tpu.memory_space<vmem_shared>> -> memref<320xf32, #tpu.memory_space<vmem_shared>>
    %dma_start3A_450 = arith.constant 3520 : i32
    %dma_start3A_451 = tpu.memref_slice %arg17[%dma_start3A_450] : memref<5120xf32, #tpu.memory_space<vmem>> -> memref<320xf32, #tpu.memory_space<vmem>>
    %dma_start3A_452 = tpu.memref_slice %arg13[%add3A_446] : memref<81920xf32, #tpu.memory_space<vmem_shared>> -> memref<320xf32, #tpu.memory_space<vmem_shared>>
    tpu.enqueue_dma source(%dma_start3A_452 : memref<320xf32, #tpu.memory_space<vmem_shared>>) target(%dma_start3A_451 : memref<320xf32, #tpu.memory_space<vmem>>) target_semaphore(%arg31 : memref<!tpu.dma_semaphore, #tpu.memory_space<semaphore_mem>>)
    %add3A_453 = arith.constant 61440 : i32
    %add3A_454 = arith.addi %add3A_453, %mul3A_356 : i32
    %dma_start3A_455 = arith.constant 3840 : i32
    %dma_start3A_456 = tpu.memref_slice %arg17[%dma_start3A_455] : memref<5120xf32, #tpu.memory_space<vmem>> -> memref<320xf32, #tpu.memory_space<vmem>>
    %dma_start3A_457 = tpu.memref_slice %arg13[%add3A_454] : memref<81920xf32, #tpu.memory_space<vmem_shared>> -> memref<320xf32, #tpu.memory_space<vmem_shared>>
    %dma_start3A_458 = arith.constant 3840 : i32
    %dma_start3A_459 = tpu.memref_slice %arg17[%dma_start3A_458] : memref<5120xf32, #tpu.memory_space<vmem>> -> memref<320xf32, #tpu.memory_space<vmem>>
    %dma_start3A_460 = tpu.memref_slice %arg13[%add3A_454] : memref<81920xf32, #tpu.memory_space<vmem_shared>> -> memref<320xf32, #tpu.memory_space<vmem_shared>>
    tpu.enqueue_dma source(%dma_start3A_460 : memref<320xf32, #tpu.memory_space<vmem_shared>>) target(%dma_start3A_459 : memref<320xf32, #tpu.memory_space<vmem>>) target_semaphore(%arg31 : memref<!tpu.dma_semaphore, #tpu.memory_space<semaphore_mem>>)
    %add3A_461 = arith.constant 66560 : i32
    %add3A_462 = arith.addi %add3A_461, %mul3A_356 : i32
    %dma_start3A_463 = arith.constant 4160 : i32
    %dma_start3A_464 = tpu.memref_slice %arg17[%dma_start3A_463] : memref<5120xf32, #tpu.memory_space<vmem>> -> memref<320xf32, #tpu.memory_space<vmem>>
    %dma_start3A_465 = tpu.memref_slice %arg13[%add3A_462] : memref<81920xf32, #tpu.memory_space<vmem_shared>> -> memref<320xf32, #tpu.memory_space<vmem_shared>>
    %dma_start3A_466 = arith.constant 4160 : i32
    %dma_start3A_467 = tpu.memref_slice %arg17[%dma_start3A_466] : memref<5120xf32, #tpu.memory_space<vmem>> -> memref<320xf32, #tpu.memory_space<vmem>>
    %dma_start3A_468 = tpu.memref_slice %arg13[%add3A_462] : memref<81920xf32, #tpu.memory_space<vmem_shared>> -> memref<320xf32, #tpu.memory_space<vmem_shared>>
    tpu.enqueue_dma source(%dma_start3A_468 : memref<320xf32, #tpu.memory_space<vmem_shared>>) target(%dma_start3A_467 : memref<320xf32, #tpu.memory_space<vmem>>) target_semaphore(%arg31 : memref<!tpu.dma_semaphore, #tpu.memory_space<semaphore_mem>>)
    %add3A_469 = arith.constant 71680 : i32
    %add3A_470 = arith.addi %add3A_469, %mul3A_356 : i32
    %dma_start3A_471 = arith.constant 4480 : i32
    %dma_start3A_472 = tpu.memref_slice %arg17[%dma_start3A_471] : memref<5120xf32, #tpu.memory_space<vmem>> -> memref<320xf32, #tpu.memory_space<vmem>>
    %dma_start3A_473 = tpu.memref_slice %arg13[%add3A_470] : memref<81920xf32, #tpu.memory_space<vmem_shared>> -> memref<320xf32, #tpu.memory_space<vmem_shared>>
    %dma_start3A_474 = arith.constant 4480 : i32
    %dma_start3A_475 = tpu.memref_slice %arg17[%dma_start3A_474] : memref<5120xf32, #tpu.memory_space<vmem>> -> memref<320xf32, #tpu.memory_space<vmem>>
    %dma_start3A_476 = tpu.memref_slice %arg13[%add3A_470] : memref<81920xf32, #tpu.memory_space<vmem_shared>> -> memref<320xf32, #tpu.memory_space<vmem_shared>>
    tpu.enqueue_dma source(%dma_start3A_476 : memref<320xf32, #tpu.memory_space<vmem_shared>>) target(%dma_start3A_475 : memref<320xf32, #tpu.memory_space<vmem>>) target_semaphore(%arg31 : memref<!tpu.dma_semaphore, #tpu.memory_space<semaphore_mem>>)
    %add3A_477 = arith.constant 76800 : i32
    %add3A_478 = arith.addi %add3A_477, %mul3A_356 : i32
    %dma_start3A_479 = arith.constant 4800 : i32
    %dma_start3A_480 = tpu.memref_slice %arg17[%dma_start3A_479] : memref<5120xf32, #tpu.memory_space<vmem>> -> memref<320xf32, #tpu.memory_space<vmem>>
    %dma_start3A_481 = tpu.memref_slice %arg13[%add3A_478] : memref<81920xf32, #tpu.memory_space<vmem_shared>> -> memref<320xf32, #tpu.memory_space<vmem_shared>>
    %dma_start3A_482 = arith.constant 4800 : i32
    %dma_start3A_483 = tpu.memref_slice %arg17[%dma_start3A_482] : memref<5120xf32, #tpu.memory_space<vmem>> -> memref<320xf32, #tpu.memory_space<vmem>>
    %dma_start3A_484 = tpu.memref_slice %arg13[%add3A_478] : memref<81920xf32, #tpu.memory_space<vmem_shared>> -> memref<320xf32, #tpu.memory_space<vmem_shared>>
    tpu.enqueue_dma source(%dma_start3A_484 : memref<320xf32, #tpu.memory_space<vmem_shared>>) target(%dma_start3A_483 : memref<320xf32, #tpu.memory_space<vmem>>) target_semaphore(%arg31 : memref<!tpu.dma_semaphore, #tpu.memory_space<semaphore_mem>>)
    %add3A_485 = arith.constant 0 : i32
    %add3A_486 = arith.addi %add3A_485, %mul3A_356 : i32
    %dma_start3A_487 = arith.constant 0 : i32
    %dma_start3A_488 = tpu.memref_slice %arg18[%dma_start3A_487] : memref<5120xf32, #tpu.memory_space<vmem>> -> memref<320xf32, #tpu.memory_space<vmem>>
    %dma_start3A_489 = tpu.memref_slice %arg14[%add3A_486] : memref<81920xf32, #tpu.memory_space<vmem_shared>> -> memref<320xf32, #tpu.memory_space<vmem_shared>>
    %dma_start3A_490 = arith.constant 0 : i32
    %dma_start3A_491 = tpu.memref_slice %arg18[%dma_start3A_490] : memref<5120xf32, #tpu.memory_space<vmem>> -> memref<320xf32, #tpu.memory_space<vmem>>
    %dma_start3A_492 = tpu.memref_slice %arg14[%add3A_486] : memref<81920xf32, #tpu.memory_space<vmem_shared>> -> memref<320xf32, #tpu.memory_space<vmem_shared>>
    tpu.enqueue_dma source(%dma_start3A_492 : memref<320xf32, #tpu.memory_space<vmem_shared>>) target(%dma_start3A_491 : memref<320xf32, #tpu.memory_space<vmem>>) target_semaphore(%arg31 : memref<!tpu.dma_semaphore, #tpu.memory_space<semaphore_mem>>)
    %add3A_493 = arith.constant 5120 : i32
    %add3A_494 = arith.addi %add3A_493, %mul3A_356 : i32
    %dma_start3A_495 = arith.constant 320 : i32
    %dma_start3A_496 = tpu.memref_slice %arg18[%dma_start3A_495] : memref<5120xf32, #tpu.memory_space<vmem>> -> memref<320xf32, #tpu.memory_space<vmem>>
    %dma_start3A_497 = tpu.memref_slice %arg14[%add3A_494] : memref<81920xf32, #tpu.memory_space<vmem_shared>> -> memref<320xf32, #tpu.memory_space<vmem_shared>>
    %dma_start3A_498 = arith.constant 320 : i32
    %dma_start3A_499 = tpu.memref_slice %arg18[%dma_start3A_498] : memref<5120xf32, #tpu.memory_space<vmem>> -> memref<320xf32, #tpu.memory_space<vmem>>
    %dma_start3A_500 = tpu.memref_slice %arg14[%add3A_494] : memref<81920xf32, #tpu.memory_space<vmem_shared>> -> memref<320xf32, #tpu.memory_space<vmem_shared>>
    tpu.enqueue_dma source(%dma_start3A_500 : memref<320xf32, #tpu.memory_space<vmem_shared>>) target(%dma_start3A_499 : memref<320xf32, #tpu.memory_space<vmem>>) target_semaphore(%arg31 : memref<!tpu.dma_semaphore, #tpu.memory_space<semaphore_mem>>)
    %add3A_501 = arith.constant 10240 : i32
    %add3A_502 = arith.addi %add3A_501, %mul3A_356 : i32
    %dma_start3A_503 = arith.constant 640 : i32
    %dma_start3A_504 = tpu.memref_slice %arg18[%dma_start3A_503] : memref<5120xf32, #tpu.memory_space<vmem>> -> memref<320xf32, #tpu.memory_space<vmem>>
    %dma_start3A_505 = tpu.memref_slice %arg14[%add3A_502] : memref<81920xf32, #tpu.memory_space<vmem_shared>> -> memref<320xf32, #tpu.memory_space<vmem_shared>>
    %dma_start3A_506 = arith.constant 640 : i32
    %dma_start3A_507 = tpu.memref_slice %arg18[%dma_start3A_506] : memref<5120xf32, #tpu.memory_space<vmem>> -> memref<320xf32, #tpu.memory_space<vmem>>
    %dma_start3A_508 = tpu.memref_slice %arg14[%add3A_502] : memref<81920xf32, #tpu.memory_space<vmem_shared>> -> memref<320xf32, #tpu.memory_space<vmem_shared>>
    tpu.enqueue_dma source(%dma_start3A_508 : memref<320xf32, #tpu.memory_space<vmem_shared>>) target(%dma_start3A_507 : memref<320xf32, #tpu.memory_space<vmem>>) target_semaphore(%arg31 : memref<!tpu.dma_semaphore, #tpu.memory_space<semaphore_mem>>)
    %add3A_509 = arith.constant 15360 : i32
    %add3A_510 = arith.addi %add3A_509, %mul3A_356 : i32
    %dma_start3A_511 = arith.constant 960 : i32
    %dma_start3A_512 = tpu.memref_slice %arg18[%dma_start3A_511] : memref<5120xf32, #tpu.memory_space<vmem>> -> memref<320xf32, #tpu.memory_space<vmem>>
    %dma_start3A_513 = tpu.memref_slice %arg14[%add3A_510] : memref<81920xf32, #tpu.memory_space<vmem_shared>> -> memref<320xf32, #tpu.memory_space<vmem_shared>>
    %dma_start3A_514 = arith.constant 960 : i32
    %dma_start3A_515 = tpu.memref_slice %arg18[%dma_start3A_514] : memref<5120xf32, #tpu.memory_space<vmem>> -> memref<320xf32, #tpu.memory_space<vmem>>
    %dma_start3A_516 = tpu.memref_slice %arg14[%add3A_510] : memref<81920xf32, #tpu.memory_space<vmem_shared>> -> memref<320xf32, #tpu.memory_space<vmem_shared>>
    tpu.enqueue_dma source(%dma_start3A_516 : memref<320xf32, #tpu.memory_space<vmem_shared>>) target(%dma_start3A_515 : memref<320xf32, #tpu.memory_space<vmem>>) target_semaphore(%arg31 : memref<!tpu.dma_semaphore, #tpu.memory_space<semaphore_mem>>)
    %add3A_517 = arith.constant 20480 : i32
    %add3A_518 = arith.addi %add3A_517, %mul3A_356 : i32
    %dma_start3A_519 = arith.constant 1280 : i32
    %dma_start3A_520 = tpu.memref_slice %arg18[%dma_start3A_519] : memref<5120xf32, #tpu.memory_space<vmem>> -> memref<320xf32, #tpu.memory_space<vmem>>
    %dma_start3A_521 = tpu.memref_slice %arg14[%add3A_518] : memref<81920xf32, #tpu.memory_space<vmem_shared>> -> memref<320xf32, #tpu.memory_space<vmem_shared>>
    %dma_start3A_522 = arith.constant 1280 : i32
    %dma_start3A_523 = tpu.memref_slice %arg18[%dma_start3A_522] : memref<5120xf32, #tpu.memory_space<vmem>> -> memref<320xf32, #tpu.memory_space<vmem>>
    %dma_start3A_524 = tpu.memref_slice %arg14[%add3A_518] : memref<81920xf32, #tpu.memory_space<vmem_shared>> -> memref<320xf32, #tpu.memory_space<vmem_shared>>
    tpu.enqueue_dma source(%dma_start3A_524 : memref<320xf32, #tpu.memory_space<vmem_shared>>) target(%dma_start3A_523 : memref<320xf32, #tpu.memory_space<vmem>>) target_semaphore(%arg31 : memref<!tpu.dma_semaphore, #tpu.memory_space<semaphore_mem>>)
    %add3A_525 = arith.constant 25600 : i32
    %add3A_526 = arith.addi %add3A_525, %mul3A_356 : i32
    %dma_start3A_527 = arith.constant 1600 : i32
    %dma_start3A_528 = tpu.memref_slice %arg18[%dma_start3A_527] : memref<5120xf32, #tpu.memory_space<vmem>> -> memref<320xf32, #tpu.memory_space<vmem>>
    %dma_start3A_529 = tpu.memref_slice %arg14[%add3A_526] : memref<81920xf32, #tpu.memory_space<vmem_shared>> -> memref<320xf32, #tpu.memory_space<vmem_shared>>
    %dma_start3A_530 = arith.constant 1600 : i32
    %dma_start3A_531 = tpu.memref_slice %arg18[%dma_start3A_530] : memref<5120xf32, #tpu.memory_space<vmem>> -> memref<320xf32, #tpu.memory_space<vmem>>
    %dma_start3A_532 = tpu.memref_slice %arg14[%add3A_526] : memref<81920xf32, #tpu.memory_space<vmem_shared>> -> memref<320xf32, #tpu.memory_space<vmem_shared>>
    tpu.enqueue_dma source(%dma_start3A_532 : memref<320xf32, #tpu.memory_space<vmem_shared>>) target(%dma_start3A_531 : memref<320xf32, #tpu.memory_space<vmem>>) target_semaphore(%arg31 : memref<!tpu.dma_semaphore, #tpu.memory_space<semaphore_mem>>)
    %add3A_533 = arith.constant 30720 : i32
    %add3A_534 = arith.addi %add3A_533, %mul3A_356 : i32
    %dma_start3A_535 = arith.constant 1920 : i32
    %dma_start3A_536 = tpu.memref_slice %arg18[%dma_start3A_535] : memref<5120xf32, #tpu.memory_space<vmem>> -> memref<320xf32, #tpu.memory_space<vmem>>
    %dma_start3A_537 = tpu.memref_slice %arg14[%add3A_534] : memref<81920xf32, #tpu.memory_space<vmem_shared>> -> memref<320xf32, #tpu.memory_space<vmem_shared>>
    %dma_start3A_538 = arith.constant 1920 : i32
    %dma_start3A_539 = tpu.memref_slice %arg18[%dma_start3A_538] : memref<5120xf32, #tpu.memory_space<vmem>> -> memref<320xf32, #tpu.memory_space<vmem>>
    %dma_start3A_540 = tpu.memref_slice %arg14[%add3A_534] : memref<81920xf32, #tpu.memory_space<vmem_shared>> -> memref<320xf32, #tpu.memory_space<vmem_shared>>
    tpu.enqueue_dma source(%dma_start3A_540 : memref<320xf32, #tpu.memory_space<vmem_shared>>) target(%dma_start3A_539 : memref<320xf32, #tpu.memory_space<vmem>>) target_semaphore(%arg31 : memref<!tpu.dma_semaphore, #tpu.memory_space<semaphore_mem>>)
    %add3A_541 = arith.constant 35840 : i32
    %add3A_542 = arith.addi %add3A_541, %mul3A_356 : i32
    %dma_start3A_543 = arith.constant 2240 : i32
    %dma_start3A_544 = tpu.memref_slice %arg18[%dma_start3A_543] : memref<5120xf32, #tpu.memory_space<vmem>> -> memref<320xf32, #tpu.memory_space<vmem>>
    %dma_start3A_545 = tpu.memref_slice %arg14[%add3A_542] : memref<81920xf32, #tpu.memory_space<vmem_shared>> -> memref<320xf32, #tpu.memory_space<vmem_shared>>
    %dma_start3A_546 = arith.constant 2240 : i32
    %dma_start3A_547 = tpu.memref_slice %arg18[%dma_start3A_546] : memref<5120xf32, #tpu.memory_space<vmem>> -> memref<320xf32, #tpu.memory_space<vmem>>
    %dma_start3A_548 = tpu.memref_slice %arg14[%add3A_542] : memref<81920xf32, #tpu.memory_space<vmem_shared>> -> memref<320xf32, #tpu.memory_space<vmem_shared>>
    tpu.enqueue_dma source(%dma_start3A_548 : memref<320xf32, #tpu.memory_space<vmem_shared>>) target(%dma_start3A_547 : memref<320xf32, #tpu.memory_space<vmem>>) target_semaphore(%arg31 : memref<!tpu.dma_semaphore, #tpu.memory_space<semaphore_mem>>)
    %add3A_549 = arith.constant 40960 : i32
    %add3A_550 = arith.addi %add3A_549, %mul3A_356 : i32
    %dma_start3A_551 = arith.constant 2560 : i32
    %dma_start3A_552 = tpu.memref_slice %arg18[%dma_start3A_551] : memref<5120xf32, #tpu.memory_space<vmem>> -> memref<320xf32, #tpu.memory_space<vmem>>
    %dma_start3A_553 = tpu.memref_slice %arg14[%add3A_550] : memref<81920xf32, #tpu.memory_space<vmem_shared>> -> memref<320xf32, #tpu.memory_space<vmem_shared>>
    %dma_start3A_554 = arith.constant 2560 : i32
    %dma_start3A_555 = tpu.memref_slice %arg18[%dma_start3A_554] : memref<5120xf32, #tpu.memory_space<vmem>> -> memref<320xf32, #tpu.memory_space<vmem>>
    %dma_start3A_556 = tpu.memref_slice %arg14[%add3A_550] : memref<81920xf32, #tpu.memory_space<vmem_shared>> -> memref<320xf32, #tpu.memory_space<vmem_shared>>
    tpu.enqueue_dma source(%dma_start3A_556 : memref<320xf32, #tpu.memory_space<vmem_shared>>) target(%dma_start3A_555 : memref<320xf32, #tpu.memory_space<vmem>>) target_semaphore(%arg31 : memref<!tpu.dma_semaphore, #tpu.memory_space<semaphore_mem>>)
    %add3A_557 = arith.constant 46080 : i32
    %add3A_558 = arith.addi %add3A_557, %mul3A_356 : i32
    %dma_start3A_559 = arith.constant 2880 : i32
    %dma_start3A_560 = tpu.memref_slice %arg18[%dma_start3A_559] : memref<5120xf32, #tpu.memory_space<vmem>> -> memref<320xf32, #tpu.memory_space<vmem>>
    %dma_start3A_561 = tpu.memref_slice %arg14[%add3A_558] : memref<81920xf32, #tpu.memory_space<vmem_shared>> -> memref<320xf32, #tpu.memory_space<vmem_shared>>
    %dma_start3A_562 = arith.constant 2880 : i32
    %dma_start3A_563 = tpu.memref_slice %arg18[%dma_start3A_562] : memref<5120xf32, #tpu.memory_space<vmem>> -> memref<320xf32, #tpu.memory_space<vmem>>
    %dma_start3A_564 = tpu.memref_slice %arg14[%add3A_558] : memref<81920xf32, #tpu.memory_space<vmem_shared>> -> memref<320xf32, #tpu.memory_space<vmem_shared>>
    tpu.enqueue_dma source(%dma_start3A_564 : memref<320xf32, #tpu.memory_space<vmem_shared>>) target(%dma_start3A_563 : memref<320xf32, #tpu.memory_space<vmem>>) target_semaphore(%arg31 : memref<!tpu.dma_semaphore, #tpu.memory_space<semaphore_mem>>)
    %add3A_565 = arith.constant 51200 : i32
    %add3A_566 = arith.addi %add3A_565, %mul3A_356 : i32
    %dma_start3A_567 = arith.constant 3200 : i32
    %dma_start3A_568 = tpu.memref_slice %arg18[%dma_start3A_567] : memref<5120xf32, #tpu.memory_space<vmem>> -> memref<320xf32, #tpu.memory_space<vmem>>
    %dma_start3A_569 = tpu.memref_slice %arg14[%add3A_566] : memref<81920xf32, #tpu.memory_space<vmem_shared>> -> memref<320xf32, #tpu.memory_space<vmem_shared>>
    %dma_start3A_570 = arith.constant 3200 : i32
    %dma_start3A_571 = tpu.memref_slice %arg18[%dma_start3A_570] : memref<5120xf32, #tpu.memory_space<vmem>> -> memref<320xf32, #tpu.memory_space<vmem>>
    %dma_start3A_572 = tpu.memref_slice %arg14[%add3A_566] : memref<81920xf32, #tpu.memory_space<vmem_shared>> -> memref<320xf32, #tpu.memory_space<vmem_shared>>
    tpu.enqueue_dma source(%dma_start3A_572 : memref<320xf32, #tpu.memory_space<vmem_shared>>) target(%dma_start3A_571 : memref<320xf32, #tpu.memory_space<vmem>>) target_semaphore(%arg31 : memref<!tpu.dma_semaphore, #tpu.memory_space<semaphore_mem>>)
    %add3A_573 = arith.constant 56320 : i32
    %add3A_574 = arith.addi %add3A_573, %mul3A_356 : i32
    %dma_start3A_575 = arith.constant 3520 : i32
    %dma_start3A_576 = tpu.memref_slice %arg18[%dma_start3A_575] : memref<5120xf32, #tpu.memory_space<vmem>> -> memref<320xf32, #tpu.memory_space<vmem>>
    %dma_start3A_577 = tpu.memref_slice %arg14[%add3A_574] : memref<81920xf32, #tpu.memory_space<vmem_shared>> -> memref<320xf32, #tpu.memory_space<vmem_shared>>
    %dma_start3A_578 = arith.constant 3520 : i32
    %dma_start3A_579 = tpu.memref_slice %arg18[%dma_start3A_578] : memref<5120xf32, #tpu.memory_space<vmem>> -> memref<320xf32, #tpu.memory_space<vmem>>
    %dma_start3A_580 = tpu.memref_slice %arg14[%add3A_574] : memref<81920xf32, #tpu.memory_space<vmem_shared>> -> memref<320xf32, #tpu.memory_space<vmem_shared>>
    tpu.enqueue_dma source(%dma_start3A_580 : memref<320xf32, #tpu.memory_space<vmem_shared>>) target(%dma_start3A_579 : memref<320xf32, #tpu.memory_space<vmem>>) target_semaphore(%arg31 : memref<!tpu.dma_semaphore, #tpu.memory_space<semaphore_mem>>)
    %add3A_581 = arith.constant 61440 : i32
    %add3A_582 = arith.addi %add3A_581, %mul3A_356 : i32
    %dma_start3A_583 = arith.constant 3840 : i32
    %dma_start3A_584 = tpu.memref_slice %arg18[%dma_start3A_583] : memref<5120xf32, #tpu.memory_space<vmem>> -> memref<320xf32, #tpu.memory_space<vmem>>
    %dma_start3A_585 = tpu.memref_slice %arg14[%add3A_582] : memref<81920xf32, #tpu.memory_space<vmem_shared>> -> memref<320xf32, #tpu.memory_space<vmem_shared>>
    %dma_start3A_586 = arith.constant 3840 : i32
    %dma_start3A_587 = tpu.memref_slice %arg18[%dma_start3A_586] : memref<5120xf32, #tpu.memory_space<vmem>> -> memref<320xf32, #tpu.memory_space<vmem>>
    %dma_start3A_588 = tpu.memref_slice %arg14[%add3A_582] : memref<81920xf32, #tpu.memory_space<vmem_shared>> -> memref<320xf32, #tpu.memory_space<vmem_shared>>
    tpu.enqueue_dma source(%dma_start3A_588 : memref<320xf32, #tpu.memory_space<vmem_shared>>) target(%dma_start3A_587 : memref<320xf32, #tpu.memory_space<vmem>>) target_semaphore(%arg31 : memref<!tpu.dma_semaphore, #tpu.memory_space<semaphore_mem>>)
    %add3A_589 = arith.constant 66560 : i32
    %add3A_590 = arith.addi %add3A_589, %mul3A_356 : i32
    %dma_start3A_591 = arith.constant 4160 : i32
    %dma_start3A_592 = tpu.memref_slice %arg18[%dma_start3A_591] : memref<5120xf32, #tpu.memory_space<vmem>> -> memref<320xf32, #tpu.memory_space<vmem>>
    %dma_start3A_593 = tpu.memref_slice %arg14[%add3A_590] : memref<81920xf32, #tpu.memory_space<vmem_shared>> -> memref<320xf32, #tpu.memory_space<vmem_shared>>
    %dma_start3A_594 = arith.constant 4160 : i32
    %dma_start3A_595 = tpu.memref_slice %arg18[%dma_start3A_594] : memref<5120xf32, #tpu.memory_space<vmem>> -> memref<320xf32, #tpu.memory_space<vmem>>
    %dma_start3A_596 = tpu.memref_slice %arg14[%add3A_590] : memref<81920xf32, #tpu.memory_space<vmem_shared>> -> memref<320xf32, #tpu.memory_space<vmem_shared>>
    tpu.enqueue_dma source(%dma_start3A_596 : memref<320xf32, #tpu.memory_space<vmem_shared>>) target(%dma_start3A_595 : memref<320xf32, #tpu.memory_space<vmem>>) target_semaphore(%arg31 : memref<!tpu.dma_semaphore, #tpu.memory_space<semaphore_mem>>)
    %add3A_597 = arith.constant 71680 : i32
    %add3A_598 = arith.addi %add3A_597, %mul3A_356 : i32
    %dma_start3A_599 = arith.constant 4480 : i32
    %dma_start3A_600 = tpu.memref_slice %arg18[%dma_start3A_599] : memref<5120xf32, #tpu.memory_space<vmem>> -> memref<320xf32, #tpu.memory_space<vmem>>
    %dma_start3A_601 = tpu.memref_slice %arg14[%add3A_598] : memref<81920xf32, #tpu.memory_space<vmem_shared>> -> memref<320xf32, #tpu.memory_space<vmem_shared>>
    %dma_start3A_602 = arith.constant 4480 : i32
    %dma_start3A_603 = tpu.memref_slice %arg18[%dma_start3A_602] : memref<5120xf32, #tpu.memory_space<vmem>> -> memref<320xf32, #tpu.memory_space<vmem>>
    %dma_start3A_604 = tpu.memref_slice %arg14[%add3A_598] : memref<81920xf32, #tpu.memory_space<vmem_shared>> -> memref<320xf32, #tpu.memory_space<vmem_shared>>
    tpu.enqueue_dma source(%dma_start3A_604 : memref<320xf32, #tpu.memory_space<vmem_shared>>) target(%dma_start3A_603 : memref<320xf32, #tpu.memory_space<vmem>>) target_semaphore(%arg31 : memref<!tpu.dma_semaphore, #tpu.memory_space<semaphore_mem>>)
    %add3A_605 = arith.constant 76800 : i32
    %add3A_606 = arith.addi %add3A_605, %mul3A_356 : i32
    %dma_start3A_607 = arith.constant 4800 : i32
    %dma_start3A_608 = tpu.memref_slice %arg18[%dma_start3A_607] : memref<5120xf32, #tpu.memory_space<vmem>> -> memref<320xf32, #tpu.memory_space<vmem>>
    %dma_start3A_609 = tpu.memref_slice %arg14[%add3A_606] : memref<81920xf32, #tpu.memory_space<vmem_shared>> -> memref<320xf32, #tpu.memory_space<vmem_shared>>
    %dma_start3A_610 = arith.constant 4800 : i32
    %dma_start3A_611 = tpu.memref_slice %arg18[%dma_start3A_610] : memref<5120xf32, #tpu.memory_space<vmem>> -> memref<320xf32, #tpu.memory_space<vmem>>
    %dma_start3A_612 = tpu.memref_slice %arg14[%add3A_606] : memref<81920xf32, #tpu.memory_space<vmem_shared>> -> memref<320xf32, #tpu.memory_space<vmem_shared>>
    tpu.enqueue_dma source(%dma_start3A_612 : memref<320xf32, #tpu.memory_space<vmem_shared>>) target(%dma_start3A_611 : memref<320xf32, #tpu.memory_space<vmem>>) target_semaphore(%arg31 : memref<!tpu.dma_semaphore, #tpu.memory_space<semaphore_mem>>)
    %add3A_613 = arith.constant 0 : i32
    %add3A_614 = arith.addi %add3A_613, %mul3A_356 : i32
    %dma_start3A_615 = arith.constant 0 : i32
    %dma_start3A_616 = tpu.memref_slice %arg19[%dma_start3A_615] : memref<5120xf32, #tpu.memory_space<vmem>> -> memref<320xf32, #tpu.memory_space<vmem>>
    %dma_start3A_617 = tpu.memref_slice %arg15[%add3A_614] : memref<81920xf32, #tpu.memory_space<vmem_shared>> -> memref<320xf32, #tpu.memory_space<vmem_shared>>
    %dma_start3A_618 = arith.constant 0 : i32
    %dma_start3A_619 = tpu.memref_slice %arg19[%dma_start3A_618] : memref<5120xf32, #tpu.memory_space<vmem>> -> memref<320xf32, #tpu.memory_space<vmem>>
    %dma_start3A_620 = tpu.memref_slice %arg15[%add3A_614] : memref<81920xf32, #tpu.memory_space<vmem_shared>> -> memref<320xf32, #tpu.memory_space<vmem_shared>>
    tpu.enqueue_dma source(%dma_start3A_620 : memref<320xf32, #tpu.memory_space<vmem_shared>>) target(%dma_start3A_619 : memref<320xf32, #tpu.memory_space<vmem>>) target_semaphore(%arg31 : memref<!tpu.dma_semaphore, #tpu.memory_space<semaphore_mem>>)
    %add3A_621 = arith.constant 5120 : i32
    %add3A_622 = arith.addi %add3A_621, %mul3A_356 : i32
    %dma_start3A_623 = arith.constant 320 : i32
    %dma_start3A_624 = tpu.memref_slice %arg19[%dma_start3A_623] : memref<5120xf32, #tpu.memory_space<vmem>> -> memref<320xf32, #tpu.memory_space<vmem>>
    %dma_start3A_625 = tpu.memref_slice %arg15[%add3A_622] : memref<81920xf32, #tpu.memory_space<vmem_shared>> -> memref<320xf32, #tpu.memory_space<vmem_shared>>
    %dma_start3A_626 = arith.constant 320 : i32
    %dma_start3A_627 = tpu.memref_slice %arg19[%dma_start3A_626] : memref<5120xf32, #tpu.memory_space<vmem>> -> memref<320xf32, #tpu.memory_space<vmem>>
    %dma_start3A_628 = tpu.memref_slice %arg15[%add3A_622] : memref<81920xf32, #tpu.memory_space<vmem_shared>> -> memref<320xf32, #tpu.memory_space<vmem_shared>>
    tpu.enqueue_dma source(%dma_start3A_628 : memref<320xf32, #tpu.memory_space<vmem_shared>>) target(%dma_start3A_627 : memref<320xf32, #tpu.memory_space<vmem>>) target_semaphore(%arg31 : memref<!tpu.dma_semaphore, #tpu.memory_space<semaphore_mem>>)
    %add3A_629 = arith.constant 10240 : i32
    %add3A_630 = arith.addi %add3A_629, %mul3A_356 : i32
    %dma_start3A_631 = arith.constant 640 : i32
    %dma_start3A_632 = tpu.memref_slice %arg19[%dma_start3A_631] : memref<5120xf32, #tpu.memory_space<vmem>> -> memref<320xf32, #tpu.memory_space<vmem>>
    %dma_start3A_633 = tpu.memref_slice %arg15[%add3A_630] : memref<81920xf32, #tpu.memory_space<vmem_shared>> -> memref<320xf32, #tpu.memory_space<vmem_shared>>
    %dma_start3A_634 = arith.constant 640 : i32
    %dma_start3A_635 = tpu.memref_slice %arg19[%dma_start3A_634] : memref<5120xf32, #tpu.memory_space<vmem>> -> memref<320xf32, #tpu.memory_space<vmem>>
    %dma_start3A_636 = tpu.memref_slice %arg15[%add3A_630] : memref<81920xf32, #tpu.memory_space<vmem_shared>> -> memref<320xf32, #tpu.memory_space<vmem_shared>>
    tpu.enqueue_dma source(%dma_start3A_636 : memref<320xf32, #tpu.memory_space<vmem_shared>>) target(%dma_start3A_635 : memref<320xf32, #tpu.memory_space<vmem>>) target_semaphore(%arg31 : memref<!tpu.dma_semaphore, #tpu.memory_space<semaphore_mem>>)
    %add3A_637 = arith.constant 15360 : i32
    %add3A_638 = arith.addi %add3A_637, %mul3A_356 : i32
    %dma_start3A_639 = arith.constant 960 : i32
    %dma_start3A_640 = tpu.memref_slice %arg19[%dma_start3A_639] : memref<5120xf32, #tpu.memory_space<vmem>> -> memref<320xf32, #tpu.memory_space<vmem>>
    %dma_start3A_641 = tpu.memref_slice %arg15[%add3A_638] : memref<81920xf32, #tpu.memory_space<vmem_shared>> -> memref<320xf32, #tpu.memory_space<vmem_shared>>
    %dma_start3A_642 = arith.constant 960 : i32
    %dma_start3A_643 = tpu.memref_slice %arg19[%dma_start3A_642] : memref<5120xf32, #tpu.memory_space<vmem>> -> memref<320xf32, #tpu.memory_space<vmem>>
    %dma_start3A_644 = tpu.memref_slice %arg15[%add3A_638] : memref<81920xf32, #tpu.memory_space<vmem_shared>> -> memref<320xf32, #tpu.memory_space<vmem_shared>>
    tpu.enqueue_dma source(%dma_start3A_644 : memref<320xf32, #tpu.memory_space<vmem_shared>>) target(%dma_start3A_643 : memref<320xf32, #tpu.memory_space<vmem>>) target_semaphore(%arg31 : memref<!tpu.dma_semaphore, #tpu.memory_space<semaphore_mem>>)
    %add3A_645 = arith.constant 20480 : i32
    %add3A_646 = arith.addi %add3A_645, %mul3A_356 : i32
    %dma_start3A_647 = arith.constant 1280 : i32
    %dma_start3A_648 = tpu.memref_slice %arg19[%dma_start3A_647] : memref<5120xf32, #tpu.memory_space<vmem>> -> memref<320xf32, #tpu.memory_space<vmem>>
    %dma_start3A_649 = tpu.memref_slice %arg15[%add3A_646] : memref<81920xf32, #tpu.memory_space<vmem_shared>> -> memref<320xf32, #tpu.memory_space<vmem_shared>>
    %dma_start3A_650 = arith.constant 1280 : i32
    %dma_start3A_651 = tpu.memref_slice %arg19[%dma_start3A_650] : memref<5120xf32, #tpu.memory_space<vmem>> -> memref<320xf32, #tpu.memory_space<vmem>>
    %dma_start3A_652 = tpu.memref_slice %arg15[%add3A_646] : memref<81920xf32, #tpu.memory_space<vmem_shared>> -> memref<320xf32, #tpu.memory_space<vmem_shared>>
    tpu.enqueue_dma source(%dma_start3A_652 : memref<320xf32, #tpu.memory_space<vmem_shared>>) target(%dma_start3A_651 : memref<320xf32, #tpu.memory_space<vmem>>) target_semaphore(%arg31 : memref<!tpu.dma_semaphore, #tpu.memory_space<semaphore_mem>>)
    %add3A_653 = arith.constant 25600 : i32
    %add3A_654 = arith.addi %add3A_653, %mul3A_356 : i32
    %dma_start3A_655 = arith.constant 1600 : i32
    %dma_start3A_656 = tpu.memref_slice %arg19[%dma_start3A_655] : memref<5120xf32, #tpu.memory_space<vmem>> -> memref<320xf32, #tpu.memory_space<vmem>>
    %dma_start3A_657 = tpu.memref_slice %arg15[%add3A_654] : memref<81920xf32, #tpu.memory_space<vmem_shared>> -> memref<320xf32, #tpu.memory_space<vmem_shared>>
    %dma_start3A_658 = arith.constant 1600 : i32
    %dma_start3A_659 = tpu.memref_slice %arg19[%dma_start3A_658] : memref<5120xf32, #tpu.memory_space<vmem>> -> memref<320xf32, #tpu.memory_space<vmem>>
    %dma_start3A_660 = tpu.memref_slice %arg15[%add3A_654] : memref<81920xf32, #tpu.memory_space<vmem_shared>> -> memref<320xf32, #tpu.memory_space<vmem_shared>>
    tpu.enqueue_dma source(%dma_start3A_660 : memref<320xf32, #tpu.memory_space<vmem_shared>>) target(%dma_start3A_659 : memref<320xf32, #tpu.memory_space<vmem>>) target_semaphore(%arg31 : memref<!tpu.dma_semaphore, #tpu.memory_space<semaphore_mem>>)
    %add3A_661 = arith.constant 30720 : i32
    %add3A_662 = arith.addi %add3A_661, %mul3A_356 : i32
    %dma_start3A_663 = arith.constant 1920 : i32
    %dma_start3A_664 = tpu.memref_slice %arg19[%dma_start3A_663] : memref<5120xf32, #tpu.memory_space<vmem>> -> memref<320xf32, #tpu.memory_space<vmem>>
    %dma_start3A_665 = tpu.memref_slice %arg15[%add3A_662] : memref<81920xf32, #tpu.memory_space<vmem_shared>> -> memref<320xf32, #tpu.memory_space<vmem_shared>>
    %dma_start3A_666 = arith.constant 1920 : i32
    %dma_start3A_667 = tpu.memref_slice %arg19[%dma_start3A_666] : memref<5120xf32, #tpu.memory_space<vmem>> -> memref<320xf32, #tpu.memory_space<vmem>>
    %dma_start3A_668 = tpu.memref_slice %arg15[%add3A_662] : memref<81920xf32, #tpu.memory_space<vmem_shared>> -> memref<320xf32, #tpu.memory_space<vmem_shared>>
    tpu.enqueue_dma source(%dma_start3A_668 : memref<320xf32, #tpu.memory_space<vmem_shared>>) target(%dma_start3A_667 : memref<320xf32, #tpu.memory_space<vmem>>) target_semaphore(%arg31 : memref<!tpu.dma_semaphore, #tpu.memory_space<semaphore_mem>>)
    %add3A_669 = arith.constant 35840 : i32
    %add3A_670 = arith.addi %add3A_669, %mul3A_356 : i32
    %dma_start3A_671 = arith.constant 2240 : i32
    %dma_start3A_672 = tpu.memref_slice %arg19[%dma_start3A_671] : memref<5120xf32, #tpu.memory_space<vmem>> -> memref<320xf32, #tpu.memory_space<vmem>>
    %dma_start3A_673 = tpu.memref_slice %arg15[%add3A_670] : memref<81920xf32, #tpu.memory_space<vmem_shared>> -> memref<320xf32, #tpu.memory_space<vmem_shared>>
    %dma_start3A_674 = arith.constant 2240 : i32
    %dma_start3A_675 = tpu.memref_slice %arg19[%dma_start3A_674] : memref<5120xf32, #tpu.memory_space<vmem>> -> memref<320xf32, #tpu.memory_space<vmem>>
    %dma_start3A_676 = tpu.memref_slice %arg15[%add3A_670] : memref<81920xf32, #tpu.memory_space<vmem_shared>> -> memref<320xf32, #tpu.memory_space<vmem_shared>>
    tpu.enqueue_dma source(%dma_start3A_676 : memref<320xf32, #tpu.memory_space<vmem_shared>>) target(%dma_start3A_675 : memref<320xf32, #tpu.memory_space<vmem>>) target_semaphore(%arg31 : memref<!tpu.dma_semaphore, #tpu.memory_space<semaphore_mem>>)
    %add3A_677 = arith.constant 40960 : i32
    %add3A_678 = arith.addi %add3A_677, %mul3A_356 : i32
    %dma_start3A_679 = arith.constant 2560 : i32
    %dma_start3A_680 = tpu.memref_slice %arg19[%dma_start3A_679] : memref<5120xf32, #tpu.memory_space<vmem>> -> memref<320xf32, #tpu.memory_space<vmem>>
    %dma_start3A_681 = tpu.memref_slice %arg15[%add3A_678] : memref<81920xf32, #tpu.memory_space<vmem_shared>> -> memref<320xf32, #tpu.memory_space<vmem_shared>>
    %dma_start3A_682 = arith.constant 2560 : i32
    %dma_start3A_683 = tpu.memref_slice %arg19[%dma_start3A_682] : memref<5120xf32, #tpu.memory_space<vmem>> -> memref<320xf32, #tpu.memory_space<vmem>>
    %dma_start3A_684 = tpu.memref_slice %arg15[%add3A_678] : memref<81920xf32, #tpu.memory_space<vmem_shared>> -> memref<320xf32, #tpu.memory_space<vmem_shared>>
    tpu.enqueue_dma source(%dma_start3A_684 : memref<320xf32, #tpu.memory_space<vmem_shared>>) target(%dma_start3A_683 : memref<320xf32, #tpu.memory_space<vmem>>) target_semaphore(%arg31 : memref<!tpu.dma_semaphore, #tpu.memory_space<semaphore_mem>>)
    %add3A_685 = arith.constant 46080 : i32
    %add3A_686 = arith.addi %add3A_685, %mul3A_356 : i32
    %dma_start3A_687 = arith.constant 2880 : i32
    %dma_start3A_688 = tpu.memref_slice %arg19[%dma_start3A_687] : memref<5120xf32, #tpu.memory_space<vmem>> -> memref<320xf32, #tpu.memory_space<vmem>>
    %dma_start3A_689 = tpu.memref_slice %arg15[%add3A_686] : memref<81920xf32, #tpu.memory_space<vmem_shared>> -> memref<320xf32, #tpu.memory_space<vmem_shared>>
    %dma_start3A_690 = arith.constant 2880 : i32
    %dma_start3A_691 = tpu.memref_slice %arg19[%dma_start3A_690] : memref<5120xf32, #tpu.memory_space<vmem>> -> memref<320xf32, #tpu.memory_space<vmem>>
    %dma_start3A_692 = tpu.memref_slice %arg15[%add3A_686] : memref<81920xf32, #tpu.memory_space<vmem_shared>> -> memref<320xf32, #tpu.memory_space<vmem_shared>>
    tpu.enqueue_dma source(%dma_start3A_692 : memref<320xf32, #tpu.memory_space<vmem_shared>>) target(%dma_start3A_691 : memref<320xf32, #tpu.memory_space<vmem>>) target_semaphore(%arg31 : memref<!tpu.dma_semaphore, #tpu.memory_space<semaphore_mem>>)
    %add3A_693 = arith.constant 51200 : i32
    %add3A_694 = arith.addi %add3A_693, %mul3A_356 : i32
    %dma_start3A_695 = arith.constant 3200 : i32
    %dma_start3A_696 = tpu.memref_slice %arg19[%dma_start3A_695] : memref<5120xf32, #tpu.memory_space<vmem>> -> memref<320xf32, #tpu.memory_space<vmem>>
    %dma_start3A_697 = tpu.memref_slice %arg15[%add3A_694] : memref<81920xf32, #tpu.memory_space<vmem_shared>> -> memref<320xf32, #tpu.memory_space<vmem_shared>>
    %dma_start3A_698 = arith.constant 3200 : i32
    %dma_start3A_699 = tpu.memref_slice %arg19[%dma_start3A_698] : memref<5120xf32, #tpu.memory_space<vmem>> -> memref<320xf32, #tpu.memory_space<vmem>>
    %dma_start3A_700 = tpu.memref_slice %arg15[%add3A_694] : memref<81920xf32, #tpu.memory_space<vmem_shared>> -> memref<320xf32, #tpu.memory_space<vmem_shared>>
    tpu.enqueue_dma source(%dma_start3A_700 : memref<320xf32, #tpu.memory_space<vmem_shared>>) target(%dma_start3A_699 : memref<320xf32, #tpu.memory_space<vmem>>) target_semaphore(%arg31 : memref<!tpu.dma_semaphore, #tpu.memory_space<semaphore_mem>>)
    %add3A_701 = arith.constant 56320 : i32
    %add3A_702 = arith.addi %add3A_701, %mul3A_356 : i32
    %dma_start3A_703 = arith.constant 3520 : i32
    %dma_start3A_704 = tpu.memref_slice %arg19[%dma_start3A_703] : memref<5120xf32, #tpu.memory_space<vmem>> -> memref<320xf32, #tpu.memory_space<vmem>>
    %dma_start3A_705 = tpu.memref_slice %arg15[%add3A_702] : memref<81920xf32, #tpu.memory_space<vmem_shared>> -> memref<320xf32, #tpu.memory_space<vmem_shared>>
    %dma_start3A_706 = arith.constant 3520 : i32
    %dma_start3A_707 = tpu.memref_slice %arg19[%dma_start3A_706] : memref<5120xf32, #tpu.memory_space<vmem>> -> memref<320xf32, #tpu.memory_space<vmem>>
    %dma_start3A_708 = tpu.memref_slice %arg15[%add3A_702] : memref<81920xf32, #tpu.memory_space<vmem_shared>> -> memref<320xf32, #tpu.memory_space<vmem_shared>>
    tpu.enqueue_dma source(%dma_start3A_708 : memref<320xf32, #tpu.memory_space<vmem_shared>>) target(%dma_start3A_707 : memref<320xf32, #tpu.memory_space<vmem>>) target_semaphore(%arg31 : memref<!tpu.dma_semaphore, #tpu.memory_space<semaphore_mem>>)
    %add3A_709 = arith.constant 61440 : i32
    %add3A_710 = arith.addi %add3A_709, %mul3A_356 : i32
    %dma_start3A_711 = arith.constant 3840 : i32
    %dma_start3A_712 = tpu.memref_slice %arg19[%dma_start3A_711] : memref<5120xf32, #tpu.memory_space<vmem>> -> memref<320xf32, #tpu.memory_space<vmem>>
    %dma_start3A_713 = tpu.memref_slice %arg15[%add3A_710] : memref<81920xf32, #tpu.memory_space<vmem_shared>> -> memref<320xf32, #tpu.memory_space<vmem_shared>>
    %dma_start3A_714 = arith.constant 3840 : i32
    %dma_start3A_715 = tpu.memref_slice %arg19[%dma_start3A_714] : memref<5120xf32, #tpu.memory_space<vmem>> -> memref<320xf32, #tpu.memory_space<vmem>>
    %dma_start3A_716 = tpu.memref_slice %arg15[%add3A_710] : memref<81920xf32, #tpu.memory_space<vmem_shared>> -> memref<320xf32, #tpu.memory_space<vmem_shared>>
    tpu.enqueue_dma source(%dma_start3A_716 : memref<320xf32, #tpu.memory_space<vmem_shared>>) target(%dma_start3A_715 : memref<320xf32, #tpu.memory_space<vmem>>) target_semaphore(%arg31 : memref<!tpu.dma_semaphore, #tpu.memory_space<semaphore_mem>>)
    %add3A_717 = arith.constant 66560 : i32
    %add3A_718 = arith.addi %add3A_717, %mul3A_356 : i32
    %dma_start3A_719 = arith.constant 4160 : i32
    %dma_start3A_720 = tpu.memref_slice %arg19[%dma_start3A_719] : memref<5120xf32, #tpu.memory_space<vmem>> -> memref<320xf32, #tpu.memory_space<vmem>>
    %dma_start3A_721 = tpu.memref_slice %arg15[%add3A_718] : memref<81920xf32, #tpu.memory_space<vmem_shared>> -> memref<320xf32, #tpu.memory_space<vmem_shared>>
    %dma_start3A_722 = arith.constant 4160 : i32
    %dma_start3A_723 = tpu.memref_slice %arg19[%dma_start3A_722] : memref<5120xf32, #tpu.memory_space<vmem>> -> memref<320xf32, #tpu.memory_space<vmem>>
    %dma_start3A_724 = tpu.memref_slice %arg15[%add3A_718] : memref<81920xf32, #tpu.memory_space<vmem_shared>> -> memref<320xf32, #tpu.memory_space<vmem_shared>>
    tpu.enqueue_dma source(%dma_start3A_724 : memref<320xf32, #tpu.memory_space<vmem_shared>>) target(%dma_start3A_723 : memref<320xf32, #tpu.memory_space<vmem>>) target_semaphore(%arg31 : memref<!tpu.dma_semaphore, #tpu.memory_space<semaphore_mem>>)
    %add3A_725 = arith.constant 71680 : i32
    %add3A_726 = arith.addi %add3A_725, %mul3A_356 : i32
    %dma_start3A_727 = arith.constant 4480 : i32
    %dma_start3A_728 = tpu.memref_slice %arg19[%dma_start3A_727] : memref<5120xf32, #tpu.memory_space<vmem>> -> memref<320xf32, #tpu.memory_space<vmem>>
    %dma_start3A_729 = tpu.memref_slice %arg15[%add3A_726] : memref<81920xf32, #tpu.memory_space<vmem_shared>> -> memref<320xf32, #tpu.memory_space<vmem_shared>>
    %dma_start3A_730 = arith.constant 4480 : i32
    %dma_start3A_731 = tpu.memref_slice %arg19[%dma_start3A_730] : memref<5120xf32, #tpu.memory_space<vmem>> -> memref<320xf32, #tpu.memory_space<vmem>>
    %dma_start3A_732 = tpu.memref_slice %arg15[%add3A_726] : memref<81920xf32, #tpu.memory_space<vmem_shared>> -> memref<320xf32, #tpu.memory_space<vmem_shared>>
    tpu.enqueue_dma source(%dma_start3A_732 : memref<320xf32, #tpu.memory_space<vmem_shared>>) target(%dma_start3A_731 : memref<320xf32, #tpu.memory_space<vmem>>) target_semaphore(%arg31 : memref<!tpu.dma_semaphore, #tpu.memory_space<semaphore_mem>>)
    %add3A_733 = arith.constant 76800 : i32
    %add3A_734 = arith.addi %add3A_733, %mul3A_356 : i32
    %dma_start3A_735 = arith.constant 4800 : i32
    %dma_start3A_736 = tpu.memref_slice %arg19[%dma_start3A_735] : memref<5120xf32, #tpu.memory_space<vmem>> -> memref<320xf32, #tpu.memory_space<vmem>>
    %dma_start3A_737 = tpu.memref_slice %arg15[%add3A_734] : memref<81920xf32, #tpu.memory_space<vmem_shared>> -> memref<320xf32, #tpu.memory_space<vmem_shared>>
    %dma_start3A_738 = arith.constant 4800 : i32
    %dma_start3A_739 = tpu.memref_slice %arg19[%dma_start3A_738] : memref<5120xf32, #tpu.memory_space<vmem>> -> memref<320xf32, #tpu.memory_space<vmem>>
    %dma_start3A_740 = tpu.memref_slice %arg15[%add3A_734] : memref<81920xf32, #tpu.memory_space<vmem_shared>> -> memref<320xf32, #tpu.memory_space<vmem_shared>>
    tpu.enqueue_dma source(%dma_start3A_740 : memref<320xf32, #tpu.memory_space<vmem_shared>>) target(%dma_start3A_739 : memref<320xf32, #tpu.memory_space<vmem>>) target_semaphore(%arg31 : memref<!tpu.dma_semaphore, #tpu.memory_space<semaphore_mem>>)
    %add3A_741 = arith.constant 0 : i32
    %add3A_742 = arith.addi %add3A_741, %mul3A_356 : i32
    %dma_start3A_743 = arith.constant 0 : i32
    %dma_start3A_744 = tpu.memref_slice %arg20[%dma_start3A_743] : memref<5120xf32, #tpu.memory_space<vmem>> -> memref<320xf32, #tpu.memory_space<vmem>>
    %dma_start3A_745 = tpu.memref_slice %arg16[%add3A_742] : memref<81920xf32, #tpu.memory_space<vmem_shared>> -> memref<320xf32, #tpu.memory_space<vmem_shared>>
    %dma_start3A_746 = arith.constant 0 : i32
    %dma_start3A_747 = tpu.memref_slice %arg20[%dma_start3A_746] : memref<5120xf32, #tpu.memory_space<vmem>> -> memref<320xf32, #tpu.memory_space<vmem>>
    %dma_start3A_748 = tpu.memref_slice %arg16[%add3A_742] : memref<81920xf32, #tpu.memory_space<vmem_shared>> -> memref<320xf32, #tpu.memory_space<vmem_shared>>
    tpu.enqueue_dma source(%dma_start3A_748 : memref<320xf32, #tpu.memory_space<vmem_shared>>) target(%dma_start3A_747 : memref<320xf32, #tpu.memory_space<vmem>>) target_semaphore(%arg31 : memref<!tpu.dma_semaphore, #tpu.memory_space<semaphore_mem>>)
    %add3A_749 = arith.constant 5120 : i32
    %add3A_750 = arith.addi %add3A_749, %mul3A_356 : i32
    %dma_start3A_751 = arith.constant 320 : i32
    %dma_start3A_752 = tpu.memref_slice %arg20[%dma_start3A_751] : memref<5120xf32, #tpu.memory_space<vmem>> -> memref<320xf32, #tpu.memory_space<vmem>>
    %dma_start3A_753 = tpu.memref_slice %arg16[%add3A_750] : memref<81920xf32, #tpu.memory_space<vmem_shared>> -> memref<320xf32, #tpu.memory_space<vmem_shared>>
    %dma_start3A_754 = arith.constant 320 : i32
    %dma_start3A_755 = tpu.memref_slice %arg20[%dma_start3A_754] : memref<5120xf32, #tpu.memory_space<vmem>> -> memref<320xf32, #tpu.memory_space<vmem>>
    %dma_start3A_756 = tpu.memref_slice %arg16[%add3A_750] : memref<81920xf32, #tpu.memory_space<vmem_shared>> -> memref<320xf32, #tpu.memory_space<vmem_shared>>
    tpu.enqueue_dma source(%dma_start3A_756 : memref<320xf32, #tpu.memory_space<vmem_shared>>) target(%dma_start3A_755 : memref<320xf32, #tpu.memory_space<vmem>>) target_semaphore(%arg31 : memref<!tpu.dma_semaphore, #tpu.memory_space<semaphore_mem>>)
    %add3A_757 = arith.constant 10240 : i32
    %add3A_758 = arith.addi %add3A_757, %mul3A_356 : i32
    %dma_start3A_759 = arith.constant 640 : i32
    %dma_start3A_760 = tpu.memref_slice %arg20[%dma_start3A_759] : memref<5120xf32, #tpu.memory_space<vmem>> -> memref<320xf32, #tpu.memory_space<vmem>>
    %dma_start3A_761 = tpu.memref_slice %arg16[%add3A_758] : memref<81920xf32, #tpu.memory_space<vmem_shared>> -> memref<320xf32, #tpu.memory_space<vmem_shared>>
    %dma_start3A_762 = arith.constant 640 : i32
    %dma_start3A_763 = tpu.memref_slice %arg20[%dma_start3A_762] : memref<5120xf32, #tpu.memory_space<vmem>> -> memref<320xf32, #tpu.memory_space<vmem>>
    %dma_start3A_764 = tpu.memref_slice %arg16[%add3A_758] : memref<81920xf32, #tpu.memory_space<vmem_shared>> -> memref<320xf32, #tpu.memory_space<vmem_shared>>
    tpu.enqueue_dma source(%dma_start3A_764 : memref<320xf32, #tpu.memory_space<vmem_shared>>) target(%dma_start3A_763 : memref<320xf32, #tpu.memory_space<vmem>>) target_semaphore(%arg31 : memref<!tpu.dma_semaphore, #tpu.memory_space<semaphore_mem>>)
    %add3A_765 = arith.constant 15360 : i32
    %add3A_766 = arith.addi %add3A_765, %mul3A_356 : i32
    %dma_start3A_767 = arith.constant 960 : i32
    %dma_start3A_768 = tpu.memref_slice %arg20[%dma_start3A_767] : memref<5120xf32, #tpu.memory_space<vmem>> -> memref<320xf32, #tpu.memory_space<vmem>>
    %dma_start3A_769 = tpu.memref_slice %arg16[%add3A_766] : memref<81920xf32, #tpu.memory_space<vmem_shared>> -> memref<320xf32, #tpu.memory_space<vmem_shared>>
    %dma_start3A_770 = arith.constant 960 : i32
    %dma_start3A_771 = tpu.memref_slice %arg20[%dma_start3A_770] : memref<5120xf32, #tpu.memory_space<vmem>> -> memref<320xf32, #tpu.memory_space<vmem>>
    %dma_start3A_772 = tpu.memref_slice %arg16[%add3A_766] : memref<81920xf32, #tpu.memory_space<vmem_shared>> -> memref<320xf32, #tpu.memory_space<vmem_shared>>
    tpu.enqueue_dma source(%dma_start3A_772 : memref<320xf32, #tpu.memory_space<vmem_shared>>) target(%dma_start3A_771 : memref<320xf32, #tpu.memory_space<vmem>>) target_semaphore(%arg31 : memref<!tpu.dma_semaphore, #tpu.memory_space<semaphore_mem>>)
    %add3A_773 = arith.constant 20480 : i32
    %add3A_774 = arith.addi %add3A_773, %mul3A_356 : i32
    %dma_start3A_775 = arith.constant 1280 : i32
    %dma_start3A_776 = tpu.memref_slice %arg20[%dma_start3A_775] : memref<5120xf32, #tpu.memory_space<vmem>> -> memref<320xf32, #tpu.memory_space<vmem>>
    %dma_start3A_777 = tpu.memref_slice %arg16[%add3A_774] : memref<81920xf32, #tpu.memory_space<vmem_shared>> -> memref<320xf32, #tpu.memory_space<vmem_shared>>
    %dma_start3A_778 = arith.constant 1280 : i32
    %dma_start3A_779 = tpu.memref_slice %arg20[%dma_start3A_778] : memref<5120xf32, #tpu.memory_space<vmem>> -> memref<320xf32, #tpu.memory_space<vmem>>
    %dma_start3A_780 = tpu.memref_slice %arg16[%add3A_774] : memref<81920xf32, #tpu.memory_space<vmem_shared>> -> memref<320xf32, #tpu.memory_space<vmem_shared>>
    tpu.enqueue_dma source(%dma_start3A_780 : memref<320xf32, #tpu.memory_space<vmem_shared>>) target(%dma_start3A_779 : memref<320xf32, #tpu.memory_space<vmem>>) target_semaphore(%arg31 : memref<!tpu.dma_semaphore, #tpu.memory_space<semaphore_mem>>)
    %add3A_781 = arith.constant 25600 : i32
    %add3A_782 = arith.addi %add3A_781, %mul3A_356 : i32
    %dma_start3A_783 = arith.constant 1600 : i32
    %dma_start3A_784 = tpu.memref_slice %arg20[%dma_start3A_783] : memref<5120xf32, #tpu.memory_space<vmem>> -> memref<320xf32, #tpu.memory_space<vmem>>
    %dma_start3A_785 = tpu.memref_slice %arg16[%add3A_782] : memref<81920xf32, #tpu.memory_space<vmem_shared>> -> memref<320xf32, #tpu.memory_space<vmem_shared>>
    %dma_start3A_786 = arith.constant 1600 : i32
    %dma_start3A_787 = tpu.memref_slice %arg20[%dma_start3A_786] : memref<5120xf32, #tpu.memory_space<vmem>> -> memref<320xf32, #tpu.memory_space<vmem>>
    %dma_start3A_788 = tpu.memref_slice %arg16[%add3A_782] : memref<81920xf32, #tpu.memory_space<vmem_shared>> -> memref<320xf32, #tpu.memory_space<vmem_shared>>
    tpu.enqueue_dma source(%dma_start3A_788 : memref<320xf32, #tpu.memory_space<vmem_shared>>) target(%dma_start3A_787 : memref<320xf32, #tpu.memory_space<vmem>>) target_semaphore(%arg31 : memref<!tpu.dma_semaphore, #tpu.memory_space<semaphore_mem>>)
    %add3A_789 = arith.constant 30720 : i32
    %add3A_790 = arith.addi %add3A_789, %mul3A_356 : i32
    %dma_start3A_791 = arith.constant 1920 : i32
    %dma_start3A_792 = tpu.memref_slice %arg20[%dma_start3A_791] : memref<5120xf32, #tpu.memory_space<vmem>> -> memref<320xf32, #tpu.memory_space<vmem>>
    %dma_start3A_793 = tpu.memref_slice %arg16[%add3A_790] : memref<81920xf32, #tpu.memory_space<vmem_shared>> -> memref<320xf32, #tpu.memory_space<vmem_shared>>
    %dma_start3A_794 = arith.constant 1920 : i32
    %dma_start3A_795 = tpu.memref_slice %arg20[%dma_start3A_794] : memref<5120xf32, #tpu.memory_space<vmem>> -> memref<320xf32, #tpu.memory_space<vmem>>
    %dma_start3A_796 = tpu.memref_slice %arg16[%add3A_790] : memref<81920xf32, #tpu.memory_space<vmem_shared>> -> memref<320xf32, #tpu.memory_space<vmem_shared>>
    tpu.enqueue_dma source(%dma_start3A_796 : memref<320xf32, #tpu.memory_space<vmem_shared>>) target(%dma_start3A_795 : memref<320xf32, #tpu.memory_space<vmem>>) target_semaphore(%arg31 : memref<!tpu.dma_semaphore, #tpu.memory_space<semaphore_mem>>)
    %add3A_797 = arith.constant 35840 : i32
    %add3A_798 = arith.addi %add3A_797, %mul3A_356 : i32
    %dma_start3A_799 = arith.constant 2240 : i32
    %dma_start3A_800 = tpu.memref_slice %arg20[%dma_start3A_799] : memref<5120xf32, #tpu.memory_space<vmem>> -> memref<320xf32, #tpu.memory_space<vmem>>
    %dma_start3A_801 = tpu.memref_slice %arg16[%add3A_798] : memref<81920xf32, #tpu.memory_space<vmem_shared>> -> memref<320xf32, #tpu.memory_space<vmem_shared>>
    %dma_start3A_802 = arith.constant 2240 : i32
    %dma_start3A_803 = tpu.memref_slice %arg20[%dma_start3A_802] : memref<5120xf32, #tpu.memory_space<vmem>> -> memref<320xf32, #tpu.memory_space<vmem>>
    %dma_start3A_804 = tpu.memref_slice %arg16[%add3A_798] : memref<81920xf32, #tpu.memory_space<vmem_shared>> -> memref<320xf32, #tpu.memory_space<vmem_shared>>
    tpu.enqueue_dma source(%dma_start3A_804 : memref<320xf32, #tpu.memory_space<vmem_shared>>) target(%dma_start3A_803 : memref<320xf32, #tpu.memory_space<vmem>>) target_semaphore(%arg31 : memref<!tpu.dma_semaphore, #tpu.memory_space<semaphore_mem>>)
    %add3A_805 = arith.constant 40960 : i32
    %add3A_806 = arith.addi %add3A_805, %mul3A_356 : i32
    %dma_start3A_807 = arith.constant 2560 : i32
    %dma_start3A_808 = tpu.memref_slice %arg20[%dma_start3A_807] : memref<5120xf32, #tpu.memory_space<vmem>> -> memref<320xf32, #tpu.memory_space<vmem>>
    %dma_start3A_809 = tpu.memref_slice %arg16[%add3A_806] : memref<81920xf32, #tpu.memory_space<vmem_shared>> -> memref<320xf32, #tpu.memory_space<vmem_shared>>
    %dma_start3A_810 = arith.constant 2560 : i32
    %dma_start3A_811 = tpu.memref_slice %arg20[%dma_start3A_810] : memref<5120xf32, #tpu.memory_space<vmem>> -> memref<320xf32, #tpu.memory_space<vmem>>
    %dma_start3A_812 = tpu.memref_slice %arg16[%add3A_806] : memref<81920xf32, #tpu.memory_space<vmem_shared>> -> memref<320xf32, #tpu.memory_space<vmem_shared>>
    tpu.enqueue_dma source(%dma_start3A_812 : memref<320xf32, #tpu.memory_space<vmem_shared>>) target(%dma_start3A_811 : memref<320xf32, #tpu.memory_space<vmem>>) target_semaphore(%arg31 : memref<!tpu.dma_semaphore, #tpu.memory_space<semaphore_mem>>)
    %add3A_813 = arith.constant 46080 : i32
    %add3A_814 = arith.addi %add3A_813, %mul3A_356 : i32
    %dma_start3A_815 = arith.constant 2880 : i32
    %dma_start3A_816 = tpu.memref_slice %arg20[%dma_start3A_815] : memref<5120xf32, #tpu.memory_space<vmem>> -> memref<320xf32, #tpu.memory_space<vmem>>
    %dma_start3A_817 = tpu.memref_slice %arg16[%add3A_814] : memref<81920xf32, #tpu.memory_space<vmem_shared>> -> memref<320xf32, #tpu.memory_space<vmem_shared>>
    %dma_start3A_818 = arith.constant 2880 : i32
    %dma_start3A_819 = tpu.memref_slice %arg20[%dma_start3A_818] : memref<5120xf32, #tpu.memory_space<vmem>> -> memref<320xf32, #tpu.memory_space<vmem>>
    %dma_start3A_820 = tpu.memref_slice %arg16[%add3A_814] : memref<81920xf32, #tpu.memory_space<vmem_shared>> -> memref<320xf32, #tpu.memory_space<vmem_shared>>
    tpu.enqueue_dma source(%dma_start3A_820 : memref<320xf32, #tpu.memory_space<vmem_shared>>) target(%dma_start3A_819 : memref<320xf32, #tpu.memory_space<vmem>>) target_semaphore(%arg31 : memref<!tpu.dma_semaphore, #tpu.memory_space<semaphore_mem>>)
    %add3A_821 = arith.constant 51200 : i32
    %add3A_822 = arith.addi %add3A_821, %mul3A_356 : i32
    %dma_start3A_823 = arith.constant 3200 : i32
    %dma_start3A_824 = tpu.memref_slice %arg20[%dma_start3A_823] : memref<5120xf32, #tpu.memory_space<vmem>> -> memref<320xf32, #tpu.memory_space<vmem>>
    %dma_start3A_825 = tpu.memref_slice %arg16[%add3A_822] : memref<81920xf32, #tpu.memory_space<vmem_shared>> -> memref<320xf32, #tpu.memory_space<vmem_shared>>
    %dma_start3A_826 = arith.constant 3200 : i32
    %dma_start3A_827 = tpu.memref_slice %arg20[%dma_start3A_826] : memref<5120xf32, #tpu.memory_space<vmem>> -> memref<320xf32, #tpu.memory_space<vmem>>
    %dma_start3A_828 = tpu.memref_slice %arg16[%add3A_822] : memref<81920xf32, #tpu.memory_space<vmem_shared>> -> memref<320xf32, #tpu.memory_space<vmem_shared>>
    tpu.enqueue_dma source(%dma_start3A_828 : memref<320xf32, #tpu.memory_space<vmem_shared>>) target(%dma_start3A_827 : memref<320xf32, #tpu.memory_space<vmem>>) target_semaphore(%arg31 : memref<!tpu.dma_semaphore, #tpu.memory_space<semaphore_mem>>)
    %add3A_829 = arith.constant 56320 : i32
    %add3A_830 = arith.addi %add3A_829, %mul3A_356 : i32
    %dma_start3A_831 = arith.constant 3520 : i32
    %dma_start3A_832 = tpu.memref_slice %arg20[%dma_start3A_831] : memref<5120xf32, #tpu.memory_space<vmem>> -> memref<320xf32, #tpu.memory_space<vmem>>
    %dma_start3A_833 = tpu.memref_slice %arg16[%add3A_830] : memref<81920xf32, #tpu.memory_space<vmem_shared>> -> memref<320xf32, #tpu.memory_space<vmem_shared>>
    %dma_start3A_834 = arith.constant 3520 : i32
    %dma_start3A_835 = tpu.memref_slice %arg20[%dma_start3A_834] : memref<5120xf32, #tpu.memory_space<vmem>> -> memref<320xf32, #tpu.memory_space<vmem>>
    %dma_start3A_836 = tpu.memref_slice %arg16[%add3A_830] : memref<81920xf32, #tpu.memory_space<vmem_shared>> -> memref<320xf32, #tpu.memory_space<vmem_shared>>
    tpu.enqueue_dma source(%dma_start3A_836 : memref<320xf32, #tpu.memory_space<vmem_shared>>) target(%dma_start3A_835 : memref<320xf32, #tpu.memory_space<vmem>>) target_semaphore(%arg31 : memref<!tpu.dma_semaphore, #tpu.memory_space<semaphore_mem>>)
    %add3A_837 = arith.constant 61440 : i32
    %add3A_838 = arith.addi %add3A_837, %mul3A_356 : i32
    %dma_start3A_839 = arith.constant 3840 : i32
    %dma_start3A_840 = tpu.memref_slice %arg20[%dma_start3A_839] : memref<5120xf32, #tpu.memory_space<vmem>> -> memref<320xf32, #tpu.memory_space<vmem>>
    %dma_start3A_841 = tpu.memref_slice %arg16[%add3A_838] : memref<81920xf32, #tpu.memory_space<vmem_shared>> -> memref<320xf32, #tpu.memory_space<vmem_shared>>
    %dma_start3A_842 = arith.constant 3840 : i32
    %dma_start3A_843 = tpu.memref_slice %arg20[%dma_start3A_842] : memref<5120xf32, #tpu.memory_space<vmem>> -> memref<320xf32, #tpu.memory_space<vmem>>
    %dma_start3A_844 = tpu.memref_slice %arg16[%add3A_838] : memref<81920xf32, #tpu.memory_space<vmem_shared>> -> memref<320xf32, #tpu.memory_space<vmem_shared>>
    tpu.enqueue_dma source(%dma_start3A_844 : memref<320xf32, #tpu.memory_space<vmem_shared>>) target(%dma_start3A_843 : memref<320xf32, #tpu.memory_space<vmem>>) target_semaphore(%arg31 : memref<!tpu.dma_semaphore, #tpu.memory_space<semaphore_mem>>)
    %add3A_845 = arith.constant 66560 : i32
    %add3A_846 = arith.addi %add3A_845, %mul3A_356 : i32
    %dma_start3A_847 = arith.constant 4160 : i32
    %dma_start3A_848 = tpu.memref_slice %arg20[%dma_start3A_847] : memref<5120xf32, #tpu.memory_space<vmem>> -> memref<320xf32, #tpu.memory_space<vmem>>
    %dma_start3A_849 = tpu.memref_slice %arg16[%add3A_846] : memref<81920xf32, #tpu.memory_space<vmem_shared>> -> memref<320xf32, #tpu.memory_space<vmem_shared>>
    %dma_start3A_850 = arith.constant 4160 : i32
    %dma_start3A_851 = tpu.memref_slice %arg20[%dma_start3A_850] : memref<5120xf32, #tpu.memory_space<vmem>> -> memref<320xf32, #tpu.memory_space<vmem>>
    %dma_start3A_852 = tpu.memref_slice %arg16[%add3A_846] : memref<81920xf32, #tpu.memory_space<vmem_shared>> -> memref<320xf32, #tpu.memory_space<vmem_shared>>
    tpu.enqueue_dma source(%dma_start3A_852 : memref<320xf32, #tpu.memory_space<vmem_shared>>) target(%dma_start3A_851 : memref<320xf32, #tpu.memory_space<vmem>>) target_semaphore(%arg31 : memref<!tpu.dma_semaphore, #tpu.memory_space<semaphore_mem>>)
    %add3A_853 = arith.constant 71680 : i32
    %add3A_854 = arith.addi %add3A_853, %mul3A_356 : i32
    %dma_start3A_855 = arith.constant 4480 : i32
    %dma_start3A_856 = tpu.memref_slice %arg20[%dma_start3A_855] : memref<5120xf32, #tpu.memory_space<vmem>> -> memref<320xf32, #tpu.memory_space<vmem>>
    %dma_start3A_857 = tpu.memref_slice %arg16[%add3A_854] : memref<81920xf32, #tpu.memory_space<vmem_shared>> -> memref<320xf32, #tpu.memory_space<vmem_shared>>
    %dma_start3A_858 = arith.constant 4480 : i32
    %dma_start3A_859 = tpu.memref_slice %arg20[%dma_start3A_858] : memref<5120xf32, #tpu.memory_space<vmem>> -> memref<320xf32, #tpu.memory_space<vmem>>
    %dma_start3A_860 = tpu.memref_slice %arg16[%add3A_854] : memref<81920xf32, #tpu.memory_space<vmem_shared>> -> memref<320xf32, #tpu.memory_space<vmem_shared>>
    tpu.enqueue_dma source(%dma_start3A_860 : memref<320xf32, #tpu.memory_space<vmem_shared>>) target(%dma_start3A_859 : memref<320xf32, #tpu.memory_space<vmem>>) target_semaphore(%arg31 : memref<!tpu.dma_semaphore, #tpu.memory_space<semaphore_mem>>)
    %add3A_861 = arith.constant 76800 : i32
    %add3A_862 = arith.addi %add3A_861, %mul3A_356 : i32
    %dma_start3A_863 = arith.constant 4800 : i32
    %dma_start3A_864 = tpu.memref_slice %arg20[%dma_start3A_863] : memref<5120xf32, #tpu.memory_space<vmem>> -> memref<320xf32, #tpu.memory_space<vmem>>
    %dma_start3A_865 = tpu.memref_slice %arg16[%add3A_862] : memref<81920xf32, #tpu.memory_space<vmem_shared>> -> memref<320xf32, #tpu.memory_space<vmem_shared>>
    %dma_start3A_866 = arith.constant 4800 : i32
    %dma_start3A_867 = tpu.memref_slice %arg20[%dma_start3A_866] : memref<5120xf32, #tpu.memory_space<vmem>> -> memref<320xf32, #tpu.memory_space<vmem>>
    %dma_start3A_868 = tpu.memref_slice %arg16[%add3A_862] : memref<81920xf32, #tpu.memory_space<vmem_shared>> -> memref<320xf32, #tpu.memory_space<vmem_shared>>
    tpu.enqueue_dma source(%dma_start3A_868 : memref<320xf32, #tpu.memory_space<vmem_shared>>) target(%dma_start3A_867 : memref<320xf32, #tpu.memory_space<vmem>>) target_semaphore(%arg31 : memref<!tpu.dma_semaphore, #tpu.memory_space<semaphore_mem>>)
    %dma_wait3A_869 = arith.constant 0 : i32
    %dma_wait3A_870 = tpu.memref_slice %arg17[%dma_wait3A_869] : memref<5120xf32, #tpu.memory_space<vmem>> -> memref<320xf32, #tpu.memory_space<vmem>>
    %dma_wait3A_871 = tpu.memref_slice %arg13[%add3A_358] : memref<81920xf32, #tpu.memory_space<vmem_shared>> -> memref<320xf32, #tpu.memory_space<vmem_shared>>
    %dma_wait3A_872 = arith.constant 0 : i32
    %dma_wait3A_873 = tpu.memref_slice %arg17[%dma_wait3A_872] : memref<5120xf32, #tpu.memory_space<vmem>> -> memref<320xf32, #tpu.memory_space<vmem>>
    %dma_wait3A_874 = tpu.memref_slice %arg13[%add3A_358] : memref<81920xf32, #tpu.memory_space<vmem_shared>> -> memref<320xf32, #tpu.memory_space<vmem_shared>>
    tpu.wait_dma2 semaphore(%arg31 : memref<!tpu.dma_semaphore, #tpu.memory_space<semaphore_mem>>) src(%dma_wait3A_874 : memref<320xf32, #tpu.memory_space<vmem_shared>>) dst(%dma_wait3A_873 : memref<320xf32, #tpu.memory_space<vmem>>)
    %dma_wait3A_875 = arith.constant 320 : i32
    %dma_wait3A_876 = tpu.memref_slice %arg17[%dma_wait3A_875] : memref<5120xf32, #tpu.memory_space<vmem>> -> memref<320xf32, #tpu.memory_space<vmem>>
    %dma_wait3A_877 = tpu.memref_slice %arg13[%add3A_366] : memref<81920xf32, #tpu.memory_space<vmem_shared>> -> memref<320xf32, #tpu.memory_space<vmem_shared>>
    %dma_wait3A_878 = arith.constant 320 : i32
    %dma_wait3A_879 = tpu.memref_slice %arg17[%dma_wait3A_878] : memref<5120xf32, #tpu.memory_space<vmem>> -> memref<320xf32, #tpu.memory_space<vmem>>
    %dma_wait3A_880 = tpu.memref_slice %arg13[%add3A_366] : memref<81920xf32, #tpu.memory_space<vmem_shared>> -> memref<320xf32, #tpu.memory_space<vmem_shared>>
    tpu.wait_dma2 semaphore(%arg31 : memref<!tpu.dma_semaphore, #tpu.memory_space<semaphore_mem>>) src(%dma_wait3A_880 : memref<320xf32, #tpu.memory_space<vmem_shared>>) dst(%dma_wait3A_879 : memref<320xf32, #tpu.memory_space<vmem>>)
    %dma_wait3A_881 = arith.constant 640 : i32
    %dma_wait3A_882 = tpu.memref_slice %arg17[%dma_wait3A_881] : memref<5120xf32, #tpu.memory_space<vmem>> -> memref<320xf32, #tpu.memory_space<vmem>>
    %dma_wait3A_883 = tpu.memref_slice %arg13[%add3A_374] : memref<81920xf32, #tpu.memory_space<vmem_shared>> -> memref<320xf32, #tpu.memory_space<vmem_shared>>
    %dma_wait3A_884 = arith.constant 640 : i32
    %dma_wait3A_885 = tpu.memref_slice %arg17[%dma_wait3A_884] : memref<5120xf32, #tpu.memory_space<vmem>> -> memref<320xf32, #tpu.memory_space<vmem>>
    %dma_wait3A_886 = tpu.memref_slice %arg13[%add3A_374] : memref<81920xf32, #tpu.memory_space<vmem_shared>> -> memref<320xf32, #tpu.memory_space<vmem_shared>>
    tpu.wait_dma2 semaphore(%arg31 : memref<!tpu.dma_semaphore, #tpu.memory_space<semaphore_mem>>) src(%dma_wait3A_886 : memref<320xf32, #tpu.memory_space<vmem_shared>>) dst(%dma_wait3A_885 : memref<320xf32, #tpu.memory_space<vmem>>)
    %dma_wait3A_887 = arith.constant 960 : i32
    %dma_wait3A_888 = tpu.memref_slice %arg17[%dma_wait3A_887] : memref<5120xf32, #tpu.memory_space<vmem>> -> memref<320xf32, #tpu.memory_space<vmem>>
    %dma_wait3A_889 = tpu.memref_slice %arg13[%add3A_382] : memref<81920xf32, #tpu.memory_space<vmem_shared>> -> memref<320xf32, #tpu.memory_space<vmem_shared>>
    %dma_wait3A_890 = arith.constant 960 : i32
    %dma_wait3A_891 = tpu.memref_slice %arg17[%dma_wait3A_890] : memref<5120xf32, #tpu.memory_space<vmem>> -> memref<320xf32, #tpu.memory_space<vmem>>
    %dma_wait3A_892 = tpu.memref_slice %arg13[%add3A_382] : memref<81920xf32, #tpu.memory_space<vmem_shared>> -> memref<320xf32, #tpu.memory_space<vmem_shared>>
    tpu.wait_dma2 semaphore(%arg31 : memref<!tpu.dma_semaphore, #tpu.memory_space<semaphore_mem>>) src(%dma_wait3A_892 : memref<320xf32, #tpu.memory_space<vmem_shared>>) dst(%dma_wait3A_891 : memref<320xf32, #tpu.memory_space<vmem>>)
    %dma_wait3A_893 = arith.constant 1280 : i32
    %dma_wait3A_894 = tpu.memref_slice %arg17[%dma_wait3A_893] : memref<5120xf32, #tpu.memory_space<vmem>> -> memref<320xf32, #tpu.memory_space<vmem>>
    %dma_wait3A_895 = tpu.memref_slice %arg13[%add3A_390] : memref<81920xf32, #tpu.memory_space<vmem_shared>> -> memref<320xf32, #tpu.memory_space<vmem_shared>>
    %dma_wait3A_896 = arith.constant 1280 : i32
    %dma_wait3A_897 = tpu.memref_slice %arg17[%dma_wait3A_896] : memref<5120xf32, #tpu.memory_space<vmem>> -> memref<320xf32, #tpu.memory_space<vmem>>
    %dma_wait3A_898 = tpu.memref_slice %arg13[%add3A_390] : memref<81920xf32, #tpu.memory_space<vmem_shared>> -> memref<320xf32, #tpu.memory_space<vmem_shared>>
    tpu.wait_dma2 semaphore(%arg31 : memref<!tpu.dma_semaphore, #tpu.memory_space<semaphore_mem>>) src(%dma_wait3A_898 : memref<320xf32, #tpu.memory_space<vmem_shared>>) dst(%dma_wait3A_897 : memref<320xf32, #tpu.memory_space<vmem>>)
    %dma_wait3A_899 = arith.constant 1600 : i32
    %dma_wait3A_900 = tpu.memref_slice %arg17[%dma_wait3A_899] : memref<5120xf32, #tpu.memory_space<vmem>> -> memref<320xf32, #tpu.memory_space<vmem>>
    %dma_wait3A_901 = tpu.memref_slice %arg13[%add3A_398] : memref<81920xf32, #tpu.memory_space<vmem_shared>> -> memref<320xf32, #tpu.memory_space<vmem_shared>>
    %dma_wait3A_902 = arith.constant 1600 : i32
    %dma_wait3A_903 = tpu.memref_slice %arg17[%dma_wait3A_902] : memref<5120xf32, #tpu.memory_space<vmem>> -> memref<320xf32, #tpu.memory_space<vmem>>
    %dma_wait3A_904 = tpu.memref_slice %arg13[%add3A_398] : memref<81920xf32, #tpu.memory_space<vmem_shared>> -> memref<320xf32, #tpu.memory_space<vmem_shared>>
    tpu.wait_dma2 semaphore(%arg31 : memref<!tpu.dma_semaphore, #tpu.memory_space<semaphore_mem>>) src(%dma_wait3A_904 : memref<320xf32, #tpu.memory_space<vmem_shared>>) dst(%dma_wait3A_903 : memref<320xf32, #tpu.memory_space<vmem>>)
    %dma_wait3A_905 = arith.constant 1920 : i32
    %dma_wait3A_906 = tpu.memref_slice %arg17[%dma_wait3A_905] : memref<5120xf32, #tpu.memory_space<vmem>> -> memref<320xf32, #tpu.memory_space<vmem>>
    %dma_wait3A_907 = tpu.memref_slice %arg13[%add3A_406] : memref<81920xf32, #tpu.memory_space<vmem_shared>> -> memref<320xf32, #tpu.memory_space<vmem_shared>>
    %dma_wait3A_908 = arith.constant 1920 : i32
    %dma_wait3A_909 = tpu.memref_slice %arg17[%dma_wait3A_908] : memref<5120xf32, #tpu.memory_space<vmem>> -> memref<320xf32, #tpu.memory_space<vmem>>
    %dma_wait3A_910 = tpu.memref_slice %arg13[%add3A_406] : memref<81920xf32, #tpu.memory_space<vmem_shared>> -> memref<320xf32, #tpu.memory_space<vmem_shared>>
    tpu.wait_dma2 semaphore(%arg31 : memref<!tpu.dma_semaphore, #tpu.memory_space<semaphore_mem>>) src(%dma_wait3A_910 : memref<320xf32, #tpu.memory_space<vmem_shared>>) dst(%dma_wait3A_909 : memref<320xf32, #tpu.memory_space<vmem>>)
    %dma_wait3A_911 = arith.constant 2240 : i32
    %dma_wait3A_912 = tpu.memref_slice %arg17[%dma_wait3A_911] : memref<5120xf32, #tpu.memory_space<vmem>> -> memref<320xf32, #tpu.memory_space<vmem>>
    %dma_wait3A_913 = tpu.memref_slice %arg13[%add3A_414] : memref<81920xf32, #tpu.memory_space<vmem_shared>> -> memref<320xf32, #tpu.memory_space<vmem_shared>>
    %dma_wait3A_914 = arith.constant 2240 : i32
    %dma_wait3A_915 = tpu.memref_slice %arg17[%dma_wait3A_914] : memref<5120xf32, #tpu.memory_space<vmem>> -> memref<320xf32, #tpu.memory_space<vmem>>
    %dma_wait3A_916 = tpu.memref_slice %arg13[%add3A_414] : memref<81920xf32, #tpu.memory_space<vmem_shared>> -> memref<320xf32, #tpu.memory_space<vmem_shared>>
    tpu.wait_dma2 semaphore(%arg31 : memref<!tpu.dma_semaphore, #tpu.memory_space<semaphore_mem>>) src(%dma_wait3A_916 : memref<320xf32, #tpu.memory_space<vmem_shared>>) dst(%dma_wait3A_915 : memref<320xf32, #tpu.memory_space<vmem>>)
    %dma_wait3A_917 = arith.constant 2560 : i32
    %dma_wait3A_918 = tpu.memref_slice %arg17[%dma_wait3A_917] : memref<5120xf32, #tpu.memory_space<vmem>> -> memref<320xf32, #tpu.memory_space<vmem>>
    %dma_wait3A_919 = tpu.memref_slice %arg13[%add3A_422] : memref<81920xf32, #tpu.memory_space<vmem_shared>> -> memref<320xf32, #tpu.memory_space<vmem_shared>>
    %dma_wait3A_920 = arith.constant 2560 : i32
    %dma_wait3A_921 = tpu.memref_slice %arg17[%dma_wait3A_920] : memref<5120xf32, #tpu.memory_space<vmem>> -> memref<320xf32, #tpu.memory_space<vmem>>
    %dma_wait3A_922 = tpu.memref_slice %arg13[%add3A_422] : memref<81920xf32, #tpu.memory_space<vmem_shared>> -> memref<320xf32, #tpu.memory_space<vmem_shared>>
    tpu.wait_dma2 semaphore(%arg31 : memref<!tpu.dma_semaphore, #tpu.memory_space<semaphore_mem>>) src(%dma_wait3A_922 : memref<320xf32, #tpu.memory_space<vmem_shared>>) dst(%dma_wait3A_921 : memref<320xf32, #tpu.memory_space<vmem>>)
    %dma_wait3A_923 = arith.constant 2880 : i32
    %dma_wait3A_924 = tpu.memref_slice %arg17[%dma_wait3A_923] : memref<5120xf32, #tpu.memory_space<vmem>> -> memref<320xf32, #tpu.memory_space<vmem>>
    %dma_wait3A_925 = tpu.memref_slice %arg13[%add3A_430] : memref<81920xf32, #tpu.memory_space<vmem_shared>> -> memref<320xf32, #tpu.memory_space<vmem_shared>>
    %dma_wait3A_926 = arith.constant 2880 : i32
    %dma_wait3A_927 = tpu.memref_slice %arg17[%dma_wait3A_926] : memref<5120xf32, #tpu.memory_space<vmem>> -> memref<320xf32, #tpu.memory_space<vmem>>
    %dma_wait3A_928 = tpu.memref_slice %arg13[%add3A_430] : memref<81920xf32, #tpu.memory_space<vmem_shared>> -> memref<320xf32, #tpu.memory_space<vmem_shared>>
    tpu.wait_dma2 semaphore(%arg31 : memref<!tpu.dma_semaphore, #tpu.memory_space<semaphore_mem>>) src(%dma_wait3A_928 : memref<320xf32, #tpu.memory_space<vmem_shared>>) dst(%dma_wait3A_927 : memref<320xf32, #tpu.memory_space<vmem>>)
    %dma_wait3A_929 = arith.constant 3200 : i32
    %dma_wait3A_930 = tpu.memref_slice %arg17[%dma_wait3A_929] : memref<5120xf32, #tpu.memory_space<vmem>> -> memref<320xf32, #tpu.memory_space<vmem>>
    %dma_wait3A_931 = tpu.memref_slice %arg13[%add3A_438] : memref<81920xf32, #tpu.memory_space<vmem_shared>> -> memref<320xf32, #tpu.memory_space<vmem_shared>>
    %dma_wait3A_932 = arith.constant 3200 : i32
    %dma_wait3A_933 = tpu.memref_slice %arg17[%dma_wait3A_932] : memref<5120xf32, #tpu.memory_space<vmem>> -> memref<320xf32, #tpu.memory_space<vmem>>
    %dma_wait3A_934 = tpu.memref_slice %arg13[%add3A_438] : memref<81920xf32, #tpu.memory_space<vmem_shared>> -> memref<320xf32, #tpu.memory_space<vmem_shared>>
    tpu.wait_dma2 semaphore(%arg31 : memref<!tpu.dma_semaphore, #tpu.memory_space<semaphore_mem>>) src(%dma_wait3A_934 : memref<320xf32, #tpu.memory_space<vmem_shared>>) dst(%dma_wait3A_933 : memref<320xf32, #tpu.memory_space<vmem>>)
    %dma_wait3A_935 = arith.constant 3520 : i32
    %dma_wait3A_936 = tpu.memref_slice %arg17[%dma_wait3A_935] : memref<5120xf32, #tpu.memory_space<vmem>> -> memref<320xf32, #tpu.memory_space<vmem>>
    %dma_wait3A_937 = tpu.memref_slice %arg13[%add3A_446] : memref<81920xf32, #tpu.memory_space<vmem_shared>> -> memref<320xf32, #tpu.memory_space<vmem_shared>>
    %dma_wait3A_938 = arith.constant 3520 : i32
    %dma_wait3A_939 = tpu.memref_slice %arg17[%dma_wait3A_938] : memref<5120xf32, #tpu.memory_space<vmem>> -> memref<320xf32, #tpu.memory_space<vmem>>
    %dma_wait3A_940 = tpu.memref_slice %arg13[%add3A_446] : memref<81920xf32, #tpu.memory_space<vmem_shared>> -> memref<320xf32, #tpu.memory_space<vmem_shared>>
    tpu.wait_dma2 semaphore(%arg31 : memref<!tpu.dma_semaphore, #tpu.memory_space<semaphore_mem>>) src(%dma_wait3A_940 : memref<320xf32, #tpu.memory_space<vmem_shared>>) dst(%dma_wait3A_939 : memref<320xf32, #tpu.memory_space<vmem>>)
    %dma_wait3A_941 = arith.constant 3840 : i32
    %dma_wait3A_942 = tpu.memref_slice %arg17[%dma_wait3A_941] : memref<5120xf32, #tpu.memory_space<vmem>> -> memref<320xf32, #tpu.memory_space<vmem>>
    %dma_wait3A_943 = tpu.memref_slice %arg13[%add3A_454] : memref<81920xf32, #tpu.memory_space<vmem_shared>> -> memref<320xf32, #tpu.memory_space<vmem_shared>>
    %dma_wait3A_944 = arith.constant 3840 : i32
    %dma_wait3A_945 = tpu.memref_slice %arg17[%dma_wait3A_944] : memref<5120xf32, #tpu.memory_space<vmem>> -> memref<320xf32, #tpu.memory_space<vmem>>
    %dma_wait3A_946 = tpu.memref_slice %arg13[%add3A_454] : memref<81920xf32, #tpu.memory_space<vmem_shared>> -> memref<320xf32, #tpu.memory_space<vmem_shared>>
    tpu.wait_dma2 semaphore(%arg31 : memref<!tpu.dma_semaphore, #tpu.memory_space<semaphore_mem>>) src(%dma_wait3A_946 : memref<320xf32, #tpu.memory_space<vmem_shared>>) dst(%dma_wait3A_945 : memref<320xf32, #tpu.memory_space<vmem>>)
    %dma_wait3A_947 = arith.constant 4160 : i32
    %dma_wait3A_948 = tpu.memref_slice %arg17[%dma_wait3A_947] : memref<5120xf32, #tpu.memory_space<vmem>> -> memref<320xf32, #tpu.memory_space<vmem>>
    %dma_wait3A_949 = tpu.memref_slice %arg13[%add3A_462] : memref<81920xf32, #tpu.memory_space<vmem_shared>> -> memref<320xf32, #tpu.memory_space<vmem_shared>>
    %dma_wait3A_950 = arith.constant 4160 : i32
    %dma_wait3A_951 = tpu.memref_slice %arg17[%dma_wait3A_950] : memref<5120xf32, #tpu.memory_space<vmem>> -> memref<320xf32, #tpu.memory_space<vmem>>
    %dma_wait3A_952 = tpu.memref_slice %arg13[%add3A_462] : memref<81920xf32, #tpu.memory_space<vmem_shared>> -> memref<320xf32, #tpu.memory_space<vmem_shared>>
    tpu.wait_dma2 semaphore(%arg31 : memref<!tpu.dma_semaphore, #tpu.memory_space<semaphore_mem>>) src(%dma_wait3A_952 : memref<320xf32, #tpu.memory_space<vmem_shared>>) dst(%dma_wait3A_951 : memref<320xf32, #tpu.memory_space<vmem>>)
    %dma_wait3A_953 = arith.constant 4480 : i32
    %dma_wait3A_954 = tpu.memref_slice %arg17[%dma_wait3A_953] : memref<5120xf32, #tpu.memory_space<vmem>> -> memref<320xf32, #tpu.memory_space<vmem>>
    %dma_wait3A_955 = tpu.memref_slice %arg13[%add3A_470] : memref<81920xf32, #tpu.memory_space<vmem_shared>> -> memref<320xf32, #tpu.memory_space<vmem_shared>>
    %dma_wait3A_956 = arith.constant 4480 : i32
    %dma_wait3A_957 = tpu.memref_slice %arg17[%dma_wait3A_956] : memref<5120xf32, #tpu.memory_space<vmem>> -> memref<320xf32, #tpu.memory_space<vmem>>
    %dma_wait3A_958 = tpu.memref_slice %arg13[%add3A_470] : memref<81920xf32, #tpu.memory_space<vmem_shared>> -> memref<320xf32, #tpu.memory_space<vmem_shared>>
    tpu.wait_dma2 semaphore(%arg31 : memref<!tpu.dma_semaphore, #tpu.memory_space<semaphore_mem>>) src(%dma_wait3A_958 : memref<320xf32, #tpu.memory_space<vmem_shared>>) dst(%dma_wait3A_957 : memref<320xf32, #tpu.memory_space<vmem>>)
    %dma_wait3A_959 = arith.constant 4800 : i32
    %dma_wait3A_960 = tpu.memref_slice %arg17[%dma_wait3A_959] : memref<5120xf32, #tpu.memory_space<vmem>> -> memref<320xf32, #tpu.memory_space<vmem>>
    %dma_wait3A_961 = tpu.memref_slice %arg13[%add3A_478] : memref<81920xf32, #tpu.memory_space<vmem_shared>> -> memref<320xf32, #tpu.memory_space<vmem_shared>>
    %dma_wait3A_962 = arith.constant 4800 : i32
    %dma_wait3A_963 = tpu.memref_slice %arg17[%dma_wait3A_962] : memref<5120xf32, #tpu.memory_space<vmem>> -> memref<320xf32, #tpu.memory_space<vmem>>
    %dma_wait3A_964 = tpu.memref_slice %arg13[%add3A_478] : memref<81920xf32, #tpu.memory_space<vmem_shared>> -> memref<320xf32, #tpu.memory_space<vmem_shared>>
    tpu.wait_dma2 semaphore(%arg31 : memref<!tpu.dma_semaphore, #tpu.memory_space<semaphore_mem>>) src(%dma_wait3A_964 : memref<320xf32, #tpu.memory_space<vmem_shared>>) dst(%dma_wait3A_963 : memref<320xf32, #tpu.memory_space<vmem>>)
    %dma_wait3A_965 = arith.constant 0 : i32
    %dma_wait3A_966 = tpu.memref_slice %arg18[%dma_wait3A_965] : memref<5120xf32, #tpu.memory_space<vmem>> -> memref<320xf32, #tpu.memory_space<vmem>>
    %dma_wait3A_967 = tpu.memref_slice %arg14[%add3A_486] : memref<81920xf32, #tpu.memory_space<vmem_shared>> -> memref<320xf32, #tpu.memory_space<vmem_shared>>
    %dma_wait3A_968 = arith.constant 0 : i32
    %dma_wait3A_969 = tpu.memref_slice %arg18[%dma_wait3A_968] : memref<5120xf32, #tpu.memory_space<vmem>> -> memref<320xf32, #tpu.memory_space<vmem>>
    %dma_wait3A_970 = tpu.memref_slice %arg14[%add3A_486] : memref<81920xf32, #tpu.memory_space<vmem_shared>> -> memref<320xf32, #tpu.memory_space<vmem_shared>>
    tpu.wait_dma2 semaphore(%arg31 : memref<!tpu.dma_semaphore, #tpu.memory_space<semaphore_mem>>) src(%dma_wait3A_970 : memref<320xf32, #tpu.memory_space<vmem_shared>>) dst(%dma_wait3A_969 : memref<320xf32, #tpu.memory_space<vmem>>)
    %dma_wait3A_971 = arith.constant 320 : i32
    %dma_wait3A_972 = tpu.memref_slice %arg18[%dma_wait3A_971] : memref<5120xf32, #tpu.memory_space<vmem>> -> memref<320xf32, #tpu.memory_space<vmem>>
    %dma_wait3A_973 = tpu.memref_slice %arg14[%add3A_494] : memref<81920xf32, #tpu.memory_space<vmem_shared>> -> memref<320xf32, #tpu.memory_space<vmem_shared>>
    %dma_wait3A_974 = arith.constant 320 : i32
    %dma_wait3A_975 = tpu.memref_slice %arg18[%dma_wait3A_974] : memref<5120xf32, #tpu.memory_space<vmem>> -> memref<320xf32, #tpu.memory_space<vmem>>
    %dma_wait3A_976 = tpu.memref_slice %arg14[%add3A_494] : memref<81920xf32, #tpu.memory_space<vmem_shared>> -> memref<320xf32, #tpu.memory_space<vmem_shared>>
    tpu.wait_dma2 semaphore(%arg31 : memref<!tpu.dma_semaphore, #tpu.memory_space<semaphore_mem>>) src(%dma_wait3A_976 : memref<320xf32, #tpu.memory_space<vmem_shared>>) dst(%dma_wait3A_975 : memref<320xf32, #tpu.memory_space<vmem>>)
    %dma_wait3A_977 = arith.constant 640 : i32
    %dma_wait3A_978 = tpu.memref_slice %arg18[%dma_wait3A_977] : memref<5120xf32, #tpu.memory_space<vmem>> -> memref<320xf32, #tpu.memory_space<vmem>>
    %dma_wait3A_979 = tpu.memref_slice %arg14[%add3A_502] : memref<81920xf32, #tpu.memory_space<vmem_shared>> -> memref<320xf32, #tpu.memory_space<vmem_shared>>
    %dma_wait3A_980 = arith.constant 640 : i32
    %dma_wait3A_981 = tpu.memref_slice %arg18[%dma_wait3A_980] : memref<5120xf32, #tpu.memory_space<vmem>> -> memref<320xf32, #tpu.memory_space<vmem>>
    %dma_wait3A_982 = tpu.memref_slice %arg14[%add3A_502] : memref<81920xf32, #tpu.memory_space<vmem_shared>> -> memref<320xf32, #tpu.memory_space<vmem_shared>>
    tpu.wait_dma2 semaphore(%arg31 : memref<!tpu.dma_semaphore, #tpu.memory_space<semaphore_mem>>) src(%dma_wait3A_982 : memref<320xf32, #tpu.memory_space<vmem_shared>>) dst(%dma_wait3A_981 : memref<320xf32, #tpu.memory_space<vmem>>)
    %dma_wait3A_983 = arith.constant 960 : i32
    %dma_wait3A_984 = tpu.memref_slice %arg18[%dma_wait3A_983] : memref<5120xf32, #tpu.memory_space<vmem>> -> memref<320xf32, #tpu.memory_space<vmem>>
    %dma_wait3A_985 = tpu.memref_slice %arg14[%add3A_510] : memref<81920xf32, #tpu.memory_space<vmem_shared>> -> memref<320xf32, #tpu.memory_space<vmem_shared>>
    %dma_wait3A_986 = arith.constant 960 : i32
    %dma_wait3A_987 = tpu.memref_slice %arg18[%dma_wait3A_986] : memref<5120xf32, #tpu.memory_space<vmem>> -> memref<320xf32, #tpu.memory_space<vmem>>
    %dma_wait3A_988 = tpu.memref_slice %arg14[%add3A_510] : memref<81920xf32, #tpu.memory_space<vmem_shared>> -> memref<320xf32, #tpu.memory_space<vmem_shared>>
    tpu.wait_dma2 semaphore(%arg31 : memref<!tpu.dma_semaphore, #tpu.memory_space<semaphore_mem>>) src(%dma_wait3A_988 : memref<320xf32, #tpu.memory_space<vmem_shared>>) dst(%dma_wait3A_987 : memref<320xf32, #tpu.memory_space<vmem>>)
    %dma_wait3A_989 = arith.constant 1280 : i32
    %dma_wait3A_990 = tpu.memref_slice %arg18[%dma_wait3A_989] : memref<5120xf32, #tpu.memory_space<vmem>> -> memref<320xf32, #tpu.memory_space<vmem>>
    %dma_wait3A_991 = tpu.memref_slice %arg14[%add3A_518] : memref<81920xf32, #tpu.memory_space<vmem_shared>> -> memref<320xf32, #tpu.memory_space<vmem_shared>>
    %dma_wait3A_992 = arith.constant 1280 : i32
    %dma_wait3A_993 = tpu.memref_slice %arg18[%dma_wait3A_992] : memref<5120xf32, #tpu.memory_space<vmem>> -> memref<320xf32, #tpu.memory_space<vmem>>
    %dma_wait3A_994 = tpu.memref_slice %arg14[%add3A_518] : memref<81920xf32, #tpu.memory_space<vmem_shared>> -> memref<320xf32, #tpu.memory_space<vmem_shared>>
    tpu.wait_dma2 semaphore(%arg31 : memref<!tpu.dma_semaphore, #tpu.memory_space<semaphore_mem>>) src(%dma_wait3A_994 : memref<320xf32, #tpu.memory_space<vmem_shared>>) dst(%dma_wait3A_993 : memref<320xf32, #tpu.memory_space<vmem>>)
    %dma_wait3A_995 = arith.constant 1600 : i32
    %dma_wait3A_996 = tpu.memref_slice %arg18[%dma_wait3A_995] : memref<5120xf32, #tpu.memory_space<vmem>> -> memref<320xf32, #tpu.memory_space<vmem>>
    %dma_wait3A_997 = tpu.memref_slice %arg14[%add3A_526] : memref<81920xf32, #tpu.memory_space<vmem_shared>> -> memref<320xf32, #tpu.memory_space<vmem_shared>>
    %dma_wait3A_998 = arith.constant 1600 : i32
    %dma_wait3A_999 = tpu.memref_slice %arg18[%dma_wait3A_998] : memref<5120xf32, #tpu.memory_space<vmem>> -> memref<320xf32, #tpu.memory_space<vmem>>
    %dma_wait3A_1000 = tpu.memref_slice %arg14[%add3A_526] : memref<81920xf32, #tpu.memory_space<vmem_shared>> -> memref<320xf32, #tpu.memory_space<vmem_shared>>
    tpu.wait_dma2 semaphore(%arg31 : memref<!tpu.dma_semaphore, #tpu.memory_space<semaphore_mem>>) src(%dma_wait3A_1000 : memref<320xf32, #tpu.memory_space<vmem_shared>>) dst(%dma_wait3A_999 : memref<320xf32, #tpu.memory_space<vmem>>)
    %dma_wait3A_1001 = arith.constant 1920 : i32
    %dma_wait3A_1002 = tpu.memref_slice %arg18[%dma_wait3A_1001] : memref<5120xf32, #tpu.memory_space<vmem>> -> memref<320xf32, #tpu.memory_space<vmem>>
    %dma_wait3A_1003 = tpu.memref_slice %arg14[%add3A_534] : memref<81920xf32, #tpu.memory_space<vmem_shared>> -> memref<320xf32, #tpu.memory_space<vmem_shared>>
    %dma_wait3A_1004 = arith.constant 1920 : i32
    %dma_wait3A_1005 = tpu.memref_slice %arg18[%dma_wait3A_1004] : memref<5120xf32, #tpu.memory_space<vmem>> -> memref<320xf32, #tpu.memory_space<vmem>>
    %dma_wait3A_1006 = tpu.memref_slice %arg14[%add3A_534] : memref<81920xf32, #tpu.memory_space<vmem_shared>> -> memref<320xf32, #tpu.memory_space<vmem_shared>>
    tpu.wait_dma2 semaphore(%arg31 : memref<!tpu.dma_semaphore, #tpu.memory_space<semaphore_mem>>) src(%dma_wait3A_1006 : memref<320xf32, #tpu.memory_space<vmem_shared>>) dst(%dma_wait3A_1005 : memref<320xf32, #tpu.memory_space<vmem>>)
    %dma_wait3A_1007 = arith.constant 2240 : i32
    %dma_wait3A_1008 = tpu.memref_slice %arg18[%dma_wait3A_1007] : memref<5120xf32, #tpu.memory_space<vmem>> -> memref<320xf32, #tpu.memory_space<vmem>>
    %dma_wait3A_1009 = tpu.memref_slice %arg14[%add3A_542] : memref<81920xf32, #tpu.memory_space<vmem_shared>> -> memref<320xf32, #tpu.memory_space<vmem_shared>>
    %dma_wait3A_1010 = arith.constant 2240 : i32
    %dma_wait3A_1011 = tpu.memref_slice %arg18[%dma_wait3A_1010] : memref<5120xf32, #tpu.memory_space<vmem>> -> memref<320xf32, #tpu.memory_space<vmem>>
    %dma_wait3A_1012 = tpu.memref_slice %arg14[%add3A_542] : memref<81920xf32, #tpu.memory_space<vmem_shared>> -> memref<320xf32, #tpu.memory_space<vmem_shared>>
    tpu.wait_dma2 semaphore(%arg31 : memref<!tpu.dma_semaphore, #tpu.memory_space<semaphore_mem>>) src(%dma_wait3A_1012 : memref<320xf32, #tpu.memory_space<vmem_shared>>) dst(%dma_wait3A_1011 : memref<320xf32, #tpu.memory_space<vmem>>)
    %dma_wait3A_1013 = arith.constant 2560 : i32
    %dma_wait3A_1014 = tpu.memref_slice %arg18[%dma_wait3A_1013] : memref<5120xf32, #tpu.memory_space<vmem>> -> memref<320xf32, #tpu.memory_space<vmem>>
    %dma_wait3A_1015 = tpu.memref_slice %arg14[%add3A_550] : memref<81920xf32, #tpu.memory_space<vmem_shared>> -> memref<320xf32, #tpu.memory_space<vmem_shared>>
    %dma_wait3A_1016 = arith.constant 2560 : i32
    %dma_wait3A_1017 = tpu.memref_slice %arg18[%dma_wait3A_1016] : memref<5120xf32, #tpu.memory_space<vmem>> -> memref<320xf32, #tpu.memory_space<vmem>>
    %dma_wait3A_1018 = tpu.memref_slice %arg14[%add3A_550] : memref<81920xf32, #tpu.memory_space<vmem_shared>> -> memref<320xf32, #tpu.memory_space<vmem_shared>>
    tpu.wait_dma2 semaphore(%arg31 : memref<!tpu.dma_semaphore, #tpu.memory_space<semaphore_mem>>) src(%dma_wait3A_1018 : memref<320xf32, #tpu.memory_space<vmem_shared>>) dst(%dma_wait3A_1017 : memref<320xf32, #tpu.memory_space<vmem>>)
    %dma_wait3A_1019 = arith.constant 2880 : i32
    %dma_wait3A_1020 = tpu.memref_slice %arg18[%dma_wait3A_1019] : memref<5120xf32, #tpu.memory_space<vmem>> -> memref<320xf32, #tpu.memory_space<vmem>>
    %dma_wait3A_1021 = tpu.memref_slice %arg14[%add3A_558] : memref<81920xf32, #tpu.memory_space<vmem_shared>> -> memref<320xf32, #tpu.memory_space<vmem_shared>>
    %dma_wait3A_1022 = arith.constant 2880 : i32
    %dma_wait3A_1023 = tpu.memref_slice %arg18[%dma_wait3A_1022] : memref<5120xf32, #tpu.memory_space<vmem>> -> memref<320xf32, #tpu.memory_space<vmem>>
    %dma_wait3A_1024 = tpu.memref_slice %arg14[%add3A_558] : memref<81920xf32, #tpu.memory_space<vmem_shared>> -> memref<320xf32, #tpu.memory_space<vmem_shared>>
    tpu.wait_dma2 semaphore(%arg31 : memref<!tpu.dma_semaphore, #tpu.memory_space<semaphore_mem>>) src(%dma_wait3A_1024 : memref<320xf32, #tpu.memory_space<vmem_shared>>) dst(%dma_wait3A_1023 : memref<320xf32, #tpu.memory_space<vmem>>)
    %dma_wait3A_1025 = arith.constant 3200 : i32
    %dma_wait3A_1026 = tpu.memref_slice %arg18[%dma_wait3A_1025] : memref<5120xf32, #tpu.memory_space<vmem>> -> memref<320xf32, #tpu.memory_space<vmem>>
    %dma_wait3A_1027 = tpu.memref_slice %arg14[%add3A_566] : memref<81920xf32, #tpu.memory_space<vmem_shared>> -> memref<320xf32, #tpu.memory_space<vmem_shared>>
    %dma_wait3A_1028 = arith.constant 3200 : i32
    %dma_wait3A_1029 = tpu.memref_slice %arg18[%dma_wait3A_1028] : memref<5120xf32, #tpu.memory_space<vmem>> -> memref<320xf32, #tpu.memory_space<vmem>>
    %dma_wait3A_1030 = tpu.memref_slice %arg14[%add3A_566] : memref<81920xf32, #tpu.memory_space<vmem_shared>> -> memref<320xf32, #tpu.memory_space<vmem_shared>>
    tpu.wait_dma2 semaphore(%arg31 : memref<!tpu.dma_semaphore, #tpu.memory_space<semaphore_mem>>) src(%dma_wait3A_1030 : memref<320xf32, #tpu.memory_space<vmem_shared>>) dst(%dma_wait3A_1029 : memref<320xf32, #tpu.memory_space<vmem>>)
    %dma_wait3A_1031 = arith.constant 3520 : i32
    %dma_wait3A_1032 = tpu.memref_slice %arg18[%dma_wait3A_1031] : memref<5120xf32, #tpu.memory_space<vmem>> -> memref<320xf32, #tpu.memory_space<vmem>>
    %dma_wait3A_1033 = tpu.memref_slice %arg14[%add3A_574] : memref<81920xf32, #tpu.memory_space<vmem_shared>> -> memref<320xf32, #tpu.memory_space<vmem_shared>>
    %dma_wait3A_1034 = arith.constant 3520 : i32
    %dma_wait3A_1035 = tpu.memref_slice %arg18[%dma_wait3A_1034] : memref<5120xf32, #tpu.memory_space<vmem>> -> memref<320xf32, #tpu.memory_space<vmem>>
    %dma_wait3A_1036 = tpu.memref_slice %arg14[%add3A_574] : memref<81920xf32, #tpu.memory_space<vmem_shared>> -> memref<320xf32, #tpu.memory_space<vmem_shared>>
    tpu.wait_dma2 semaphore(%arg31 : memref<!tpu.dma_semaphore, #tpu.memory_space<semaphore_mem>>) src(%dma_wait3A_1036 : memref<320xf32, #tpu.memory_space<vmem_shared>>) dst(%dma_wait3A_1035 : memref<320xf32, #tpu.memory_space<vmem>>)
    %dma_wait3A_1037 = arith.constant 3840 : i32
    %dma_wait3A_1038 = tpu.memref_slice %arg18[%dma_wait3A_1037] : memref<5120xf32, #tpu.memory_space<vmem>> -> memref<320xf32, #tpu.memory_space<vmem>>
    %dma_wait3A_1039 = tpu.memref_slice %arg14[%add3A_582] : memref<81920xf32, #tpu.memory_space<vmem_shared>> -> memref<320xf32, #tpu.memory_space<vmem_shared>>
    %dma_wait3A_1040 = arith.constant 3840 : i32
    %dma_wait3A_1041 = tpu.memref_slice %arg18[%dma_wait3A_1040] : memref<5120xf32, #tpu.memory_space<vmem>> -> memref<320xf32, #tpu.memory_space<vmem>>
    %dma_wait3A_1042 = tpu.memref_slice %arg14[%add3A_582] : memref<81920xf32, #tpu.memory_space<vmem_shared>> -> memref<320xf32, #tpu.memory_space<vmem_shared>>
    tpu.wait_dma2 semaphore(%arg31 : memref<!tpu.dma_semaphore, #tpu.memory_space<semaphore_mem>>) src(%dma_wait3A_1042 : memref<320xf32, #tpu.memory_space<vmem_shared>>) dst(%dma_wait3A_1041 : memref<320xf32, #tpu.memory_space<vmem>>)
    %dma_wait3A_1043 = arith.constant 4160 : i32
    %dma_wait3A_1044 = tpu.memref_slice %arg18[%dma_wait3A_1043] : memref<5120xf32, #tpu.memory_space<vmem>> -> memref<320xf32, #tpu.memory_space<vmem>>
    %dma_wait3A_1045 = tpu.memref_slice %arg14[%add3A_590] : memref<81920xf32, #tpu.memory_space<vmem_shared>> -> memref<320xf32, #tpu.memory_space<vmem_shared>>
    %dma_wait3A_1046 = arith.constant 4160 : i32
    %dma_wait3A_1047 = tpu.memref_slice %arg18[%dma_wait3A_1046] : memref<5120xf32, #tpu.memory_space<vmem>> -> memref<320xf32, #tpu.memory_space<vmem>>
    %dma_wait3A_1048 = tpu.memref_slice %arg14[%add3A_590] : memref<81920xf32, #tpu.memory_space<vmem_shared>> -> memref<320xf32, #tpu.memory_space<vmem_shared>>
    tpu.wait_dma2 semaphore(%arg31 : memref<!tpu.dma_semaphore, #tpu.memory_space<semaphore_mem>>) src(%dma_wait3A_1048 : memref<320xf32, #tpu.memory_space<vmem_shared>>) dst(%dma_wait3A_1047 : memref<320xf32, #tpu.memory_space<vmem>>)
    %dma_wait3A_1049 = arith.constant 4480 : i32
    %dma_wait3A_1050 = tpu.memref_slice %arg18[%dma_wait3A_1049] : memref<5120xf32, #tpu.memory_space<vmem>> -> memref<320xf32, #tpu.memory_space<vmem>>
    %dma_wait3A_1051 = tpu.memref_slice %arg14[%add3A_598] : memref<81920xf32, #tpu.memory_space<vmem_shared>> -> memref<320xf32, #tpu.memory_space<vmem_shared>>
    %dma_wait3A_1052 = arith.constant 4480 : i32
    %dma_wait3A_1053 = tpu.memref_slice %arg18[%dma_wait3A_1052] : memref<5120xf32, #tpu.memory_space<vmem>> -> memref<320xf32, #tpu.memory_space<vmem>>
    %dma_wait3A_1054 = tpu.memref_slice %arg14[%add3A_598] : memref<81920xf32, #tpu.memory_space<vmem_shared>> -> memref<320xf32, #tpu.memory_space<vmem_shared>>
    tpu.wait_dma2 semaphore(%arg31 : memref<!tpu.dma_semaphore, #tpu.memory_space<semaphore_mem>>) src(%dma_wait3A_1054 : memref<320xf32, #tpu.memory_space<vmem_shared>>) dst(%dma_wait3A_1053 : memref<320xf32, #tpu.memory_space<vmem>>)
    %dma_wait3A_1055 = arith.constant 4800 : i32
    %dma_wait3A_1056 = tpu.memref_slice %arg18[%dma_wait3A_1055] : memref<5120xf32, #tpu.memory_space<vmem>> -> memref<320xf32, #tpu.memory_space<vmem>>
    %dma_wait3A_1057 = tpu.memref_slice %arg14[%add3A_606] : memref<81920xf32, #tpu.memory_space<vmem_shared>> -> memref<320xf32, #tpu.memory_space<vmem_shared>>
    %dma_wait3A_1058 = arith.constant 4800 : i32
    %dma_wait3A_1059 = tpu.memref_slice %arg18[%dma_wait3A_1058] : memref<5120xf32, #tpu.memory_space<vmem>> -> memref<320xf32, #tpu.memory_space<vmem>>
    %dma_wait3A_1060 = tpu.memref_slice %arg14[%add3A_606] : memref<81920xf32, #tpu.memory_space<vmem_shared>> -> memref<320xf32, #tpu.memory_space<vmem_shared>>
    tpu.wait_dma2 semaphore(%arg31 : memref<!tpu.dma_semaphore, #tpu.memory_space<semaphore_mem>>) src(%dma_wait3A_1060 : memref<320xf32, #tpu.memory_space<vmem_shared>>) dst(%dma_wait3A_1059 : memref<320xf32, #tpu.memory_space<vmem>>)
    %dma_wait3A_1061 = arith.constant 0 : i32
    %dma_wait3A_1062 = tpu.memref_slice %arg19[%dma_wait3A_1061] : memref<5120xf32, #tpu.memory_space<vmem>> -> memref<320xf32, #tpu.memory_space<vmem>>
    %dma_wait3A_1063 = tpu.memref_slice %arg15[%add3A_614] : memref<81920xf32, #tpu.memory_space<vmem_shared>> -> memref<320xf32, #tpu.memory_space<vmem_shared>>
    %dma_wait3A_1064 = arith.constant 0 : i32
    %dma_wait3A_1065 = tpu.memref_slice %arg19[%dma_wait3A_1064] : memref<5120xf32, #tpu.memory_space<vmem>> -> memref<320xf32, #tpu.memory_space<vmem>>
    %dma_wait3A_1066 = tpu.memref_slice %arg15[%add3A_614] : memref<81920xf32, #tpu.memory_space<vmem_shared>> -> memref<320xf32, #tpu.memory_space<vmem_shared>>
    tpu.wait_dma2 semaphore(%arg31 : memref<!tpu.dma_semaphore, #tpu.memory_space<semaphore_mem>>) src(%dma_wait3A_1066 : memref<320xf32, #tpu.memory_space<vmem_shared>>) dst(%dma_wait3A_1065 : memref<320xf32, #tpu.memory_space<vmem>>)
    %dma_wait3A_1067 = arith.constant 320 : i32
    %dma_wait3A_1068 = tpu.memref_slice %arg19[%dma_wait3A_1067] : memref<5120xf32, #tpu.memory_space<vmem>> -> memref<320xf32, #tpu.memory_space<vmem>>
    %dma_wait3A_1069 = tpu.memref_slice %arg15[%add3A_622] : memref<81920xf32, #tpu.memory_space<vmem_shared>> -> memref<320xf32, #tpu.memory_space<vmem_shared>>
    %dma_wait3A_1070 = arith.constant 320 : i32
    %dma_wait3A_1071 = tpu.memref_slice %arg19[%dma_wait3A_1070] : memref<5120xf32, #tpu.memory_space<vmem>> -> memref<320xf32, #tpu.memory_space<vmem>>
    %dma_wait3A_1072 = tpu.memref_slice %arg15[%add3A_622] : memref<81920xf32, #tpu.memory_space<vmem_shared>> -> memref<320xf32, #tpu.memory_space<vmem_shared>>
    tpu.wait_dma2 semaphore(%arg31 : memref<!tpu.dma_semaphore, #tpu.memory_space<semaphore_mem>>) src(%dma_wait3A_1072 : memref<320xf32, #tpu.memory_space<vmem_shared>>) dst(%dma_wait3A_1071 : memref<320xf32, #tpu.memory_space<vmem>>)
    %dma_wait3A_1073 = arith.constant 640 : i32
    %dma_wait3A_1074 = tpu.memref_slice %arg19[%dma_wait3A_1073] : memref<5120xf32, #tpu.memory_space<vmem>> -> memref<320xf32, #tpu.memory_space<vmem>>
    %dma_wait3A_1075 = tpu.memref_slice %arg15[%add3A_630] : memref<81920xf32, #tpu.memory_space<vmem_shared>> -> memref<320xf32, #tpu.memory_space<vmem_shared>>
    %dma_wait3A_1076 = arith.constant 640 : i32
    %dma_wait3A_1077 = tpu.memref_slice %arg19[%dma_wait3A_1076] : memref<5120xf32, #tpu.memory_space<vmem>> -> memref<320xf32, #tpu.memory_space<vmem>>
    %dma_wait3A_1078 = tpu.memref_slice %arg15[%add3A_630] : memref<81920xf32, #tpu.memory_space<vmem_shared>> -> memref<320xf32, #tpu.memory_space<vmem_shared>>
    tpu.wait_dma2 semaphore(%arg31 : memref<!tpu.dma_semaphore, #tpu.memory_space<semaphore_mem>>) src(%dma_wait3A_1078 : memref<320xf32, #tpu.memory_space<vmem_shared>>) dst(%dma_wait3A_1077 : memref<320xf32, #tpu.memory_space<vmem>>)
    %dma_wait3A_1079 = arith.constant 960 : i32
    %dma_wait3A_1080 = tpu.memref_slice %arg19[%dma_wait3A_1079] : memref<5120xf32, #tpu.memory_space<vmem>> -> memref<320xf32, #tpu.memory_space<vmem>>
    %dma_wait3A_1081 = tpu.memref_slice %arg15[%add3A_638] : memref<81920xf32, #tpu.memory_space<vmem_shared>> -> memref<320xf32, #tpu.memory_space<vmem_shared>>
    %dma_wait3A_1082 = arith.constant 960 : i32
    %dma_wait3A_1083 = tpu.memref_slice %arg19[%dma_wait3A_1082] : memref<5120xf32, #tpu.memory_space<vmem>> -> memref<320xf32, #tpu.memory_space<vmem>>
    %dma_wait3A_1084 = tpu.memref_slice %arg15[%add3A_638] : memref<81920xf32, #tpu.memory_space<vmem_shared>> -> memref<320xf32, #tpu.memory_space<vmem_shared>>
    tpu.wait_dma2 semaphore(%arg31 : memref<!tpu.dma_semaphore, #tpu.memory_space<semaphore_mem>>) src(%dma_wait3A_1084 : memref<320xf32, #tpu.memory_space<vmem_shared>>) dst(%dma_wait3A_1083 : memref<320xf32, #tpu.memory_space<vmem>>)
    %dma_wait3A_1085 = arith.constant 1280 : i32
    %dma_wait3A_1086 = tpu.memref_slice %arg19[%dma_wait3A_1085] : memref<5120xf32, #tpu.memory_space<vmem>> -> memref<320xf32, #tpu.memory_space<vmem>>
    %dma_wait3A_1087 = tpu.memref_slice %arg15[%add3A_646] : memref<81920xf32, #tpu.memory_space<vmem_shared>> -> memref<320xf32, #tpu.memory_space<vmem_shared>>
    %dma_wait3A_1088 = arith.constant 1280 : i32
    %dma_wait3A_1089 = tpu.memref_slice %arg19[%dma_wait3A_1088] : memref<5120xf32, #tpu.memory_space<vmem>> -> memref<320xf32, #tpu.memory_space<vmem>>
    %dma_wait3A_1090 = tpu.memref_slice %arg15[%add3A_646] : memref<81920xf32, #tpu.memory_space<vmem_shared>> -> memref<320xf32, #tpu.memory_space<vmem_shared>>
    tpu.wait_dma2 semaphore(%arg31 : memref<!tpu.dma_semaphore, #tpu.memory_space<semaphore_mem>>) src(%dma_wait3A_1090 : memref<320xf32, #tpu.memory_space<vmem_shared>>) dst(%dma_wait3A_1089 : memref<320xf32, #tpu.memory_space<vmem>>)
    %dma_wait3A_1091 = arith.constant 1600 : i32
    %dma_wait3A_1092 = tpu.memref_slice %arg19[%dma_wait3A_1091] : memref<5120xf32, #tpu.memory_space<vmem>> -> memref<320xf32, #tpu.memory_space<vmem>>
    %dma_wait3A_1093 = tpu.memref_slice %arg15[%add3A_654] : memref<81920xf32, #tpu.memory_space<vmem_shared>> -> memref<320xf32, #tpu.memory_space<vmem_shared>>
    %dma_wait3A_1094 = arith.constant 1600 : i32
    %dma_wait3A_1095 = tpu.memref_slice %arg19[%dma_wait3A_1094] : memref<5120xf32, #tpu.memory_space<vmem>> -> memref<320xf32, #tpu.memory_space<vmem>>
    %dma_wait3A_1096 = tpu.memref_slice %arg15[%add3A_654] : memref<81920xf32, #tpu.memory_space<vmem_shared>> -> memref<320xf32, #tpu.memory_space<vmem_shared>>
    tpu.wait_dma2 semaphore(%arg31 : memref<!tpu.dma_semaphore, #tpu.memory_space<semaphore_mem>>) src(%dma_wait3A_1096 : memref<320xf32, #tpu.memory_space<vmem_shared>>) dst(%dma_wait3A_1095 : memref<320xf32, #tpu.memory_space<vmem>>)
    %dma_wait3A_1097 = arith.constant 1920 : i32
    %dma_wait3A_1098 = tpu.memref_slice %arg19[%dma_wait3A_1097] : memref<5120xf32, #tpu.memory_space<vmem>> -> memref<320xf32, #tpu.memory_space<vmem>>
    %dma_wait3A_1099 = tpu.memref_slice %arg15[%add3A_662] : memref<81920xf32, #tpu.memory_space<vmem_shared>> -> memref<320xf32, #tpu.memory_space<vmem_shared>>
    %dma_wait3A_1100 = arith.constant 1920 : i32
    %dma_wait3A_1101 = tpu.memref_slice %arg19[%dma_wait3A_1100] : memref<5120xf32, #tpu.memory_space<vmem>> -> memref<320xf32, #tpu.memory_space<vmem>>
    %dma_wait3A_1102 = tpu.memref_slice %arg15[%add3A_662] : memref<81920xf32, #tpu.memory_space<vmem_shared>> -> memref<320xf32, #tpu.memory_space<vmem_shared>>
    tpu.wait_dma2 semaphore(%arg31 : memref<!tpu.dma_semaphore, #tpu.memory_space<semaphore_mem>>) src(%dma_wait3A_1102 : memref<320xf32, #tpu.memory_space<vmem_shared>>) dst(%dma_wait3A_1101 : memref<320xf32, #tpu.memory_space<vmem>>)
    %dma_wait3A_1103 = arith.constant 2240 : i32
    %dma_wait3A_1104 = tpu.memref_slice %arg19[%dma_wait3A_1103] : memref<5120xf32, #tpu.memory_space<vmem>> -> memref<320xf32, #tpu.memory_space<vmem>>
    %dma_wait3A_1105 = tpu.memref_slice %arg15[%add3A_670] : memref<81920xf32, #tpu.memory_space<vmem_shared>> -> memref<320xf32, #tpu.memory_space<vmem_shared>>
    %dma_wait3A_1106 = arith.constant 2240 : i32
    %dma_wait3A_1107 = tpu.memref_slice %arg19[%dma_wait3A_1106] : memref<5120xf32, #tpu.memory_space<vmem>> -> memref<320xf32, #tpu.memory_space<vmem>>
    %dma_wait3A_1108 = tpu.memref_slice %arg15[%add3A_670] : memref<81920xf32, #tpu.memory_space<vmem_shared>> -> memref<320xf32, #tpu.memory_space<vmem_shared>>
    tpu.wait_dma2 semaphore(%arg31 : memref<!tpu.dma_semaphore, #tpu.memory_space<semaphore_mem>>) src(%dma_wait3A_1108 : memref<320xf32, #tpu.memory_space<vmem_shared>>) dst(%dma_wait3A_1107 : memref<320xf32, #tpu.memory_space<vmem>>)
    %dma_wait3A_1109 = arith.constant 2560 : i32
    %dma_wait3A_1110 = tpu.memref_slice %arg19[%dma_wait3A_1109] : memref<5120xf32, #tpu.memory_space<vmem>> -> memref<320xf32, #tpu.memory_space<vmem>>
    %dma_wait3A_1111 = tpu.memref_slice %arg15[%add3A_678] : memref<81920xf32, #tpu.memory_space<vmem_shared>> -> memref<320xf32, #tpu.memory_space<vmem_shared>>
    %dma_wait3A_1112 = arith.constant 2560 : i32
    %dma_wait3A_1113 = tpu.memref_slice %arg19[%dma_wait3A_1112] : memref<5120xf32, #tpu.memory_space<vmem>> -> memref<320xf32, #tpu.memory_space<vmem>>
    %dma_wait3A_1114 = tpu.memref_slice %arg15[%add3A_678] : memref<81920xf32, #tpu.memory_space<vmem_shared>> -> memref<320xf32, #tpu.memory_space<vmem_shared>>
    tpu.wait_dma2 semaphore(%arg31 : memref<!tpu.dma_semaphore, #tpu.memory_space<semaphore_mem>>) src(%dma_wait3A_1114 : memref<320xf32, #tpu.memory_space<vmem_shared>>) dst(%dma_wait3A_1113 : memref<320xf32, #tpu.memory_space<vmem>>)
    %dma_wait3A_1115 = arith.constant 2880 : i32
    %dma_wait3A_1116 = tpu.memref_slice %arg19[%dma_wait3A_1115] : memref<5120xf32, #tpu.memory_space<vmem>> -> memref<320xf32, #tpu.memory_space<vmem>>
    %dma_wait3A_1117 = tpu.memref_slice %arg15[%add3A_686] : memref<81920xf32, #tpu.memory_space<vmem_shared>> -> memref<320xf32, #tpu.memory_space<vmem_shared>>
    %dma_wait3A_1118 = arith.constant 2880 : i32
    %dma_wait3A_1119 = tpu.memref_slice %arg19[%dma_wait3A_1118] : memref<5120xf32, #tpu.memory_space<vmem>> -> memref<320xf32, #tpu.memory_space<vmem>>
    %dma_wait3A_1120 = tpu.memref_slice %arg15[%add3A_686] : memref<81920xf32, #tpu.memory_space<vmem_shared>> -> memref<320xf32, #tpu.memory_space<vmem_shared>>
    tpu.wait_dma2 semaphore(%arg31 : memref<!tpu.dma_semaphore, #tpu.memory_space<semaphore_mem>>) src(%dma_wait3A_1120 : memref<320xf32, #tpu.memory_space<vmem_shared>>) dst(%dma_wait3A_1119 : memref<320xf32, #tpu.memory_space<vmem>>)
    %dma_wait3A_1121 = arith.constant 3200 : i32
    %dma_wait3A_1122 = tpu.memref_slice %arg19[%dma_wait3A_1121] : memref<5120xf32, #tpu.memory_space<vmem>> -> memref<320xf32, #tpu.memory_space<vmem>>
    %dma_wait3A_1123 = tpu.memref_slice %arg15[%add3A_694] : memref<81920xf32, #tpu.memory_space<vmem_shared>> -> memref<320xf32, #tpu.memory_space<vmem_shared>>
    %dma_wait3A_1124 = arith.constant 3200 : i32
    %dma_wait3A_1125 = tpu.memref_slice %arg19[%dma_wait3A_1124] : memref<5120xf32, #tpu.memory_space<vmem>> -> memref<320xf32, #tpu.memory_space<vmem>>
    %dma_wait3A_1126 = tpu.memref_slice %arg15[%add3A_694] : memref<81920xf32, #tpu.memory_space<vmem_shared>> -> memref<320xf32, #tpu.memory_space<vmem_shared>>
    tpu.wait_dma2 semaphore(%arg31 : memref<!tpu.dma_semaphore, #tpu.memory_space<semaphore_mem>>) src(%dma_wait3A_1126 : memref<320xf32, #tpu.memory_space<vmem_shared>>) dst(%dma_wait3A_1125 : memref<320xf32, #tpu.memory_space<vmem>>)
    %dma_wait3A_1127 = arith.constant 3520 : i32
    %dma_wait3A_1128 = tpu.memref_slice %arg19[%dma_wait3A_1127] : memref<5120xf32, #tpu.memory_space<vmem>> -> memref<320xf32, #tpu.memory_space<vmem>>
    %dma_wait3A_1129 = tpu.memref_slice %arg15[%add3A_702] : memref<81920xf32, #tpu.memory_space<vmem_shared>> -> memref<320xf32, #tpu.memory_space<vmem_shared>>
    %dma_wait3A_1130 = arith.constant 3520 : i32
    %dma_wait3A_1131 = tpu.memref_slice %arg19[%dma_wait3A_1130] : memref<5120xf32, #tpu.memory_space<vmem>> -> memref<320xf32, #tpu.memory_space<vmem>>
    %dma_wait3A_1132 = tpu.memref_slice %arg15[%add3A_702] : memref<81920xf32, #tpu.memory_space<vmem_shared>> -> memref<320xf32, #tpu.memory_space<vmem_shared>>
    tpu.wait_dma2 semaphore(%arg31 : memref<!tpu.dma_semaphore, #tpu.memory_space<semaphore_mem>>) src(%dma_wait3A_1132 : memref<320xf32, #tpu.memory_space<vmem_shared>>) dst(%dma_wait3A_1131 : memref<320xf32, #tpu.memory_space<vmem>>)
    %dma_wait3A_1133 = arith.constant 3840 : i32
    %dma_wait3A_1134 = tpu.memref_slice %arg19[%dma_wait3A_1133] : memref<5120xf32, #tpu.memory_space<vmem>> -> memref<320xf32, #tpu.memory_space<vmem>>
    %dma_wait3A_1135 = tpu.memref_slice %arg15[%add3A_710] : memref<81920xf32, #tpu.memory_space<vmem_shared>> -> memref<320xf32, #tpu.memory_space<vmem_shared>>
    %dma_wait3A_1136 = arith.constant 3840 : i32
    %dma_wait3A_1137 = tpu.memref_slice %arg19[%dma_wait3A_1136] : memref<5120xf32, #tpu.memory_space<vmem>> -> memref<320xf32, #tpu.memory_space<vmem>>
    %dma_wait3A_1138 = tpu.memref_slice %arg15[%add3A_710] : memref<81920xf32, #tpu.memory_space<vmem_shared>> -> memref<320xf32, #tpu.memory_space<vmem_shared>>
    tpu.wait_dma2 semaphore(%arg31 : memref<!tpu.dma_semaphore, #tpu.memory_space<semaphore_mem>>) src(%dma_wait3A_1138 : memref<320xf32, #tpu.memory_space<vmem_shared>>) dst(%dma_wait3A_1137 : memref<320xf32, #tpu.memory_space<vmem>>)
    %dma_wait3A_1139 = arith.constant 4160 : i32
    %dma_wait3A_1140 = tpu.memref_slice %arg19[%dma_wait3A_1139] : memref<5120xf32, #tpu.memory_space<vmem>> -> memref<320xf32, #tpu.memory_space<vmem>>
    %dma_wait3A_1141 = tpu.memref_slice %arg15[%add3A_718] : memref<81920xf32, #tpu.memory_space<vmem_shared>> -> memref<320xf32, #tpu.memory_space<vmem_shared>>
    %dma_wait3A_1142 = arith.constant 4160 : i32
    %dma_wait3A_1143 = tpu.memref_slice %arg19[%dma_wait3A_1142] : memref<5120xf32, #tpu.memory_space<vmem>> -> memref<320xf32, #tpu.memory_space<vmem>>
    %dma_wait3A_1144 = tpu.memref_slice %arg15[%add3A_718] : memref<81920xf32, #tpu.memory_space<vmem_shared>> -> memref<320xf32, #tpu.memory_space<vmem_shared>>
    tpu.wait_dma2 semaphore(%arg31 : memref<!tpu.dma_semaphore, #tpu.memory_space<semaphore_mem>>) src(%dma_wait3A_1144 : memref<320xf32, #tpu.memory_space<vmem_shared>>) dst(%dma_wait3A_1143 : memref<320xf32, #tpu.memory_space<vmem>>)
    %dma_wait3A_1145 = arith.constant 4480 : i32
    %dma_wait3A_1146 = tpu.memref_slice %arg19[%dma_wait3A_1145] : memref<5120xf32, #tpu.memory_space<vmem>> -> memref<320xf32, #tpu.memory_space<vmem>>
    %dma_wait3A_1147 = tpu.memref_slice %arg15[%add3A_726] : memref<81920xf32, #tpu.memory_space<vmem_shared>> -> memref<320xf32, #tpu.memory_space<vmem_shared>>
    %dma_wait3A_1148 = arith.constant 4480 : i32
    %dma_wait3A_1149 = tpu.memref_slice %arg19[%dma_wait3A_1148] : memref<5120xf32, #tpu.memory_space<vmem>> -> memref<320xf32, #tpu.memory_space<vmem>>
    %dma_wait3A_1150 = tpu.memref_slice %arg15[%add3A_726] : memref<81920xf32, #tpu.memory_space<vmem_shared>> -> memref<320xf32, #tpu.memory_space<vmem_shared>>
    tpu.wait_dma2 semaphore(%arg31 : memref<!tpu.dma_semaphore, #tpu.memory_space<semaphore_mem>>) src(%dma_wait3A_1150 : memref<320xf32, #tpu.memory_space<vmem_shared>>) dst(%dma_wait3A_1149 : memref<320xf32, #tpu.memory_space<vmem>>)
    %dma_wait3A_1151 = arith.constant 4800 : i32
    %dma_wait3A_1152 = tpu.memref_slice %arg19[%dma_wait3A_1151] : memref<5120xf32, #tpu.memory_space<vmem>> -> memref<320xf32, #tpu.memory_space<vmem>>
    %dma_wait3A_1153 = tpu.memref_slice %arg15[%add3A_734] : memref<81920xf32, #tpu.memory_space<vmem_shared>> -> memref<320xf32, #tpu.memory_space<vmem_shared>>
    %dma_wait3A_1154 = arith.constant 4800 : i32
    %dma_wait3A_1155 = tpu.memref_slice %arg19[%dma_wait3A_1154] : memref<5120xf32, #tpu.memory_space<vmem>> -> memref<320xf32, #tpu.memory_space<vmem>>
    %dma_wait3A_1156 = tpu.memref_slice %arg15[%add3A_734] : memref<81920xf32, #tpu.memory_space<vmem_shared>> -> memref<320xf32, #tpu.memory_space<vmem_shared>>
    tpu.wait_dma2 semaphore(%arg31 : memref<!tpu.dma_semaphore, #tpu.memory_space<semaphore_mem>>) src(%dma_wait3A_1156 : memref<320xf32, #tpu.memory_space<vmem_shared>>) dst(%dma_wait3A_1155 : memref<320xf32, #tpu.memory_space<vmem>>)
    %dma_wait3A_1157 = arith.constant 0 : i32
    %dma_wait3A_1158 = tpu.memref_slice %arg20[%dma_wait3A_1157] : memref<5120xf32, #tpu.memory_space<vmem>> -> memref<320xf32, #tpu.memory_space<vmem>>
    %dma_wait3A_1159 = tpu.memref_slice %arg16[%add3A_742] : memref<81920xf32, #tpu.memory_space<vmem_shared>> -> memref<320xf32, #tpu.memory_space<vmem_shared>>
    %dma_wait3A_1160 = arith.constant 0 : i32
    %dma_wait3A_1161 = tpu.memref_slice %arg20[%dma_wait3A_1160] : memref<5120xf32, #tpu.memory_space<vmem>> -> memref<320xf32, #tpu.memory_space<vmem>>
    %dma_wait3A_1162 = tpu.memref_slice %arg16[%add3A_742] : memref<81920xf32, #tpu.memory_space<vmem_shared>> -> memref<320xf32, #tpu.memory_space<vmem_shared>>
    tpu.wait_dma2 semaphore(%arg31 : memref<!tpu.dma_semaphore, #tpu.memory_space<semaphore_mem>>) src(%dma_wait3A_1162 : memref<320xf32, #tpu.memory_space<vmem_shared>>) dst(%dma_wait3A_1161 : memref<320xf32, #tpu.memory_space<vmem>>)
    %dma_wait3A_1163 = arith.constant 320 : i32
    %dma_wait3A_1164 = tpu.memref_slice %arg20[%dma_wait3A_1163] : memref<5120xf32, #tpu.memory_space<vmem>> -> memref<320xf32, #tpu.memory_space<vmem>>
    %dma_wait3A_1165 = tpu.memref_slice %arg16[%add3A_750] : memref<81920xf32, #tpu.memory_space<vmem_shared>> -> memref<320xf32, #tpu.memory_space<vmem_shared>>
    %dma_wait3A_1166 = arith.constant 320 : i32
    %dma_wait3A_1167 = tpu.memref_slice %arg20[%dma_wait3A_1166] : memref<5120xf32, #tpu.memory_space<vmem>> -> memref<320xf32, #tpu.memory_space<vmem>>
    %dma_wait3A_1168 = tpu.memref_slice %arg16[%add3A_750] : memref<81920xf32, #tpu.memory_space<vmem_shared>> -> memref<320xf32, #tpu.memory_space<vmem_shared>>
    tpu.wait_dma2 semaphore(%arg31 : memref<!tpu.dma_semaphore, #tpu.memory_space<semaphore_mem>>) src(%dma_wait3A_1168 : memref<320xf32, #tpu.memory_space<vmem_shared>>) dst(%dma_wait3A_1167 : memref<320xf32, #tpu.memory_space<vmem>>)
    %dma_wait3A_1169 = arith.constant 640 : i32
    %dma_wait3A_1170 = tpu.memref_slice %arg20[%dma_wait3A_1169] : memref<5120xf32, #tpu.memory_space<vmem>> -> memref<320xf32, #tpu.memory_space<vmem>>
    %dma_wait3A_1171 = tpu.memref_slice %arg16[%add3A_758] : memref<81920xf32, #tpu.memory_space<vmem_shared>> -> memref<320xf32, #tpu.memory_space<vmem_shared>>
    %dma_wait3A_1172 = arith.constant 640 : i32
    %dma_wait3A_1173 = tpu.memref_slice %arg20[%dma_wait3A_1172] : memref<5120xf32, #tpu.memory_space<vmem>> -> memref<320xf32, #tpu.memory_space<vmem>>
    %dma_wait3A_1174 = tpu.memref_slice %arg16[%add3A_758] : memref<81920xf32, #tpu.memory_space<vmem_shared>> -> memref<320xf32, #tpu.memory_space<vmem_shared>>
    tpu.wait_dma2 semaphore(%arg31 : memref<!tpu.dma_semaphore, #tpu.memory_space<semaphore_mem>>) src(%dma_wait3A_1174 : memref<320xf32, #tpu.memory_space<vmem_shared>>) dst(%dma_wait3A_1173 : memref<320xf32, #tpu.memory_space<vmem>>)
    %dma_wait3A_1175 = arith.constant 960 : i32
    %dma_wait3A_1176 = tpu.memref_slice %arg20[%dma_wait3A_1175] : memref<5120xf32, #tpu.memory_space<vmem>> -> memref<320xf32, #tpu.memory_space<vmem>>
    %dma_wait3A_1177 = tpu.memref_slice %arg16[%add3A_766] : memref<81920xf32, #tpu.memory_space<vmem_shared>> -> memref<320xf32, #tpu.memory_space<vmem_shared>>
    %dma_wait3A_1178 = arith.constant 960 : i32
    %dma_wait3A_1179 = tpu.memref_slice %arg20[%dma_wait3A_1178] : memref<5120xf32, #tpu.memory_space<vmem>> -> memref<320xf32, #tpu.memory_space<vmem>>
    %dma_wait3A_1180 = tpu.memref_slice %arg16[%add3A_766] : memref<81920xf32, #tpu.memory_space<vmem_shared>> -> memref<320xf32, #tpu.memory_space<vmem_shared>>
    tpu.wait_dma2 semaphore(%arg31 : memref<!tpu.dma_semaphore, #tpu.memory_space<semaphore_mem>>) src(%dma_wait3A_1180 : memref<320xf32, #tpu.memory_space<vmem_shared>>) dst(%dma_wait3A_1179 : memref<320xf32, #tpu.memory_space<vmem>>)
    %dma_wait3A_1181 = arith.constant 1280 : i32
    %dma_wait3A_1182 = tpu.memref_slice %arg20[%dma_wait3A_1181] : memref<5120xf32, #tpu.memory_space<vmem>> -> memref<320xf32, #tpu.memory_space<vmem>>
    %dma_wait3A_1183 = tpu.memref_slice %arg16[%add3A_774] : memref<81920xf32, #tpu.memory_space<vmem_shared>> -> memref<320xf32, #tpu.memory_space<vmem_shared>>
    %dma_wait3A_1184 = arith.constant 1280 : i32
    %dma_wait3A_1185 = tpu.memref_slice %arg20[%dma_wait3A_1184] : memref<5120xf32, #tpu.memory_space<vmem>> -> memref<320xf32, #tpu.memory_space<vmem>>
    %dma_wait3A_1186 = tpu.memref_slice %arg16[%add3A_774] : memref<81920xf32, #tpu.memory_space<vmem_shared>> -> memref<320xf32, #tpu.memory_space<vmem_shared>>
    tpu.wait_dma2 semaphore(%arg31 : memref<!tpu.dma_semaphore, #tpu.memory_space<semaphore_mem>>) src(%dma_wait3A_1186 : memref<320xf32, #tpu.memory_space<vmem_shared>>) dst(%dma_wait3A_1185 : memref<320xf32, #tpu.memory_space<vmem>>)
    %dma_wait3A_1187 = arith.constant 1600 : i32
    %dma_wait3A_1188 = tpu.memref_slice %arg20[%dma_wait3A_1187] : memref<5120xf32, #tpu.memory_space<vmem>> -> memref<320xf32, #tpu.memory_space<vmem>>
    %dma_wait3A_1189 = tpu.memref_slice %arg16[%add3A_782] : memref<81920xf32, #tpu.memory_space<vmem_shared>> -> memref<320xf32, #tpu.memory_space<vmem_shared>>
    %dma_wait3A_1190 = arith.constant 1600 : i32
    %dma_wait3A_1191 = tpu.memref_slice %arg20[%dma_wait3A_1190] : memref<5120xf32, #tpu.memory_space<vmem>> -> memref<320xf32, #tpu.memory_space<vmem>>
    %dma_wait3A_1192 = tpu.memref_slice %arg16[%add3A_782] : memref<81920xf32, #tpu.memory_space<vmem_shared>> -> memref<320xf32, #tpu.memory_space<vmem_shared>>
    tpu.wait_dma2 semaphore(%arg31 : memref<!tpu.dma_semaphore, #tpu.memory_space<semaphore_mem>>) src(%dma_wait3A_1192 : memref<320xf32, #tpu.memory_space<vmem_shared>>) dst(%dma_wait3A_1191 : memref<320xf32, #tpu.memory_space<vmem>>)
    %dma_wait3A_1193 = arith.constant 1920 : i32
    %dma_wait3A_1194 = tpu.memref_slice %arg20[%dma_wait3A_1193] : memref<5120xf32, #tpu.memory_space<vmem>> -> memref<320xf32, #tpu.memory_space<vmem>>
    %dma_wait3A_1195 = tpu.memref_slice %arg16[%add3A_790] : memref<81920xf32, #tpu.memory_space<vmem_shared>> -> memref<320xf32, #tpu.memory_space<vmem_shared>>
    %dma_wait3A_1196 = arith.constant 1920 : i32
    %dma_wait3A_1197 = tpu.memref_slice %arg20[%dma_wait3A_1196] : memref<5120xf32, #tpu.memory_space<vmem>> -> memref<320xf32, #tpu.memory_space<vmem>>
    %dma_wait3A_1198 = tpu.memref_slice %arg16[%add3A_790] : memref<81920xf32, #tpu.memory_space<vmem_shared>> -> memref<320xf32, #tpu.memory_space<vmem_shared>>
    tpu.wait_dma2 semaphore(%arg31 : memref<!tpu.dma_semaphore, #tpu.memory_space<semaphore_mem>>) src(%dma_wait3A_1198 : memref<320xf32, #tpu.memory_space<vmem_shared>>) dst(%dma_wait3A_1197 : memref<320xf32, #tpu.memory_space<vmem>>)
    %dma_wait3A_1199 = arith.constant 2240 : i32
    %dma_wait3A_1200 = tpu.memref_slice %arg20[%dma_wait3A_1199] : memref<5120xf32, #tpu.memory_space<vmem>> -> memref<320xf32, #tpu.memory_space<vmem>>
    %dma_wait3A_1201 = tpu.memref_slice %arg16[%add3A_798] : memref<81920xf32, #tpu.memory_space<vmem_shared>> -> memref<320xf32, #tpu.memory_space<vmem_shared>>
    %dma_wait3A_1202 = arith.constant 2240 : i32
    %dma_wait3A_1203 = tpu.memref_slice %arg20[%dma_wait3A_1202] : memref<5120xf32, #tpu.memory_space<vmem>> -> memref<320xf32, #tpu.memory_space<vmem>>
    %dma_wait3A_1204 = tpu.memref_slice %arg16[%add3A_798] : memref<81920xf32, #tpu.memory_space<vmem_shared>> -> memref<320xf32, #tpu.memory_space<vmem_shared>>
    tpu.wait_dma2 semaphore(%arg31 : memref<!tpu.dma_semaphore, #tpu.memory_space<semaphore_mem>>) src(%dma_wait3A_1204 : memref<320xf32, #tpu.memory_space<vmem_shared>>) dst(%dma_wait3A_1203 : memref<320xf32, #tpu.memory_space<vmem>>)
    %dma_wait3A_1205 = arith.constant 2560 : i32
    %dma_wait3A_1206 = tpu.memref_slice %arg20[%dma_wait3A_1205] : memref<5120xf32, #tpu.memory_space<vmem>> -> memref<320xf32, #tpu.memory_space<vmem>>
    %dma_wait3A_1207 = tpu.memref_slice %arg16[%add3A_806] : memref<81920xf32, #tpu.memory_space<vmem_shared>> -> memref<320xf32, #tpu.memory_space<vmem_shared>>
    %dma_wait3A_1208 = arith.constant 2560 : i32
    %dma_wait3A_1209 = tpu.memref_slice %arg20[%dma_wait3A_1208] : memref<5120xf32, #tpu.memory_space<vmem>> -> memref<320xf32, #tpu.memory_space<vmem>>
    %dma_wait3A_1210 = tpu.memref_slice %arg16[%add3A_806] : memref<81920xf32, #tpu.memory_space<vmem_shared>> -> memref<320xf32, #tpu.memory_space<vmem_shared>>
    tpu.wait_dma2 semaphore(%arg31 : memref<!tpu.dma_semaphore, #tpu.memory_space<semaphore_mem>>) src(%dma_wait3A_1210 : memref<320xf32, #tpu.memory_space<vmem_shared>>) dst(%dma_wait3A_1209 : memref<320xf32, #tpu.memory_space<vmem>>)
    %dma_wait3A_1211 = arith.constant 2880 : i32
    %dma_wait3A_1212 = tpu.memref_slice %arg20[%dma_wait3A_1211] : memref<5120xf32, #tpu.memory_space<vmem>> -> memref<320xf32, #tpu.memory_space<vmem>>
    %dma_wait3A_1213 = tpu.memref_slice %arg16[%add3A_814] : memref<81920xf32, #tpu.memory_space<vmem_shared>> -> memref<320xf32, #tpu.memory_space<vmem_shared>>
    %dma_wait3A_1214 = arith.constant 2880 : i32
    %dma_wait3A_1215 = tpu.memref_slice %arg20[%dma_wait3A_1214] : memref<5120xf32, #tpu.memory_space<vmem>> -> memref<320xf32, #tpu.memory_space<vmem>>
    %dma_wait3A_1216 = tpu.memref_slice %arg16[%add3A_814] : memref<81920xf32, #tpu.memory_space<vmem_shared>> -> memref<320xf32, #tpu.memory_space<vmem_shared>>
    tpu.wait_dma2 semaphore(%arg31 : memref<!tpu.dma_semaphore, #tpu.memory_space<semaphore_mem>>) src(%dma_wait3A_1216 : memref<320xf32, #tpu.memory_space<vmem_shared>>) dst(%dma_wait3A_1215 : memref<320xf32, #tpu.memory_space<vmem>>)
    %dma_wait3A_1217 = arith.constant 3200 : i32
    %dma_wait3A_1218 = tpu.memref_slice %arg20[%dma_wait3A_1217] : memref<5120xf32, #tpu.memory_space<vmem>> -> memref<320xf32, #tpu.memory_space<vmem>>
    %dma_wait3A_1219 = tpu.memref_slice %arg16[%add3A_822] : memref<81920xf32, #tpu.memory_space<vmem_shared>> -> memref<320xf32, #tpu.memory_space<vmem_shared>>
    %dma_wait3A_1220 = arith.constant 3200 : i32
    %dma_wait3A_1221 = tpu.memref_slice %arg20[%dma_wait3A_1220] : memref<5120xf32, #tpu.memory_space<vmem>> -> memref<320xf32, #tpu.memory_space<vmem>>
    %dma_wait3A_1222 = tpu.memref_slice %arg16[%add3A_822] : memref<81920xf32, #tpu.memory_space<vmem_shared>> -> memref<320xf32, #tpu.memory_space<vmem_shared>>
    tpu.wait_dma2 semaphore(%arg31 : memref<!tpu.dma_semaphore, #tpu.memory_space<semaphore_mem>>) src(%dma_wait3A_1222 : memref<320xf32, #tpu.memory_space<vmem_shared>>) dst(%dma_wait3A_1221 : memref<320xf32, #tpu.memory_space<vmem>>)
    %dma_wait3A_1223 = arith.constant 3520 : i32
    %dma_wait3A_1224 = tpu.memref_slice %arg20[%dma_wait3A_1223] : memref<5120xf32, #tpu.memory_space<vmem>> -> memref<320xf32, #tpu.memory_space<vmem>>
    %dma_wait3A_1225 = tpu.memref_slice %arg16[%add3A_830] : memref<81920xf32, #tpu.memory_space<vmem_shared>> -> memref<320xf32, #tpu.memory_space<vmem_shared>>
    %dma_wait3A_1226 = arith.constant 3520 : i32
    %dma_wait3A_1227 = tpu.memref_slice %arg20[%dma_wait3A_1226] : memref<5120xf32, #tpu.memory_space<vmem>> -> memref<320xf32, #tpu.memory_space<vmem>>
    %dma_wait3A_1228 = tpu.memref_slice %arg16[%add3A_830] : memref<81920xf32, #tpu.memory_space<vmem_shared>> -> memref<320xf32, #tpu.memory_space<vmem_shared>>
    tpu.wait_dma2 semaphore(%arg31 : memref<!tpu.dma_semaphore, #tpu.memory_space<semaphore_mem>>) src(%dma_wait3A_1228 : memref<320xf32, #tpu.memory_space<vmem_shared>>) dst(%dma_wait3A_1227 : memref<320xf32, #tpu.memory_space<vmem>>)
    %dma_wait3A_1229 = arith.constant 3840 : i32
    %dma_wait3A_1230 = tpu.memref_slice %arg20[%dma_wait3A_1229] : memref<5120xf32, #tpu.memory_space<vmem>> -> memref<320xf32, #tpu.memory_space<vmem>>
    %dma_wait3A_1231 = tpu.memref_slice %arg16[%add3A_838] : memref<81920xf32, #tpu.memory_space<vmem_shared>> -> memref<320xf32, #tpu.memory_space<vmem_shared>>
    %dma_wait3A_1232 = arith.constant 3840 : i32
    %dma_wait3A_1233 = tpu.memref_slice %arg20[%dma_wait3A_1232] : memref<5120xf32, #tpu.memory_space<vmem>> -> memref<320xf32, #tpu.memory_space<vmem>>
    %dma_wait3A_1234 = tpu.memref_slice %arg16[%add3A_838] : memref<81920xf32, #tpu.memory_space<vmem_shared>> -> memref<320xf32, #tpu.memory_space<vmem_shared>>
    tpu.wait_dma2 semaphore(%arg31 : memref<!tpu.dma_semaphore, #tpu.memory_space<semaphore_mem>>) src(%dma_wait3A_1234 : memref<320xf32, #tpu.memory_space<vmem_shared>>) dst(%dma_wait3A_1233 : memref<320xf32, #tpu.memory_space<vmem>>)
    %dma_wait3A_1235 = arith.constant 4160 : i32
    %dma_wait3A_1236 = tpu.memref_slice %arg20[%dma_wait3A_1235] : memref<5120xf32, #tpu.memory_space<vmem>> -> memref<320xf32, #tpu.memory_space<vmem>>
    %dma_wait3A_1237 = tpu.memref_slice %arg16[%add3A_846] : memref<81920xf32, #tpu.memory_space<vmem_shared>> -> memref<320xf32, #tpu.memory_space<vmem_shared>>
    %dma_wait3A_1238 = arith.constant 4160 : i32
    %dma_wait3A_1239 = tpu.memref_slice %arg20[%dma_wait3A_1238] : memref<5120xf32, #tpu.memory_space<vmem>> -> memref<320xf32, #tpu.memory_space<vmem>>
    %dma_wait3A_1240 = tpu.memref_slice %arg16[%add3A_846] : memref<81920xf32, #tpu.memory_space<vmem_shared>> -> memref<320xf32, #tpu.memory_space<vmem_shared>>
    tpu.wait_dma2 semaphore(%arg31 : memref<!tpu.dma_semaphore, #tpu.memory_space<semaphore_mem>>) src(%dma_wait3A_1240 : memref<320xf32, #tpu.memory_space<vmem_shared>>) dst(%dma_wait3A_1239 : memref<320xf32, #tpu.memory_space<vmem>>)
    %dma_wait3A_1241 = arith.constant 4480 : i32
    %dma_wait3A_1242 = tpu.memref_slice %arg20[%dma_wait3A_1241] : memref<5120xf32, #tpu.memory_space<vmem>> -> memref<320xf32, #tpu.memory_space<vmem>>
    %dma_wait3A_1243 = tpu.memref_slice %arg16[%add3A_854] : memref<81920xf32, #tpu.memory_space<vmem_shared>> -> memref<320xf32, #tpu.memory_space<vmem_shared>>
    %dma_wait3A_1244 = arith.constant 4480 : i32
    %dma_wait3A_1245 = tpu.memref_slice %arg20[%dma_wait3A_1244] : memref<5120xf32, #tpu.memory_space<vmem>> -> memref<320xf32, #tpu.memory_space<vmem>>
    %dma_wait3A_1246 = tpu.memref_slice %arg16[%add3A_854] : memref<81920xf32, #tpu.memory_space<vmem_shared>> -> memref<320xf32, #tpu.memory_space<vmem_shared>>
    tpu.wait_dma2 semaphore(%arg31 : memref<!tpu.dma_semaphore, #tpu.memory_space<semaphore_mem>>) src(%dma_wait3A_1246 : memref<320xf32, #tpu.memory_space<vmem_shared>>) dst(%dma_wait3A_1245 : memref<320xf32, #tpu.memory_space<vmem>>)
    %dma_wait3A_1247 = arith.constant 4800 : i32
    %dma_wait3A_1248 = tpu.memref_slice %arg20[%dma_wait3A_1247] : memref<5120xf32, #tpu.memory_space<vmem>> -> memref<320xf32, #tpu.memory_space<vmem>>
    %dma_wait3A_1249 = tpu.memref_slice %arg16[%add3A_862] : memref<81920xf32, #tpu.memory_space<vmem_shared>> -> memref<320xf32, #tpu.memory_space<vmem_shared>>
    %dma_wait3A_1250 = arith.constant 4800 : i32
    %dma_wait3A_1251 = tpu.memref_slice %arg20[%dma_wait3A_1250] : memref<5120xf32, #tpu.memory_space<vmem>> -> memref<320xf32, #tpu.memory_space<vmem>>
    %dma_wait3A_1252 = tpu.memref_slice %arg16[%add3A_862] : memref<81920xf32, #tpu.memory_space<vmem_shared>> -> memref<320xf32, #tpu.memory_space<vmem_shared>>
    tpu.wait_dma2 semaphore(%arg31 : memref<!tpu.dma_semaphore, #tpu.memory_space<semaphore_mem>>) src(%dma_wait3A_1252 : memref<320xf32, #tpu.memory_space<vmem_shared>>) dst(%dma_wait3A_1251 : memref<320xf32, #tpu.memory_space<vmem>>)
    %scan3A_1253 = arith.constant 0 : i32
    %scan3A_1254 = arith.constant 0 : i32
    %scan3A_1255 = arith.constant 20 : i32
    %scan3A_1256 = arith.addi %scan3A_1254, %scan3A_1255 : i32
    %scan3A_1257 = arith.constant 1 : i32
    scf.for %scan3A_1275 = %scan3A_1254 to %scan3A_1256 step %scan3A_1257  : i32 {
      %mul3A_1276 = arith.constant 16 : i32
      %mul3A_1277 = arith.muli %scan3A_1275, %mul3A_1276 : i32
      %get3A = arith.index_cast %mul3A_1277 : i32 to index
      %get3A_1278 = tpu.vector_load %arg17[%get3A] {strides = array<i32>} : memref<5120xf32, #tpu.memory_space<vmem>>, vector<16xf32>,
      %get3A_1279 = arith.index_cast %mul3A_1277 : i32 to index
      %get3A_1280 = tpu.vector_load %arg18[%get3A_1279] {strides = array<i32>} : memref<5120xf32, #tpu.memory_space<vmem>>, vector<16xf32>,
      %get3A_1281 = arith.index_cast %mul3A_1277 : i32 to index
      %get3A_1282 = tpu.vector_load %arg19[%get3A_1281] {strides = array<i32>} : memref<5120xf32, #tpu.memory_space<vmem>>, vector<16xf32>,
      %get3A_1283 = arith.index_cast %mul3A_1277 : i32 to index
      %get3A_1284 = tpu.vector_load %arg20[%get3A_1283] {strides = array<i32>} : memref<5120xf32, #tpu.memory_space<vmem>>, vector<16xf32>,
      %add3A_1285 = arith.constant 320 : i32
      %add3A_1286 = arith.addi %add3A_1285, %mul3A_1277 : i32
      %get3A_1287 = arith.index_cast %add3A_1286 : i32 to index
      %get3A_1288 = tpu.vector_load %arg17[%get3A_1287] {strides = array<i32>} : memref<5120xf32, #tpu.memory_space<vmem>>, vector<16xf32>,
      %add3A_1289 = arith.addf %get3A_1278, %get3A_1288 : vector<16xf32>
      %add3A_1290 = arith.constant 320 : i32
      %add3A_1291 = arith.addi %add3A_1290, %mul3A_1277 : i32
      %get3A_1292 = arith.index_cast %add3A_1291 : i32 to index
      %get3A_1293 = tpu.vector_load %arg18[%get3A_1292] {strides = array<i32>} : memref<5120xf32, #tpu.memory_space<vmem>>, vector<16xf32>,
      %add3A_1294 = arith.addf %get3A_1280, %get3A_1293 : vector<16xf32>
      %add3A_1295 = arith.constant 320 : i32
      %add3A_1296 = arith.addi %add3A_1295, %mul3A_1277 : i32
      %get3A_1297 = arith.index_cast %add3A_1296 : i32 to index
      %get3A_1298 = tpu.vector_load %arg19[%get3A_1297] {strides = array<i32>} : memref<5120xf32, #tpu.memory_space<vmem>>, vector<16xf32>,
      %add3A_1299 = arith.addf %get3A_1282, %get3A_1298 : vector<16xf32>
      %add3A_1300 = arith.constant 320 : i32
      %add3A_1301 = arith.addi %add3A_1300, %mul3A_1277 : i32
      %get3A_1302 = arith.index_cast %add3A_1301 : i32 to index
      %get3A_1303 = tpu.vector_load %arg20[%get3A_1302] {strides = array<i32>} : memref<5120xf32, #tpu.memory_space<vmem>>, vector<16xf32>,
      %add3A_1304 = arith.addf %get3A_1284, %get3A_1303 : vector<16xf32>
      %add3A_1305 = arith.constant 640 : i32
      %add3A_1306 = arith.addi %add3A_1305, %mul3A_1277 : i32
      %get3A_1307 = arith.index_cast %add3A_1306 : i32 to index
      %get3A_1308 = tpu.vector_load %arg17[%get3A_1307] {strides = array<i32>} : memref<5120xf32, #tpu.memory_space<vmem>>, vector<16xf32>,
      %add3A_1309 = arith.addf %add3A_1289, %get3A_1308 : vector<16xf32>
      %add3A_1310 = arith.constant 640 : i32
      %add3A_1311 = arith.addi %add3A_1310, %mul3A_1277 : i32
      %get3A_1312 = arith.index_cast %add3A_1311 : i32 to index
      %get3A_1313 = tpu.vector_load %arg18[%get3A_1312] {strides = array<i32>} : memref<5120xf32, #tpu.memory_space<vmem>>, vector<16xf32>,
      %add3A_1314 = arith.addf %add3A_1294, %get3A_1313 : vector<16xf32>
      %add3A_1315 = arith.constant 640 : i32
      %add3A_1316 = arith.addi %add3A_1315, %mul3A_1277 : i32
      %get3A_1317 = arith.index_cast %add3A_1316 : i32 to index
      %get3A_1318 = tpu.vector_load %arg19[%get3A_1317] {strides = array<i32>} : memref<5120xf32, #tpu.memory_space<vmem>>, vector<16xf32>,
      %add3A_1319 = arith.addf %add3A_1299, %get3A_1318 : vector<16xf32>
      %add3A_1320 = arith.constant 640 : i32
      %add3A_1321 = arith.addi %add3A_1320, %mul3A_1277 : i32
      %get3A_1322 = arith.index_cast %add3A_1321 : i32 to index
      %get3A_1323 = tpu.vector_load %arg20[%get3A_1322] {strides = array<i32>} : memref<5120xf32, #tpu.memory_space<vmem>>, vector<16xf32>,
      %add3A_1324 = arith.addf %add3A_1304, %get3A_1323 : vector<16xf32>
      %add3A_1325 = arith.constant 960 : i32
      %add3A_1326 = arith.addi %add3A_1325, %mul3A_1277 : i32
      %get3A_1327 = arith.index_cast %add3A_1326 : i32 to index
      %get3A_1328 = tpu.vector_load %arg17[%get3A_1327] {strides = array<i32>} : memref<5120xf32, #tpu.memory_space<vmem>>, vector<16xf32>,
      %add3A_1329 = arith.addf %add3A_1309, %get3A_1328 : vector<16xf32>
      %add3A_1330 = arith.constant 960 : i32
      %add3A_1331 = arith.addi %add3A_1330, %mul3A_1277 : i32
      %get3A_1332 = arith.index_cast %add3A_1331 : i32 to index
      %get3A_1333 = tpu.vector_load %arg18[%get3A_1332] {strides = array<i32>} : memref<5120xf32, #tpu.memory_space<vmem>>, vector<16xf32>,
      %add3A_1334 = arith.addf %add3A_1314, %get3A_1333 : vector<16xf32>
      %add3A_1335 = arith.constant 960 : i32
      %add3A_1336 = arith.addi %add3A_1335, %mul3A_1277 : i32
      %get3A_1337 = arith.index_cast %add3A_1336 : i32 to index
      %get3A_1338 = tpu.vector_load %arg19[%get3A_1337] {strides = array<i32>} : memref<5120xf32, #tpu.memory_space<vmem>>, vector<16xf32>,
      %add3A_1339 = arith.addf %add3A_1319, %get3A_1338 : vector<16xf32>
      %add3A_1340 = arith.constant 960 : i32
      %add3A_1341 = arith.addi %add3A_1340, %mul3A_1277 : i32
      %get3A_1342 = arith.index_cast %add3A_1341 : i32 to index
      %get3A_1343 = tpu.vector_load %arg20[%get3A_1342] {strides = array<i32>} : memref<5120xf32, #tpu.memory_space<vmem>>, vector<16xf32>,
      %add3A_1344 = arith.addf %add3A_1324, %get3A_1343 : vector<16xf32>
      %add3A_1345 = arith.constant 1280 : i32
      %add3A_1346 = arith.addi %add3A_1345, %mul3A_1277 : i32
      %get3A_1347 = arith.index_cast %add3A_1346 : i32 to index
      %get3A_1348 = tpu.vector_load %arg17[%get3A_1347] {strides = array<i32>} : memref<5120xf32, #tpu.memory_space<vmem>>, vector<16xf32>,
      %add3A_1349 = arith.addf %add3A_1329, %get3A_1348 : vector<16xf32>
      %add3A_1350 = arith.constant 1280 : i32
      %add3A_1351 = arith.addi %add3A_1350, %mul3A_1277 : i32
      %get3A_1352 = arith.index_cast %add3A_1351 : i32 to index
      %get3A_1353 = tpu.vector_load %arg18[%get3A_1352] {strides = array<i32>} : memref<5120xf32, #tpu.memory_space<vmem>>, vector<16xf32>,
      %add3A_1354 = arith.addf %add3A_1334, %get3A_1353 : vector<16xf32>
      %add3A_1355 = arith.constant 1280 : i32
      %add3A_1356 = arith.addi %add3A_1355, %mul3A_1277 : i32
      %get3A_1357 = arith.index_cast %add3A_1356 : i32 to index
      %get3A_1358 = tpu.vector_load %arg19[%get3A_1357] {strides = array<i32>} : memref<5120xf32, #tpu.memory_space<vmem>>, vector<16xf32>,
      %add3A_1359 = arith.addf %add3A_1339, %get3A_1358 : vector<16xf32>
      %add3A_1360 = arith.constant 1280 : i32
      %add3A_1361 = arith.addi %add3A_1360, %mul3A_1277 : i32
      %get3A_1362 = arith.index_cast %add3A_1361 : i32 to index
      %get3A_1363 = tpu.vector_load %arg20[%get3A_1362] {strides = array<i32>} : memref<5120xf32, #tpu.memory_space<vmem>>, vector<16xf32>,
      %add3A_1364 = arith.addf %add3A_1344, %get3A_1363 : vector<16xf32>
      %add3A_1365 = arith.constant 1600 : i32
      %add3A_1366 = arith.addi %add3A_1365, %mul3A_1277 : i32
      %get3A_1367 = arith.index_cast %add3A_1366 : i32 to index
      %get3A_1368 = tpu.vector_load %arg17[%get3A_1367] {strides = array<i32>} : memref<5120xf32, #tpu.memory_space<vmem>>, vector<16xf32>,
      %add3A_1369 = arith.addf %add3A_1349, %get3A_1368 : vector<16xf32>
      %add3A_1370 = arith.constant 1600 : i32
      %add3A_1371 = arith.addi %add3A_1370, %mul3A_1277 : i32
      %get3A_1372 = arith.index_cast %add3A_1371 : i32 to index
      %get3A_1373 = tpu.vector_load %arg18[%get3A_1372] {strides = array<i32>} : memref<5120xf32, #tpu.memory_space<vmem>>, vector<16xf32>,
      %add3A_1374 = arith.addf %add3A_1354, %get3A_1373 : vector<16xf32>
      %add3A_1375 = arith.constant 1600 : i32
      %add3A_1376 = arith.addi %add3A_1375, %mul3A_1277 : i32
      %get3A_1377 = arith.index_cast %add3A_1376 : i32 to index
      %get3A_1378 = tpu.vector_load %arg19[%get3A_1377] {strides = array<i32>} : memref<5120xf32, #tpu.memory_space<vmem>>, vector<16xf32>,
      %add3A_1379 = arith.addf %add3A_1359, %get3A_1378 : vector<16xf32>
      %add3A_1380 = arith.constant 1600 : i32
      %add3A_1381 = arith.addi %add3A_1380, %mul3A_1277 : i32
      %get3A_1382 = arith.index_cast %add3A_1381 : i32 to index
      %get3A_1383 = tpu.vector_load %arg20[%get3A_1382] {strides = array<i32>} : memref<5120xf32, #tpu.memory_space<vmem>>, vector<16xf32>,
      %add3A_1384 = arith.addf %add3A_1364, %get3A_1383 : vector<16xf32>
      %add3A_1385 = arith.constant 1920 : i32
      %add3A_1386 = arith.addi %add3A_1385, %mul3A_1277 : i32
      %get3A_1387 = arith.index_cast %add3A_1386 : i32 to index
      %get3A_1388 = tpu.vector_load %arg17[%get3A_1387] {strides = array<i32>} : memref<5120xf32, #tpu.memory_space<vmem>>, vector<16xf32>,
      %add3A_1389 = arith.addf %add3A_1369, %get3A_1388 : vector<16xf32>
      %add3A_1390 = arith.constant 1920 : i32
      %add3A_1391 = arith.addi %add3A_1390, %mul3A_1277 : i32
      %get3A_1392 = arith.index_cast %add3A_1391 : i32 to index
      %get3A_1393 = tpu.vector_load %arg18[%get3A_1392] {strides = array<i32>} : memref<5120xf32, #tpu.memory_space<vmem>>, vector<16xf32>,
      %add3A_1394 = arith.addf %add3A_1374, %get3A_1393 : vector<16xf32>
      %add3A_1395 = arith.constant 1920 : i32
      %add3A_1396 = arith.addi %add3A_1395, %mul3A_1277 : i32
      %get3A_1397 = arith.index_cast %add3A_1396 : i32 to index
      %get3A_1398 = tpu.vector_load %arg19[%get3A_1397] {strides = array<i32>} : memref<5120xf32, #tpu.memory_space<vmem>>, vector<16xf32>,
      %add3A_1399 = arith.addf %add3A_1379, %get3A_1398 : vector<16xf32>
      %add3A_1400 = arith.constant 1920 : i32
      %add3A_1401 = arith.addi %add3A_1400, %mul3A_1277 : i32
      %get3A_1402 = arith.index_cast %add3A_1401 : i32 to index
      %get3A_1403 = tpu.vector_load %arg20[%get3A_1402] {strides = array<i32>} : memref<5120xf32, #tpu.memory_space<vmem>>, vector<16xf32>,
      %add3A_1404 = arith.addf %add3A_1384, %get3A_1403 : vector<16xf32>
      %add3A_1405 = arith.constant 2240 : i32
      %add3A_1406 = arith.addi %add3A_1405, %mul3A_1277 : i32
      %get3A_1407 = arith.index_cast %add3A_1406 : i32 to index
      %get3A_1408 = tpu.vector_load %arg17[%get3A_1407] {strides = array<i32>} : memref<5120xf32, #tpu.memory_space<vmem>>, vector<16xf32>,
      %add3A_1409 = arith.addf %add3A_1389, %get3A_1408 : vector<16xf32>
      %add3A_1410 = arith.constant 2240 : i32
      %add3A_1411 = arith.addi %add3A_1410, %mul3A_1277 : i32
      %get3A_1412 = arith.index_cast %add3A_1411 : i32 to index
      %get3A_1413 = tpu.vector_load %arg18[%get3A_1412] {strides = array<i32>} : memref<5120xf32, #tpu.memory_space<vmem>>, vector<16xf32>,
      %add3A_1414 = arith.addf %add3A_1394, %get3A_1413 : vector<16xf32>
      %add3A_1415 = arith.constant 2240 : i32
      %add3A_1416 = arith.addi %add3A_1415, %mul3A_1277 : i32
      %get3A_1417 = arith.index_cast %add3A_1416 : i32 to index
      %get3A_1418 = tpu.vector_load %arg19[%get3A_1417] {strides = array<i32>} : memref<5120xf32, #tpu.memory_space<vmem>>, vector<16xf32>,
      %add3A_1419 = arith.addf %add3A_1399, %get3A_1418 : vector<16xf32>
      %add3A_1420 = arith.constant 2240 : i32
      %add3A_1421 = arith.addi %add3A_1420, %mul3A_1277 : i32
      %get3A_1422 = arith.index_cast %add3A_1421 : i32 to index
      %get3A_1423 = tpu.vector_load %arg20[%get3A_1422] {strides = array<i32>} : memref<5120xf32, #tpu.memory_space<vmem>>, vector<16xf32>,
      %add3A_1424 = arith.addf %add3A_1404, %get3A_1423 : vector<16xf32>
      %add3A_1425 = arith.constant 2560 : i32
      %add3A_1426 = arith.addi %add3A_1425, %mul3A_1277 : i32
      %get3A_1427 = arith.index_cast %add3A_1426 : i32 to index
      %get3A_1428 = tpu.vector_load %arg17[%get3A_1427] {strides = array<i32>} : memref<5120xf32, #tpu.memory_space<vmem>>, vector<16xf32>,
      %add3A_1429 = arith.addf %add3A_1409, %get3A_1428 : vector<16xf32>
      %add3A_1430 = arith.constant 2560 : i32
      %add3A_1431 = arith.addi %add3A_1430, %mul3A_1277 : i32
      %get3A_1432 = arith.index_cast %add3A_1431 : i32 to index
      %get3A_1433 = tpu.vector_load %arg18[%get3A_1432] {strides = array<i32>} : memref<5120xf32, #tpu.memory_space<vmem>>, vector<16xf32>,
      %add3A_1434 = arith.addf %add3A_1414, %get3A_1433 : vector<16xf32>
      %add3A_1435 = arith.constant 2560 : i32
      %add3A_1436 = arith.addi %add3A_1435, %mul3A_1277 : i32
      %get3A_1437 = arith.index_cast %add3A_1436 : i32 to index
      %get3A_1438 = tpu.vector_load %arg19[%get3A_1437] {strides = array<i32>} : memref<5120xf32, #tpu.memory_space<vmem>>, vector<16xf32>,
      %add3A_1439 = arith.addf %add3A_1419, %get3A_1438 : vector<16xf32>
      %add3A_1440 = arith.constant 2560 : i32
      %add3A_1441 = arith.addi %add3A_1440, %mul3A_1277 : i32
      %get3A_1442 = arith.index_cast %add3A_1441 : i32 to index
      %get3A_1443 = tpu.vector_load %arg20[%get3A_1442] {strides = array<i32>} : memref<5120xf32, #tpu.memory_space<vmem>>, vector<16xf32>,
      %add3A_1444 = arith.addf %add3A_1424, %get3A_1443 : vector<16xf32>
      %add3A_1445 = arith.constant 2880 : i32
      %add3A_1446 = arith.addi %add3A_1445, %mul3A_1277 : i32
      %get3A_1447 = arith.index_cast %add3A_1446 : i32 to index
      %get3A_1448 = tpu.vector_load %arg17[%get3A_1447] {strides = array<i32>} : memref<5120xf32, #tpu.memory_space<vmem>>, vector<16xf32>,
      %add3A_1449 = arith.addf %add3A_1429, %get3A_1448 : vector<16xf32>
      %add3A_1450 = arith.constant 2880 : i32
      %add3A_1451 = arith.addi %add3A_1450, %mul3A_1277 : i32
      %get3A_1452 = arith.index_cast %add3A_1451 : i32 to index
      %get3A_1453 = tpu.vector_load %arg18[%get3A_1452] {strides = array<i32>} : memref<5120xf32, #tpu.memory_space<vmem>>, vector<16xf32>,
      %add3A_1454 = arith.addf %add3A_1434, %get3A_1453 : vector<16xf32>
      %add3A_1455 = arith.constant 2880 : i32
      %add3A_1456 = arith.addi %add3A_1455, %mul3A_1277 : i32
      %get3A_1457 = arith.index_cast %add3A_1456 : i32 to index
      %get3A_1458 = tpu.vector_load %arg19[%get3A_1457] {strides = array<i32>} : memref<5120xf32, #tpu.memory_space<vmem>>, vector<16xf32>,
      %add3A_1459 = arith.addf %add3A_1439, %get3A_1458 : vector<16xf32>
      %add3A_1460 = arith.constant 2880 : i32
      %add3A_1461 = arith.addi %add3A_1460, %mul3A_1277 : i32
      %get3A_1462 = arith.index_cast %add3A_1461 : i32 to index
      %get3A_1463 = tpu.vector_load %arg20[%get3A_1462] {strides = array<i32>} : memref<5120xf32, #tpu.memory_space<vmem>>, vector<16xf32>,
      %add3A_1464 = arith.addf %add3A_1444, %get3A_1463 : vector<16xf32>
      %add3A_1465 = arith.constant 3200 : i32
      %add3A_1466 = arith.addi %add3A_1465, %mul3A_1277 : i32
      %get3A_1467 = arith.index_cast %add3A_1466 : i32 to index
      %get3A_1468 = tpu.vector_load %arg17[%get3A_1467] {strides = array<i32>} : memref<5120xf32, #tpu.memory_space<vmem>>, vector<16xf32>,
      %add3A_1469 = arith.addf %add3A_1449, %get3A_1468 : vector<16xf32>
      %add3A_1470 = arith.constant 3200 : i32
      %add3A_1471 = arith.addi %add3A_1470, %mul3A_1277 : i32
      %get3A_1472 = arith.index_cast %add3A_1471 : i32 to index
      %get3A_1473 = tpu.vector_load %arg18[%get3A_1472] {strides = array<i32>} : memref<5120xf32, #tpu.memory_space<vmem>>, vector<16xf32>,
      %add3A_1474 = arith.addf %add3A_1454, %get3A_1473 : vector<16xf32>
      %add3A_1475 = arith.constant 3200 : i32
      %add3A_1476 = arith.addi %add3A_1475, %mul3A_1277 : i32
      %get3A_1477 = arith.index_cast %add3A_1476 : i32 to index
      %get3A_1478 = tpu.vector_load %arg19[%get3A_1477] {strides = array<i32>} : memref<5120xf32, #tpu.memory_space<vmem>>, vector<16xf32>,
      %add3A_1479 = arith.addf %add3A_1459, %get3A_1478 : vector<16xf32>
      %add3A_1480 = arith.constant 3200 : i32
      %add3A_1481 = arith.addi %add3A_1480, %mul3A_1277 : i32
      %get3A_1482 = arith.index_cast %add3A_1481 : i32 to index
      %get3A_1483 = tpu.vector_load %arg20[%get3A_1482] {strides = array<i32>} : memref<5120xf32, #tpu.memory_space<vmem>>, vector<16xf32>,
      %add3A_1484 = arith.addf %add3A_1464, %get3A_1483 : vector<16xf32>
      %add3A_1485 = arith.constant 3520 : i32
      %add3A_1486 = arith.addi %add3A_1485, %mul3A_1277 : i32
      %get3A_1487 = arith.index_cast %add3A_1486 : i32 to index
      %get3A_1488 = tpu.vector_load %arg17[%get3A_1487] {strides = array<i32>} : memref<5120xf32, #tpu.memory_space<vmem>>, vector<16xf32>,
      %add3A_1489 = arith.addf %add3A_1469, %get3A_1488 : vector<16xf32>
      %add3A_1490 = arith.constant 3520 : i32
      %add3A_1491 = arith.addi %add3A_1490, %mul3A_1277 : i32
      %get3A_1492 = arith.index_cast %add3A_1491 : i32 to index
      %get3A_1493 = tpu.vector_load %arg18[%get3A_1492] {strides = array<i32>} : memref<5120xf32, #tpu.memory_space<vmem>>, vector<16xf32>,
      %add3A_1494 = arith.addf %add3A_1474, %get3A_1493 : vector<16xf32>
      %add3A_1495 = arith.constant 3520 : i32
      %add3A_1496 = arith.addi %add3A_1495, %mul3A_1277 : i32
      %get3A_1497 = arith.index_cast %add3A_1496 : i32 to index
      %get3A_1498 = tpu.vector_load %arg19[%get3A_1497] {strides = array<i32>} : memref<5120xf32, #tpu.memory_space<vmem>>, vector<16xf32>,
      %add3A_1499 = arith.addf %add3A_1479, %get3A_1498 : vector<16xf32>
      %add3A_1500 = arith.constant 3520 : i32
      %add3A_1501 = arith.addi %add3A_1500, %mul3A_1277 : i32
      %get3A_1502 = arith.index_cast %add3A_1501 : i32 to index
      %get3A_1503 = tpu.vector_load %arg20[%get3A_1502] {strides = array<i32>} : memref<5120xf32, #tpu.memory_space<vmem>>, vector<16xf32>,
      %add3A_1504 = arith.addf %add3A_1484, %get3A_1503 : vector<16xf32>
      %add3A_1505 = arith.constant 3840 : i32
      %add3A_1506 = arith.addi %add3A_1505, %mul3A_1277 : i32
      %get3A_1507 = arith.index_cast %add3A_1506 : i32 to index
      %get3A_1508 = tpu.vector_load %arg17[%get3A_1507] {strides = array<i32>} : memref<5120xf32, #tpu.memory_space<vmem>>, vector<16xf32>,
      %add3A_1509 = arith.addf %add3A_1489, %get3A_1508 : vector<16xf32>
      %add3A_1510 = arith.constant 3840 : i32
      %add3A_1511 = arith.addi %add3A_1510, %mul3A_1277 : i32
      %get3A_1512 = arith.index_cast %add3A_1511 : i32 to index
      %get3A_1513 = tpu.vector_load %arg18[%get3A_1512] {strides = array<i32>} : memref<5120xf32, #tpu.memory_space<vmem>>, vector<16xf32>,
      %add3A_1514 = arith.addf %add3A_1494, %get3A_1513 : vector<16xf32>
      %add3A_1515 = arith.constant 3840 : i32
      %add3A_1516 = arith.addi %add3A_1515, %mul3A_1277 : i32
      %get3A_1517 = arith.index_cast %add3A_1516 : i32 to index
      %get3A_1518 = tpu.vector_load %arg19[%get3A_1517] {strides = array<i32>} : memref<5120xf32, #tpu.memory_space<vmem>>, vector<16xf32>,
      %add3A_1519 = arith.addf %add3A_1499, %get3A_1518 : vector<16xf32>
      %add3A_1520 = arith.constant 3840 : i32
      %add3A_1521 = arith.addi %add3A_1520, %mul3A_1277 : i32
      %get3A_1522 = arith.index_cast %add3A_1521 : i32 to index
      %get3A_1523 = tpu.vector_load %arg20[%get3A_1522] {strides = array<i32>} : memref<5120xf32, #tpu.memory_space<vmem>>, vector<16xf32>,
      %add3A_1524 = arith.addf %add3A_1504, %get3A_1523 : vector<16xf32>
      %add3A_1525 = arith.constant 4160 : i32
      %add3A_1526 = arith.addi %add3A_1525, %mul3A_1277 : i32
      %get3A_1527 = arith.index_cast %add3A_1526 : i32 to index
      %get3A_1528 = tpu.vector_load %arg17[%get3A_1527] {strides = array<i32>} : memref<5120xf32, #tpu.memory_space<vmem>>, vector<16xf32>,
      %add3A_1529 = arith.addf %add3A_1509, %get3A_1528 : vector<16xf32>
      %add3A_1530 = arith.constant 4160 : i32
      %add3A_1531 = arith.addi %add3A_1530, %mul3A_1277 : i32
      %get3A_1532 = arith.index_cast %add3A_1531 : i32 to index
      %get3A_1533 = tpu.vector_load %arg18[%get3A_1532] {strides = array<i32>} : memref<5120xf32, #tpu.memory_space<vmem>>, vector<16xf32>,
      %add3A_1534 = arith.addf %add3A_1514, %get3A_1533 : vector<16xf32>
      %add3A_1535 = arith.constant 4160 : i32
      %add3A_1536 = arith.addi %add3A_1535, %mul3A_1277 : i32
      %get3A_1537 = arith.index_cast %add3A_1536 : i32 to index
      %get3A_1538 = tpu.vector_load %arg19[%get3A_1537] {strides = array<i32>} : memref<5120xf32, #tpu.memory_space<vmem>>, vector<16xf32>,
      %add3A_1539 = arith.addf %add3A_1519, %get3A_1538 : vector<16xf32>
      %add3A_1540 = arith.constant 4160 : i32
      %add3A_1541 = arith.addi %add3A_1540, %mul3A_1277 : i32
      %get3A_1542 = arith.index_cast %add3A_1541 : i32 to index
      %get3A_1543 = tpu.vector_load %arg20[%get3A_1542] {strides = array<i32>} : memref<5120xf32, #tpu.memory_space<vmem>>, vector<16xf32>,
      %add3A_1544 = arith.addf %add3A_1524, %get3A_1543 : vector<16xf32>
      %add3A_1545 = arith.constant 4480 : i32
      %add3A_1546 = arith.addi %add3A_1545, %mul3A_1277 : i32
      %get3A_1547 = arith.index_cast %add3A_1546 : i32 to index
      %get3A_1548 = tpu.vector_load %arg17[%get3A_1547] {strides = array<i32>} : memref<5120xf32, #tpu.memory_space<vmem>>, vector<16xf32>,
      %add3A_1549 = arith.addf %add3A_1529, %get3A_1548 : vector<16xf32>
      %add3A_1550 = arith.constant 4480 : i32
      %add3A_1551 = arith.addi %add3A_1550, %mul3A_1277 : i32
      %get3A_1552 = arith.index_cast %add3A_1551 : i32 to index
      %get3A_1553 = tpu.vector_load %arg18[%get3A_1552] {strides = array<i32>} : memref<5120xf32, #tpu.memory_space<vmem>>, vector<16xf32>,
      %add3A_1554 = arith.addf %add3A_1534, %get3A_1553 : vector<16xf32>
      %add3A_1555 = arith.constant 4480 : i32
      %add3A_1556 = arith.addi %add3A_1555, %mul3A_1277 : i32
      %get3A_1557 = arith.index_cast %add3A_1556 : i32 to index
      %get3A_1558 = tpu.vector_load %arg19[%get3A_1557] {strides = array<i32>} : memref<5120xf32, #tpu.memory_space<vmem>>, vector<16xf32>,
      %add3A_1559 = arith.addf %add3A_1539, %get3A_1558 : vector<16xf32>
      %add3A_1560 = arith.constant 4480 : i32
      %add3A_1561 = arith.addi %add3A_1560, %mul3A_1277 : i32
      %get3A_1562 = arith.index_cast %add3A_1561 : i32 to index
      %get3A_1563 = tpu.vector_load %arg20[%get3A_1562] {strides = array<i32>} : memref<5120xf32, #tpu.memory_space<vmem>>, vector<16xf32>,
      %add3A_1564 = arith.addf %add3A_1544, %get3A_1563 : vector<16xf32>
      %add3A_1565 = arith.constant 4800 : i32
      %add3A_1566 = arith.addi %add3A_1565, %mul3A_1277 : i32
      %get3A_1567 = arith.index_cast %add3A_1566 : i32 to index
      %get3A_1568 = tpu.vector_load %arg17[%get3A_1567] {strides = array<i32>} : memref<5120xf32, #tpu.memory_space<vmem>>, vector<16xf32>,
      %add3A_1569 = arith.addf %add3A_1549, %get3A_1568 : vector<16xf32>
      %add3A_1570 = arith.constant 4800 : i32
      %add3A_1571 = arith.addi %add3A_1570, %mul3A_1277 : i32
      %get3A_1572 = arith.index_cast %add3A_1571 : i32 to index
      %get3A_1573 = tpu.vector_load %arg18[%get3A_1572] {strides = array<i32>} : memref<5120xf32, #tpu.memory_space<vmem>>, vector<16xf32>,
      %add3A_1574 = arith.addf %add3A_1554, %get3A_1573 : vector<16xf32>
      %add3A_1575 = arith.constant 4800 : i32
      %add3A_1576 = arith.addi %add3A_1575, %mul3A_1277 : i32
      %get3A_1577 = arith.index_cast %add3A_1576 : i32 to index
      %get3A_1578 = tpu.vector_load %arg19[%get3A_1577] {strides = array<i32>} : memref<5120xf32, #tpu.memory_space<vmem>>, vector<16xf32>,
      %add3A_1579 = arith.addf %add3A_1559, %get3A_1578 : vector<16xf32>
      %add3A_1580 = arith.constant 4800 : i32
      %add3A_1581 = arith.addi %add3A_1580, %mul3A_1277 : i32
      %get3A_1582 = arith.index_cast %add3A_1581 : i32 to index
      %get3A_1583 = tpu.vector_load %arg20[%get3A_1582] {strides = array<i32>} : memref<5120xf32, #tpu.memory_space<vmem>>, vector<16xf32>,
      %add3A_1584 = arith.addf %add3A_1564, %get3A_1583 : vector<16xf32>
      %swap3A = arith.index_cast %mul3A_1277 : i32 to index
      %swap3A_1585 = tpu.vector_load %arg21[%swap3A] {strides = array<i32>} : memref<320xf32, #tpu.memory_space<vmem>>, vector<16xf32>,
      tpu.vector_store %arg21[%swap3A], %add3A_1569 {strides = array<i32>} : memref<320xf32, #tpu.memory_space<vmem>>, vector<16xf32>,
      %swap3A_1586 = arith.index_cast %mul3A_1277 : i32 to index
      %swap3A_1587 = tpu.vector_load %arg22[%swap3A_1586] {strides = array<i32>} : memref<320xf32, #tpu.memory_space<vmem>>, vector<16xf32>,
      tpu.vector_store %arg22[%swap3A_1586], %add3A_1574 {strides = array<i32>} : memref<320xf32, #tpu.memory_space<vmem>>, vector<16xf32>,
      %swap3A_1588 = arith.index_cast %mul3A_1277 : i32 to index
      %swap3A_1589 = tpu.vector_load %arg23[%swap3A_1588] {strides = array<i32>} : memref<320xf32, #tpu.memory_space<vmem>>, vector<16xf32>,
      tpu.vector_store %arg23[%swap3A_1588], %add3A_1579 {strides = array<i32>} : memref<320xf32, #tpu.memory_space<vmem>>, vector<16xf32>,
      %swap3A_1590 = arith.index_cast %mul3A_1277 : i32 to index
      %swap3A_1591 = tpu.vector_load %arg24[%swap3A_1590] {strides = array<i32>} : memref<320xf32, #tpu.memory_space<vmem>>, vector<16xf32>,
      tpu.vector_store %arg24[%swap3A_1590], %add3A_1584 {strides = array<i32>} : memref<320xf32, #tpu.memory_space<vmem>>, vector<16xf32>,
    }
    %scan3A_1258 = arith.constant 20 : i32
    %mul3A_1259 = arith.constant 4 : i32
    %mul3A_1260 = arith.muli %arg0, %mul3A_1259 : i32
    %mul3A_1261 = arith.constant 5120 : i32
    %mul3A_1262 = arith.muli %mul3A_1260, %mul3A_1261 : i32
    %add3A_1263 = arith.constant 0 : i32
    %add3A_1264 = arith.addi %mul3A_1262, %add3A_1263 : i32
    %add3A_1265 = arith.addi %add3A_1264, %mul3A_356 : i32
    "tpu.region"() ({
      %run_scoped3A = tpu.sem_alloc : memref<!tpu.dma_semaphore, #tpu.memory_space<semaphore_mem>>
      %dma_start3A_1275 = tpu.memref_slice %arg8[%add3A_1265] : memref<40960xf32, #tpu.memory_space<hbm>> -> memref<320xf32, #tpu.memory_space<hbm>>
      %dma_start3A_1276 = tpu.memref_slice %arg8[%add3A_1265] : memref<40960xf32, #tpu.memory_space<hbm>> -> memref<320xf32, #tpu.memory_space<hbm>>
      tpu.enqueue_dma source(%arg21 : memref<320xf32, #tpu.memory_space<vmem>>) target(%dma_start3A_1276 : memref<320xf32, #tpu.memory_space<hbm>>) target_semaphore(%run_scoped3A : memref<!tpu.dma_semaphore, #tpu.memory_space<semaphore_mem>>)
      %dma_wait3A_1277 = tpu.memref_slice %arg8[%add3A_1265] : memref<40960xf32, #tpu.memory_space<hbm>> -> memref<320xf32, #tpu.memory_space<hbm>>
      %dma_wait3A_1278 = tpu.memref_slice %arg8[%add3A_1265] : memref<40960xf32, #tpu.memory_space<hbm>> -> memref<320xf32, #tpu.memory_space<hbm>>
      tpu.wait_dma2 semaphore(%run_scoped3A : memref<!tpu.dma_semaphore, #tpu.memory_space<semaphore_mem>>) src(%arg21 : memref<320xf32, #tpu.memory_space<vmem>>) dst(%dma_wait3A_1278 : memref<320xf32, #tpu.memory_space<hbm>>)
      tpu.yield
    }) : () -> ()
    %add3A_1266 = arith.constant 5120 : i32
    %add3A_1267 = arith.addi %mul3A_1262, %add3A_1266 : i32
    %add3A_1268 = arith.addi %add3A_1267, %mul3A_356 : i32
    "tpu.region"() ({
      %run_scoped3A = tpu.sem_alloc : memref<!tpu.dma_semaphore, #tpu.memory_space<semaphore_mem>>
      %dma_start3A_1275 = tpu.memref_slice %arg8[%add3A_1268] : memref<40960xf32, #tpu.memory_space<hbm>> -> memref<320xf32, #tpu.memory_space<hbm>>
      %dma_start3A_1276 = tpu.memref_slice %arg8[%add3A_1268] : memref<40960xf32, #tpu.memory_space<hbm>> -> memref<320xf32, #tpu.memory_space<hbm>>
      tpu.enqueue_dma source(%arg22 : memref<320xf32, #tpu.memory_space<vmem>>) target(%dma_start3A_1276 : memref<320xf32, #tpu.memory_space<hbm>>) target_semaphore(%run_scoped3A : memref<!tpu.dma_semaphore, #tpu.memory_space<semaphore_mem>>)
      %dma_wait3A_1277 = tpu.memref_slice %arg8[%add3A_1268] : memref<40960xf32, #tpu.memory_space<hbm>> -> memref<320xf32, #tpu.memory_space<hbm>>
      %dma_wait3A_1278 = tpu.memref_slice %arg8[%add3A_1268] : memref<40960xf32, #tpu.memory_space<hbm>> -> memref<320xf32, #tpu.memory_space<hbm>>
      tpu.wait_dma2 semaphore(%run_scoped3A : memref<!tpu.dma_semaphore, #tpu.memory_space<semaphore_mem>>) src(%arg22 : memref<320xf32, #tpu.memory_space<vmem>>) dst(%dma_wait3A_1278 : memref<320xf32, #tpu.memory_space<hbm>>)
      tpu.yield
    }) : () -> ()
    %add3A_1269 = arith.constant 10240 : i32
    %add3A_1270 = arith.addi %mul3A_1262, %add3A_1269 : i32
    %add3A_1271 = arith.addi %add3A_1270, %mul3A_356 : i32
    "tpu.region"() ({
      %run_scoped3A = tpu.sem_alloc : memref<!tpu.dma_semaphore, #tpu.memory_space<semaphore_mem>>
      %dma_start3A_1275 = tpu.memref_slice %arg8[%add3A_1271] : memref<40960xf32, #tpu.memory_space<hbm>> -> memref<320xf32, #tpu.memory_space<hbm>>
      %dma_start3A_1276 = tpu.memref_slice %arg8[%add3A_1271] : memref<40960xf32, #tpu.memory_space<hbm>> -> memref<320xf32, #tpu.memory_space<hbm>>
      tpu.enqueue_dma source(%arg23 : memref<320xf32, #tpu.memory_space<vmem>>) target(%dma_start3A_1276 : memref<320xf32, #tpu.memory_space<hbm>>) target_semaphore(%run_scoped3A : memref<!tpu.dma_semaphore, #tpu.memory_space<semaphore_mem>>)
      %dma_wait3A_1277 = tpu.memref_slice %arg8[%add3A_1271] : memref<40960xf32, #tpu.memory_space<hbm>> -> memref<320xf32, #tpu.memory_space<hbm>>
      %dma_wait3A_1278 = tpu.memref_slice %arg8[%add3A_1271] : memref<40960xf32, #tpu.memory_space<hbm>> -> memref<320xf32, #tpu.memory_space<hbm>>
      tpu.wait_dma2 semaphore(%run_scoped3A : memref<!tpu.dma_semaphore, #tpu.memory_space<semaphore_mem>>) src(%arg23 : memref<320xf32, #tpu.memory_space<vmem>>) dst(%dma_wait3A_1278 : memref<320xf32, #tpu.memory_space<hbm>>)
      tpu.yield
    }) : () -> ()
    %add3A_1272 = arith.constant 15360 : i32
    %add3A_1273 = arith.addi %mul3A_1262, %add3A_1272 : i32
    %add3A_1274 = arith.addi %add3A_1273, %mul3A_356 : i32
    "tpu.region"() ({
      %run_scoped3A = tpu.sem_alloc : memref<!tpu.dma_semaphore, #tpu.memory_space<semaphore_mem>>
      %dma_start3A_1275 = tpu.memref_slice %arg8[%add3A_1274] : memref<40960xf32, #tpu.memory_space<hbm>> -> memref<320xf32, #tpu.memory_space<hbm>>
      %dma_start3A_1276 = tpu.memref_slice %arg8[%add3A_1274] : memref<40960xf32, #tpu.memory_space<hbm>> -> memref<320xf32, #tpu.memory_space<hbm>>
      tpu.enqueue_dma source(%arg24 : memref<320xf32, #tpu.memory_space<vmem>>) target(%dma_start3A_1276 : memref<320xf32, #tpu.memory_space<hbm>>) target_semaphore(%run_scoped3A : memref<!tpu.dma_semaphore, #tpu.memory_space<semaphore_mem>>)
      %dma_wait3A_1277 = tpu.memref_slice %arg8[%add3A_1274] : memref<40960xf32, #tpu.memory_space<hbm>> -> memref<320xf32, #tpu.memory_space<hbm>>
      %dma_wait3A_1278 = tpu.memref_slice %arg8[%add3A_1274] : memref<40960xf32, #tpu.memory_space<hbm>> -> memref<320xf32, #tpu.memory_space<hbm>>
      tpu.wait_dma2 semaphore(%run_scoped3A : memref<!tpu.dma_semaphore, #tpu.memory_space<semaphore_mem>>) src(%arg24 : memref<320xf32, #tpu.memory_space<vmem>>) dst(%dma_wait3A_1278 : memref<320xf32, #tpu.memory_space<hbm>>)
      tpu.yield
    }) : () -> ()
    return
  }
}

#map = affine_map<(d0, d1) -> (0)>
module attributes {stable_mosaic.version = 14 : i64} {
  func.func @_sc_out(%arg0: i32, %arg1: i32, %arg2: memref<40960xf32, #tpu.memory_space<hbm>>, %arg3: memref<320000xi32, #tpu.memory_space<hbm>>, %arg4: memref<320000xf32, #tpu.memory_space<hbm>>, %arg5: memref<320000xf32, #tpu.memory_space<hbm>>, %arg6: memref<320000xf32, #tpu.memory_space<hbm>>, %arg7: memref<320000xf32, #tpu.memory_space<hbm>>, %arg8: memref<320000xf32, #tpu.memory_space<hbm>>, %arg9: memref<320000xf32, #tpu.memory_space<hbm>>, %arg10: memref<320000xf32, #tpu.memory_space<hbm>>, %arg11: memref<5120xf32, #tpu.memory_space<vmem>>, %arg12: memref<5120xf32, #tpu.memory_space<vmem>>, %arg13: memref<5120xf32, #tpu.memory_space<vmem>>, %arg14: memref<960xf32, #tpu.memory_space<vmem>>, %arg15: memref<960xf32, #tpu.memory_space<vmem>>, %arg16: memref<320xf32, #tpu.memory_space<vmem>>, %arg17: memref<320xf32, #tpu.memory_space<vmem>>, %arg18: memref<5120xf32, #tpu.memory_space<vmem_shared>>, %arg19: memref<5120xf32, #tpu.memory_space<vmem_shared>>, %arg20: memref<5120xf32, #tpu.memory_space<vmem_shared>>, %arg21: memref<320xf32, #tpu.memory_space<vmem>>, %arg22: memref<320xf32, #tpu.memory_space<vmem>>, %arg23: memref<320xf32, #tpu.memory_space<vmem>>, %arg24: memref<4000xi32, #tpu.memory_space<vmem>>, %arg25: memref<4000xf32, #tpu.memory_space<vmem>>, %arg26: memref<4000xf32, #tpu.memory_space<vmem>>, %arg27: memref<4000xf32, #tpu.memory_space<vmem>>, %arg28: memref<4000xf32, #tpu.memory_space<vmem>>, %arg29: memref<4000xf32, #tpu.memory_space<vmem>>, %arg30: memref<4000xf32, #tpu.memory_space<vmem>>, %arg31: memref<4000xf32, #tpu.memory_space<vmem>>, %arg32: memref<!tpu.dma_semaphore, #tpu.memory_space<semaphore_mem>>, %arg33: memref<!tpu.dma_semaphore, #tpu.memory_space<semaphore_mem>>, %arg34: memref<!tpu.dma_semaphore, #tpu.memory_space<semaphore_mem>>, %arg35: memref<!tpu.dma_semaphore, #tpu.memory_space<semaphore_mem>>, %arg36: memref<!tpu.dma_semaphore, #tpu.memory_space<semaphore_mem>>) attributes {dimension_semantics = [#tpu.dimension_semantics<core_parallel>, #tpu.dimension_semantics<subcore_parallel>], iteration_bounds = array<i64: 2, 16>, scalar_prefetch = 0 : i64, scratch_operands = 26 : i64, tpu.core_type = #tpu.core_type<sc_vector_subcore>, window_params = [{transform_indices = #map}, {transform_indices = #map}, {transform_indices = #map}, {transform_indices = #map}, {transform_indices = #map}, {transform_indices = #map}, {transform_indices = #map}, {transform_indices = #map}, {transform_indices = #map}]} {
    %mul3A = arith.constant 320 : i32
    %mul3A_0 = arith.muli %arg1, %mul3A : i32
    %add3A = arith.constant 15360 : i32
    %add3A_1 = arith.addi %add3A, %mul3A_0 : i32
    %dma_start3A = arith.constant 0 : i32
    %dma_start3A_2 = tpu.memref_slice %arg16[%dma_start3A] : memref<320xf32, #tpu.memory_space<vmem>> -> memref<320xf32, #tpu.memory_space<vmem>>
    %dma_start3A_3 = tpu.memref_slice %arg2[%add3A_1] : memref<40960xf32, #tpu.memory_space<hbm>> -> memref<320xf32, #tpu.memory_space<hbm>>
    %dma_start3A_4 = arith.constant 0 : i32
    %dma_start3A_5 = tpu.memref_slice %arg16[%dma_start3A_4] : memref<320xf32, #tpu.memory_space<vmem>> -> memref<320xf32, #tpu.memory_space<vmem>>
    %dma_start3A_6 = tpu.memref_slice %arg2[%add3A_1] : memref<40960xf32, #tpu.memory_space<hbm>> -> memref<320xf32, #tpu.memory_space<hbm>>
    tpu.enqueue_dma source(%dma_start3A_6 : memref<320xf32, #tpu.memory_space<hbm>>) target(%dma_start3A_5 : memref<320xf32, #tpu.memory_space<vmem>>) target_semaphore(%arg32 : memref<!tpu.dma_semaphore, #tpu.memory_space<semaphore_mem>>)
    %add3A_7 = arith.constant 35840 : i32
    %add3A_8 = arith.addi %add3A_7, %mul3A_0 : i32
    %dma_start3A_9 = arith.constant 0 : i32
    %dma_start3A_10 = tpu.memref_slice %arg17[%dma_start3A_9] : memref<320xf32, #tpu.memory_space<vmem>> -> memref<320xf32, #tpu.memory_space<vmem>>
    %dma_start3A_11 = tpu.memref_slice %arg2[%add3A_8] : memref<40960xf32, #tpu.memory_space<hbm>> -> memref<320xf32, #tpu.memory_space<hbm>>
    %dma_start3A_12 = arith.constant 0 : i32
    %dma_start3A_13 = tpu.memref_slice %arg17[%dma_start3A_12] : memref<320xf32, #tpu.memory_space<vmem>> -> memref<320xf32, #tpu.memory_space<vmem>>
    %dma_start3A_14 = tpu.memref_slice %arg2[%add3A_8] : memref<40960xf32, #tpu.memory_space<hbm>> -> memref<320xf32, #tpu.memory_space<hbm>>
    tpu.enqueue_dma source(%dma_start3A_14 : memref<320xf32, #tpu.memory_space<hbm>>) target(%dma_start3A_13 : memref<320xf32, #tpu.memory_space<vmem>>) target_semaphore(%arg32 : memref<!tpu.dma_semaphore, #tpu.memory_space<semaphore_mem>>)
    %add3A_15 = arith.constant 0 : i32
    %add3A_16 = arith.addi %add3A_15, %mul3A_0 : i32
    %dma_start3A_17 = arith.constant 0 : i32
    %dma_start3A_18 = tpu.memref_slice %arg14[%dma_start3A_17] : memref<960xf32, #tpu.memory_space<vmem>> -> memref<320xf32, #tpu.memory_space<vmem>>
    %dma_start3A_19 = tpu.memref_slice %arg2[%add3A_16] : memref<40960xf32, #tpu.memory_space<hbm>> -> memref<320xf32, #tpu.memory_space<hbm>>
    %dma_start3A_20 = arith.constant 0 : i32
    %dma_start3A_21 = tpu.memref_slice %arg14[%dma_start3A_20] : memref<960xf32, #tpu.memory_space<vmem>> -> memref<320xf32, #tpu.memory_space<vmem>>
    %dma_start3A_22 = tpu.memref_slice %arg2[%add3A_16] : memref<40960xf32, #tpu.memory_space<hbm>> -> memref<320xf32, #tpu.memory_space<hbm>>
    tpu.enqueue_dma source(%dma_start3A_22 : memref<320xf32, #tpu.memory_space<hbm>>) target(%dma_start3A_21 : memref<320xf32, #tpu.memory_space<vmem>>) target_semaphore(%arg32 : memref<!tpu.dma_semaphore, #tpu.memory_space<semaphore_mem>>)
    %add3A_23 = arith.constant 20480 : i32
    %add3A_24 = arith.addi %add3A_23, %mul3A_0 : i32
    %dma_start3A_25 = arith.constant 0 : i32
    %dma_start3A_26 = tpu.memref_slice %arg15[%dma_start3A_25] : memref<960xf32, #tpu.memory_space<vmem>> -> memref<320xf32, #tpu.memory_space<vmem>>
    %dma_start3A_27 = tpu.memref_slice %arg2[%add3A_24] : memref<40960xf32, #tpu.memory_space<hbm>> -> memref<320xf32, #tpu.memory_space<hbm>>
    %dma_start3A_28 = arith.constant 0 : i32
    %dma_start3A_29 = tpu.memref_slice %arg15[%dma_start3A_28] : memref<960xf32, #tpu.memory_space<vmem>> -> memref<320xf32, #tpu.memory_space<vmem>>
    %dma_start3A_30 = tpu.memref_slice %arg2[%add3A_24] : memref<40960xf32, #tpu.memory_space<hbm>> -> memref<320xf32, #tpu.memory_space<hbm>>
    tpu.enqueue_dma source(%dma_start3A_30 : memref<320xf32, #tpu.memory_space<hbm>>) target(%dma_start3A_29 : memref<320xf32, #tpu.memory_space<vmem>>) target_semaphore(%arg32 : memref<!tpu.dma_semaphore, #tpu.memory_space<semaphore_mem>>)
    %add3A_31 = arith.constant 5120 : i32
    %add3A_32 = arith.addi %add3A_31, %mul3A_0 : i32
    %dma_start3A_33 = arith.constant 320 : i32
    %dma_start3A_34 = tpu.memref_slice %arg14[%dma_start3A_33] : memref<960xf32, #tpu.memory_space<vmem>> -> memref<320xf32, #tpu.memory_space<vmem>>
    %dma_start3A_35 = tpu.memref_slice %arg2[%add3A_32] : memref<40960xf32, #tpu.memory_space<hbm>> -> memref<320xf32, #tpu.memory_space<hbm>>
    %dma_start3A_36 = arith.constant 320 : i32
    %dma_start3A_37 = tpu.memref_slice %arg14[%dma_start3A_36] : memref<960xf32, #tpu.memory_space<vmem>> -> memref<320xf32, #tpu.memory_space<vmem>>
    %dma_start3A_38 = tpu.memref_slice %arg2[%add3A_32] : memref<40960xf32, #tpu.memory_space<hbm>> -> memref<320xf32, #tpu.memory_space<hbm>>
    tpu.enqueue_dma source(%dma_start3A_38 : memref<320xf32, #tpu.memory_space<hbm>>) target(%dma_start3A_37 : memref<320xf32, #tpu.memory_space<vmem>>) target_semaphore(%arg32 : memref<!tpu.dma_semaphore, #tpu.memory_space<semaphore_mem>>)
    %add3A_39 = arith.constant 25600 : i32
    %add3A_40 = arith.addi %add3A_39, %mul3A_0 : i32
    %dma_start3A_41 = arith.constant 320 : i32
    %dma_start3A_42 = tpu.memref_slice %arg15[%dma_start3A_41] : memref<960xf32, #tpu.memory_space<vmem>> -> memref<320xf32, #tpu.memory_space<vmem>>
    %dma_start3A_43 = tpu.memref_slice %arg2[%add3A_40] : memref<40960xf32, #tpu.memory_space<hbm>> -> memref<320xf32, #tpu.memory_space<hbm>>
    %dma_start3A_44 = arith.constant 320 : i32
    %dma_start3A_45 = tpu.memref_slice %arg15[%dma_start3A_44] : memref<960xf32, #tpu.memory_space<vmem>> -> memref<320xf32, #tpu.memory_space<vmem>>
    %dma_start3A_46 = tpu.memref_slice %arg2[%add3A_40] : memref<40960xf32, #tpu.memory_space<hbm>> -> memref<320xf32, #tpu.memory_space<hbm>>
    tpu.enqueue_dma source(%dma_start3A_46 : memref<320xf32, #tpu.memory_space<hbm>>) target(%dma_start3A_45 : memref<320xf32, #tpu.memory_space<vmem>>) target_semaphore(%arg32 : memref<!tpu.dma_semaphore, #tpu.memory_space<semaphore_mem>>)
    %add3A_47 = arith.constant 10240 : i32
    %add3A_48 = arith.addi %add3A_47, %mul3A_0 : i32
    %dma_start3A_49 = arith.constant 640 : i32
    %dma_start3A_50 = tpu.memref_slice %arg14[%dma_start3A_49] : memref<960xf32, #tpu.memory_space<vmem>> -> memref<320xf32, #tpu.memory_space<vmem>>
    %dma_start3A_51 = tpu.memref_slice %arg2[%add3A_48] : memref<40960xf32, #tpu.memory_space<hbm>> -> memref<320xf32, #tpu.memory_space<hbm>>
    %dma_start3A_52 = arith.constant 640 : i32
    %dma_start3A_53 = tpu.memref_slice %arg14[%dma_start3A_52] : memref<960xf32, #tpu.memory_space<vmem>> -> memref<320xf32, #tpu.memory_space<vmem>>
    %dma_start3A_54 = tpu.memref_slice %arg2[%add3A_48] : memref<40960xf32, #tpu.memory_space<hbm>> -> memref<320xf32, #tpu.memory_space<hbm>>
    tpu.enqueue_dma source(%dma_start3A_54 : memref<320xf32, #tpu.memory_space<hbm>>) target(%dma_start3A_53 : memref<320xf32, #tpu.memory_space<vmem>>) target_semaphore(%arg32 : memref<!tpu.dma_semaphore, #tpu.memory_space<semaphore_mem>>)
    %add3A_55 = arith.constant 30720 : i32
    %add3A_56 = arith.addi %add3A_55, %mul3A_0 : i32
    %dma_start3A_57 = arith.constant 640 : i32
    %dma_start3A_58 = tpu.memref_slice %arg15[%dma_start3A_57] : memref<960xf32, #tpu.memory_space<vmem>> -> memref<320xf32, #tpu.memory_space<vmem>>
    %dma_start3A_59 = tpu.memref_slice %arg2[%add3A_56] : memref<40960xf32, #tpu.memory_space<hbm>> -> memref<320xf32, #tpu.memory_space<hbm>>
    %dma_start3A_60 = arith.constant 640 : i32
    %dma_start3A_61 = tpu.memref_slice %arg15[%dma_start3A_60] : memref<960xf32, #tpu.memory_space<vmem>> -> memref<320xf32, #tpu.memory_space<vmem>>
    %dma_start3A_62 = tpu.memref_slice %arg2[%add3A_56] : memref<40960xf32, #tpu.memory_space<hbm>> -> memref<320xf32, #tpu.memory_space<hbm>>
    tpu.enqueue_dma source(%dma_start3A_62 : memref<320xf32, #tpu.memory_space<hbm>>) target(%dma_start3A_61 : memref<320xf32, #tpu.memory_space<vmem>>) target_semaphore(%arg32 : memref<!tpu.dma_semaphore, #tpu.memory_space<semaphore_mem>>)
    %dma_wait3A = arith.constant 0 : i32
    %dma_wait3A_63 = tpu.memref_slice %arg16[%dma_wait3A] : memref<320xf32, #tpu.memory_space<vmem>> -> memref<320xf32, #tpu.memory_space<vmem>>
    %dma_wait3A_64 = tpu.memref_slice %arg2[%add3A_1] : memref<40960xf32, #tpu.memory_space<hbm>> -> memref<320xf32, #tpu.memory_space<hbm>>
    %dma_wait3A_65 = arith.constant 0 : i32
    %dma_wait3A_66 = tpu.memref_slice %arg16[%dma_wait3A_65] : memref<320xf32, #tpu.memory_space<vmem>> -> memref<320xf32, #tpu.memory_space<vmem>>
    %dma_wait3A_67 = tpu.memref_slice %arg2[%add3A_1] : memref<40960xf32, #tpu.memory_space<hbm>> -> memref<320xf32, #tpu.memory_space<hbm>>
    tpu.wait_dma2 semaphore(%arg32 : memref<!tpu.dma_semaphore, #tpu.memory_space<semaphore_mem>>) src(%dma_wait3A_67 : memref<320xf32, #tpu.memory_space<hbm>>) dst(%dma_wait3A_66 : memref<320xf32, #tpu.memory_space<vmem>>)
    %dma_wait3A_68 = arith.constant 0 : i32
    %dma_wait3A_69 = tpu.memref_slice %arg17[%dma_wait3A_68] : memref<320xf32, #tpu.memory_space<vmem>> -> memref<320xf32, #tpu.memory_space<vmem>>
    %dma_wait3A_70 = tpu.memref_slice %arg2[%add3A_8] : memref<40960xf32, #tpu.memory_space<hbm>> -> memref<320xf32, #tpu.memory_space<hbm>>
    %dma_wait3A_71 = arith.constant 0 : i32
    %dma_wait3A_72 = tpu.memref_slice %arg17[%dma_wait3A_71] : memref<320xf32, #tpu.memory_space<vmem>> -> memref<320xf32, #tpu.memory_space<vmem>>
    %dma_wait3A_73 = tpu.memref_slice %arg2[%add3A_8] : memref<40960xf32, #tpu.memory_space<hbm>> -> memref<320xf32, #tpu.memory_space<hbm>>
    tpu.wait_dma2 semaphore(%arg32 : memref<!tpu.dma_semaphore, #tpu.memory_space<semaphore_mem>>) src(%dma_wait3A_73 : memref<320xf32, #tpu.memory_space<hbm>>) dst(%dma_wait3A_72 : memref<320xf32, #tpu.memory_space<vmem>>)
    %dma_wait3A_74 = arith.constant 0 : i32
    %dma_wait3A_75 = tpu.memref_slice %arg14[%dma_wait3A_74] : memref<960xf32, #tpu.memory_space<vmem>> -> memref<320xf32, #tpu.memory_space<vmem>>
    %dma_wait3A_76 = tpu.memref_slice %arg2[%add3A_16] : memref<40960xf32, #tpu.memory_space<hbm>> -> memref<320xf32, #tpu.memory_space<hbm>>
    %dma_wait3A_77 = arith.constant 0 : i32
    %dma_wait3A_78 = tpu.memref_slice %arg14[%dma_wait3A_77] : memref<960xf32, #tpu.memory_space<vmem>> -> memref<320xf32, #tpu.memory_space<vmem>>
    %dma_wait3A_79 = tpu.memref_slice %arg2[%add3A_16] : memref<40960xf32, #tpu.memory_space<hbm>> -> memref<320xf32, #tpu.memory_space<hbm>>
    tpu.wait_dma2 semaphore(%arg32 : memref<!tpu.dma_semaphore, #tpu.memory_space<semaphore_mem>>) src(%dma_wait3A_79 : memref<320xf32, #tpu.memory_space<hbm>>) dst(%dma_wait3A_78 : memref<320xf32, #tpu.memory_space<vmem>>)
    %dma_wait3A_80 = arith.constant 0 : i32
    %dma_wait3A_81 = tpu.memref_slice %arg15[%dma_wait3A_80] : memref<960xf32, #tpu.memory_space<vmem>> -> memref<320xf32, #tpu.memory_space<vmem>>
    %dma_wait3A_82 = tpu.memref_slice %arg2[%add3A_24] : memref<40960xf32, #tpu.memory_space<hbm>> -> memref<320xf32, #tpu.memory_space<hbm>>
    %dma_wait3A_83 = arith.constant 0 : i32
    %dma_wait3A_84 = tpu.memref_slice %arg15[%dma_wait3A_83] : memref<960xf32, #tpu.memory_space<vmem>> -> memref<320xf32, #tpu.memory_space<vmem>>
    %dma_wait3A_85 = tpu.memref_slice %arg2[%add3A_24] : memref<40960xf32, #tpu.memory_space<hbm>> -> memref<320xf32, #tpu.memory_space<hbm>>
    tpu.wait_dma2 semaphore(%arg32 : memref<!tpu.dma_semaphore, #tpu.memory_space<semaphore_mem>>) src(%dma_wait3A_85 : memref<320xf32, #tpu.memory_space<hbm>>) dst(%dma_wait3A_84 : memref<320xf32, #tpu.memory_space<vmem>>)
    %dma_wait3A_86 = arith.constant 320 : i32
    %dma_wait3A_87 = tpu.memref_slice %arg14[%dma_wait3A_86] : memref<960xf32, #tpu.memory_space<vmem>> -> memref<320xf32, #tpu.memory_space<vmem>>
    %dma_wait3A_88 = tpu.memref_slice %arg2[%add3A_32] : memref<40960xf32, #tpu.memory_space<hbm>> -> memref<320xf32, #tpu.memory_space<hbm>>
    %dma_wait3A_89 = arith.constant 320 : i32
    %dma_wait3A_90 = tpu.memref_slice %arg14[%dma_wait3A_89] : memref<960xf32, #tpu.memory_space<vmem>> -> memref<320xf32, #tpu.memory_space<vmem>>
    %dma_wait3A_91 = tpu.memref_slice %arg2[%add3A_32] : memref<40960xf32, #tpu.memory_space<hbm>> -> memref<320xf32, #tpu.memory_space<hbm>>
    tpu.wait_dma2 semaphore(%arg32 : memref<!tpu.dma_semaphore, #tpu.memory_space<semaphore_mem>>) src(%dma_wait3A_91 : memref<320xf32, #tpu.memory_space<hbm>>) dst(%dma_wait3A_90 : memref<320xf32, #tpu.memory_space<vmem>>)
    %dma_wait3A_92 = arith.constant 320 : i32
    %dma_wait3A_93 = tpu.memref_slice %arg15[%dma_wait3A_92] : memref<960xf32, #tpu.memory_space<vmem>> -> memref<320xf32, #tpu.memory_space<vmem>>
    %dma_wait3A_94 = tpu.memref_slice %arg2[%add3A_40] : memref<40960xf32, #tpu.memory_space<hbm>> -> memref<320xf32, #tpu.memory_space<hbm>>
    %dma_wait3A_95 = arith.constant 320 : i32
    %dma_wait3A_96 = tpu.memref_slice %arg15[%dma_wait3A_95] : memref<960xf32, #tpu.memory_space<vmem>> -> memref<320xf32, #tpu.memory_space<vmem>>
    %dma_wait3A_97 = tpu.memref_slice %arg2[%add3A_40] : memref<40960xf32, #tpu.memory_space<hbm>> -> memref<320xf32, #tpu.memory_space<hbm>>
    tpu.wait_dma2 semaphore(%arg32 : memref<!tpu.dma_semaphore, #tpu.memory_space<semaphore_mem>>) src(%dma_wait3A_97 : memref<320xf32, #tpu.memory_space<hbm>>) dst(%dma_wait3A_96 : memref<320xf32, #tpu.memory_space<vmem>>)
    %dma_wait3A_98 = arith.constant 640 : i32
    %dma_wait3A_99 = tpu.memref_slice %arg14[%dma_wait3A_98] : memref<960xf32, #tpu.memory_space<vmem>> -> memref<320xf32, #tpu.memory_space<vmem>>
    %dma_wait3A_100 = tpu.memref_slice %arg2[%add3A_48] : memref<40960xf32, #tpu.memory_space<hbm>> -> memref<320xf32, #tpu.memory_space<hbm>>
    %dma_wait3A_101 = arith.constant 640 : i32
    %dma_wait3A_102 = tpu.memref_slice %arg14[%dma_wait3A_101] : memref<960xf32, #tpu.memory_space<vmem>> -> memref<320xf32, #tpu.memory_space<vmem>>
    %dma_wait3A_103 = tpu.memref_slice %arg2[%add3A_48] : memref<40960xf32, #tpu.memory_space<hbm>> -> memref<320xf32, #tpu.memory_space<hbm>>
    tpu.wait_dma2 semaphore(%arg32 : memref<!tpu.dma_semaphore, #tpu.memory_space<semaphore_mem>>) src(%dma_wait3A_103 : memref<320xf32, #tpu.memory_space<hbm>>) dst(%dma_wait3A_102 : memref<320xf32, #tpu.memory_space<vmem>>)
    %dma_wait3A_104 = arith.constant 640 : i32
    %dma_wait3A_105 = tpu.memref_slice %arg15[%dma_wait3A_104] : memref<960xf32, #tpu.memory_space<vmem>> -> memref<320xf32, #tpu.memory_space<vmem>>
    %dma_wait3A_106 = tpu.memref_slice %arg2[%add3A_56] : memref<40960xf32, #tpu.memory_space<hbm>> -> memref<320xf32, #tpu.memory_space<hbm>>
    %dma_wait3A_107 = arith.constant 640 : i32
    %dma_wait3A_108 = tpu.memref_slice %arg15[%dma_wait3A_107] : memref<960xf32, #tpu.memory_space<vmem>> -> memref<320xf32, #tpu.memory_space<vmem>>
    %dma_wait3A_109 = tpu.memref_slice %arg2[%add3A_56] : memref<40960xf32, #tpu.memory_space<hbm>> -> memref<320xf32, #tpu.memory_space<hbm>>
    tpu.wait_dma2 semaphore(%arg32 : memref<!tpu.dma_semaphore, #tpu.memory_space<semaphore_mem>>) src(%dma_wait3A_109 : memref<320xf32, #tpu.memory_space<hbm>>) dst(%dma_wait3A_108 : memref<320xf32, #tpu.memory_space<vmem>>)
    %scan3A = arith.constant 0 : i32
    %scan3A_110 = arith.constant 0 : i32
    %scan3A_111 = arith.constant 20 : i32
    %scan3A_112 = arith.addi %scan3A_110, %scan3A_111 : i32
    %scan3A_113 = arith.constant 1 : i32
    scf.for %scan3A_650 = %scan3A_110 to %scan3A_112 step %scan3A_113  : i32 {
      %mul3A_651 = arith.constant 16 : i32
      %mul3A_652 = arith.muli %scan3A_650, %mul3A_651 : i32
      %get3A = arith.index_cast %mul3A_652 : i32 to index
      %get3A_653 = tpu.vector_load %arg16[%get3A] {strides = array<i32>} : memref<320xf32, #tpu.memory_space<vmem>>, vector<16xf32>,
      %get3A_654 = arith.index_cast %mul3A_652 : i32 to index
      %get3A_655 = tpu.vector_load %arg17[%get3A_654] {strides = array<i32>} : memref<320xf32, #tpu.memory_space<vmem>>, vector<16xf32>,
      %add3A_656 = arith.addf %get3A_653, %get3A_655 : vector<16xf32>
      %eq3A = arith.constant 0.000000e+00 : f32
      %eq3A_657 = vector.broadcast %eq3A : f32 to vector<16xf32>
      %eq3A_658 = arith.cmpf oeq, %add3A_656, %eq3A_657 : vector<16xf32>
      %jit3A = arith.constant 1.000000e+00 : f32
      %broadcast_in_dim3A = vector.broadcast %jit3A : f32 to vector<16xf32>
      %select_n3A = arith.select %eq3A_658, %broadcast_in_dim3A, %add3A_656 : vector<16xi1>, vector<16xf32>
      %div3A = arith.constant 1.000000e+00 : f32
      %div3A_659 = vector.broadcast %div3A : f32 to vector<16xf32>
      %div3A_660 = arith.divf %div3A_659, %select_n3A : vector<16xf32>
      %add3A_661 = arith.constant 0 : i32
      %add3A_662 = arith.addi %add3A_661, %mul3A_652 : i32
      %get3A_663 = arith.index_cast %add3A_662 : i32 to index
      %get3A_664 = tpu.vector_load %arg14[%get3A_663] {strides = array<i32>} : memref<960xf32, #tpu.memory_space<vmem>>, vector<16xf32>,
      %add3A_665 = arith.constant 0 : i32
      %add3A_666 = arith.addi %add3A_665, %mul3A_652 : i32
      %get3A_667 = arith.index_cast %add3A_666 : i32 to index
      %get3A_668 = tpu.vector_load %arg15[%get3A_667] {strides = array<i32>} : memref<960xf32, #tpu.memory_space<vmem>>, vector<16xf32>,
      %add3A_669 = arith.addf %get3A_664, %get3A_668 : vector<16xf32>
      %mul3A_670 = arith.mulf %add3A_669, %div3A_660 : vector<16xf32>
      %swap3A = arith.index_cast %mul3A_652 : i32 to index
      %swap3A_671 = tpu.vector_load %arg21[%swap3A] {strides = array<i32>} : memref<320xf32, #tpu.memory_space<vmem>>, vector<16xf32>,
      tpu.vector_store %arg21[%swap3A], %mul3A_670 {strides = array<i32>} : memref<320xf32, #tpu.memory_space<vmem>>, vector<16xf32>,
      %add3A_672 = arith.constant 320 : i32
      %add3A_673 = arith.addi %add3A_672, %mul3A_652 : i32
      %get3A_674 = arith.index_cast %add3A_673 : i32 to index
      %get3A_675 = tpu.vector_load %arg14[%get3A_674] {strides = array<i32>} : memref<960xf32, #tpu.memory_space<vmem>>, vector<16xf32>,
      %add3A_676 = arith.constant 320 : i32
      %add3A_677 = arith.addi %add3A_676, %mul3A_652 : i32
      %get3A_678 = arith.index_cast %add3A_677 : i32 to index
      %get3A_679 = tpu.vector_load %arg15[%get3A_678] {strides = array<i32>} : memref<960xf32, #tpu.memory_space<vmem>>, vector<16xf32>,
      %add3A_680 = arith.addf %get3A_675, %get3A_679 : vector<16xf32>
      %mul3A_681 = arith.mulf %add3A_680, %div3A_660 : vector<16xf32>
      %swap3A_682 = arith.index_cast %mul3A_652 : i32 to index
      %swap3A_683 = tpu.vector_load %arg22[%swap3A_682] {strides = array<i32>} : memref<320xf32, #tpu.memory_space<vmem>>, vector<16xf32>,
      tpu.vector_store %arg22[%swap3A_682], %mul3A_681 {strides = array<i32>} : memref<320xf32, #tpu.memory_space<vmem>>, vector<16xf32>,
      %add3A_684 = arith.constant 640 : i32
      %add3A_685 = arith.addi %add3A_684, %mul3A_652 : i32
      %get3A_686 = arith.index_cast %add3A_685 : i32 to index
      %get3A_687 = tpu.vector_load %arg14[%get3A_686] {strides = array<i32>} : memref<960xf32, #tpu.memory_space<vmem>>, vector<16xf32>,
      %add3A_688 = arith.constant 640 : i32
      %add3A_689 = arith.addi %add3A_688, %mul3A_652 : i32
      %get3A_690 = arith.index_cast %add3A_689 : i32 to index
      %get3A_691 = tpu.vector_load %arg15[%get3A_690] {strides = array<i32>} : memref<960xf32, #tpu.memory_space<vmem>>, vector<16xf32>,
      %add3A_692 = arith.addf %get3A_687, %get3A_691 : vector<16xf32>
      %mul3A_693 = arith.mulf %add3A_692, %div3A_660 : vector<16xf32>
      %swap3A_694 = arith.index_cast %mul3A_652 : i32 to index
      %swap3A_695 = tpu.vector_load %arg23[%swap3A_694] {strides = array<i32>} : memref<320xf32, #tpu.memory_space<vmem>>, vector<16xf32>,
      tpu.vector_store %arg23[%swap3A_694], %mul3A_693 {strides = array<i32>} : memref<320xf32, #tpu.memory_space<vmem>>, vector<16xf32>,
    }
    %scan3A_114 = arith.constant 20 : i32
    "tpu.region"() ({
      %run_scoped3A = tpu.sem_alloc : memref<!tpu.dma_semaphore, #tpu.memory_space<semaphore_mem>>
      %dma_start3A_650 = tpu.memref_slice %arg18[%mul3A_0] : memref<5120xf32, #tpu.memory_space<vmem_shared>> -> memref<320xf32, #tpu.memory_space<vmem_shared>>
      %dma_start3A_651 = tpu.memref_slice %arg18[%mul3A_0] : memref<5120xf32, #tpu.memory_space<vmem_shared>> -> memref<320xf32, #tpu.memory_space<vmem_shared>>
      tpu.enqueue_dma source(%arg21 : memref<320xf32, #tpu.memory_space<vmem>>) target(%dma_start3A_651 : memref<320xf32, #tpu.memory_space<vmem_shared>>) target_semaphore(%run_scoped3A : memref<!tpu.dma_semaphore, #tpu.memory_space<semaphore_mem>>)
      %dma_wait3A_652 = tpu.memref_slice %arg18[%mul3A_0] : memref<5120xf32, #tpu.memory_space<vmem_shared>> -> memref<320xf32, #tpu.memory_space<vmem_shared>>
      %dma_wait3A_653 = tpu.memref_slice %arg18[%mul3A_0] : memref<5120xf32, #tpu.memory_space<vmem_shared>> -> memref<320xf32, #tpu.memory_space<vmem_shared>>
      tpu.wait_dma2 semaphore(%run_scoped3A : memref<!tpu.dma_semaphore, #tpu.memory_space<semaphore_mem>>) src(%arg21 : memref<320xf32, #tpu.memory_space<vmem>>) dst(%dma_wait3A_653 : memref<320xf32, #tpu.memory_space<vmem_shared>>)
      tpu.yield
    }) : () -> ()
    "tpu.region"() ({
      %run_scoped3A = tpu.sem_alloc : memref<!tpu.dma_semaphore, #tpu.memory_space<semaphore_mem>>
      %dma_start3A_650 = tpu.memref_slice %arg19[%mul3A_0] : memref<5120xf32, #tpu.memory_space<vmem_shared>> -> memref<320xf32, #tpu.memory_space<vmem_shared>>
      %dma_start3A_651 = tpu.memref_slice %arg19[%mul3A_0] : memref<5120xf32, #tpu.memory_space<vmem_shared>> -> memref<320xf32, #tpu.memory_space<vmem_shared>>
      tpu.enqueue_dma source(%arg22 : memref<320xf32, #tpu.memory_space<vmem>>) target(%dma_start3A_651 : memref<320xf32, #tpu.memory_space<vmem_shared>>) target_semaphore(%run_scoped3A : memref<!tpu.dma_semaphore, #tpu.memory_space<semaphore_mem>>)
      %dma_wait3A_652 = tpu.memref_slice %arg19[%mul3A_0] : memref<5120xf32, #tpu.memory_space<vmem_shared>> -> memref<320xf32, #tpu.memory_space<vmem_shared>>
      %dma_wait3A_653 = tpu.memref_slice %arg19[%mul3A_0] : memref<5120xf32, #tpu.memory_space<vmem_shared>> -> memref<320xf32, #tpu.memory_space<vmem_shared>>
      tpu.wait_dma2 semaphore(%run_scoped3A : memref<!tpu.dma_semaphore, #tpu.memory_space<semaphore_mem>>) src(%arg22 : memref<320xf32, #tpu.memory_space<vmem>>) dst(%dma_wait3A_653 : memref<320xf32, #tpu.memory_space<vmem_shared>>)
      tpu.yield
    }) : () -> ()
    "tpu.region"() ({
      %run_scoped3A = tpu.sem_alloc : memref<!tpu.dma_semaphore, #tpu.memory_space<semaphore_mem>>
      %dma_start3A_650 = tpu.memref_slice %arg20[%mul3A_0] : memref<5120xf32, #tpu.memory_space<vmem_shared>> -> memref<320xf32, #tpu.memory_space<vmem_shared>>
      %dma_start3A_651 = tpu.memref_slice %arg20[%mul3A_0] : memref<5120xf32, #tpu.memory_space<vmem_shared>> -> memref<320xf32, #tpu.memory_space<vmem_shared>>
      tpu.enqueue_dma source(%arg23 : memref<320xf32, #tpu.memory_space<vmem>>) target(%dma_start3A_651 : memref<320xf32, #tpu.memory_space<vmem_shared>>) target_semaphore(%run_scoped3A : memref<!tpu.dma_semaphore, #tpu.memory_space<semaphore_mem>>)
      %dma_wait3A_652 = tpu.memref_slice %arg20[%mul3A_0] : memref<5120xf32, #tpu.memory_space<vmem_shared>> -> memref<320xf32, #tpu.memory_space<vmem_shared>>
      %dma_wait3A_653 = tpu.memref_slice %arg20[%mul3A_0] : memref<5120xf32, #tpu.memory_space<vmem_shared>> -> memref<320xf32, #tpu.memory_space<vmem_shared>>
      tpu.wait_dma2 semaphore(%run_scoped3A : memref<!tpu.dma_semaphore, #tpu.memory_space<semaphore_mem>>) src(%arg23 : memref<320xf32, #tpu.memory_space<vmem>>) dst(%dma_wait3A_653 : memref<320xf32, #tpu.memory_space<vmem_shared>>)
      tpu.yield
    }) : () -> ()
    %barrier3A = arith.constant 0 : index
    tpu.barrier barrier_id(%barrier3A)
    "tpu.region"() ({
      %run_scoped3A = tpu.sem_alloc : memref<!tpu.dma_semaphore, #tpu.memory_space<semaphore_mem>>
      tpu.enqueue_dma source(%arg18 : memref<5120xf32, #tpu.memory_space<vmem_shared>>) target(%arg11 : memref<5120xf32, #tpu.memory_space<vmem>>) target_semaphore(%run_scoped3A : memref<!tpu.dma_semaphore, #tpu.memory_space<semaphore_mem>>)
      tpu.wait_dma2 semaphore(%run_scoped3A : memref<!tpu.dma_semaphore, #tpu.memory_space<semaphore_mem>>) src(%arg18 : memref<5120xf32, #tpu.memory_space<vmem_shared>>) dst(%arg11 : memref<5120xf32, #tpu.memory_space<vmem>>)
      tpu.yield
    }) : () -> ()
    "tpu.region"() ({
      %run_scoped3A = tpu.sem_alloc : memref<!tpu.dma_semaphore, #tpu.memory_space<semaphore_mem>>
      tpu.enqueue_dma source(%arg19 : memref<5120xf32, #tpu.memory_space<vmem_shared>>) target(%arg12 : memref<5120xf32, #tpu.memory_space<vmem>>) target_semaphore(%run_scoped3A : memref<!tpu.dma_semaphore, #tpu.memory_space<semaphore_mem>>)
      tpu.wait_dma2 semaphore(%run_scoped3A : memref<!tpu.dma_semaphore, #tpu.memory_space<semaphore_mem>>) src(%arg19 : memref<5120xf32, #tpu.memory_space<vmem_shared>>) dst(%arg12 : memref<5120xf32, #tpu.memory_space<vmem>>)
      tpu.yield
    }) : () -> ()
    "tpu.region"() ({
      %run_scoped3A = tpu.sem_alloc : memref<!tpu.dma_semaphore, #tpu.memory_space<semaphore_mem>>
      tpu.enqueue_dma source(%arg20 : memref<5120xf32, #tpu.memory_space<vmem_shared>>) target(%arg13 : memref<5120xf32, #tpu.memory_space<vmem>>) target_semaphore(%run_scoped3A : memref<!tpu.dma_semaphore, #tpu.memory_space<semaphore_mem>>)
      tpu.wait_dma2 semaphore(%run_scoped3A : memref<!tpu.dma_semaphore, #tpu.memory_space<semaphore_mem>>) src(%arg20 : memref<5120xf32, #tpu.memory_space<vmem_shared>>) dst(%arg13 : memref<5120xf32, #tpu.memory_space<vmem>>)
      tpu.yield
    }) : () -> ()
    %mul3A_115 = arith.constant 16 : i32
    %mul3A_116 = arith.muli %arg0, %mul3A_115 : i32
    %add3A_117 = arith.addi %mul3A_116, %arg1 : i32
    %mul3A_118 = arith.constant 10000 : i32
    %mul3A_119 = arith.muli %add3A_117, %mul3A_118 : i32
    %add3A_120 = arith.constant 0 : i32
    %add3A_121 = arith.addi %mul3A_119, %add3A_120 : i32
    %dma_start3A_122 = arith.constant 0 : i32
    %dma_start3A_123 = tpu.memref_slice %arg24[%dma_start3A_122] : memref<4000xi32, #tpu.memory_space<vmem>> -> memref<2000xi32, #tpu.memory_space<vmem>>
    %dma_start3A_124 = tpu.memref_slice %arg3[%add3A_121] : memref<320000xi32, #tpu.memory_space<hbm>> -> memref<2000xi32, #tpu.memory_space<hbm>>
    %dma_start3A_125 = arith.constant 0 : i32
    %dma_start3A_126 = tpu.memref_slice %arg24[%dma_start3A_125] : memref<4000xi32, #tpu.memory_space<vmem>> -> memref<2000xi32, #tpu.memory_space<vmem>>
    %dma_start3A_127 = tpu.memref_slice %arg3[%add3A_121] : memref<320000xi32, #tpu.memory_space<hbm>> -> memref<2000xi32, #tpu.memory_space<hbm>>
    tpu.enqueue_dma source(%dma_start3A_127 : memref<2000xi32, #tpu.memory_space<hbm>>) target(%dma_start3A_126 : memref<2000xi32, #tpu.memory_space<vmem>>) target_semaphore(%arg33 : memref<!tpu.dma_semaphore, #tpu.memory_space<semaphore_mem>>)
    %dma_start3A_128 = arith.constant 0 : i32
    %dma_start3A_129 = tpu.memref_slice %arg25[%dma_start3A_128] : memref<4000xf32, #tpu.memory_space<vmem>> -> memref<2000xf32, #tpu.memory_space<vmem>>
    %dma_start3A_130 = tpu.memref_slice %arg4[%add3A_121] : memref<320000xf32, #tpu.memory_space<hbm>> -> memref<2000xf32, #tpu.memory_space<hbm>>
    %dma_start3A_131 = arith.constant 0 : i32
    %dma_start3A_132 = tpu.memref_slice %arg25[%dma_start3A_131] : memref<4000xf32, #tpu.memory_space<vmem>> -> memref<2000xf32, #tpu.memory_space<vmem>>
    %dma_start3A_133 = tpu.memref_slice %arg4[%add3A_121] : memref<320000xf32, #tpu.memory_space<hbm>> -> memref<2000xf32, #tpu.memory_space<hbm>>
    tpu.enqueue_dma source(%dma_start3A_133 : memref<2000xf32, #tpu.memory_space<hbm>>) target(%dma_start3A_132 : memref<2000xf32, #tpu.memory_space<vmem>>) target_semaphore(%arg33 : memref<!tpu.dma_semaphore, #tpu.memory_space<semaphore_mem>>)
    %dma_start3A_134 = arith.constant 0 : i32
    %dma_start3A_135 = tpu.memref_slice %arg26[%dma_start3A_134] : memref<4000xf32, #tpu.memory_space<vmem>> -> memref<2000xf32, #tpu.memory_space<vmem>>
    %dma_start3A_136 = tpu.memref_slice %arg5[%add3A_121] : memref<320000xf32, #tpu.memory_space<hbm>> -> memref<2000xf32, #tpu.memory_space<hbm>>
    %dma_start3A_137 = arith.constant 0 : i32
    %dma_start3A_138 = tpu.memref_slice %arg26[%dma_start3A_137] : memref<4000xf32, #tpu.memory_space<vmem>> -> memref<2000xf32, #tpu.memory_space<vmem>>
    %dma_start3A_139 = tpu.memref_slice %arg5[%add3A_121] : memref<320000xf32, #tpu.memory_space<hbm>> -> memref<2000xf32, #tpu.memory_space<hbm>>
    tpu.enqueue_dma source(%dma_start3A_139 : memref<2000xf32, #tpu.memory_space<hbm>>) target(%dma_start3A_138 : memref<2000xf32, #tpu.memory_space<vmem>>) target_semaphore(%arg33 : memref<!tpu.dma_semaphore, #tpu.memory_space<semaphore_mem>>)
    %dma_start3A_140 = arith.constant 0 : i32
    %dma_start3A_141 = tpu.memref_slice %arg27[%dma_start3A_140] : memref<4000xf32, #tpu.memory_space<vmem>> -> memref<2000xf32, #tpu.memory_space<vmem>>
    %dma_start3A_142 = tpu.memref_slice %arg6[%add3A_121] : memref<320000xf32, #tpu.memory_space<hbm>> -> memref<2000xf32, #tpu.memory_space<hbm>>
    %dma_start3A_143 = arith.constant 0 : i32
    %dma_start3A_144 = tpu.memref_slice %arg27[%dma_start3A_143] : memref<4000xf32, #tpu.memory_space<vmem>> -> memref<2000xf32, #tpu.memory_space<vmem>>
    %dma_start3A_145 = tpu.memref_slice %arg6[%add3A_121] : memref<320000xf32, #tpu.memory_space<hbm>> -> memref<2000xf32, #tpu.memory_space<hbm>>
    tpu.enqueue_dma source(%dma_start3A_145 : memref<2000xf32, #tpu.memory_space<hbm>>) target(%dma_start3A_144 : memref<2000xf32, #tpu.memory_space<vmem>>) target_semaphore(%arg33 : memref<!tpu.dma_semaphore, #tpu.memory_space<semaphore_mem>>)
    %dma_start3A_146 = arith.constant 0 : i32
    %dma_start3A_147 = tpu.memref_slice %arg28[%dma_start3A_146] : memref<4000xf32, #tpu.memory_space<vmem>> -> memref<2000xf32, #tpu.memory_space<vmem>>
    %dma_start3A_148 = tpu.memref_slice %arg7[%add3A_121] : memref<320000xf32, #tpu.memory_space<hbm>> -> memref<2000xf32, #tpu.memory_space<hbm>>
    %dma_start3A_149 = arith.constant 0 : i32
    %dma_start3A_150 = tpu.memref_slice %arg28[%dma_start3A_149] : memref<4000xf32, #tpu.memory_space<vmem>> -> memref<2000xf32, #tpu.memory_space<vmem>>
    %dma_start3A_151 = tpu.memref_slice %arg7[%add3A_121] : memref<320000xf32, #tpu.memory_space<hbm>> -> memref<2000xf32, #tpu.memory_space<hbm>>
    tpu.enqueue_dma source(%dma_start3A_151 : memref<2000xf32, #tpu.memory_space<hbm>>) target(%dma_start3A_150 : memref<2000xf32, #tpu.memory_space<vmem>>) target_semaphore(%arg33 : memref<!tpu.dma_semaphore, #tpu.memory_space<semaphore_mem>>)
    %add3A_152 = arith.constant 2000 : i32
    %add3A_153 = arith.addi %mul3A_119, %add3A_152 : i32
    %dma_start3A_154 = arith.constant 2000 : i32
    %dma_start3A_155 = tpu.memref_slice %arg24[%dma_start3A_154] : memref<4000xi32, #tpu.memory_space<vmem>> -> memref<2000xi32, #tpu.memory_space<vmem>>
    %dma_start3A_156 = tpu.memref_slice %arg3[%add3A_153] : memref<320000xi32, #tpu.memory_space<hbm>> -> memref<2000xi32, #tpu.memory_space<hbm>>
    %dma_start3A_157 = arith.constant 2000 : i32
    %dma_start3A_158 = tpu.memref_slice %arg24[%dma_start3A_157] : memref<4000xi32, #tpu.memory_space<vmem>> -> memref<2000xi32, #tpu.memory_space<vmem>>
    %dma_start3A_159 = tpu.memref_slice %arg3[%add3A_153] : memref<320000xi32, #tpu.memory_space<hbm>> -> memref<2000xi32, #tpu.memory_space<hbm>>
    tpu.enqueue_dma source(%dma_start3A_159 : memref<2000xi32, #tpu.memory_space<hbm>>) target(%dma_start3A_158 : memref<2000xi32, #tpu.memory_space<vmem>>) target_semaphore(%arg34 : memref<!tpu.dma_semaphore, #tpu.memory_space<semaphore_mem>>)
    %dma_start3A_160 = arith.constant 2000 : i32
    %dma_start3A_161 = tpu.memref_slice %arg25[%dma_start3A_160] : memref<4000xf32, #tpu.memory_space<vmem>> -> memref<2000xf32, #tpu.memory_space<vmem>>
    %dma_start3A_162 = tpu.memref_slice %arg4[%add3A_153] : memref<320000xf32, #tpu.memory_space<hbm>> -> memref<2000xf32, #tpu.memory_space<hbm>>
    %dma_start3A_163 = arith.constant 2000 : i32
    %dma_start3A_164 = tpu.memref_slice %arg25[%dma_start3A_163] : memref<4000xf32, #tpu.memory_space<vmem>> -> memref<2000xf32, #tpu.memory_space<vmem>>
    %dma_start3A_165 = tpu.memref_slice %arg4[%add3A_153] : memref<320000xf32, #tpu.memory_space<hbm>> -> memref<2000xf32, #tpu.memory_space<hbm>>
    tpu.enqueue_dma source(%dma_start3A_165 : memref<2000xf32, #tpu.memory_space<hbm>>) target(%dma_start3A_164 : memref<2000xf32, #tpu.memory_space<vmem>>) target_semaphore(%arg34 : memref<!tpu.dma_semaphore, #tpu.memory_space<semaphore_mem>>)
    %dma_start3A_166 = arith.constant 2000 : i32
    %dma_start3A_167 = tpu.memref_slice %arg26[%dma_start3A_166] : memref<4000xf32, #tpu.memory_space<vmem>> -> memref<2000xf32, #tpu.memory_space<vmem>>
    %dma_start3A_168 = tpu.memref_slice %arg5[%add3A_153] : memref<320000xf32, #tpu.memory_space<hbm>> -> memref<2000xf32, #tpu.memory_space<hbm>>
    %dma_start3A_169 = arith.constant 2000 : i32
    %dma_start3A_170 = tpu.memref_slice %arg26[%dma_start3A_169] : memref<4000xf32, #tpu.memory_space<vmem>> -> memref<2000xf32, #tpu.memory_space<vmem>>
    %dma_start3A_171 = tpu.memref_slice %arg5[%add3A_153] : memref<320000xf32, #tpu.memory_space<hbm>> -> memref<2000xf32, #tpu.memory_space<hbm>>
    tpu.enqueue_dma source(%dma_start3A_171 : memref<2000xf32, #tpu.memory_space<hbm>>) target(%dma_start3A_170 : memref<2000xf32, #tpu.memory_space<vmem>>) target_semaphore(%arg34 : memref<!tpu.dma_semaphore, #tpu.memory_space<semaphore_mem>>)
    %dma_start3A_172 = arith.constant 2000 : i32
    %dma_start3A_173 = tpu.memref_slice %arg27[%dma_start3A_172] : memref<4000xf32, #tpu.memory_space<vmem>> -> memref<2000xf32, #tpu.memory_space<vmem>>
    %dma_start3A_174 = tpu.memref_slice %arg6[%add3A_153] : memref<320000xf32, #tpu.memory_space<hbm>> -> memref<2000xf32, #tpu.memory_space<hbm>>
    %dma_start3A_175 = arith.constant 2000 : i32
    %dma_start3A_176 = tpu.memref_slice %arg27[%dma_start3A_175] : memref<4000xf32, #tpu.memory_space<vmem>> -> memref<2000xf32, #tpu.memory_space<vmem>>
    %dma_start3A_177 = tpu.memref_slice %arg6[%add3A_153] : memref<320000xf32, #tpu.memory_space<hbm>> -> memref<2000xf32, #tpu.memory_space<hbm>>
    tpu.enqueue_dma source(%dma_start3A_177 : memref<2000xf32, #tpu.memory_space<hbm>>) target(%dma_start3A_176 : memref<2000xf32, #tpu.memory_space<vmem>>) target_semaphore(%arg34 : memref<!tpu.dma_semaphore, #tpu.memory_space<semaphore_mem>>)
    %dma_start3A_178 = arith.constant 2000 : i32
    %dma_start3A_179 = tpu.memref_slice %arg28[%dma_start3A_178] : memref<4000xf32, #tpu.memory_space<vmem>> -> memref<2000xf32, #tpu.memory_space<vmem>>
    %dma_start3A_180 = tpu.memref_slice %arg7[%add3A_153] : memref<320000xf32, #tpu.memory_space<hbm>> -> memref<2000xf32, #tpu.memory_space<hbm>>
    %dma_start3A_181 = arith.constant 2000 : i32
    %dma_start3A_182 = tpu.memref_slice %arg28[%dma_start3A_181] : memref<4000xf32, #tpu.memory_space<vmem>> -> memref<2000xf32, #tpu.memory_space<vmem>>
    %dma_start3A_183 = tpu.memref_slice %arg7[%add3A_153] : memref<320000xf32, #tpu.memory_space<hbm>> -> memref<2000xf32, #tpu.memory_space<hbm>>
    tpu.enqueue_dma source(%dma_start3A_183 : memref<2000xf32, #tpu.memory_space<hbm>>) target(%dma_start3A_182 : memref<2000xf32, #tpu.memory_space<vmem>>) target_semaphore(%arg34 : memref<!tpu.dma_semaphore, #tpu.memory_space<semaphore_mem>>)
    %dma_wait3A_184 = arith.constant 0 : i32
    %dma_wait3A_185 = tpu.memref_slice %arg24[%dma_wait3A_184] : memref<4000xi32, #tpu.memory_space<vmem>> -> memref<2000xi32, #tpu.memory_space<vmem>>
    %dma_wait3A_186 = tpu.memref_slice %arg3[%add3A_121] : memref<320000xi32, #tpu.memory_space<hbm>> -> memref<2000xi32, #tpu.memory_space<hbm>>
    %dma_wait3A_187 = arith.constant 0 : i32
    %dma_wait3A_188 = tpu.memref_slice %arg24[%dma_wait3A_187] : memref<4000xi32, #tpu.memory_space<vmem>> -> memref<2000xi32, #tpu.memory_space<vmem>>
    %dma_wait3A_189 = tpu.memref_slice %arg3[%add3A_121] : memref<320000xi32, #tpu.memory_space<hbm>> -> memref<2000xi32, #tpu.memory_space<hbm>>
    tpu.wait_dma2 semaphore(%arg33 : memref<!tpu.dma_semaphore, #tpu.memory_space<semaphore_mem>>) src(%dma_wait3A_189 : memref<2000xi32, #tpu.memory_space<hbm>>) dst(%dma_wait3A_188 : memref<2000xi32, #tpu.memory_space<vmem>>)
    %dma_wait3A_190 = arith.constant 0 : i32
    %dma_wait3A_191 = tpu.memref_slice %arg25[%dma_wait3A_190] : memref<4000xf32, #tpu.memory_space<vmem>> -> memref<2000xf32, #tpu.memory_space<vmem>>
    %dma_wait3A_192 = tpu.memref_slice %arg4[%add3A_121] : memref<320000xf32, #tpu.memory_space<hbm>> -> memref<2000xf32, #tpu.memory_space<hbm>>
    %dma_wait3A_193 = arith.constant 0 : i32
    %dma_wait3A_194 = tpu.memref_slice %arg25[%dma_wait3A_193] : memref<4000xf32, #tpu.memory_space<vmem>> -> memref<2000xf32, #tpu.memory_space<vmem>>
    %dma_wait3A_195 = tpu.memref_slice %arg4[%add3A_121] : memref<320000xf32, #tpu.memory_space<hbm>> -> memref<2000xf32, #tpu.memory_space<hbm>>
    tpu.wait_dma2 semaphore(%arg33 : memref<!tpu.dma_semaphore, #tpu.memory_space<semaphore_mem>>) src(%dma_wait3A_195 : memref<2000xf32, #tpu.memory_space<hbm>>) dst(%dma_wait3A_194 : memref<2000xf32, #tpu.memory_space<vmem>>)
    %dma_wait3A_196 = arith.constant 0 : i32
    %dma_wait3A_197 = tpu.memref_slice %arg26[%dma_wait3A_196] : memref<4000xf32, #tpu.memory_space<vmem>> -> memref<2000xf32, #tpu.memory_space<vmem>>
    %dma_wait3A_198 = tpu.memref_slice %arg5[%add3A_121] : memref<320000xf32, #tpu.memory_space<hbm>> -> memref<2000xf32, #tpu.memory_space<hbm>>
    %dma_wait3A_199 = arith.constant 0 : i32
    %dma_wait3A_200 = tpu.memref_slice %arg26[%dma_wait3A_199] : memref<4000xf32, #tpu.memory_space<vmem>> -> memref<2000xf32, #tpu.memory_space<vmem>>
    %dma_wait3A_201 = tpu.memref_slice %arg5[%add3A_121] : memref<320000xf32, #tpu.memory_space<hbm>> -> memref<2000xf32, #tpu.memory_space<hbm>>
    tpu.wait_dma2 semaphore(%arg33 : memref<!tpu.dma_semaphore, #tpu.memory_space<semaphore_mem>>) src(%dma_wait3A_201 : memref<2000xf32, #tpu.memory_space<hbm>>) dst(%dma_wait3A_200 : memref<2000xf32, #tpu.memory_space<vmem>>)
    %dma_wait3A_202 = arith.constant 0 : i32
    %dma_wait3A_203 = tpu.memref_slice %arg27[%dma_wait3A_202] : memref<4000xf32, #tpu.memory_space<vmem>> -> memref<2000xf32, #tpu.memory_space<vmem>>
    %dma_wait3A_204 = tpu.memref_slice %arg6[%add3A_121] : memref<320000xf32, #tpu.memory_space<hbm>> -> memref<2000xf32, #tpu.memory_space<hbm>>
    %dma_wait3A_205 = arith.constant 0 : i32
    %dma_wait3A_206 = tpu.memref_slice %arg27[%dma_wait3A_205] : memref<4000xf32, #tpu.memory_space<vmem>> -> memref<2000xf32, #tpu.memory_space<vmem>>
    %dma_wait3A_207 = tpu.memref_slice %arg6[%add3A_121] : memref<320000xf32, #tpu.memory_space<hbm>> -> memref<2000xf32, #tpu.memory_space<hbm>>
    tpu.wait_dma2 semaphore(%arg33 : memref<!tpu.dma_semaphore, #tpu.memory_space<semaphore_mem>>) src(%dma_wait3A_207 : memref<2000xf32, #tpu.memory_space<hbm>>) dst(%dma_wait3A_206 : memref<2000xf32, #tpu.memory_space<vmem>>)
    %dma_wait3A_208 = arith.constant 0 : i32
    %dma_wait3A_209 = tpu.memref_slice %arg28[%dma_wait3A_208] : memref<4000xf32, #tpu.memory_space<vmem>> -> memref<2000xf32, #tpu.memory_space<vmem>>
    %dma_wait3A_210 = tpu.memref_slice %arg7[%add3A_121] : memref<320000xf32, #tpu.memory_space<hbm>> -> memref<2000xf32, #tpu.memory_space<hbm>>
    %dma_wait3A_211 = arith.constant 0 : i32
    %dma_wait3A_212 = tpu.memref_slice %arg28[%dma_wait3A_211] : memref<4000xf32, #tpu.memory_space<vmem>> -> memref<2000xf32, #tpu.memory_space<vmem>>
    %dma_wait3A_213 = tpu.memref_slice %arg7[%add3A_121] : memref<320000xf32, #tpu.memory_space<hbm>> -> memref<2000xf32, #tpu.memory_space<hbm>>
    tpu.wait_dma2 semaphore(%arg33 : memref<!tpu.dma_semaphore, #tpu.memory_space<semaphore_mem>>) src(%dma_wait3A_213 : memref<2000xf32, #tpu.memory_space<hbm>>) dst(%dma_wait3A_212 : memref<2000xf32, #tpu.memory_space<vmem>>)
    %scan3A_214 = arith.constant 0 : i32
    %scan3A_215 = arith.constant 0 : i32
    %scan3A_216 = arith.constant 125 : i32
    %scan3A_217 = arith.addi %scan3A_215, %scan3A_216 : i32
    %scan3A_218 = arith.constant 1 : i32
    scf.for %scan3A_650 = %scan3A_215 to %scan3A_217 step %scan3A_218  : i32 {
      %mul3A_651 = arith.constant 16 : i32
      %mul3A_652 = arith.muli %mul3A_651, %scan3A_650 : i32
      %add3A_653 = arith.constant 0 : i32
      %add3A_654 = arith.addi %add3A_653, %mul3A_652 : i32
      %get3A = arith.index_cast %add3A_654 : i32 to index
      %get3A_655 = tpu.vector_load %arg24[%get3A] {strides = array<i32>} : memref<4000xi32, #tpu.memory_space<vmem>>, vector<16xi32>,
      %get3A_656 = arith.index_cast %add3A_654 : i32 to index
      %get3A_657 = tpu.vector_load %arg28[%get3A_656] {strides = array<i32>} : memref<4000xf32, #tpu.memory_space<vmem>>, vector<16xf32>,
      %get3A_658 = arith.index_cast %add3A_654 : i32 to index
      %get3A_659 = tpu.vector_load %arg25[%get3A_658] {strides = array<i32>} : memref<4000xf32, #tpu.memory_space<vmem>>, vector<16xf32>,
      %gather3A = tpu.vector_load_idx %arg11[%get3A_655] : memref<5120xf32, #tpu.memory_space<vmem>>[vector<16xi32>], vector<16xf32>,
      %sub3A = arith.subf %get3A_659, %gather3A : vector<16xf32>
      %mul3A_660 = arith.mulf %get3A_657, %sub3A : vector<16xf32>
      %swap3A = arith.index_cast %add3A_654 : i32 to index
      %swap3A_661 = tpu.vector_load %arg29[%swap3A] {strides = array<i32>} : memref<4000xf32, #tpu.memory_space<vmem>>, vector<16xf32>,
      tpu.vector_store %arg29[%swap3A], %mul3A_660 {strides = array<i32>} : memref<4000xf32, #tpu.memory_space<vmem>>, vector<16xf32>,
      %get3A_662 = arith.index_cast %add3A_654 : i32 to index
      %get3A_663 = tpu.vector_load %arg26[%get3A_662] {strides = array<i32>} : memref<4000xf32, #tpu.memory_space<vmem>>, vector<16xf32>,
      %gather3A_664 = tpu.vector_load_idx %arg12[%get3A_655] : memref<5120xf32, #tpu.memory_space<vmem>>[vector<16xi32>], vector<16xf32>,
      %sub3A_665 = arith.subf %get3A_663, %gather3A_664 : vector<16xf32>
      %mul3A_666 = arith.mulf %get3A_657, %sub3A_665 : vector<16xf32>
      %swap3A_667 = arith.index_cast %add3A_654 : i32 to index
      %swap3A_668 = tpu.vector_load %arg30[%swap3A_667] {strides = array<i32>} : memref<4000xf32, #tpu.memory_space<vmem>>, vector<16xf32>,
      tpu.vector_store %arg30[%swap3A_667], %mul3A_666 {strides = array<i32>} : memref<4000xf32, #tpu.memory_space<vmem>>, vector<16xf32>,
      %get3A_669 = arith.index_cast %add3A_654 : i32 to index
      %get3A_670 = tpu.vector_load %arg27[%get3A_669] {strides = array<i32>} : memref<4000xf32, #tpu.memory_space<vmem>>, vector<16xf32>,
      %gather3A_671 = tpu.vector_load_idx %arg13[%get3A_655] : memref<5120xf32, #tpu.memory_space<vmem>>[vector<16xi32>], vector<16xf32>,
      %sub3A_672 = arith.subf %get3A_670, %gather3A_671 : vector<16xf32>
      %mul3A_673 = arith.mulf %get3A_657, %sub3A_672 : vector<16xf32>
      %swap3A_674 = arith.index_cast %add3A_654 : i32 to index
      %swap3A_675 = tpu.vector_load %arg31[%swap3A_674] {strides = array<i32>} : memref<4000xf32, #tpu.memory_space<vmem>>, vector<16xf32>,
      tpu.vector_store %arg31[%swap3A_674], %mul3A_673 {strides = array<i32>} : memref<4000xf32, #tpu.memory_space<vmem>>, vector<16xf32>,
    }
    %scan3A_219 = arith.constant 125 : i32
    %add3A_220 = arith.constant 0 : i32
    %add3A_221 = arith.addi %mul3A_119, %add3A_220 : i32
    %dma_start3A_222 = arith.constant 0 : i32
    %dma_start3A_223 = tpu.memref_slice %arg29[%dma_start3A_222] : memref<4000xf32, #tpu.memory_space<vmem>> -> memref<2000xf32, #tpu.memory_space<vmem>>
    %dma_start3A_224 = tpu.memref_slice %arg8[%add3A_221] : memref<320000xf32, #tpu.memory_space<hbm>> -> memref<2000xf32, #tpu.memory_space<hbm>>
    %dma_start3A_225 = tpu.memref_slice %arg8[%add3A_221] : memref<320000xf32, #tpu.memory_space<hbm>> -> memref<2000xf32, #tpu.memory_space<hbm>>
    %dma_start3A_226 = arith.constant 0 : i32
    %dma_start3A_227 = tpu.memref_slice %arg29[%dma_start3A_226] : memref<4000xf32, #tpu.memory_space<vmem>> -> memref<2000xf32, #tpu.memory_space<vmem>>
    tpu.enqueue_dma source(%dma_start3A_227 : memref<2000xf32, #tpu.memory_space<vmem>>) target(%dma_start3A_225 : memref<2000xf32, #tpu.memory_space<hbm>>) target_semaphore(%arg35 : memref<!tpu.dma_semaphore, #tpu.memory_space<semaphore_mem>>)
    %dma_start3A_228 = arith.constant 0 : i32
    %dma_start3A_229 = tpu.memref_slice %arg30[%dma_start3A_228] : memref<4000xf32, #tpu.memory_space<vmem>> -> memref<2000xf32, #tpu.memory_space<vmem>>
    %dma_start3A_230 = tpu.memref_slice %arg9[%add3A_221] : memref<320000xf32, #tpu.memory_space<hbm>> -> memref<2000xf32, #tpu.memory_space<hbm>>
    %dma_start3A_231 = tpu.memref_slice %arg9[%add3A_221] : memref<320000xf32, #tpu.memory_space<hbm>> -> memref<2000xf32, #tpu.memory_space<hbm>>
    %dma_start3A_232 = arith.constant 0 : i32
    %dma_start3A_233 = tpu.memref_slice %arg30[%dma_start3A_232] : memref<4000xf32, #tpu.memory_space<vmem>> -> memref<2000xf32, #tpu.memory_space<vmem>>
    tpu.enqueue_dma source(%dma_start3A_233 : memref<2000xf32, #tpu.memory_space<vmem>>) target(%dma_start3A_231 : memref<2000xf32, #tpu.memory_space<hbm>>) target_semaphore(%arg35 : memref<!tpu.dma_semaphore, #tpu.memory_space<semaphore_mem>>)
    %dma_start3A_234 = arith.constant 0 : i32
    %dma_start3A_235 = tpu.memref_slice %arg31[%dma_start3A_234] : memref<4000xf32, #tpu.memory_space<vmem>> -> memref<2000xf32, #tpu.memory_space<vmem>>
    %dma_start3A_236 = tpu.memref_slice %arg10[%add3A_221] : memref<320000xf32, #tpu.memory_space<hbm>> -> memref<2000xf32, #tpu.memory_space<hbm>>
    %dma_start3A_237 = tpu.memref_slice %arg10[%add3A_221] : memref<320000xf32, #tpu.memory_space<hbm>> -> memref<2000xf32, #tpu.memory_space<hbm>>
    %dma_start3A_238 = arith.constant 0 : i32
    %dma_start3A_239 = tpu.memref_slice %arg31[%dma_start3A_238] : memref<4000xf32, #tpu.memory_space<vmem>> -> memref<2000xf32, #tpu.memory_space<vmem>>
    tpu.enqueue_dma source(%dma_start3A_239 : memref<2000xf32, #tpu.memory_space<vmem>>) target(%dma_start3A_237 : memref<2000xf32, #tpu.memory_space<hbm>>) target_semaphore(%arg35 : memref<!tpu.dma_semaphore, #tpu.memory_space<semaphore_mem>>)
    %add3A_240 = arith.constant 4000 : i32
    %add3A_241 = arith.addi %mul3A_119, %add3A_240 : i32
    %dma_start3A_242 = arith.constant 0 : i32
    %dma_start3A_243 = tpu.memref_slice %arg24[%dma_start3A_242] : memref<4000xi32, #tpu.memory_space<vmem>> -> memref<2000xi32, #tpu.memory_space<vmem>>
    %dma_start3A_244 = tpu.memref_slice %arg3[%add3A_241] : memref<320000xi32, #tpu.memory_space<hbm>> -> memref<2000xi32, #tpu.memory_space<hbm>>
    %dma_start3A_245 = arith.constant 0 : i32
    %dma_start3A_246 = tpu.memref_slice %arg24[%dma_start3A_245] : memref<4000xi32, #tpu.memory_space<vmem>> -> memref<2000xi32, #tpu.memory_space<vmem>>
    %dma_start3A_247 = tpu.memref_slice %arg3[%add3A_241] : memref<320000xi32, #tpu.memory_space<hbm>> -> memref<2000xi32, #tpu.memory_space<hbm>>
    tpu.enqueue_dma source(%dma_start3A_247 : memref<2000xi32, #tpu.memory_space<hbm>>) target(%dma_start3A_246 : memref<2000xi32, #tpu.memory_space<vmem>>) target_semaphore(%arg33 : memref<!tpu.dma_semaphore, #tpu.memory_space<semaphore_mem>>)
    %dma_start3A_248 = arith.constant 0 : i32
    %dma_start3A_249 = tpu.memref_slice %arg25[%dma_start3A_248] : memref<4000xf32, #tpu.memory_space<vmem>> -> memref<2000xf32, #tpu.memory_space<vmem>>
    %dma_start3A_250 = tpu.memref_slice %arg4[%add3A_241] : memref<320000xf32, #tpu.memory_space<hbm>> -> memref<2000xf32, #tpu.memory_space<hbm>>
    %dma_start3A_251 = arith.constant 0 : i32
    %dma_start3A_252 = tpu.memref_slice %arg25[%dma_start3A_251] : memref<4000xf32, #tpu.memory_space<vmem>> -> memref<2000xf32, #tpu.memory_space<vmem>>
    %dma_start3A_253 = tpu.memref_slice %arg4[%add3A_241] : memref<320000xf32, #tpu.memory_space<hbm>> -> memref<2000xf32, #tpu.memory_space<hbm>>
    tpu.enqueue_dma source(%dma_start3A_253 : memref<2000xf32, #tpu.memory_space<hbm>>) target(%dma_start3A_252 : memref<2000xf32, #tpu.memory_space<vmem>>) target_semaphore(%arg33 : memref<!tpu.dma_semaphore, #tpu.memory_space<semaphore_mem>>)
    %dma_start3A_254 = arith.constant 0 : i32
    %dma_start3A_255 = tpu.memref_slice %arg26[%dma_start3A_254] : memref<4000xf32, #tpu.memory_space<vmem>> -> memref<2000xf32, #tpu.memory_space<vmem>>
    %dma_start3A_256 = tpu.memref_slice %arg5[%add3A_241] : memref<320000xf32, #tpu.memory_space<hbm>> -> memref<2000xf32, #tpu.memory_space<hbm>>
    %dma_start3A_257 = arith.constant 0 : i32
    %dma_start3A_258 = tpu.memref_slice %arg26[%dma_start3A_257] : memref<4000xf32, #tpu.memory_space<vmem>> -> memref<2000xf32, #tpu.memory_space<vmem>>
    %dma_start3A_259 = tpu.memref_slice %arg5[%add3A_241] : memref<320000xf32, #tpu.memory_space<hbm>> -> memref<2000xf32, #tpu.memory_space<hbm>>
    tpu.enqueue_dma source(%dma_start3A_259 : memref<2000xf32, #tpu.memory_space<hbm>>) target(%dma_start3A_258 : memref<2000xf32, #tpu.memory_space<vmem>>) target_semaphore(%arg33 : memref<!tpu.dma_semaphore, #tpu.memory_space<semaphore_mem>>)
    %dma_start3A_260 = arith.constant 0 : i32
    %dma_start3A_261 = tpu.memref_slice %arg27[%dma_start3A_260] : memref<4000xf32, #tpu.memory_space<vmem>> -> memref<2000xf32, #tpu.memory_space<vmem>>
    %dma_start3A_262 = tpu.memref_slice %arg6[%add3A_241] : memref<320000xf32, #tpu.memory_space<hbm>> -> memref<2000xf32, #tpu.memory_space<hbm>>
    %dma_start3A_263 = arith.constant 0 : i32
    %dma_start3A_264 = tpu.memref_slice %arg27[%dma_start3A_263] : memref<4000xf32, #tpu.memory_space<vmem>> -> memref<2000xf32, #tpu.memory_space<vmem>>
    %dma_start3A_265 = tpu.memref_slice %arg6[%add3A_241] : memref<320000xf32, #tpu.memory_space<hbm>> -> memref<2000xf32, #tpu.memory_space<hbm>>
    tpu.enqueue_dma source(%dma_start3A_265 : memref<2000xf32, #tpu.memory_space<hbm>>) target(%dma_start3A_264 : memref<2000xf32, #tpu.memory_space<vmem>>) target_semaphore(%arg33 : memref<!tpu.dma_semaphore, #tpu.memory_space<semaphore_mem>>)
    %dma_start3A_266 = arith.constant 0 : i32
    %dma_start3A_267 = tpu.memref_slice %arg28[%dma_start3A_266] : memref<4000xf32, #tpu.memory_space<vmem>> -> memref<2000xf32, #tpu.memory_space<vmem>>
    %dma_start3A_268 = tpu.memref_slice %arg7[%add3A_241] : memref<320000xf32, #tpu.memory_space<hbm>> -> memref<2000xf32, #tpu.memory_space<hbm>>
    %dma_start3A_269 = arith.constant 0 : i32
    %dma_start3A_270 = tpu.memref_slice %arg28[%dma_start3A_269] : memref<4000xf32, #tpu.memory_space<vmem>> -> memref<2000xf32, #tpu.memory_space<vmem>>
    %dma_start3A_271 = tpu.memref_slice %arg7[%add3A_241] : memref<320000xf32, #tpu.memory_space<hbm>> -> memref<2000xf32, #tpu.memory_space<hbm>>
    tpu.enqueue_dma source(%dma_start3A_271 : memref<2000xf32, #tpu.memory_space<hbm>>) target(%dma_start3A_270 : memref<2000xf32, #tpu.memory_space<vmem>>) target_semaphore(%arg33 : memref<!tpu.dma_semaphore, #tpu.memory_space<semaphore_mem>>)
    %dma_wait3A_272 = arith.constant 2000 : i32
    %dma_wait3A_273 = tpu.memref_slice %arg24[%dma_wait3A_272] : memref<4000xi32, #tpu.memory_space<vmem>> -> memref<2000xi32, #tpu.memory_space<vmem>>
    %dma_wait3A_274 = tpu.memref_slice %arg3[%add3A_153] : memref<320000xi32, #tpu.memory_space<hbm>> -> memref<2000xi32, #tpu.memory_space<hbm>>
    %dma_wait3A_275 = arith.constant 2000 : i32
    %dma_wait3A_276 = tpu.memref_slice %arg24[%dma_wait3A_275] : memref<4000xi32, #tpu.memory_space<vmem>> -> memref<2000xi32, #tpu.memory_space<vmem>>
    %dma_wait3A_277 = tpu.memref_slice %arg3[%add3A_153] : memref<320000xi32, #tpu.memory_space<hbm>> -> memref<2000xi32, #tpu.memory_space<hbm>>
    tpu.wait_dma2 semaphore(%arg34 : memref<!tpu.dma_semaphore, #tpu.memory_space<semaphore_mem>>) src(%dma_wait3A_277 : memref<2000xi32, #tpu.memory_space<hbm>>) dst(%dma_wait3A_276 : memref<2000xi32, #tpu.memory_space<vmem>>)
    %dma_wait3A_278 = arith.constant 2000 : i32
    %dma_wait3A_279 = tpu.memref_slice %arg25[%dma_wait3A_278] : memref<4000xf32, #tpu.memory_space<vmem>> -> memref<2000xf32, #tpu.memory_space<vmem>>
    %dma_wait3A_280 = tpu.memref_slice %arg4[%add3A_153] : memref<320000xf32, #tpu.memory_space<hbm>> -> memref<2000xf32, #tpu.memory_space<hbm>>
    %dma_wait3A_281 = arith.constant 2000 : i32
    %dma_wait3A_282 = tpu.memref_slice %arg25[%dma_wait3A_281] : memref<4000xf32, #tpu.memory_space<vmem>> -> memref<2000xf32, #tpu.memory_space<vmem>>
    %dma_wait3A_283 = tpu.memref_slice %arg4[%add3A_153] : memref<320000xf32, #tpu.memory_space<hbm>> -> memref<2000xf32, #tpu.memory_space<hbm>>
    tpu.wait_dma2 semaphore(%arg34 : memref<!tpu.dma_semaphore, #tpu.memory_space<semaphore_mem>>) src(%dma_wait3A_283 : memref<2000xf32, #tpu.memory_space<hbm>>) dst(%dma_wait3A_282 : memref<2000xf32, #tpu.memory_space<vmem>>)
    %dma_wait3A_284 = arith.constant 2000 : i32
    %dma_wait3A_285 = tpu.memref_slice %arg26[%dma_wait3A_284] : memref<4000xf32, #tpu.memory_space<vmem>> -> memref<2000xf32, #tpu.memory_space<vmem>>
    %dma_wait3A_286 = tpu.memref_slice %arg5[%add3A_153] : memref<320000xf32, #tpu.memory_space<hbm>> -> memref<2000xf32, #tpu.memory_space<hbm>>
    %dma_wait3A_287 = arith.constant 2000 : i32
    %dma_wait3A_288 = tpu.memref_slice %arg26[%dma_wait3A_287] : memref<4000xf32, #tpu.memory_space<vmem>> -> memref<2000xf32, #tpu.memory_space<vmem>>
    %dma_wait3A_289 = tpu.memref_slice %arg5[%add3A_153] : memref<320000xf32, #tpu.memory_space<hbm>> -> memref<2000xf32, #tpu.memory_space<hbm>>
    tpu.wait_dma2 semaphore(%arg34 : memref<!tpu.dma_semaphore, #tpu.memory_space<semaphore_mem>>) src(%dma_wait3A_289 : memref<2000xf32, #tpu.memory_space<hbm>>) dst(%dma_wait3A_288 : memref<2000xf32, #tpu.memory_space<vmem>>)
    %dma_wait3A_290 = arith.constant 2000 : i32
    %dma_wait3A_291 = tpu.memref_slice %arg27[%dma_wait3A_290] : memref<4000xf32, #tpu.memory_space<vmem>> -> memref<2000xf32, #tpu.memory_space<vmem>>
    %dma_wait3A_292 = tpu.memref_slice %arg6[%add3A_153] : memref<320000xf32, #tpu.memory_space<hbm>> -> memref<2000xf32, #tpu.memory_space<hbm>>
    %dma_wait3A_293 = arith.constant 2000 : i32
    %dma_wait3A_294 = tpu.memref_slice %arg27[%dma_wait3A_293] : memref<4000xf32, #tpu.memory_space<vmem>> -> memref<2000xf32, #tpu.memory_space<vmem>>
    %dma_wait3A_295 = tpu.memref_slice %arg6[%add3A_153] : memref<320000xf32, #tpu.memory_space<hbm>> -> memref<2000xf32, #tpu.memory_space<hbm>>
    tpu.wait_dma2 semaphore(%arg34 : memref<!tpu.dma_semaphore, #tpu.memory_space<semaphore_mem>>) src(%dma_wait3A_295 : memref<2000xf32, #tpu.memory_space<hbm>>) dst(%dma_wait3A_294 : memref<2000xf32, #tpu.memory_space<vmem>>)
    %dma_wait3A_296 = arith.constant 2000 : i32
    %dma_wait3A_297 = tpu.memref_slice %arg28[%dma_wait3A_296] : memref<4000xf32, #tpu.memory_space<vmem>> -> memref<2000xf32, #tpu.memory_space<vmem>>
    %dma_wait3A_298 = tpu.memref_slice %arg7[%add3A_153] : memref<320000xf32, #tpu.memory_space<hbm>> -> memref<2000xf32, #tpu.memory_space<hbm>>
    %dma_wait3A_299 = arith.constant 2000 : i32
    %dma_wait3A_300 = tpu.memref_slice %arg28[%dma_wait3A_299] : memref<4000xf32, #tpu.memory_space<vmem>> -> memref<2000xf32, #tpu.memory_space<vmem>>
    %dma_wait3A_301 = tpu.memref_slice %arg7[%add3A_153] : memref<320000xf32, #tpu.memory_space<hbm>> -> memref<2000xf32, #tpu.memory_space<hbm>>
    tpu.wait_dma2 semaphore(%arg34 : memref<!tpu.dma_semaphore, #tpu.memory_space<semaphore_mem>>) src(%dma_wait3A_301 : memref<2000xf32, #tpu.memory_space<hbm>>) dst(%dma_wait3A_300 : memref<2000xf32, #tpu.memory_space<vmem>>)
    %scan3A_302 = arith.constant 0 : i32
    %scan3A_303 = arith.constant 0 : i32
    %scan3A_304 = arith.constant 125 : i32
    %scan3A_305 = arith.addi %scan3A_303, %scan3A_304 : i32
    %scan3A_306 = arith.constant 1 : i32
    scf.for %scan3A_650 = %scan3A_303 to %scan3A_305 step %scan3A_306  : i32 {
      %mul3A_651 = arith.constant 16 : i32
      %mul3A_652 = arith.muli %mul3A_651, %scan3A_650 : i32
      %add3A_653 = arith.constant 2000 : i32
      %add3A_654 = arith.addi %add3A_653, %mul3A_652 : i32
      %get3A = arith.index_cast %add3A_654 : i32 to index
      %get3A_655 = tpu.vector_load %arg24[%get3A] {strides = array<i32>} : memref<4000xi32, #tpu.memory_space<vmem>>, vector<16xi32>,
      %get3A_656 = arith.index_cast %add3A_654 : i32 to index
      %get3A_657 = tpu.vector_load %arg28[%get3A_656] {strides = array<i32>} : memref<4000xf32, #tpu.memory_space<vmem>>, vector<16xf32>,
      %get3A_658 = arith.index_cast %add3A_654 : i32 to index
      %get3A_659 = tpu.vector_load %arg25[%get3A_658] {strides = array<i32>} : memref<4000xf32, #tpu.memory_space<vmem>>, vector<16xf32>,
      %gather3A = tpu.vector_load_idx %arg11[%get3A_655] : memref<5120xf32, #tpu.memory_space<vmem>>[vector<16xi32>], vector<16xf32>,
      %sub3A = arith.subf %get3A_659, %gather3A : vector<16xf32>
      %mul3A_660 = arith.mulf %get3A_657, %sub3A : vector<16xf32>
      %swap3A = arith.index_cast %add3A_654 : i32 to index
      %swap3A_661 = tpu.vector_load %arg29[%swap3A] {strides = array<i32>} : memref<4000xf32, #tpu.memory_space<vmem>>, vector<16xf32>,
      tpu.vector_store %arg29[%swap3A], %mul3A_660 {strides = array<i32>} : memref<4000xf32, #tpu.memory_space<vmem>>, vector<16xf32>,
      %get3A_662 = arith.index_cast %add3A_654 : i32 to index
      %get3A_663 = tpu.vector_load %arg26[%get3A_662] {strides = array<i32>} : memref<4000xf32, #tpu.memory_space<vmem>>, vector<16xf32>,
      %gather3A_664 = tpu.vector_load_idx %arg12[%get3A_655] : memref<5120xf32, #tpu.memory_space<vmem>>[vector<16xi32>], vector<16xf32>,
      %sub3A_665 = arith.subf %get3A_663, %gather3A_664 : vector<16xf32>
      %mul3A_666 = arith.mulf %get3A_657, %sub3A_665 : vector<16xf32>
      %swap3A_667 = arith.index_cast %add3A_654 : i32 to index
      %swap3A_668 = tpu.vector_load %arg30[%swap3A_667] {strides = array<i32>} : memref<4000xf32, #tpu.memory_space<vmem>>, vector<16xf32>,
      tpu.vector_store %arg30[%swap3A_667], %mul3A_666 {strides = array<i32>} : memref<4000xf32, #tpu.memory_space<vmem>>, vector<16xf32>,
      %get3A_669 = arith.index_cast %add3A_654 : i32 to index
      %get3A_670 = tpu.vector_load %arg27[%get3A_669] {strides = array<i32>} : memref<4000xf32, #tpu.memory_space<vmem>>, vector<16xf32>,
      %gather3A_671 = tpu.vector_load_idx %arg13[%get3A_655] : memref<5120xf32, #tpu.memory_space<vmem>>[vector<16xi32>], vector<16xf32>,
      %sub3A_672 = arith.subf %get3A_670, %gather3A_671 : vector<16xf32>
      %mul3A_673 = arith.mulf %get3A_657, %sub3A_672 : vector<16xf32>
      %swap3A_674 = arith.index_cast %add3A_654 : i32 to index
      %swap3A_675 = tpu.vector_load %arg31[%swap3A_674] {strides = array<i32>} : memref<4000xf32, #tpu.memory_space<vmem>>, vector<16xf32>,
      tpu.vector_store %arg31[%swap3A_674], %mul3A_673 {strides = array<i32>} : memref<4000xf32, #tpu.memory_space<vmem>>, vector<16xf32>,
    }
    %scan3A_307 = arith.constant 125 : i32
    %add3A_308 = arith.constant 2000 : i32
    %add3A_309 = arith.addi %mul3A_119, %add3A_308 : i32
    %dma_start3A_310 = arith.constant 2000 : i32
    %dma_start3A_311 = tpu.memref_slice %arg29[%dma_start3A_310] : memref<4000xf32, #tpu.memory_space<vmem>> -> memref<2000xf32, #tpu.memory_space<vmem>>
    %dma_start3A_312 = tpu.memref_slice %arg8[%add3A_309] : memref<320000xf32, #tpu.memory_space<hbm>> -> memref<2000xf32, #tpu.memory_space<hbm>>
    %dma_start3A_313 = tpu.memref_slice %arg8[%add3A_309] : memref<320000xf32, #tpu.memory_space<hbm>> -> memref<2000xf32, #tpu.memory_space<hbm>>
    %dma_start3A_314 = arith.constant 2000 : i32
    %dma_start3A_315 = tpu.memref_slice %arg29[%dma_start3A_314] : memref<4000xf32, #tpu.memory_space<vmem>> -> memref<2000xf32, #tpu.memory_space<vmem>>
    tpu.enqueue_dma source(%dma_start3A_315 : memref<2000xf32, #tpu.memory_space<vmem>>) target(%dma_start3A_313 : memref<2000xf32, #tpu.memory_space<hbm>>) target_semaphore(%arg36 : memref<!tpu.dma_semaphore, #tpu.memory_space<semaphore_mem>>)
    %dma_start3A_316 = arith.constant 2000 : i32
    %dma_start3A_317 = tpu.memref_slice %arg30[%dma_start3A_316] : memref<4000xf32, #tpu.memory_space<vmem>> -> memref<2000xf32, #tpu.memory_space<vmem>>
    %dma_start3A_318 = tpu.memref_slice %arg9[%add3A_309] : memref<320000xf32, #tpu.memory_space<hbm>> -> memref<2000xf32, #tpu.memory_space<hbm>>
    %dma_start3A_319 = tpu.memref_slice %arg9[%add3A_309] : memref<320000xf32, #tpu.memory_space<hbm>> -> memref<2000xf32, #tpu.memory_space<hbm>>
    %dma_start3A_320 = arith.constant 2000 : i32
    %dma_start3A_321 = tpu.memref_slice %arg30[%dma_start3A_320] : memref<4000xf32, #tpu.memory_space<vmem>> -> memref<2000xf32, #tpu.memory_space<vmem>>
    tpu.enqueue_dma source(%dma_start3A_321 : memref<2000xf32, #tpu.memory_space<vmem>>) target(%dma_start3A_319 : memref<2000xf32, #tpu.memory_space<hbm>>) target_semaphore(%arg36 : memref<!tpu.dma_semaphore, #tpu.memory_space<semaphore_mem>>)
    %dma_start3A_322 = arith.constant 2000 : i32
    %dma_start3A_323 = tpu.memref_slice %arg31[%dma_start3A_322] : memref<4000xf32, #tpu.memory_space<vmem>> -> memref<2000xf32, #tpu.memory_space<vmem>>
    %dma_start3A_324 = tpu.memref_slice %arg10[%add3A_309] : memref<320000xf32, #tpu.memory_space<hbm>> -> memref<2000xf32, #tpu.memory_space<hbm>>
    %dma_start3A_325 = tpu.memref_slice %arg10[%add3A_309] : memref<320000xf32, #tpu.memory_space<hbm>> -> memref<2000xf32, #tpu.memory_space<hbm>>
    %dma_start3A_326 = arith.constant 2000 : i32
    %dma_start3A_327 = tpu.memref_slice %arg31[%dma_start3A_326] : memref<4000xf32, #tpu.memory_space<vmem>> -> memref<2000xf32, #tpu.memory_space<vmem>>
    tpu.enqueue_dma source(%dma_start3A_327 : memref<2000xf32, #tpu.memory_space<vmem>>) target(%dma_start3A_325 : memref<2000xf32, #tpu.memory_space<hbm>>) target_semaphore(%arg36 : memref<!tpu.dma_semaphore, #tpu.memory_space<semaphore_mem>>)
    %add3A_328 = arith.constant 6000 : i32
    %add3A_329 = arith.addi %mul3A_119, %add3A_328 : i32
    %dma_start3A_330 = arith.constant 2000 : i32
    %dma_start3A_331 = tpu.memref_slice %arg24[%dma_start3A_330] : memref<4000xi32, #tpu.memory_space<vmem>> -> memref<2000xi32, #tpu.memory_space<vmem>>
    %dma_start3A_332 = tpu.memref_slice %arg3[%add3A_329] : memref<320000xi32, #tpu.memory_space<hbm>> -> memref<2000xi32, #tpu.memory_space<hbm>>
    %dma_start3A_333 = arith.constant 2000 : i32
    %dma_start3A_334 = tpu.memref_slice %arg24[%dma_start3A_333] : memref<4000xi32, #tpu.memory_space<vmem>> -> memref<2000xi32, #tpu.memory_space<vmem>>
    %dma_start3A_335 = tpu.memref_slice %arg3[%add3A_329] : memref<320000xi32, #tpu.memory_space<hbm>> -> memref<2000xi32, #tpu.memory_space<hbm>>
    tpu.enqueue_dma source(%dma_start3A_335 : memref<2000xi32, #tpu.memory_space<hbm>>) target(%dma_start3A_334 : memref<2000xi32, #tpu.memory_space<vmem>>) target_semaphore(%arg34 : memref<!tpu.dma_semaphore, #tpu.memory_space<semaphore_mem>>)
    %dma_start3A_336 = arith.constant 2000 : i32
    %dma_start3A_337 = tpu.memref_slice %arg25[%dma_start3A_336] : memref<4000xf32, #tpu.memory_space<vmem>> -> memref<2000xf32, #tpu.memory_space<vmem>>
    %dma_start3A_338 = tpu.memref_slice %arg4[%add3A_329] : memref<320000xf32, #tpu.memory_space<hbm>> -> memref<2000xf32, #tpu.memory_space<hbm>>
    %dma_start3A_339 = arith.constant 2000 : i32
    %dma_start3A_340 = tpu.memref_slice %arg25[%dma_start3A_339] : memref<4000xf32, #tpu.memory_space<vmem>> -> memref<2000xf32, #tpu.memory_space<vmem>>
    %dma_start3A_341 = tpu.memref_slice %arg4[%add3A_329] : memref<320000xf32, #tpu.memory_space<hbm>> -> memref<2000xf32, #tpu.memory_space<hbm>>
    tpu.enqueue_dma source(%dma_start3A_341 : memref<2000xf32, #tpu.memory_space<hbm>>) target(%dma_start3A_340 : memref<2000xf32, #tpu.memory_space<vmem>>) target_semaphore(%arg34 : memref<!tpu.dma_semaphore, #tpu.memory_space<semaphore_mem>>)
    %dma_start3A_342 = arith.constant 2000 : i32
    %dma_start3A_343 = tpu.memref_slice %arg26[%dma_start3A_342] : memref<4000xf32, #tpu.memory_space<vmem>> -> memref<2000xf32, #tpu.memory_space<vmem>>
    %dma_start3A_344 = tpu.memref_slice %arg5[%add3A_329] : memref<320000xf32, #tpu.memory_space<hbm>> -> memref<2000xf32, #tpu.memory_space<hbm>>
    %dma_start3A_345 = arith.constant 2000 : i32
    %dma_start3A_346 = tpu.memref_slice %arg26[%dma_start3A_345] : memref<4000xf32, #tpu.memory_space<vmem>> -> memref<2000xf32, #tpu.memory_space<vmem>>
    %dma_start3A_347 = tpu.memref_slice %arg5[%add3A_329] : memref<320000xf32, #tpu.memory_space<hbm>> -> memref<2000xf32, #tpu.memory_space<hbm>>
    tpu.enqueue_dma source(%dma_start3A_347 : memref<2000xf32, #tpu.memory_space<hbm>>) target(%dma_start3A_346 : memref<2000xf32, #tpu.memory_space<vmem>>) target_semaphore(%arg34 : memref<!tpu.dma_semaphore, #tpu.memory_space<semaphore_mem>>)
    %dma_start3A_348 = arith.constant 2000 : i32
    %dma_start3A_349 = tpu.memref_slice %arg27[%dma_start3A_348] : memref<4000xf32, #tpu.memory_space<vmem>> -> memref<2000xf32, #tpu.memory_space<vmem>>
    %dma_start3A_350 = tpu.memref_slice %arg6[%add3A_329] : memref<320000xf32, #tpu.memory_space<hbm>> -> memref<2000xf32, #tpu.memory_space<hbm>>
    %dma_start3A_351 = arith.constant 2000 : i32
    %dma_start3A_352 = tpu.memref_slice %arg27[%dma_start3A_351] : memref<4000xf32, #tpu.memory_space<vmem>> -> memref<2000xf32, #tpu.memory_space<vmem>>
    %dma_start3A_353 = tpu.memref_slice %arg6[%add3A_329] : memref<320000xf32, #tpu.memory_space<hbm>> -> memref<2000xf32, #tpu.memory_space<hbm>>
    tpu.enqueue_dma source(%dma_start3A_353 : memref<2000xf32, #tpu.memory_space<hbm>>) target(%dma_start3A_352 : memref<2000xf32, #tpu.memory_space<vmem>>) target_semaphore(%arg34 : memref<!tpu.dma_semaphore, #tpu.memory_space<semaphore_mem>>)
    %dma_start3A_354 = arith.constant 2000 : i32
    %dma_start3A_355 = tpu.memref_slice %arg28[%dma_start3A_354] : memref<4000xf32, #tpu.memory_space<vmem>> -> memref<2000xf32, #tpu.memory_space<vmem>>
    %dma_start3A_356 = tpu.memref_slice %arg7[%add3A_329] : memref<320000xf32, #tpu.memory_space<hbm>> -> memref<2000xf32, #tpu.memory_space<hbm>>
    %dma_start3A_357 = arith.constant 2000 : i32
    %dma_start3A_358 = tpu.memref_slice %arg28[%dma_start3A_357] : memref<4000xf32, #tpu.memory_space<vmem>> -> memref<2000xf32, #tpu.memory_space<vmem>>
    %dma_start3A_359 = tpu.memref_slice %arg7[%add3A_329] : memref<320000xf32, #tpu.memory_space<hbm>> -> memref<2000xf32, #tpu.memory_space<hbm>>
    tpu.enqueue_dma source(%dma_start3A_359 : memref<2000xf32, #tpu.memory_space<hbm>>) target(%dma_start3A_358 : memref<2000xf32, #tpu.memory_space<vmem>>) target_semaphore(%arg34 : memref<!tpu.dma_semaphore, #tpu.memory_space<semaphore_mem>>)
    %dma_wait3A_360 = arith.constant 0 : i32
    %dma_wait3A_361 = tpu.memref_slice %arg24[%dma_wait3A_360] : memref<4000xi32, #tpu.memory_space<vmem>> -> memref<2000xi32, #tpu.memory_space<vmem>>
    %dma_wait3A_362 = tpu.memref_slice %arg3[%add3A_241] : memref<320000xi32, #tpu.memory_space<hbm>> -> memref<2000xi32, #tpu.memory_space<hbm>>
    %dma_wait3A_363 = arith.constant 0 : i32
    %dma_wait3A_364 = tpu.memref_slice %arg24[%dma_wait3A_363] : memref<4000xi32, #tpu.memory_space<vmem>> -> memref<2000xi32, #tpu.memory_space<vmem>>
    %dma_wait3A_365 = tpu.memref_slice %arg3[%add3A_241] : memref<320000xi32, #tpu.memory_space<hbm>> -> memref<2000xi32, #tpu.memory_space<hbm>>
    tpu.wait_dma2 semaphore(%arg33 : memref<!tpu.dma_semaphore, #tpu.memory_space<semaphore_mem>>) src(%dma_wait3A_365 : memref<2000xi32, #tpu.memory_space<hbm>>) dst(%dma_wait3A_364 : memref<2000xi32, #tpu.memory_space<vmem>>)
    %dma_wait3A_366 = arith.constant 0 : i32
    %dma_wait3A_367 = tpu.memref_slice %arg25[%dma_wait3A_366] : memref<4000xf32, #tpu.memory_space<vmem>> -> memref<2000xf32, #tpu.memory_space<vmem>>
    %dma_wait3A_368 = tpu.memref_slice %arg4[%add3A_241] : memref<320000xf32, #tpu.memory_space<hbm>> -> memref<2000xf32, #tpu.memory_space<hbm>>
    %dma_wait3A_369 = arith.constant 0 : i32
    %dma_wait3A_370 = tpu.memref_slice %arg25[%dma_wait3A_369] : memref<4000xf32, #tpu.memory_space<vmem>> -> memref<2000xf32, #tpu.memory_space<vmem>>
    %dma_wait3A_371 = tpu.memref_slice %arg4[%add3A_241] : memref<320000xf32, #tpu.memory_space<hbm>> -> memref<2000xf32, #tpu.memory_space<hbm>>
    tpu.wait_dma2 semaphore(%arg33 : memref<!tpu.dma_semaphore, #tpu.memory_space<semaphore_mem>>) src(%dma_wait3A_371 : memref<2000xf32, #tpu.memory_space<hbm>>) dst(%dma_wait3A_370 : memref<2000xf32, #tpu.memory_space<vmem>>)
    %dma_wait3A_372 = arith.constant 0 : i32
    %dma_wait3A_373 = tpu.memref_slice %arg26[%dma_wait3A_372] : memref<4000xf32, #tpu.memory_space<vmem>> -> memref<2000xf32, #tpu.memory_space<vmem>>
    %dma_wait3A_374 = tpu.memref_slice %arg5[%add3A_241] : memref<320000xf32, #tpu.memory_space<hbm>> -> memref<2000xf32, #tpu.memory_space<hbm>>
    %dma_wait3A_375 = arith.constant 0 : i32
    %dma_wait3A_376 = tpu.memref_slice %arg26[%dma_wait3A_375] : memref<4000xf32, #tpu.memory_space<vmem>> -> memref<2000xf32, #tpu.memory_space<vmem>>
    %dma_wait3A_377 = tpu.memref_slice %arg5[%add3A_241] : memref<320000xf32, #tpu.memory_space<hbm>> -> memref<2000xf32, #tpu.memory_space<hbm>>
    tpu.wait_dma2 semaphore(%arg33 : memref<!tpu.dma_semaphore, #tpu.memory_space<semaphore_mem>>) src(%dma_wait3A_377 : memref<2000xf32, #tpu.memory_space<hbm>>) dst(%dma_wait3A_376 : memref<2000xf32, #tpu.memory_space<vmem>>)
    %dma_wait3A_378 = arith.constant 0 : i32
    %dma_wait3A_379 = tpu.memref_slice %arg27[%dma_wait3A_378] : memref<4000xf32, #tpu.memory_space<vmem>> -> memref<2000xf32, #tpu.memory_space<vmem>>
    %dma_wait3A_380 = tpu.memref_slice %arg6[%add3A_241] : memref<320000xf32, #tpu.memory_space<hbm>> -> memref<2000xf32, #tpu.memory_space<hbm>>
    %dma_wait3A_381 = arith.constant 0 : i32
    %dma_wait3A_382 = tpu.memref_slice %arg27[%dma_wait3A_381] : memref<4000xf32, #tpu.memory_space<vmem>> -> memref<2000xf32, #tpu.memory_space<vmem>>
    %dma_wait3A_383 = tpu.memref_slice %arg6[%add3A_241] : memref<320000xf32, #tpu.memory_space<hbm>> -> memref<2000xf32, #tpu.memory_space<hbm>>
    tpu.wait_dma2 semaphore(%arg33 : memref<!tpu.dma_semaphore, #tpu.memory_space<semaphore_mem>>) src(%dma_wait3A_383 : memref<2000xf32, #tpu.memory_space<hbm>>) dst(%dma_wait3A_382 : memref<2000xf32, #tpu.memory_space<vmem>>)
    %dma_wait3A_384 = arith.constant 0 : i32
    %dma_wait3A_385 = tpu.memref_slice %arg28[%dma_wait3A_384] : memref<4000xf32, #tpu.memory_space<vmem>> -> memref<2000xf32, #tpu.memory_space<vmem>>
    %dma_wait3A_386 = tpu.memref_slice %arg7[%add3A_241] : memref<320000xf32, #tpu.memory_space<hbm>> -> memref<2000xf32, #tpu.memory_space<hbm>>
    %dma_wait3A_387 = arith.constant 0 : i32
    %dma_wait3A_388 = tpu.memref_slice %arg28[%dma_wait3A_387] : memref<4000xf32, #tpu.memory_space<vmem>> -> memref<2000xf32, #tpu.memory_space<vmem>>
    %dma_wait3A_389 = tpu.memref_slice %arg7[%add3A_241] : memref<320000xf32, #tpu.memory_space<hbm>> -> memref<2000xf32, #tpu.memory_space<hbm>>
    tpu.wait_dma2 semaphore(%arg33 : memref<!tpu.dma_semaphore, #tpu.memory_space<semaphore_mem>>) src(%dma_wait3A_389 : memref<2000xf32, #tpu.memory_space<hbm>>) dst(%dma_wait3A_388 : memref<2000xf32, #tpu.memory_space<vmem>>)
    %dma_wait3A_390 = arith.constant 0 : i32
    %dma_wait3A_391 = tpu.memref_slice %arg29[%dma_wait3A_390] : memref<4000xf32, #tpu.memory_space<vmem>> -> memref<2000xf32, #tpu.memory_space<vmem>>
    %dma_wait3A_392 = tpu.memref_slice %arg8[%add3A_221] : memref<320000xf32, #tpu.memory_space<hbm>> -> memref<2000xf32, #tpu.memory_space<hbm>>
    %dma_wait3A_393 = tpu.memref_slice %arg8[%add3A_221] : memref<320000xf32, #tpu.memory_space<hbm>> -> memref<2000xf32, #tpu.memory_space<hbm>>
    %dma_wait3A_394 = arith.constant 0 : i32
    %dma_wait3A_395 = tpu.memref_slice %arg29[%dma_wait3A_394] : memref<4000xf32, #tpu.memory_space<vmem>> -> memref<2000xf32, #tpu.memory_space<vmem>>
    tpu.wait_dma2 semaphore(%arg35 : memref<!tpu.dma_semaphore, #tpu.memory_space<semaphore_mem>>) src(%dma_wait3A_395 : memref<2000xf32, #tpu.memory_space<vmem>>) dst(%dma_wait3A_393 : memref<2000xf32, #tpu.memory_space<hbm>>)
    %dma_wait3A_396 = arith.constant 0 : i32
    %dma_wait3A_397 = tpu.memref_slice %arg30[%dma_wait3A_396] : memref<4000xf32, #tpu.memory_space<vmem>> -> memref<2000xf32, #tpu.memory_space<vmem>>
    %dma_wait3A_398 = tpu.memref_slice %arg9[%add3A_221] : memref<320000xf32, #tpu.memory_space<hbm>> -> memref<2000xf32, #tpu.memory_space<hbm>>
    %dma_wait3A_399 = tpu.memref_slice %arg9[%add3A_221] : memref<320000xf32, #tpu.memory_space<hbm>> -> memref<2000xf32, #tpu.memory_space<hbm>>
    %dma_wait3A_400 = arith.constant 0 : i32
    %dma_wait3A_401 = tpu.memref_slice %arg30[%dma_wait3A_400] : memref<4000xf32, #tpu.memory_space<vmem>> -> memref<2000xf32, #tpu.memory_space<vmem>>
    tpu.wait_dma2 semaphore(%arg35 : memref<!tpu.dma_semaphore, #tpu.memory_space<semaphore_mem>>) src(%dma_wait3A_401 : memref<2000xf32, #tpu.memory_space<vmem>>) dst(%dma_wait3A_399 : memref<2000xf32, #tpu.memory_space<hbm>>)
    %dma_wait3A_402 = arith.constant 0 : i32
    %dma_wait3A_403 = tpu.memref_slice %arg31[%dma_wait3A_402] : memref<4000xf32, #tpu.memory_space<vmem>> -> memref<2000xf32, #tpu.memory_space<vmem>>
    %dma_wait3A_404 = tpu.memref_slice %arg10[%add3A_221] : memref<320000xf32, #tpu.memory_space<hbm>> -> memref<2000xf32, #tpu.memory_space<hbm>>
    %dma_wait3A_405 = tpu.memref_slice %arg10[%add3A_221] : memref<320000xf32, #tpu.memory_space<hbm>> -> memref<2000xf32, #tpu.memory_space<hbm>>
    %dma_wait3A_406 = arith.constant 0 : i32
    %dma_wait3A_407 = tpu.memref_slice %arg31[%dma_wait3A_406] : memref<4000xf32, #tpu.memory_space<vmem>> -> memref<2000xf32, #tpu.memory_space<vmem>>
    tpu.wait_dma2 semaphore(%arg35 : memref<!tpu.dma_semaphore, #tpu.memory_space<semaphore_mem>>) src(%dma_wait3A_407 : memref<2000xf32, #tpu.memory_space<vmem>>) dst(%dma_wait3A_405 : memref<2000xf32, #tpu.memory_space<hbm>>)
    %scan3A_408 = arith.constant 0 : i32
    %scan3A_409 = arith.constant 0 : i32
    %scan3A_410 = arith.constant 125 : i32
    %scan3A_411 = arith.addi %scan3A_409, %scan3A_410 : i32
    %scan3A_412 = arith.constant 1 : i32
    scf.for %scan3A_650 = %scan3A_409 to %scan3A_411 step %scan3A_412  : i32 {
      %mul3A_651 = arith.constant 16 : i32
      %mul3A_652 = arith.muli %mul3A_651, %scan3A_650 : i32
      %add3A_653 = arith.constant 0 : i32
      %add3A_654 = arith.addi %add3A_653, %mul3A_652 : i32
      %get3A = arith.index_cast %add3A_654 : i32 to index
      %get3A_655 = tpu.vector_load %arg24[%get3A] {strides = array<i32>} : memref<4000xi32, #tpu.memory_space<vmem>>, vector<16xi32>,
      %get3A_656 = arith.index_cast %add3A_654 : i32 to index
      %get3A_657 = tpu.vector_load %arg28[%get3A_656] {strides = array<i32>} : memref<4000xf32, #tpu.memory_space<vmem>>, vector<16xf32>,
      %get3A_658 = arith.index_cast %add3A_654 : i32 to index
      %get3A_659 = tpu.vector_load %arg25[%get3A_658] {strides = array<i32>} : memref<4000xf32, #tpu.memory_space<vmem>>, vector<16xf32>,
      %gather3A = tpu.vector_load_idx %arg11[%get3A_655] : memref<5120xf32, #tpu.memory_space<vmem>>[vector<16xi32>], vector<16xf32>,
      %sub3A = arith.subf %get3A_659, %gather3A : vector<16xf32>
      %mul3A_660 = arith.mulf %get3A_657, %sub3A : vector<16xf32>
      %swap3A = arith.index_cast %add3A_654 : i32 to index
      %swap3A_661 = tpu.vector_load %arg29[%swap3A] {strides = array<i32>} : memref<4000xf32, #tpu.memory_space<vmem>>, vector<16xf32>,
      tpu.vector_store %arg29[%swap3A], %mul3A_660 {strides = array<i32>} : memref<4000xf32, #tpu.memory_space<vmem>>, vector<16xf32>,
      %get3A_662 = arith.index_cast %add3A_654 : i32 to index
      %get3A_663 = tpu.vector_load %arg26[%get3A_662] {strides = array<i32>} : memref<4000xf32, #tpu.memory_space<vmem>>, vector<16xf32>,
      %gather3A_664 = tpu.vector_load_idx %arg12[%get3A_655] : memref<5120xf32, #tpu.memory_space<vmem>>[vector<16xi32>], vector<16xf32>,
      %sub3A_665 = arith.subf %get3A_663, %gather3A_664 : vector<16xf32>
      %mul3A_666 = arith.mulf %get3A_657, %sub3A_665 : vector<16xf32>
      %swap3A_667 = arith.index_cast %add3A_654 : i32 to index
      %swap3A_668 = tpu.vector_load %arg30[%swap3A_667] {strides = array<i32>} : memref<4000xf32, #tpu.memory_space<vmem>>, vector<16xf32>,
      tpu.vector_store %arg30[%swap3A_667], %mul3A_666 {strides = array<i32>} : memref<4000xf32, #tpu.memory_space<vmem>>, vector<16xf32>,
      %get3A_669 = arith.index_cast %add3A_654 : i32 to index
      %get3A_670 = tpu.vector_load %arg27[%get3A_669] {strides = array<i32>} : memref<4000xf32, #tpu.memory_space<vmem>>, vector<16xf32>,
      %gather3A_671 = tpu.vector_load_idx %arg13[%get3A_655] : memref<5120xf32, #tpu.memory_space<vmem>>[vector<16xi32>], vector<16xf32>,
      %sub3A_672 = arith.subf %get3A_670, %gather3A_671 : vector<16xf32>
      %mul3A_673 = arith.mulf %get3A_657, %sub3A_672 : vector<16xf32>
      %swap3A_674 = arith.index_cast %add3A_654 : i32 to index
      %swap3A_675 = tpu.vector_load %arg31[%swap3A_674] {strides = array<i32>} : memref<4000xf32, #tpu.memory_space<vmem>>, vector<16xf32>,
      tpu.vector_store %arg31[%swap3A_674], %mul3A_673 {strides = array<i32>} : memref<4000xf32, #tpu.memory_space<vmem>>, vector<16xf32>,
    }
    %scan3A_413 = arith.constant 125 : i32
    %add3A_414 = arith.constant 4000 : i32
    %add3A_415 = arith.addi %mul3A_119, %add3A_414 : i32
    %dma_start3A_416 = arith.constant 0 : i32
    %dma_start3A_417 = tpu.memref_slice %arg29[%dma_start3A_416] : memref<4000xf32, #tpu.memory_space<vmem>> -> memref<2000xf32, #tpu.memory_space<vmem>>
    %dma_start3A_418 = tpu.memref_slice %arg8[%add3A_415] : memref<320000xf32, #tpu.memory_space<hbm>> -> memref<2000xf32, #tpu.memory_space<hbm>>
    %dma_start3A_419 = tpu.memref_slice %arg8[%add3A_415] : memref<320000xf32, #tpu.memory_space<hbm>> -> memref<2000xf32, #tpu.memory_space<hbm>>
    %dma_start3A_420 = arith.constant 0 : i32
    %dma_start3A_421 = tpu.memref_slice %arg29[%dma_start3A_420] : memref<4000xf32, #tpu.memory_space<vmem>> -> memref<2000xf32, #tpu.memory_space<vmem>>
    tpu.enqueue_dma source(%dma_start3A_421 : memref<2000xf32, #tpu.memory_space<vmem>>) target(%dma_start3A_419 : memref<2000xf32, #tpu.memory_space<hbm>>) target_semaphore(%arg35 : memref<!tpu.dma_semaphore, #tpu.memory_space<semaphore_mem>>)
    %dma_start3A_422 = arith.constant 0 : i32
    %dma_start3A_423 = tpu.memref_slice %arg30[%dma_start3A_422] : memref<4000xf32, #tpu.memory_space<vmem>> -> memref<2000xf32, #tpu.memory_space<vmem>>
    %dma_start3A_424 = tpu.memref_slice %arg9[%add3A_415] : memref<320000xf32, #tpu.memory_space<hbm>> -> memref<2000xf32, #tpu.memory_space<hbm>>
    %dma_start3A_425 = tpu.memref_slice %arg9[%add3A_415] : memref<320000xf32, #tpu.memory_space<hbm>> -> memref<2000xf32, #tpu.memory_space<hbm>>
    %dma_start3A_426 = arith.constant 0 : i32
    %dma_start3A_427 = tpu.memref_slice %arg30[%dma_start3A_426] : memref<4000xf32, #tpu.memory_space<vmem>> -> memref<2000xf32, #tpu.memory_space<vmem>>
    tpu.enqueue_dma source(%dma_start3A_427 : memref<2000xf32, #tpu.memory_space<vmem>>) target(%dma_start3A_425 : memref<2000xf32, #tpu.memory_space<hbm>>) target_semaphore(%arg35 : memref<!tpu.dma_semaphore, #tpu.memory_space<semaphore_mem>>)
    %dma_start3A_428 = arith.constant 0 : i32
    %dma_start3A_429 = tpu.memref_slice %arg31[%dma_start3A_428] : memref<4000xf32, #tpu.memory_space<vmem>> -> memref<2000xf32, #tpu.memory_space<vmem>>
    %dma_start3A_430 = tpu.memref_slice %arg10[%add3A_415] : memref<320000xf32, #tpu.memory_space<hbm>> -> memref<2000xf32, #tpu.memory_space<hbm>>
    %dma_start3A_431 = tpu.memref_slice %arg10[%add3A_415] : memref<320000xf32, #tpu.memory_space<hbm>> -> memref<2000xf32, #tpu.memory_space<hbm>>
    %dma_start3A_432 = arith.constant 0 : i32
    %dma_start3A_433 = tpu.memref_slice %arg31[%dma_start3A_432] : memref<4000xf32, #tpu.memory_space<vmem>> -> memref<2000xf32, #tpu.memory_space<vmem>>
    tpu.enqueue_dma source(%dma_start3A_433 : memref<2000xf32, #tpu.memory_space<vmem>>) target(%dma_start3A_431 : memref<2000xf32, #tpu.memory_space<hbm>>) target_semaphore(%arg35 : memref<!tpu.dma_semaphore, #tpu.memory_space<semaphore_mem>>)
    %add3A_434 = arith.constant 8000 : i32
    %add3A_435 = arith.addi %mul3A_119, %add3A_434 : i32
    %dma_start3A_436 = arith.constant 0 : i32
    %dma_start3A_437 = tpu.memref_slice %arg24[%dma_start3A_436] : memref<4000xi32, #tpu.memory_space<vmem>> -> memref<2000xi32, #tpu.memory_space<vmem>>
    %dma_start3A_438 = tpu.memref_slice %arg3[%add3A_435] : memref<320000xi32, #tpu.memory_space<hbm>> -> memref<2000xi32, #tpu.memory_space<hbm>>
    %dma_start3A_439 = arith.constant 0 : i32
    %dma_start3A_440 = tpu.memref_slice %arg24[%dma_start3A_439] : memref<4000xi32, #tpu.memory_space<vmem>> -> memref<2000xi32, #tpu.memory_space<vmem>>
    %dma_start3A_441 = tpu.memref_slice %arg3[%add3A_435] : memref<320000xi32, #tpu.memory_space<hbm>> -> memref<2000xi32, #tpu.memory_space<hbm>>
    tpu.enqueue_dma source(%dma_start3A_441 : memref<2000xi32, #tpu.memory_space<hbm>>) target(%dma_start3A_440 : memref<2000xi32, #tpu.memory_space<vmem>>) target_semaphore(%arg33 : memref<!tpu.dma_semaphore, #tpu.memory_space<semaphore_mem>>)
    %dma_start3A_442 = arith.constant 0 : i32
    %dma_start3A_443 = tpu.memref_slice %arg25[%dma_start3A_442] : memref<4000xf32, #tpu.memory_space<vmem>> -> memref<2000xf32, #tpu.memory_space<vmem>>
    %dma_start3A_444 = tpu.memref_slice %arg4[%add3A_435] : memref<320000xf32, #tpu.memory_space<hbm>> -> memref<2000xf32, #tpu.memory_space<hbm>>
    %dma_start3A_445 = arith.constant 0 : i32
    %dma_start3A_446 = tpu.memref_slice %arg25[%dma_start3A_445] : memref<4000xf32, #tpu.memory_space<vmem>> -> memref<2000xf32, #tpu.memory_space<vmem>>
    %dma_start3A_447 = tpu.memref_slice %arg4[%add3A_435] : memref<320000xf32, #tpu.memory_space<hbm>> -> memref<2000xf32, #tpu.memory_space<hbm>>
    tpu.enqueue_dma source(%dma_start3A_447 : memref<2000xf32, #tpu.memory_space<hbm>>) target(%dma_start3A_446 : memref<2000xf32, #tpu.memory_space<vmem>>) target_semaphore(%arg33 : memref<!tpu.dma_semaphore, #tpu.memory_space<semaphore_mem>>)
    %dma_start3A_448 = arith.constant 0 : i32
    %dma_start3A_449 = tpu.memref_slice %arg26[%dma_start3A_448] : memref<4000xf32, #tpu.memory_space<vmem>> -> memref<2000xf32, #tpu.memory_space<vmem>>
    %dma_start3A_450 = tpu.memref_slice %arg5[%add3A_435] : memref<320000xf32, #tpu.memory_space<hbm>> -> memref<2000xf32, #tpu.memory_space<hbm>>
    %dma_start3A_451 = arith.constant 0 : i32
    %dma_start3A_452 = tpu.memref_slice %arg26[%dma_start3A_451] : memref<4000xf32, #tpu.memory_space<vmem>> -> memref<2000xf32, #tpu.memory_space<vmem>>
    %dma_start3A_453 = tpu.memref_slice %arg5[%add3A_435] : memref<320000xf32, #tpu.memory_space<hbm>> -> memref<2000xf32, #tpu.memory_space<hbm>>
    tpu.enqueue_dma source(%dma_start3A_453 : memref<2000xf32, #tpu.memory_space<hbm>>) target(%dma_start3A_452 : memref<2000xf32, #tpu.memory_space<vmem>>) target_semaphore(%arg33 : memref<!tpu.dma_semaphore, #tpu.memory_space<semaphore_mem>>)
    %dma_start3A_454 = arith.constant 0 : i32
    %dma_start3A_455 = tpu.memref_slice %arg27[%dma_start3A_454] : memref<4000xf32, #tpu.memory_space<vmem>> -> memref<2000xf32, #tpu.memory_space<vmem>>
    %dma_start3A_456 = tpu.memref_slice %arg6[%add3A_435] : memref<320000xf32, #tpu.memory_space<hbm>> -> memref<2000xf32, #tpu.memory_space<hbm>>
    %dma_start3A_457 = arith.constant 0 : i32
    %dma_start3A_458 = tpu.memref_slice %arg27[%dma_start3A_457] : memref<4000xf32, #tpu.memory_space<vmem>> -> memref<2000xf32, #tpu.memory_space<vmem>>
    %dma_start3A_459 = tpu.memref_slice %arg6[%add3A_435] : memref<320000xf32, #tpu.memory_space<hbm>> -> memref<2000xf32, #tpu.memory_space<hbm>>
    tpu.enqueue_dma source(%dma_start3A_459 : memref<2000xf32, #tpu.memory_space<hbm>>) target(%dma_start3A_458 : memref<2000xf32, #tpu.memory_space<vmem>>) target_semaphore(%arg33 : memref<!tpu.dma_semaphore, #tpu.memory_space<semaphore_mem>>)
    %dma_start3A_460 = arith.constant 0 : i32
    %dma_start3A_461 = tpu.memref_slice %arg28[%dma_start3A_460] : memref<4000xf32, #tpu.memory_space<vmem>> -> memref<2000xf32, #tpu.memory_space<vmem>>
    %dma_start3A_462 = tpu.memref_slice %arg7[%add3A_435] : memref<320000xf32, #tpu.memory_space<hbm>> -> memref<2000xf32, #tpu.memory_space<hbm>>
    %dma_start3A_463 = arith.constant 0 : i32
    %dma_start3A_464 = tpu.memref_slice %arg28[%dma_start3A_463] : memref<4000xf32, #tpu.memory_space<vmem>> -> memref<2000xf32, #tpu.memory_space<vmem>>
    %dma_start3A_465 = tpu.memref_slice %arg7[%add3A_435] : memref<320000xf32, #tpu.memory_space<hbm>> -> memref<2000xf32, #tpu.memory_space<hbm>>
    tpu.enqueue_dma source(%dma_start3A_465 : memref<2000xf32, #tpu.memory_space<hbm>>) target(%dma_start3A_464 : memref<2000xf32, #tpu.memory_space<vmem>>) target_semaphore(%arg33 : memref<!tpu.dma_semaphore, #tpu.memory_space<semaphore_mem>>)
    %dma_wait3A_466 = arith.constant 2000 : i32
    %dma_wait3A_467 = tpu.memref_slice %arg24[%dma_wait3A_466] : memref<4000xi32, #tpu.memory_space<vmem>> -> memref<2000xi32, #tpu.memory_space<vmem>>
    %dma_wait3A_468 = tpu.memref_slice %arg3[%add3A_329] : memref<320000xi32, #tpu.memory_space<hbm>> -> memref<2000xi32, #tpu.memory_space<hbm>>
    %dma_wait3A_469 = arith.constant 2000 : i32
    %dma_wait3A_470 = tpu.memref_slice %arg24[%dma_wait3A_469] : memref<4000xi32, #tpu.memory_space<vmem>> -> memref<2000xi32, #tpu.memory_space<vmem>>
    %dma_wait3A_471 = tpu.memref_slice %arg3[%add3A_329] : memref<320000xi32, #tpu.memory_space<hbm>> -> memref<2000xi32, #tpu.memory_space<hbm>>
    tpu.wait_dma2 semaphore(%arg34 : memref<!tpu.dma_semaphore, #tpu.memory_space<semaphore_mem>>) src(%dma_wait3A_471 : memref<2000xi32, #tpu.memory_space<hbm>>) dst(%dma_wait3A_470 : memref<2000xi32, #tpu.memory_space<vmem>>)
    %dma_wait3A_472 = arith.constant 2000 : i32
    %dma_wait3A_473 = tpu.memref_slice %arg25[%dma_wait3A_472] : memref<4000xf32, #tpu.memory_space<vmem>> -> memref<2000xf32, #tpu.memory_space<vmem>>
    %dma_wait3A_474 = tpu.memref_slice %arg4[%add3A_329] : memref<320000xf32, #tpu.memory_space<hbm>> -> memref<2000xf32, #tpu.memory_space<hbm>>
    %dma_wait3A_475 = arith.constant 2000 : i32
    %dma_wait3A_476 = tpu.memref_slice %arg25[%dma_wait3A_475] : memref<4000xf32, #tpu.memory_space<vmem>> -> memref<2000xf32, #tpu.memory_space<vmem>>
    %dma_wait3A_477 = tpu.memref_slice %arg4[%add3A_329] : memref<320000xf32, #tpu.memory_space<hbm>> -> memref<2000xf32, #tpu.memory_space<hbm>>
    tpu.wait_dma2 semaphore(%arg34 : memref<!tpu.dma_semaphore, #tpu.memory_space<semaphore_mem>>) src(%dma_wait3A_477 : memref<2000xf32, #tpu.memory_space<hbm>>) dst(%dma_wait3A_476 : memref<2000xf32, #tpu.memory_space<vmem>>)
    %dma_wait3A_478 = arith.constant 2000 : i32
    %dma_wait3A_479 = tpu.memref_slice %arg26[%dma_wait3A_478] : memref<4000xf32, #tpu.memory_space<vmem>> -> memref<2000xf32, #tpu.memory_space<vmem>>
    %dma_wait3A_480 = tpu.memref_slice %arg5[%add3A_329] : memref<320000xf32, #tpu.memory_space<hbm>> -> memref<2000xf32, #tpu.memory_space<hbm>>
    %dma_wait3A_481 = arith.constant 2000 : i32
    %dma_wait3A_482 = tpu.memref_slice %arg26[%dma_wait3A_481] : memref<4000xf32, #tpu.memory_space<vmem>> -> memref<2000xf32, #tpu.memory_space<vmem>>
    %dma_wait3A_483 = tpu.memref_slice %arg5[%add3A_329] : memref<320000xf32, #tpu.memory_space<hbm>> -> memref<2000xf32, #tpu.memory_space<hbm>>
    tpu.wait_dma2 semaphore(%arg34 : memref<!tpu.dma_semaphore, #tpu.memory_space<semaphore_mem>>) src(%dma_wait3A_483 : memref<2000xf32, #tpu.memory_space<hbm>>) dst(%dma_wait3A_482 : memref<2000xf32, #tpu.memory_space<vmem>>)
    %dma_wait3A_484 = arith.constant 2000 : i32
    %dma_wait3A_485 = tpu.memref_slice %arg27[%dma_wait3A_484] : memref<4000xf32, #tpu.memory_space<vmem>> -> memref<2000xf32, #tpu.memory_space<vmem>>
    %dma_wait3A_486 = tpu.memref_slice %arg6[%add3A_329] : memref<320000xf32, #tpu.memory_space<hbm>> -> memref<2000xf32, #tpu.memory_space<hbm>>
    %dma_wait3A_487 = arith.constant 2000 : i32
    %dma_wait3A_488 = tpu.memref_slice %arg27[%dma_wait3A_487] : memref<4000xf32, #tpu.memory_space<vmem>> -> memref<2000xf32, #tpu.memory_space<vmem>>
    %dma_wait3A_489 = tpu.memref_slice %arg6[%add3A_329] : memref<320000xf32, #tpu.memory_space<hbm>> -> memref<2000xf32, #tpu.memory_space<hbm>>
    tpu.wait_dma2 semaphore(%arg34 : memref<!tpu.dma_semaphore, #tpu.memory_space<semaphore_mem>>) src(%dma_wait3A_489 : memref<2000xf32, #tpu.memory_space<hbm>>) dst(%dma_wait3A_488 : memref<2000xf32, #tpu.memory_space<vmem>>)
    %dma_wait3A_490 = arith.constant 2000 : i32
    %dma_wait3A_491 = tpu.memref_slice %arg28[%dma_wait3A_490] : memref<4000xf32, #tpu.memory_space<vmem>> -> memref<2000xf32, #tpu.memory_space<vmem>>
    %dma_wait3A_492 = tpu.memref_slice %arg7[%add3A_329] : memref<320000xf32, #tpu.memory_space<hbm>> -> memref<2000xf32, #tpu.memory_space<hbm>>
    %dma_wait3A_493 = arith.constant 2000 : i32
    %dma_wait3A_494 = tpu.memref_slice %arg28[%dma_wait3A_493] : memref<4000xf32, #tpu.memory_space<vmem>> -> memref<2000xf32, #tpu.memory_space<vmem>>
    %dma_wait3A_495 = tpu.memref_slice %arg7[%add3A_329] : memref<320000xf32, #tpu.memory_space<hbm>> -> memref<2000xf32, #tpu.memory_space<hbm>>
    tpu.wait_dma2 semaphore(%arg34 : memref<!tpu.dma_semaphore, #tpu.memory_space<semaphore_mem>>) src(%dma_wait3A_495 : memref<2000xf32, #tpu.memory_space<hbm>>) dst(%dma_wait3A_494 : memref<2000xf32, #tpu.memory_space<vmem>>)
    %dma_wait3A_496 = arith.constant 2000 : i32
    %dma_wait3A_497 = tpu.memref_slice %arg29[%dma_wait3A_496] : memref<4000xf32, #tpu.memory_space<vmem>> -> memref<2000xf32, #tpu.memory_space<vmem>>
    %dma_wait3A_498 = tpu.memref_slice %arg8[%add3A_309] : memref<320000xf32, #tpu.memory_space<hbm>> -> memref<2000xf32, #tpu.memory_space<hbm>>
    %dma_wait3A_499 = tpu.memref_slice %arg8[%add3A_309] : memref<320000xf32, #tpu.memory_space<hbm>> -> memref<2000xf32, #tpu.memory_space<hbm>>
    %dma_wait3A_500 = arith.constant 2000 : i32
    %dma_wait3A_501 = tpu.memref_slice %arg29[%dma_wait3A_500] : memref<4000xf32, #tpu.memory_space<vmem>> -> memref<2000xf32, #tpu.memory_space<vmem>>
    tpu.wait_dma2 semaphore(%arg36 : memref<!tpu.dma_semaphore, #tpu.memory_space<semaphore_mem>>) src(%dma_wait3A_501 : memref<2000xf32, #tpu.memory_space<vmem>>) dst(%dma_wait3A_499 : memref<2000xf32, #tpu.memory_space<hbm>>)
    %dma_wait3A_502 = arith.constant 2000 : i32
    %dma_wait3A_503 = tpu.memref_slice %arg30[%dma_wait3A_502] : memref<4000xf32, #tpu.memory_space<vmem>> -> memref<2000xf32, #tpu.memory_space<vmem>>
    %dma_wait3A_504 = tpu.memref_slice %arg9[%add3A_309] : memref<320000xf32, #tpu.memory_space<hbm>> -> memref<2000xf32, #tpu.memory_space<hbm>>
    %dma_wait3A_505 = tpu.memref_slice %arg9[%add3A_309] : memref<320000xf32, #tpu.memory_space<hbm>> -> memref<2000xf32, #tpu.memory_space<hbm>>
    %dma_wait3A_506 = arith.constant 2000 : i32
    %dma_wait3A_507 = tpu.memref_slice %arg30[%dma_wait3A_506] : memref<4000xf32, #tpu.memory_space<vmem>> -> memref<2000xf32, #tpu.memory_space<vmem>>
    tpu.wait_dma2 semaphore(%arg36 : memref<!tpu.dma_semaphore, #tpu.memory_space<semaphore_mem>>) src(%dma_wait3A_507 : memref<2000xf32, #tpu.memory_space<vmem>>) dst(%dma_wait3A_505 : memref<2000xf32, #tpu.memory_space<hbm>>)
    %dma_wait3A_508 = arith.constant 2000 : i32
    %dma_wait3A_509 = tpu.memref_slice %arg31[%dma_wait3A_508] : memref<4000xf32, #tpu.memory_space<vmem>> -> memref<2000xf32, #tpu.memory_space<vmem>>
    %dma_wait3A_510 = tpu.memref_slice %arg10[%add3A_309] : memref<320000xf32, #tpu.memory_space<hbm>> -> memref<2000xf32, #tpu.memory_space<hbm>>
    %dma_wait3A_511 = tpu.memref_slice %arg10[%add3A_309] : memref<320000xf32, #tpu.memory_space<hbm>> -> memref<2000xf32, #tpu.memory_space<hbm>>
    %dma_wait3A_512 = arith.constant 2000 : i32
    %dma_wait3A_513 = tpu.memref_slice %arg31[%dma_wait3A_512] : memref<4000xf32, #tpu.memory_space<vmem>> -> memref<2000xf32, #tpu.memory_space<vmem>>
    tpu.wait_dma2 semaphore(%arg36 : memref<!tpu.dma_semaphore, #tpu.memory_space<semaphore_mem>>) src(%dma_wait3A_513 : memref<2000xf32, #tpu.memory_space<vmem>>) dst(%dma_wait3A_511 : memref<2000xf32, #tpu.memory_space<hbm>>)
    %scan3A_514 = arith.constant 0 : i32
    %scan3A_515 = arith.constant 0 : i32
    %scan3A_516 = arith.constant 125 : i32
    %scan3A_517 = arith.addi %scan3A_515, %scan3A_516 : i32
    %scan3A_518 = arith.constant 1 : i32
    scf.for %scan3A_650 = %scan3A_515 to %scan3A_517 step %scan3A_518  : i32 {
      %mul3A_651 = arith.constant 16 : i32
      %mul3A_652 = arith.muli %mul3A_651, %scan3A_650 : i32
      %add3A_653 = arith.constant 2000 : i32
      %add3A_654 = arith.addi %add3A_653, %mul3A_652 : i32
      %get3A = arith.index_cast %add3A_654 : i32 to index
      %get3A_655 = tpu.vector_load %arg24[%get3A] {strides = array<i32>} : memref<4000xi32, #tpu.memory_space<vmem>>, vector<16xi32>,
      %get3A_656 = arith.index_cast %add3A_654 : i32 to index
      %get3A_657 = tpu.vector_load %arg28[%get3A_656] {strides = array<i32>} : memref<4000xf32, #tpu.memory_space<vmem>>, vector<16xf32>,
      %get3A_658 = arith.index_cast %add3A_654 : i32 to index
      %get3A_659 = tpu.vector_load %arg25[%get3A_658] {strides = array<i32>} : memref<4000xf32, #tpu.memory_space<vmem>>, vector<16xf32>,
      %gather3A = tpu.vector_load_idx %arg11[%get3A_655] : memref<5120xf32, #tpu.memory_space<vmem>>[vector<16xi32>], vector<16xf32>,
      %sub3A = arith.subf %get3A_659, %gather3A : vector<16xf32>
      %mul3A_660 = arith.mulf %get3A_657, %sub3A : vector<16xf32>
      %swap3A = arith.index_cast %add3A_654 : i32 to index
      %swap3A_661 = tpu.vector_load %arg29[%swap3A] {strides = array<i32>} : memref<4000xf32, #tpu.memory_space<vmem>>, vector<16xf32>,
      tpu.vector_store %arg29[%swap3A], %mul3A_660 {strides = array<i32>} : memref<4000xf32, #tpu.memory_space<vmem>>, vector<16xf32>,
      %get3A_662 = arith.index_cast %add3A_654 : i32 to index
      %get3A_663 = tpu.vector_load %arg26[%get3A_662] {strides = array<i32>} : memref<4000xf32, #tpu.memory_space<vmem>>, vector<16xf32>,
      %gather3A_664 = tpu.vector_load_idx %arg12[%get3A_655] : memref<5120xf32, #tpu.memory_space<vmem>>[vector<16xi32>], vector<16xf32>,
      %sub3A_665 = arith.subf %get3A_663, %gather3A_664 : vector<16xf32>
      %mul3A_666 = arith.mulf %get3A_657, %sub3A_665 : vector<16xf32>
      %swap3A_667 = arith.index_cast %add3A_654 : i32 to index
      %swap3A_668 = tpu.vector_load %arg30[%swap3A_667] {strides = array<i32>} : memref<4000xf32, #tpu.memory_space<vmem>>, vector<16xf32>,
      tpu.vector_store %arg30[%swap3A_667], %mul3A_666 {strides = array<i32>} : memref<4000xf32, #tpu.memory_space<vmem>>, vector<16xf32>,
      %get3A_669 = arith.index_cast %add3A_654 : i32 to index
      %get3A_670 = tpu.vector_load %arg27[%get3A_669] {strides = array<i32>} : memref<4000xf32, #tpu.memory_space<vmem>>, vector<16xf32>,
      %gather3A_671 = tpu.vector_load_idx %arg13[%get3A_655] : memref<5120xf32, #tpu.memory_space<vmem>>[vector<16xi32>], vector<16xf32>,
      %sub3A_672 = arith.subf %get3A_670, %gather3A_671 : vector<16xf32>
      %mul3A_673 = arith.mulf %get3A_657, %sub3A_672 : vector<16xf32>
      %swap3A_674 = arith.index_cast %add3A_654 : i32 to index
      %swap3A_675 = tpu.vector_load %arg31[%swap3A_674] {strides = array<i32>} : memref<4000xf32, #tpu.memory_space<vmem>>, vector<16xf32>,
      tpu.vector_store %arg31[%swap3A_674], %mul3A_673 {strides = array<i32>} : memref<4000xf32, #tpu.memory_space<vmem>>, vector<16xf32>,
    }
    %scan3A_519 = arith.constant 125 : i32
    %add3A_520 = arith.constant 6000 : i32
    %add3A_521 = arith.addi %mul3A_119, %add3A_520 : i32
    %dma_start3A_522 = arith.constant 2000 : i32
    %dma_start3A_523 = tpu.memref_slice %arg29[%dma_start3A_522] : memref<4000xf32, #tpu.memory_space<vmem>> -> memref<2000xf32, #tpu.memory_space<vmem>>
    %dma_start3A_524 = tpu.memref_slice %arg8[%add3A_521] : memref<320000xf32, #tpu.memory_space<hbm>> -> memref<2000xf32, #tpu.memory_space<hbm>>
    %dma_start3A_525 = tpu.memref_slice %arg8[%add3A_521] : memref<320000xf32, #tpu.memory_space<hbm>> -> memref<2000xf32, #tpu.memory_space<hbm>>
    %dma_start3A_526 = arith.constant 2000 : i32
    %dma_start3A_527 = tpu.memref_slice %arg29[%dma_start3A_526] : memref<4000xf32, #tpu.memory_space<vmem>> -> memref<2000xf32, #tpu.memory_space<vmem>>
    tpu.enqueue_dma source(%dma_start3A_527 : memref<2000xf32, #tpu.memory_space<vmem>>) target(%dma_start3A_525 : memref<2000xf32, #tpu.memory_space<hbm>>) target_semaphore(%arg36 : memref<!tpu.dma_semaphore, #tpu.memory_space<semaphore_mem>>)
    %dma_start3A_528 = arith.constant 2000 : i32
    %dma_start3A_529 = tpu.memref_slice %arg30[%dma_start3A_528] : memref<4000xf32, #tpu.memory_space<vmem>> -> memref<2000xf32, #tpu.memory_space<vmem>>
    %dma_start3A_530 = tpu.memref_slice %arg9[%add3A_521] : memref<320000xf32, #tpu.memory_space<hbm>> -> memref<2000xf32, #tpu.memory_space<hbm>>
    %dma_start3A_531 = tpu.memref_slice %arg9[%add3A_521] : memref<320000xf32, #tpu.memory_space<hbm>> -> memref<2000xf32, #tpu.memory_space<hbm>>
    %dma_start3A_532 = arith.constant 2000 : i32
    %dma_start3A_533 = tpu.memref_slice %arg30[%dma_start3A_532] : memref<4000xf32, #tpu.memory_space<vmem>> -> memref<2000xf32, #tpu.memory_space<vmem>>
    tpu.enqueue_dma source(%dma_start3A_533 : memref<2000xf32, #tpu.memory_space<vmem>>) target(%dma_start3A_531 : memref<2000xf32, #tpu.memory_space<hbm>>) target_semaphore(%arg36 : memref<!tpu.dma_semaphore, #tpu.memory_space<semaphore_mem>>)
    %dma_start3A_534 = arith.constant 2000 : i32
    %dma_start3A_535 = tpu.memref_slice %arg31[%dma_start3A_534] : memref<4000xf32, #tpu.memory_space<vmem>> -> memref<2000xf32, #tpu.memory_space<vmem>>
    %dma_start3A_536 = tpu.memref_slice %arg10[%add3A_521] : memref<320000xf32, #tpu.memory_space<hbm>> -> memref<2000xf32, #tpu.memory_space<hbm>>
    %dma_start3A_537 = tpu.memref_slice %arg10[%add3A_521] : memref<320000xf32, #tpu.memory_space<hbm>> -> memref<2000xf32, #tpu.memory_space<hbm>>
    %dma_start3A_538 = arith.constant 2000 : i32
    %dma_start3A_539 = tpu.memref_slice %arg31[%dma_start3A_538] : memref<4000xf32, #tpu.memory_space<vmem>> -> memref<2000xf32, #tpu.memory_space<vmem>>
    tpu.enqueue_dma source(%dma_start3A_539 : memref<2000xf32, #tpu.memory_space<vmem>>) target(%dma_start3A_537 : memref<2000xf32, #tpu.memory_space<hbm>>) target_semaphore(%arg36 : memref<!tpu.dma_semaphore, #tpu.memory_space<semaphore_mem>>)
    %dma_wait3A_540 = arith.constant 0 : i32
    %dma_wait3A_541 = tpu.memref_slice %arg24[%dma_wait3A_540] : memref<4000xi32, #tpu.memory_space<vmem>> -> memref<2000xi32, #tpu.memory_space<vmem>>
    %dma_wait3A_542 = tpu.memref_slice %arg3[%add3A_435] : memref<320000xi32, #tpu.memory_space<hbm>> -> memref<2000xi32, #tpu.memory_space<hbm>>
    %dma_wait3A_543 = arith.constant 0 : i32
    %dma_wait3A_544 = tpu.memref_slice %arg24[%dma_wait3A_543] : memref<4000xi32, #tpu.memory_space<vmem>> -> memref<2000xi32, #tpu.memory_space<vmem>>
    %dma_wait3A_545 = tpu.memref_slice %arg3[%add3A_435] : memref<320000xi32, #tpu.memory_space<hbm>> -> memref<2000xi32, #tpu.memory_space<hbm>>
    tpu.wait_dma2 semaphore(%arg33 : memref<!tpu.dma_semaphore, #tpu.memory_space<semaphore_mem>>) src(%dma_wait3A_545 : memref<2000xi32, #tpu.memory_space<hbm>>) dst(%dma_wait3A_544 : memref<2000xi32, #tpu.memory_space<vmem>>)
    %dma_wait3A_546 = arith.constant 0 : i32
    %dma_wait3A_547 = tpu.memref_slice %arg25[%dma_wait3A_546] : memref<4000xf32, #tpu.memory_space<vmem>> -> memref<2000xf32, #tpu.memory_space<vmem>>
    %dma_wait3A_548 = tpu.memref_slice %arg4[%add3A_435] : memref<320000xf32, #tpu.memory_space<hbm>> -> memref<2000xf32, #tpu.memory_space<hbm>>
    %dma_wait3A_549 = arith.constant 0 : i32
    %dma_wait3A_550 = tpu.memref_slice %arg25[%dma_wait3A_549] : memref<4000xf32, #tpu.memory_space<vmem>> -> memref<2000xf32, #tpu.memory_space<vmem>>
    %dma_wait3A_551 = tpu.memref_slice %arg4[%add3A_435] : memref<320000xf32, #tpu.memory_space<hbm>> -> memref<2000xf32, #tpu.memory_space<hbm>>
    tpu.wait_dma2 semaphore(%arg33 : memref<!tpu.dma_semaphore, #tpu.memory_space<semaphore_mem>>) src(%dma_wait3A_551 : memref<2000xf32, #tpu.memory_space<hbm>>) dst(%dma_wait3A_550 : memref<2000xf32, #tpu.memory_space<vmem>>)
    %dma_wait3A_552 = arith.constant 0 : i32
    %dma_wait3A_553 = tpu.memref_slice %arg26[%dma_wait3A_552] : memref<4000xf32, #tpu.memory_space<vmem>> -> memref<2000xf32, #tpu.memory_space<vmem>>
    %dma_wait3A_554 = tpu.memref_slice %arg5[%add3A_435] : memref<320000xf32, #tpu.memory_space<hbm>> -> memref<2000xf32, #tpu.memory_space<hbm>>
    %dma_wait3A_555 = arith.constant 0 : i32
    %dma_wait3A_556 = tpu.memref_slice %arg26[%dma_wait3A_555] : memref<4000xf32, #tpu.memory_space<vmem>> -> memref<2000xf32, #tpu.memory_space<vmem>>
    %dma_wait3A_557 = tpu.memref_slice %arg5[%add3A_435] : memref<320000xf32, #tpu.memory_space<hbm>> -> memref<2000xf32, #tpu.memory_space<hbm>>
    tpu.wait_dma2 semaphore(%arg33 : memref<!tpu.dma_semaphore, #tpu.memory_space<semaphore_mem>>) src(%dma_wait3A_557 : memref<2000xf32, #tpu.memory_space<hbm>>) dst(%dma_wait3A_556 : memref<2000xf32, #tpu.memory_space<vmem>>)
    %dma_wait3A_558 = arith.constant 0 : i32
    %dma_wait3A_559 = tpu.memref_slice %arg27[%dma_wait3A_558] : memref<4000xf32, #tpu.memory_space<vmem>> -> memref<2000xf32, #tpu.memory_space<vmem>>
    %dma_wait3A_560 = tpu.memref_slice %arg6[%add3A_435] : memref<320000xf32, #tpu.memory_space<hbm>> -> memref<2000xf32, #tpu.memory_space<hbm>>
    %dma_wait3A_561 = arith.constant 0 : i32
    %dma_wait3A_562 = tpu.memref_slice %arg27[%dma_wait3A_561] : memref<4000xf32, #tpu.memory_space<vmem>> -> memref<2000xf32, #tpu.memory_space<vmem>>
    %dma_wait3A_563 = tpu.memref_slice %arg6[%add3A_435] : memref<320000xf32, #tpu.memory_space<hbm>> -> memref<2000xf32, #tpu.memory_space<hbm>>
    tpu.wait_dma2 semaphore(%arg33 : memref<!tpu.dma_semaphore, #tpu.memory_space<semaphore_mem>>) src(%dma_wait3A_563 : memref<2000xf32, #tpu.memory_space<hbm>>) dst(%dma_wait3A_562 : memref<2000xf32, #tpu.memory_space<vmem>>)
    %dma_wait3A_564 = arith.constant 0 : i32
    %dma_wait3A_565 = tpu.memref_slice %arg28[%dma_wait3A_564] : memref<4000xf32, #tpu.memory_space<vmem>> -> memref<2000xf32, #tpu.memory_space<vmem>>
    %dma_wait3A_566 = tpu.memref_slice %arg7[%add3A_435] : memref<320000xf32, #tpu.memory_space<hbm>> -> memref<2000xf32, #tpu.memory_space<hbm>>
    %dma_wait3A_567 = arith.constant 0 : i32
    %dma_wait3A_568 = tpu.memref_slice %arg28[%dma_wait3A_567] : memref<4000xf32, #tpu.memory_space<vmem>> -> memref<2000xf32, #tpu.memory_space<vmem>>
    %dma_wait3A_569 = tpu.memref_slice %arg7[%add3A_435] : memref<320000xf32, #tpu.memory_space<hbm>> -> memref<2000xf32, #tpu.memory_space<hbm>>
    tpu.wait_dma2 semaphore(%arg33 : memref<!tpu.dma_semaphore, #tpu.memory_space<semaphore_mem>>) src(%dma_wait3A_569 : memref<2000xf32, #tpu.memory_space<hbm>>) dst(%dma_wait3A_568 : memref<2000xf32, #tpu.memory_space<vmem>>)
    %dma_wait3A_570 = arith.constant 0 : i32
    %dma_wait3A_571 = tpu.memref_slice %arg29[%dma_wait3A_570] : memref<4000xf32, #tpu.memory_space<vmem>> -> memref<2000xf32, #tpu.memory_space<vmem>>
    %dma_wait3A_572 = tpu.memref_slice %arg8[%add3A_415] : memref<320000xf32, #tpu.memory_space<hbm>> -> memref<2000xf32, #tpu.memory_space<hbm>>
    %dma_wait3A_573 = tpu.memref_slice %arg8[%add3A_415] : memref<320000xf32, #tpu.memory_space<hbm>> -> memref<2000xf32, #tpu.memory_space<hbm>>
    %dma_wait3A_574 = arith.constant 0 : i32
    %dma_wait3A_575 = tpu.memref_slice %arg29[%dma_wait3A_574] : memref<4000xf32, #tpu.memory_space<vmem>> -> memref<2000xf32, #tpu.memory_space<vmem>>
    tpu.wait_dma2 semaphore(%arg35 : memref<!tpu.dma_semaphore, #tpu.memory_space<semaphore_mem>>) src(%dma_wait3A_575 : memref<2000xf32, #tpu.memory_space<vmem>>) dst(%dma_wait3A_573 : memref<2000xf32, #tpu.memory_space<hbm>>)
    %dma_wait3A_576 = arith.constant 0 : i32
    %dma_wait3A_577 = tpu.memref_slice %arg30[%dma_wait3A_576] : memref<4000xf32, #tpu.memory_space<vmem>> -> memref<2000xf32, #tpu.memory_space<vmem>>
    %dma_wait3A_578 = tpu.memref_slice %arg9[%add3A_415] : memref<320000xf32, #tpu.memory_space<hbm>> -> memref<2000xf32, #tpu.memory_space<hbm>>
    %dma_wait3A_579 = tpu.memref_slice %arg9[%add3A_415] : memref<320000xf32, #tpu.memory_space<hbm>> -> memref<2000xf32, #tpu.memory_space<hbm>>
    %dma_wait3A_580 = arith.constant 0 : i32
    %dma_wait3A_581 = tpu.memref_slice %arg30[%dma_wait3A_580] : memref<4000xf32, #tpu.memory_space<vmem>> -> memref<2000xf32, #tpu.memory_space<vmem>>
    tpu.wait_dma2 semaphore(%arg35 : memref<!tpu.dma_semaphore, #tpu.memory_space<semaphore_mem>>) src(%dma_wait3A_581 : memref<2000xf32, #tpu.memory_space<vmem>>) dst(%dma_wait3A_579 : memref<2000xf32, #tpu.memory_space<hbm>>)
    %dma_wait3A_582 = arith.constant 0 : i32
    %dma_wait3A_583 = tpu.memref_slice %arg31[%dma_wait3A_582] : memref<4000xf32, #tpu.memory_space<vmem>> -> memref<2000xf32, #tpu.memory_space<vmem>>
    %dma_wait3A_584 = tpu.memref_slice %arg10[%add3A_415] : memref<320000xf32, #tpu.memory_space<hbm>> -> memref<2000xf32, #tpu.memory_space<hbm>>
    %dma_wait3A_585 = tpu.memref_slice %arg10[%add3A_415] : memref<320000xf32, #tpu.memory_space<hbm>> -> memref<2000xf32, #tpu.memory_space<hbm>>
    %dma_wait3A_586 = arith.constant 0 : i32
    %dma_wait3A_587 = tpu.memref_slice %arg31[%dma_wait3A_586] : memref<4000xf32, #tpu.memory_space<vmem>> -> memref<2000xf32, #tpu.memory_space<vmem>>
    tpu.wait_dma2 semaphore(%arg35 : memref<!tpu.dma_semaphore, #tpu.memory_space<semaphore_mem>>) src(%dma_wait3A_587 : memref<2000xf32, #tpu.memory_space<vmem>>) dst(%dma_wait3A_585 : memref<2000xf32, #tpu.memory_space<hbm>>)
    %scan3A_588 = arith.constant 0 : i32
    %scan3A_589 = arith.constant 0 : i32
    %scan3A_590 = arith.constant 125 : i32
    %scan3A_591 = arith.addi %scan3A_589, %scan3A_590 : i32
    %scan3A_592 = arith.constant 1 : i32
    scf.for %scan3A_650 = %scan3A_589 to %scan3A_591 step %scan3A_592  : i32 {
      %mul3A_651 = arith.constant 16 : i32
      %mul3A_652 = arith.muli %mul3A_651, %scan3A_650 : i32
      %add3A_653 = arith.constant 0 : i32
      %add3A_654 = arith.addi %add3A_653, %mul3A_652 : i32
      %get3A = arith.index_cast %add3A_654 : i32 to index
      %get3A_655 = tpu.vector_load %arg24[%get3A] {strides = array<i32>} : memref<4000xi32, #tpu.memory_space<vmem>>, vector<16xi32>,
      %get3A_656 = arith.index_cast %add3A_654 : i32 to index
      %get3A_657 = tpu.vector_load %arg28[%get3A_656] {strides = array<i32>} : memref<4000xf32, #tpu.memory_space<vmem>>, vector<16xf32>,
      %get3A_658 = arith.index_cast %add3A_654 : i32 to index
      %get3A_659 = tpu.vector_load %arg25[%get3A_658] {strides = array<i32>} : memref<4000xf32, #tpu.memory_space<vmem>>, vector<16xf32>,
      %gather3A = tpu.vector_load_idx %arg11[%get3A_655] : memref<5120xf32, #tpu.memory_space<vmem>>[vector<16xi32>], vector<16xf32>,
      %sub3A = arith.subf %get3A_659, %gather3A : vector<16xf32>
      %mul3A_660 = arith.mulf %get3A_657, %sub3A : vector<16xf32>
      %swap3A = arith.index_cast %add3A_654 : i32 to index
      %swap3A_661 = tpu.vector_load %arg29[%swap3A] {strides = array<i32>} : memref<4000xf32, #tpu.memory_space<vmem>>, vector<16xf32>,
      tpu.vector_store %arg29[%swap3A], %mul3A_660 {strides = array<i32>} : memref<4000xf32, #tpu.memory_space<vmem>>, vector<16xf32>,
      %get3A_662 = arith.index_cast %add3A_654 : i32 to index
      %get3A_663 = tpu.vector_load %arg26[%get3A_662] {strides = array<i32>} : memref<4000xf32, #tpu.memory_space<vmem>>, vector<16xf32>,
      %gather3A_664 = tpu.vector_load_idx %arg12[%get3A_655] : memref<5120xf32, #tpu.memory_space<vmem>>[vector<16xi32>], vector<16xf32>,
      %sub3A_665 = arith.subf %get3A_663, %gather3A_664 : vector<16xf32>
      %mul3A_666 = arith.mulf %get3A_657, %sub3A_665 : vector<16xf32>
      %swap3A_667 = arith.index_cast %add3A_654 : i32 to index
      %swap3A_668 = tpu.vector_load %arg30[%swap3A_667] {strides = array<i32>} : memref<4000xf32, #tpu.memory_space<vmem>>, vector<16xf32>,
      tpu.vector_store %arg30[%swap3A_667], %mul3A_666 {strides = array<i32>} : memref<4000xf32, #tpu.memory_space<vmem>>, vector<16xf32>,
      %get3A_669 = arith.index_cast %add3A_654 : i32 to index
      %get3A_670 = tpu.vector_load %arg27[%get3A_669] {strides = array<i32>} : memref<4000xf32, #tpu.memory_space<vmem>>, vector<16xf32>,
      %gather3A_671 = tpu.vector_load_idx %arg13[%get3A_655] : memref<5120xf32, #tpu.memory_space<vmem>>[vector<16xi32>], vector<16xf32>,
      %sub3A_672 = arith.subf %get3A_670, %gather3A_671 : vector<16xf32>
      %mul3A_673 = arith.mulf %get3A_657, %sub3A_672 : vector<16xf32>
      %swap3A_674 = arith.index_cast %add3A_654 : i32 to index
      %swap3A_675 = tpu.vector_load %arg31[%swap3A_674] {strides = array<i32>} : memref<4000xf32, #tpu.memory_space<vmem>>, vector<16xf32>,
      tpu.vector_store %arg31[%swap3A_674], %mul3A_673 {strides = array<i32>} : memref<4000xf32, #tpu.memory_space<vmem>>, vector<16xf32>,
    }
    %scan3A_593 = arith.constant 125 : i32
    %add3A_594 = arith.constant 8000 : i32
    %add3A_595 = arith.addi %mul3A_119, %add3A_594 : i32
    %dma_start3A_596 = arith.constant 0 : i32
    %dma_start3A_597 = tpu.memref_slice %arg29[%dma_start3A_596] : memref<4000xf32, #tpu.memory_space<vmem>> -> memref<2000xf32, #tpu.memory_space<vmem>>
    %dma_start3A_598 = tpu.memref_slice %arg8[%add3A_595] : memref<320000xf32, #tpu.memory_space<hbm>> -> memref<2000xf32, #tpu.memory_space<hbm>>
    %dma_start3A_599 = tpu.memref_slice %arg8[%add3A_595] : memref<320000xf32, #tpu.memory_space<hbm>> -> memref<2000xf32, #tpu.memory_space<hbm>>
    %dma_start3A_600 = arith.constant 0 : i32
    %dma_start3A_601 = tpu.memref_slice %arg29[%dma_start3A_600] : memref<4000xf32, #tpu.memory_space<vmem>> -> memref<2000xf32, #tpu.memory_space<vmem>>
    tpu.enqueue_dma source(%dma_start3A_601 : memref<2000xf32, #tpu.memory_space<vmem>>) target(%dma_start3A_599 : memref<2000xf32, #tpu.memory_space<hbm>>) target_semaphore(%arg35 : memref<!tpu.dma_semaphore, #tpu.memory_space<semaphore_mem>>)
    %dma_start3A_602 = arith.constant 0 : i32
    %dma_start3A_603 = tpu.memref_slice %arg30[%dma_start3A_602] : memref<4000xf32, #tpu.memory_space<vmem>> -> memref<2000xf32, #tpu.memory_space<vmem>>
    %dma_start3A_604 = tpu.memref_slice %arg9[%add3A_595] : memref<320000xf32, #tpu.memory_space<hbm>> -> memref<2000xf32, #tpu.memory_space<hbm>>
    %dma_start3A_605 = tpu.memref_slice %arg9[%add3A_595] : memref<320000xf32, #tpu.memory_space<hbm>> -> memref<2000xf32, #tpu.memory_space<hbm>>
    %dma_start3A_606 = arith.constant 0 : i32
    %dma_start3A_607 = tpu.memref_slice %arg30[%dma_start3A_606] : memref<4000xf32, #tpu.memory_space<vmem>> -> memref<2000xf32, #tpu.memory_space<vmem>>
    tpu.enqueue_dma source(%dma_start3A_607 : memref<2000xf32, #tpu.memory_space<vmem>>) target(%dma_start3A_605 : memref<2000xf32, #tpu.memory_space<hbm>>) target_semaphore(%arg35 : memref<!tpu.dma_semaphore, #tpu.memory_space<semaphore_mem>>)
    %dma_start3A_608 = arith.constant 0 : i32
    %dma_start3A_609 = tpu.memref_slice %arg31[%dma_start3A_608] : memref<4000xf32, #tpu.memory_space<vmem>> -> memref<2000xf32, #tpu.memory_space<vmem>>
    %dma_start3A_610 = tpu.memref_slice %arg10[%add3A_595] : memref<320000xf32, #tpu.memory_space<hbm>> -> memref<2000xf32, #tpu.memory_space<hbm>>
    %dma_start3A_611 = tpu.memref_slice %arg10[%add3A_595] : memref<320000xf32, #tpu.memory_space<hbm>> -> memref<2000xf32, #tpu.memory_space<hbm>>
    %dma_start3A_612 = arith.constant 0 : i32
    %dma_start3A_613 = tpu.memref_slice %arg31[%dma_start3A_612] : memref<4000xf32, #tpu.memory_space<vmem>> -> memref<2000xf32, #tpu.memory_space<vmem>>
    tpu.enqueue_dma source(%dma_start3A_613 : memref<2000xf32, #tpu.memory_space<vmem>>) target(%dma_start3A_611 : memref<2000xf32, #tpu.memory_space<hbm>>) target_semaphore(%arg35 : memref<!tpu.dma_semaphore, #tpu.memory_space<semaphore_mem>>)
    %dma_wait3A_614 = arith.constant 0 : i32
    %dma_wait3A_615 = tpu.memref_slice %arg29[%dma_wait3A_614] : memref<4000xf32, #tpu.memory_space<vmem>> -> memref<2000xf32, #tpu.memory_space<vmem>>
    %dma_wait3A_616 = tpu.memref_slice %arg8[%add3A_595] : memref<320000xf32, #tpu.memory_space<hbm>> -> memref<2000xf32, #tpu.memory_space<hbm>>
    %dma_wait3A_617 = tpu.memref_slice %arg8[%add3A_595] : memref<320000xf32, #tpu.memory_space<hbm>> -> memref<2000xf32, #tpu.memory_space<hbm>>
    %dma_wait3A_618 = arith.constant 0 : i32
    %dma_wait3A_619 = tpu.memref_slice %arg29[%dma_wait3A_618] : memref<4000xf32, #tpu.memory_space<vmem>> -> memref<2000xf32, #tpu.memory_space<vmem>>
    tpu.wait_dma2 semaphore(%arg35 : memref<!tpu.dma_semaphore, #tpu.memory_space<semaphore_mem>>) src(%dma_wait3A_619 : memref<2000xf32, #tpu.memory_space<vmem>>) dst(%dma_wait3A_617 : memref<2000xf32, #tpu.memory_space<hbm>>)
    %dma_wait3A_620 = arith.constant 0 : i32
    %dma_wait3A_621 = tpu.memref_slice %arg30[%dma_wait3A_620] : memref<4000xf32, #tpu.memory_space<vmem>> -> memref<2000xf32, #tpu.memory_space<vmem>>
    %dma_wait3A_622 = tpu.memref_slice %arg9[%add3A_595] : memref<320000xf32, #tpu.memory_space<hbm>> -> memref<2000xf32, #tpu.memory_space<hbm>>
    %dma_wait3A_623 = tpu.memref_slice %arg9[%add3A_595] : memref<320000xf32, #tpu.memory_space<hbm>> -> memref<2000xf32, #tpu.memory_space<hbm>>
    %dma_wait3A_624 = arith.constant 0 : i32
    %dma_wait3A_625 = tpu.memref_slice %arg30[%dma_wait3A_624] : memref<4000xf32, #tpu.memory_space<vmem>> -> memref<2000xf32, #tpu.memory_space<vmem>>
    tpu.wait_dma2 semaphore(%arg35 : memref<!tpu.dma_semaphore, #tpu.memory_space<semaphore_mem>>) src(%dma_wait3A_625 : memref<2000xf32, #tpu.memory_space<vmem>>) dst(%dma_wait3A_623 : memref<2000xf32, #tpu.memory_space<hbm>>)
    %dma_wait3A_626 = arith.constant 0 : i32
    %dma_wait3A_627 = tpu.memref_slice %arg31[%dma_wait3A_626] : memref<4000xf32, #tpu.memory_space<vmem>> -> memref<2000xf32, #tpu.memory_space<vmem>>
    %dma_wait3A_628 = tpu.memref_slice %arg10[%add3A_595] : memref<320000xf32, #tpu.memory_space<hbm>> -> memref<2000xf32, #tpu.memory_space<hbm>>
    %dma_wait3A_629 = tpu.memref_slice %arg10[%add3A_595] : memref<320000xf32, #tpu.memory_space<hbm>> -> memref<2000xf32, #tpu.memory_space<hbm>>
    %dma_wait3A_630 = arith.constant 0 : i32
    %dma_wait3A_631 = tpu.memref_slice %arg31[%dma_wait3A_630] : memref<4000xf32, #tpu.memory_space<vmem>> -> memref<2000xf32, #tpu.memory_space<vmem>>
    tpu.wait_dma2 semaphore(%arg35 : memref<!tpu.dma_semaphore, #tpu.memory_space<semaphore_mem>>) src(%dma_wait3A_631 : memref<2000xf32, #tpu.memory_space<vmem>>) dst(%dma_wait3A_629 : memref<2000xf32, #tpu.memory_space<hbm>>)
    %dma_wait3A_632 = arith.constant 2000 : i32
    %dma_wait3A_633 = tpu.memref_slice %arg29[%dma_wait3A_632] : memref<4000xf32, #tpu.memory_space<vmem>> -> memref<2000xf32, #tpu.memory_space<vmem>>
    %dma_wait3A_634 = tpu.memref_slice %arg8[%add3A_521] : memref<320000xf32, #tpu.memory_space<hbm>> -> memref<2000xf32, #tpu.memory_space<hbm>>
    %dma_wait3A_635 = tpu.memref_slice %arg8[%add3A_521] : memref<320000xf32, #tpu.memory_space<hbm>> -> memref<2000xf32, #tpu.memory_space<hbm>>
    %dma_wait3A_636 = arith.constant 2000 : i32
    %dma_wait3A_637 = tpu.memref_slice %arg29[%dma_wait3A_636] : memref<4000xf32, #tpu.memory_space<vmem>> -> memref<2000xf32, #tpu.memory_space<vmem>>
    tpu.wait_dma2 semaphore(%arg36 : memref<!tpu.dma_semaphore, #tpu.memory_space<semaphore_mem>>) src(%dma_wait3A_637 : memref<2000xf32, #tpu.memory_space<vmem>>) dst(%dma_wait3A_635 : memref<2000xf32, #tpu.memory_space<hbm>>)
    %dma_wait3A_638 = arith.constant 2000 : i32
    %dma_wait3A_639 = tpu.memref_slice %arg30[%dma_wait3A_638] : memref<4000xf32, #tpu.memory_space<vmem>> -> memref<2000xf32, #tpu.memory_space<vmem>>
    %dma_wait3A_640 = tpu.memref_slice %arg9[%add3A_521] : memref<320000xf32, #tpu.memory_space<hbm>> -> memref<2000xf32, #tpu.memory_space<hbm>>
    %dma_wait3A_641 = tpu.memref_slice %arg9[%add3A_521] : memref<320000xf32, #tpu.memory_space<hbm>> -> memref<2000xf32, #tpu.memory_space<hbm>>
    %dma_wait3A_642 = arith.constant 2000 : i32
    %dma_wait3A_643 = tpu.memref_slice %arg30[%dma_wait3A_642] : memref<4000xf32, #tpu.memory_space<vmem>> -> memref<2000xf32, #tpu.memory_space<vmem>>
    tpu.wait_dma2 semaphore(%arg36 : memref<!tpu.dma_semaphore, #tpu.memory_space<semaphore_mem>>) src(%dma_wait3A_643 : memref<2000xf32, #tpu.memory_space<vmem>>) dst(%dma_wait3A_641 : memref<2000xf32, #tpu.memory_space<hbm>>)
    %dma_wait3A_644 = arith.constant 2000 : i32
    %dma_wait3A_645 = tpu.memref_slice %arg31[%dma_wait3A_644] : memref<4000xf32, #tpu.memory_space<vmem>> -> memref<2000xf32, #tpu.memory_space<vmem>>
    %dma_wait3A_646 = tpu.memref_slice %arg10[%add3A_521] : memref<320000xf32, #tpu.memory_space<hbm>> -> memref<2000xf32, #tpu.memory_space<hbm>>
    %dma_wait3A_647 = tpu.memref_slice %arg10[%add3A_521] : memref<320000xf32, #tpu.memory_space<hbm>> -> memref<2000xf32, #tpu.memory_space<hbm>>
    %dma_wait3A_648 = arith.constant 2000 : i32
    %dma_wait3A_649 = tpu.memref_slice %arg31[%dma_wait3A_648] : memref<4000xf32, #tpu.memory_space<vmem>> -> memref<2000xf32, #tpu.memory_space<vmem>>
    tpu.wait_dma2 semaphore(%arg36 : memref<!tpu.dma_semaphore, #tpu.memory_space<semaphore_mem>>) src(%dma_wait3A_649 : memref<2000xf32, #tpu.memory_space<vmem>>) dst(%dma_wait3A_647 : memref<2000xf32, #tpu.memory_space<hbm>>)
    return
  }
}

module attributes {stable_mosaic.version = 14 : i64} {
  func.func @_mlp_body(%arg0: i32, %arg1: memref<3200x128xf32, #tpu.memory_space<vmem>>, %arg2: memref<3200x128xf32, #tpu.memory_space<vmem>>, %arg3: memref<3200x128xf32, #tpu.memory_space<vmem>>, %arg4: memref<3200x128xf32, #tpu.memory_space<vmem>>, %arg5: memref<128x64xf32, #tpu.memory_space<vmem>>, %arg6: memref<1x64xf32, #tpu.memory_space<vmem>>, %arg7: memref<1x64xf32, #tpu.memory_space<vmem>>, %arg8: memref<1x1xf32, #tpu.memory_space<vmem>>, %arg9: memref<4x3200xf32, #tpu.memory_space<vmem>>) attributes {dimension_semantics = [#tpu.dimension_semantics<arbitrary>], iteration_bounds = array<i64: 25>, scalar_prefetch = 0 : i64, scratch_operands = 0 : i64, tpu.core_type = #tpu.core_type<tc>, window_params = [{transform_indices = @transform_0, window_bounds = array<i64: 3200, 128>}, {transform_indices = @transform_1, window_bounds = array<i64: 3200, 128>}, {transform_indices = @transform_2, window_bounds = array<i64: 3200, 128>}, {transform_indices = @transform_3, window_bounds = array<i64: 3200, 128>}, {pipeline_mode = #tpu.pipeline_mode<synchronous>, transform_indices = @transform_4, window_bounds = array<i64: 128, 64>}, {pipeline_mode = #tpu.pipeline_mode<synchronous>, transform_indices = @transform_5, window_bounds = array<i64: 1, 64>}, {pipeline_mode = #tpu.pipeline_mode<synchronous>, transform_indices = @transform_6, window_bounds = array<i64: 1, 64>}, {pipeline_mode = #tpu.pipeline_mode<synchronous>, transform_indices = @transform_7, window_bounds = array<i64: 1, 1>}, {transform_indices = @transform_8, window_bounds = array<i64: 4, 3200>}]} {
    %get3A = arith.constant 0 : index
    %get3A_0 = arith.constant 0 : index
    %get3A_1 = vector.load %arg1[%get3A, %get3A_0] : memref<3200x128xf32, #tpu.memory_space<vmem>>, vector<3200x128xf32>
    %get3A_2 = arith.constant 0 : index
    %get3A_3 = arith.constant 0 : index
    %get3A_4 = vector.load %arg5[%get3A_2, %get3A_3] : memref<128x64xf32, #tpu.memory_space<vmem>>, vector<128x64xf32>
    %dot_general3A = arith.constant dense<0.000000e+00> : vector<3200x64xf32>
    %dot_general3A_5 = tpu.matmul %get3A_1, %get3A_4, %dot_general3A {dimension_numbers = #tpu.dot_dimension_numbers<[1], [0], [0], [1], [0, 0, 1, 1], [], []>, transpose_lhs_hint = false} : vector<3200x128xf32>, vector<128x64xf32>, vector<3200x64xf32> -> vector<3200x64xf32>
    %get3A_6 = arith.constant 0 : index
    %get3A_7 = arith.constant 0 : index
    %get3A_8 = vector.load %arg6[%get3A_6, %get3A_7] : memref<1x64xf32, #tpu.memory_space<vmem>>, vector<1x64xf32>
    %add3A = vector.broadcast %get3A_8 : vector<1x64xf32> to vector<3200x64xf32>
    %add3A_9 = arith.addf %dot_general3A_5, %add3A : vector<3200x64xf32>
    %logistic3A = arith.negf %add3A_9 : vector<3200x64xf32>
    %logistic3A_10 = math.exp %logistic3A : vector<3200x64xf32>
    %logistic3A_11 = arith.constant 1.000000e+00 : f32
    %logistic3A_12 = vector.broadcast %logistic3A_11 : f32 to vector<3200x64xf32>
    %logistic3A_13 = arith.addf %logistic3A_12, %logistic3A_10 : vector<3200x64xf32>
    %logistic3A_14 = arith.divf %logistic3A_12, %logistic3A_13 : vector<3200x64xf32>
    %mul3A = arith.mulf %add3A_9, %logistic3A_14 : vector<3200x64xf32>
    %get3A_15 = arith.constant 0 : index
    %get3A_16 = arith.constant 0 : index
    %get3A_17 = vector.load %arg7[%get3A_15, %get3A_16] : memref<1x64xf32, #tpu.memory_space<vmem>>, vector<1x64xf32>
    %dot_general3A_18 = arith.constant dense<0.000000e+00> : vector<1x3200xf32>
    %dot_general3A_19 = tpu.matmul %get3A_17, %mul3A, %dot_general3A_18 {dimension_numbers = #tpu.dot_dimension_numbers<[1], [1], [0], [0], [0, 0, 1, 0], [], []>, transpose_lhs_hint = false} : vector<1x64xf32>, vector<3200x64xf32>, vector<1x3200xf32> -> vector<1x3200xf32>
    %get3A_20 = arith.constant 0 : index
    %get3A_21 = arith.constant 0 : index
    %get3A_22 = vector.load %arg2[%get3A_20, %get3A_21] : memref<3200x128xf32, #tpu.memory_space<vmem>>, vector<3200x128xf32>
    %get3A_23 = arith.constant 0 : index
    %get3A_24 = arith.constant 0 : index
    %get3A_25 = vector.load %arg5[%get3A_23, %get3A_24] : memref<128x64xf32, #tpu.memory_space<vmem>>, vector<128x64xf32>
    %dot_general3A_26 = arith.constant dense<0.000000e+00> : vector<3200x64xf32>
    %dot_general3A_27 = tpu.matmul %get3A_22, %get3A_25, %dot_general3A_26 {dimension_numbers = #tpu.dot_dimension_numbers<[1], [0], [0], [1], [0, 0, 1, 1], [], []>, transpose_lhs_hint = false} : vector<3200x128xf32>, vector<128x64xf32>, vector<3200x64xf32> -> vector<3200x64xf32>
    %get3A_28 = arith.constant 0 : index
    %get3A_29 = arith.constant 0 : index
    %get3A_30 = vector.load %arg6[%get3A_28, %get3A_29] : memref<1x64xf32, #tpu.memory_space<vmem>>, vector<1x64xf32>
    %add3A_31 = vector.broadcast %get3A_30 : vector<1x64xf32> to vector<3200x64xf32>
    %add3A_32 = arith.addf %dot_general3A_27, %add3A_31 : vector<3200x64xf32>
    %logistic3A_33 = arith.negf %add3A_32 : vector<3200x64xf32>
    %logistic3A_34 = math.exp %logistic3A_33 : vector<3200x64xf32>
    %logistic3A_35 = arith.constant 1.000000e+00 : f32
    %logistic3A_36 = vector.broadcast %logistic3A_35 : f32 to vector<3200x64xf32>
    %logistic3A_37 = arith.addf %logistic3A_36, %logistic3A_34 : vector<3200x64xf32>
    %logistic3A_38 = arith.divf %logistic3A_36, %logistic3A_37 : vector<3200x64xf32>
    %mul3A_39 = arith.mulf %add3A_32, %logistic3A_38 : vector<3200x64xf32>
    %get3A_40 = arith.constant 0 : index
    %get3A_41 = arith.constant 0 : index
    %get3A_42 = vector.load %arg7[%get3A_40, %get3A_41] : memref<1x64xf32, #tpu.memory_space<vmem>>, vector<1x64xf32>
    %dot_general3A_43 = arith.constant dense<0.000000e+00> : vector<1x3200xf32>
    %dot_general3A_44 = tpu.matmul %get3A_42, %mul3A_39, %dot_general3A_43 {dimension_numbers = #tpu.dot_dimension_numbers<[1], [1], [0], [0], [0, 0, 1, 0], [], []>, transpose_lhs_hint = false} : vector<1x64xf32>, vector<3200x64xf32>, vector<1x3200xf32> -> vector<1x3200xf32>
    %get3A_45 = arith.constant 0 : index
    %get3A_46 = arith.constant 0 : index
    %get3A_47 = vector.load %arg3[%get3A_45, %get3A_46] : memref<3200x128xf32, #tpu.memory_space<vmem>>, vector<3200x128xf32>
    %get3A_48 = arith.constant 0 : index
    %get3A_49 = arith.constant 0 : index
    %get3A_50 = vector.load %arg5[%get3A_48, %get3A_49] : memref<128x64xf32, #tpu.memory_space<vmem>>, vector<128x64xf32>
    %dot_general3A_51 = arith.constant dense<0.000000e+00> : vector<3200x64xf32>
    %dot_general3A_52 = tpu.matmul %get3A_47, %get3A_50, %dot_general3A_51 {dimension_numbers = #tpu.dot_dimension_numbers<[1], [0], [0], [1], [0, 0, 1, 1], [], []>, transpose_lhs_hint = false} : vector<3200x128xf32>, vector<128x64xf32>, vector<3200x64xf32> -> vector<3200x64xf32>
    %get3A_53 = arith.constant 0 : index
    %get3A_54 = arith.constant 0 : index
    %get3A_55 = vector.load %arg6[%get3A_53, %get3A_54] : memref<1x64xf32, #tpu.memory_space<vmem>>, vector<1x64xf32>
    %add3A_56 = vector.broadcast %get3A_55 : vector<1x64xf32> to vector<3200x64xf32>
    %add3A_57 = arith.addf %dot_general3A_52, %add3A_56 : vector<3200x64xf32>
    %logistic3A_58 = arith.negf %add3A_57 : vector<3200x64xf32>
    %logistic3A_59 = math.exp %logistic3A_58 : vector<3200x64xf32>
    %logistic3A_60 = arith.constant 1.000000e+00 : f32
    %logistic3A_61 = vector.broadcast %logistic3A_60 : f32 to vector<3200x64xf32>
    %logistic3A_62 = arith.addf %logistic3A_61, %logistic3A_59 : vector<3200x64xf32>
    %logistic3A_63 = arith.divf %logistic3A_61, %logistic3A_62 : vector<3200x64xf32>
    %mul3A_64 = arith.mulf %add3A_57, %logistic3A_63 : vector<3200x64xf32>
    %get3A_65 = arith.constant 0 : index
    %get3A_66 = arith.constant 0 : index
    %get3A_67 = vector.load %arg7[%get3A_65, %get3A_66] : memref<1x64xf32, #tpu.memory_space<vmem>>, vector<1x64xf32>
    %dot_general3A_68 = arith.constant dense<0.000000e+00> : vector<1x3200xf32>
    %dot_general3A_69 = tpu.matmul %get3A_67, %mul3A_64, %dot_general3A_68 {dimension_numbers = #tpu.dot_dimension_numbers<[1], [1], [0], [0], [0, 0, 1, 0], [], []>, transpose_lhs_hint = false} : vector<1x64xf32>, vector<3200x64xf32>, vector<1x3200xf32> -> vector<1x3200xf32>
    %get3A_70 = arith.constant 0 : index
    %get3A_71 = arith.constant 0 : index
    %get3A_72 = vector.load %arg4[%get3A_70, %get3A_71] : memref<3200x128xf32, #tpu.memory_space<vmem>>, vector<3200x128xf32>
    %get3A_73 = arith.constant 0 : index
    %get3A_74 = arith.constant 0 : index
    %get3A_75 = vector.load %arg5[%get3A_73, %get3A_74] : memref<128x64xf32, #tpu.memory_space<vmem>>, vector<128x64xf32>
    %dot_general3A_76 = arith.constant dense<0.000000e+00> : vector<3200x64xf32>
    %dot_general3A_77 = tpu.matmul %get3A_72, %get3A_75, %dot_general3A_76 {dimension_numbers = #tpu.dot_dimension_numbers<[1], [0], [0], [1], [0, 0, 1, 1], [], []>, transpose_lhs_hint = false} : vector<3200x128xf32>, vector<128x64xf32>, vector<3200x64xf32> -> vector<3200x64xf32>
    %get3A_78 = arith.constant 0 : index
    %get3A_79 = arith.constant 0 : index
    %get3A_80 = vector.load %arg6[%get3A_78, %get3A_79] : memref<1x64xf32, #tpu.memory_space<vmem>>, vector<1x64xf32>
    %add3A_81 = vector.broadcast %get3A_80 : vector<1x64xf32> to vector<3200x64xf32>
    %add3A_82 = arith.addf %dot_general3A_77, %add3A_81 : vector<3200x64xf32>
    %logistic3A_83 = arith.negf %add3A_82 : vector<3200x64xf32>
    %logistic3A_84 = math.exp %logistic3A_83 : vector<3200x64xf32>
    %logistic3A_85 = arith.constant 1.000000e+00 : f32
    %logistic3A_86 = vector.broadcast %logistic3A_85 : f32 to vector<3200x64xf32>
    %logistic3A_87 = arith.addf %logistic3A_86, %logistic3A_84 : vector<3200x64xf32>
    %logistic3A_88 = arith.divf %logistic3A_86, %logistic3A_87 : vector<3200x64xf32>
    %mul3A_89 = arith.mulf %add3A_82, %logistic3A_88 : vector<3200x64xf32>
    %get3A_90 = arith.constant 0 : index
    %get3A_91 = arith.constant 0 : index
    %get3A_92 = vector.load %arg7[%get3A_90, %get3A_91] : memref<1x64xf32, #tpu.memory_space<vmem>>, vector<1x64xf32>
    %dot_general3A_93 = arith.constant dense<0.000000e+00> : vector<1x3200xf32>
    %dot_general3A_94 = tpu.matmul %get3A_92, %mul3A_89, %dot_general3A_93 {dimension_numbers = #tpu.dot_dimension_numbers<[1], [1], [0], [0], [0, 0, 1, 0], [], []>, transpose_lhs_hint = false} : vector<1x64xf32>, vector<3200x64xf32>, vector<1x3200xf32> -> vector<1x3200xf32>
    %concatenate3A = tpu.concatenate %dot_general3A_19, %dot_general3A_44, %dot_general3A_69, %dot_general3A_94 in 0 : vector<1x3200xf32>, vector<1x3200xf32>, vector<1x3200xf32>, vector<1x3200xf32> -> vector<4x3200xf32>
    %get3A_95 = arith.constant 0 : index
    %get3A_96 = arith.constant 0 : index
    %get3A_97 = vector.load %arg8[%get3A_95, %get3A_96] : memref<1x1xf32, #tpu.memory_space<vmem>>, vector<1x1xf32>
    %get3A_98 = vector.extract %get3A_97[0, 0] : f32 from vector<1x1xf32>
    %add3A_99 = vector.broadcast %get3A_98 : f32 to vector<4x3200xf32>
    %add3A_100 = arith.addf %concatenate3A, %add3A_99 : vector<4x3200xf32>
    %swap3A = arith.constant 0 : index
    %swap3A_101 = arith.constant 0 : index
    %swap3A_102 = vector.load %arg9[%swap3A, %swap3A_101] : memref<4x3200xf32, #tpu.memory_space<vmem>>, vector<4x3200xf32>
    tpu.vector_store %arg9[%swap3A, %swap3A_101], %add3A_100 {strides = array<i32>} : memref<4x3200xf32, #tpu.memory_space<vmem>>, vector<4x3200xf32>,
    return
  }
  func.func @transform_0(%arg0: i32) -> (i32, i32) {
    %add3A = arith.constant 0 : i32
    %add3A_0 = arith.addi %add3A, %arg0 : i32
    %c0_i32 = arith.constant 0 : i32
    %c0_i32_1 = arith.constant 0 : i32
    return %add3A_0, %c0_i32 : i32, i32
  }
  func.func @transform_1(%arg0: i32) -> (i32, i32) {
    %add3A = arith.constant 25 : i32
    %add3A_0 = arith.addi %add3A, %arg0 : i32
    %c0_i32 = arith.constant 0 : i32
    %c0_i32_1 = arith.constant 0 : i32
    return %add3A_0, %c0_i32 : i32, i32
  }
  func.func @transform_2(%arg0: i32) -> (i32, i32) {
    %add3A = arith.constant 50 : i32
    %add3A_0 = arith.addi %add3A, %arg0 : i32
    %c0_i32 = arith.constant 0 : i32
    %c0_i32_1 = arith.constant 0 : i32
    return %add3A_0, %c0_i32 : i32, i32
  }
  func.func @transform_3(%arg0: i32) -> (i32, i32) {
    %add3A = arith.constant 75 : i32
    %add3A_0 = arith.addi %add3A, %arg0 : i32
    %c0_i32 = arith.constant 0 : i32
    %c0_i32_1 = arith.constant 0 : i32
    return %add3A_0, %c0_i32 : i32, i32
  }
  func.func @transform_4(%arg0: i32) -> (i32, i32) {
    %c0_i32 = arith.constant 0 : i32
    %c0_i32_0 = arith.constant 0 : i32
    %c0_i32_1 = arith.constant 0 : i32
    return %c0_i32, %c0_i32_0 : i32, i32
  }
  func.func @transform_5(%arg0: i32) -> (i32, i32) {
    %c0_i32 = arith.constant 0 : i32
    %c0_i32_0 = arith.constant 0 : i32
    %c0_i32_1 = arith.constant 0 : i32
    return %c0_i32, %c0_i32_0 : i32, i32
  }
  func.func @transform_6(%arg0: i32) -> (i32, i32) {
    %c0_i32 = arith.constant 0 : i32
    %c0_i32_0 = arith.constant 0 : i32
    %c0_i32_1 = arith.constant 0 : i32
    return %c0_i32, %c0_i32_0 : i32, i32
  }
  func.func @transform_7(%arg0: i32) -> (i32, i32) {
    %c0_i32 = arith.constant 0 : i32
    %c0_i32_0 = arith.constant 0 : i32
    %c0_i32_1 = arith.constant 0 : i32
    return %c0_i32, %c0_i32_0 : i32, i32
  }
  func.func @transform_8(%arg0: i32) -> (i32, i32) {
    %c0_i32 = arith.constant 0 : i32
    %c0_i32_0 = arith.constant 0 : i32
    return %c0_i32, %arg0 : i32, i32
  }
}

</mosaic_0001>

<sc_bundles>
// kernel: kernel.5.cloned.1.call-start
scs
__scs_entry_jumppad:
0x0: {  	(pc) =	sbr.rel $0x88, $3  }
0x1: {  	(tag) =	ssettag $0x0;
	lr =	simm.s32 $0x1  }
0x2: {  	[smem:$0x3F98] =	sst lr;
	_ =	strace $0xD0000000  }
0x3: {  	_ = 	snop  }
0x4: {  	_ = 	snop  }
0x5: {  	_ = 	snop  }
0x6: {  	_ = 	snop  }
0x7: {  	_ = 	snop  }
__scs_overlays_trampoline_lowered:
0x8: {  	[smem:$0x3FA7] =	sst s0  }
0x9: {  	[smem:$0x3FA8] =	sst s1  }
0xa: {  	[smem:$0x3FA9] =	sst s2  }
0xb: {  	[smem:$0x3FAA] =	sst s3  }
0xc: {  	[smem:$0x3FAB] =	sst s4  }
0xd: {  	[smem:$0x3FAC] =	sst s5  }
0xe: {  	[smem:$0x3FAD] =	sst s6  }
0xf: {  	[smem:$0x3FAE] =	sst s7  }
0x10: {  	[smem:$0x3FAF] =	sst s8  }
0x11: {  	[smem:$0x3FB0] =	sst s9;
	s0 =	simm.s32 @!p0 $0x0  }
0x12: {  	s1 =	sld [smem:$0x3F96];
	s0 =	simm.s32 @p0 $0x1  }
0x13: {  	[smem:$0x3FB1] =	sst s0;
	s0 =	simm.s32 @!p1 $0x0  }
0x14: {  	s2 =	sld [smem:$0x3F95];
	s0 =	simm.s32 @p1 $0x1  }
0x15: {  	[smem:$0x3FB2] =	sst s0;
	s0 =	simm.s32 @!p2 $0x0  }
0x16: {  	s3 =	sld [smem:$0x3FDB];
	s0 =	simm.s32 @p2 $0x1  }
0x17: {  	s4 =	simm.s32 $0x1BF5;
	[smem:$0x3FB4] =	sst s0  }
0x18: {  	s0 =	sld [smem:$0x3F97];
	_ =	swait.ge [sflag:s4], $0x0  }
0x19: {  	s7 =	sld [smem:$0x3F98]  }
0x1a: {  	s8 =	sadd.s32 $0xFFFFE003, lr  }
0x1b: {  	s9 =	sadd.s32 $0xFFFFFEF7, lr;
	s5 =	simm.s32 $0xFFFFFFFF;
	p2 =	slt.u32 s8, $0xFFFFF086  }
0x1c: {  	p1 =	slt.u32 s9, $0xF7A;
	s5 =	simm.s32 @!p2 $0x0  }
0x1d: {  	s5 =	simm.s32 @p1 $0x1;
	p0 =	seq.s32 s7, s2  }
0x1e: {  	s7 =	smul.u32 @!p0 $0xF7A, s2;
	p2 =	seq.s32 @!p0 s5, $0x0  }
0x1f: {  	s9 =	smul.u32 $0xF7A, s1;
	s8 =	simm.s32 @!p0 $0x1BF5;
	p2 =	por !p2, p0  }
0x20: {  	[sflag:s8] =	ssyncset.s32 @!p0 $0xFFFFF086;
	s6 =	sadd.s32 @!p0 s3, s7;
	s7 =	simm.s32 @!p0 $0x108  }
0x21: {  	s3 =	sadd.s32 s3, s9;
	s6 =	sadd.s32 @!p0 $0x88, s6;
	s7 =	simm.s32 @p2 $0x1082  }
0x22: {  	[simem:s7], [sflag:s8] =	dma.local @!p0 [hbm:s6], $0xF7A  }
0x23: {  	s9 =	sor.u32 $0xD0000000, s2;
	s6 =	simm.s32 $0x108;
	_ =	swait.ge @!p0 [sflag:s8], $0x0  }
0x24: {  	s3 =	sadd.s32 $0x88, s3;
	s6 =	simm.s32 @!p1 $0x1082;
	[sflag:s4] =	ssyncset.s32 $0xFFFFF086  }
0x25: {  	[simem:s6], [sflag:s4] =	dma.local [hbm:s3], $0xF7A  }
0x26: {  	[smem:$0x3F98] =	sst s1;
	(tag) =	ssettag s2;
	_ =	strace s9  }
0x27: {  	s1 =	sld [smem:$0x3FA8]  }
0x28: {  	s2 =	sld [smem:$0x3FA9]  }
0x29: {  	s4 =	sld [smem:$0x3FAB]  }
0x2a: {  	p0 =	seq.s32 s5, $0x0;
	s5 =	sld [smem:$0x3FAC]  }
0x2b: {  	s6 =	sld [smem:$0x3FAD]  }
0x2c: {  	s7 =	sld [smem:$0x3FAE]  }
0x2d: {  	s3 =	simm.s32 $0x108;
	s8 =	sld [smem:$0x3FAF]  }
0x2e: {  	s3 =	simm.s32 @!p0 $0x1082;
	s9 =	sld [smem:$0x3FB0]  }
0x2f: {  	lr =	sadd.s32 s0, s3;
	s0 =	sld [smem:$0x3FA7]  }
0x30: {  	s3 =	sld [smem:$0x3FAA]  }
0x31: {  	[smem:$0x3FB3] =	sst s10  }
0x32: {  	s10 =	sld [smem:$0x3FB1];
	_ =	sdelay $0x3  }
0x33: {  	p0 =	seq.s32 s10, $0x1;
	s10 =	sld [smem:$0x3FB3];
	_ =	sdelay $0x3  }
0x34: {  	[smem:$0x3FB3] =	sst s10  }
0x35: {  	s10 =	sld [smem:$0x3FB2];
	_ =	sdelay $0x3  }
0x36: {  	p1 =	seq.s32 s10, $0x1;
	s10 =	sld [smem:$0x3FB3];
	_ =	sdelay $0x3  }
0x37: {  	[smem:$0x3FB3] =	sst s10  }
0x38: {  	s10 =	sld [smem:$0x3FB4]  }
0x39: {  	_ = 	snop;
	(pc) =	sbr.ind lr, $3  }
0x3a: {  	_ = 	snop  }
0x3b: {  	_ = 	snop  }
0x3c: {  	p2 =	seq.s32 s10, $0x1;
	s10 =	sld [smem:$0x3FB3]  }
0x3d: {  	_ =	shalt  }
0x3e: {  	_ =	shalt  }
0x3f: {  	_ =	shalt  }
0x40: {  	_ =	shalt  }
0x41: {  	_ =	shalt  }
0x42: {  	_ =	shalt  }
0x43: {  	_ =	shalt  }
0x44: {  	_ =	shalt  }
0x45: {  	_ =	shalt  }
0x46: {  	_ =	shalt  }
0x47: {  	_ =	shalt  }
0x48: {  	_ =	shalt  }
0x49: {  	_ =	shalt  }
0x4a: {  	_ =	shalt  }
0x4b: {  	_ =	shalt  }
0x4c: {  	_ =	shalt  }
0x4d: {  	_ =	shalt  }
0x4e: {  	_ =	shalt  }
0x4f: {  	_ =	shalt  }
0x50: {  	_ =	shalt  }
0x51: {  	_ =	shalt  }
0x52: {  	_ =	shalt  }
0x53: {  	_ =	shalt  }
0x54: {  	_ =	shalt  }
0x55: {  	_ =	shalt  }
0x56: {  	_ =	shalt  }
0x57: {  	_ =	shalt  }
0x58: {  	_ =	shalt  }
0x59: {  	_ =	shalt  }
0x5a: {  	_ =	shalt  }
0x5b: {  	_ =	shalt  }
0x5c: {  	_ =	shalt  }
0x5d: {  	_ =	shalt  }
0x5e: {  	_ =	shalt  }
0x5f: {  	_ =	shalt  }
0x60: {  	_ =	shalt  }
0x61: {  	_ =	shalt  }
0x62: {  	_ =	shalt  }
0x63: {  	_ =	shalt  }
0x64: {  	_ =	shalt  }
0x65: {  	_ =	shalt  }
0x66: {  	_ =	shalt  }
0x67: {  	_ =	shalt  }
0x68: {  	_ =	shalt  }
0x69: {  	_ =	shalt  }
0x6a: {  	_ =	shalt  }
0x6b: {  	_ =	shalt  }
0x6c: {  	_ =	shalt  }
0x6d: {  	_ =	shalt  }
0x6e: {  	_ =	shalt  }
0x6f: {  	_ =	shalt  }
0x70: {  	_ =	shalt  }
0x71: {  	_ =	shalt  }
0x72: {  	_ =	shalt  }
0x73: {  	_ =	shalt  }
0x74: {  	_ =	shalt  }
0x75: {  	_ =	shalt  }
0x76: {  	_ =	shalt  }
0x77: {  	_ =	shalt  }
0x78: {  	_ =	shalt  }
0x79: {  	_ =	shalt  }
0x7a: {  	_ =	shalt  }
0x7b: {  	_ =	shalt  }
0x7c: {  	_ =	shalt  }
0x7d: {  	_ =	shalt  }
0x7e: {  	_ =	shalt  }
0x7f: {  	_ =	shalt  }
0x80: {  	_ =	shalt  }
0x81: {  	_ =	shalt  }
0x82: {  	_ =	shalt  }
0x83: {  	_ =	shalt  }
0x84: {  	_ =	shalt  }
0x85: {  	_ =	shalt  }
0x86: {  	_ =	shalt  }
0x87: {  	_ =	shalt  }
.Lfunc_end0:
.L_simem_size_0:
called_computation_lowered:
.L_overlay_start_0:
0x88: {  	s2 =	sld [smem:$0x3FD9]  }
0x89: {  	s3 =	sld [smem:$0x3FFE];
	_ =	sdelay $0x1  }
0x8a: {  	s1 =	srdreg.scid  }
0x8b: {  	s0 =	sand.u32 $0x1, s1  }
0x8c: {  	s17 =	sshll.u32 s0, $0xA;
	s2 =	sadd.s32 s3, s2  }
0x8d: {  	s2 =	sadd.s32 s2, s17  }
0x8e: {  	[smem:$0x3FBF] =	sst s2  }
0x8f: {  	_ = 	snop  }
0x90: {  	s2 =	sld [smem:$0x3FC8]  }
0x91: {  	s18 =	sld [smem:$0x3FC6]  }
0x92: {  	s4 =	sld [smem:$0x3FD0];
	(tm) =	ssettm $0x1  }
0x93: {  	s5 =	sld [smem:$0x3FFB];
	_ =	sdelay $0x3  }
0x94: {  	_ =	strace s5  }
0x95: {  	s5 =	sld [smem:$0x3FFC];
	_ =	sdelay $0x3  }
0x96: {  	_ =	strace s5  }
0x97: {  	s5 =	sld [smem:$0x3FFD];
	_ =	sdelay $0x3  }
0x98: {  	_ =	strace s5  }
0x99: {  	_ =	strace $0x8FFFFFFF  }
0x9a: {  	s19 =	sld [smem:$0x3FDB];
	_ =	sdelay $0x1  }
0x9b: {  	s6 =	simm.s32 $_scs_section_size  }
0x9c: {  	s7 =	simm.s32 $_size__tile_overlayer_lowered;
	s8 =	simm.s32 $_tile_overlayer_lowered  }
0x9d: {  	s22 =	simm.s32 $0x1BFF;
	s21 =	sshll.u32 s8, $0x1;
	s5 =	sadd.s32 s6, s19  }
0x9e: {  	s9 =	simm.s32 $0x0;
	s20 =	sshll.u32 s7, $0x1;
	s7 =	sadd.s32 s21, s5  }
0x9f: {  	[timem:s9], [sflag:s22] =	dma.local [hbm:s7], s20  }
0xa0: {  	_ =	swait.ge [sflag:s22], s20  }
0xa1: {  	s6 =	ssub.s32 $0x0, s20;
	[sflag:s22] =	ssyncset.done $0x0  }
0xa2: {  	[sflag:s22] =	ssyncadd.s32 s6;
	_ =	sdelay $0x1  }
0xa3: {  	s23 =	simm.s32 $0x1B8B  }
0xa4: {  	_ =	swait.ge [sflag:s23], $0x1  }
0xa5: {  	[sflag:s23] =	ssyncset.done $0x0  }
0xa6: {  	s25 =	simm.s32 $0x1B8E;
	s24 =	sld [smem:$0x3FFE];
	[sflag:s23] =	ssyncadd.s32 $0xFFFFFFFF  }
0xa7: {  	s26 =	simm.s32 $execute0_lowered;
	[smem:$0x3FD2] =	sst s25  }
0xa8: {  	s7 =	sshll.u32 s26, $0x1;
	_ =	strace $0x80000046;
	[dreg:$0x1] =	wrdreg $0xFFFFFFFF  }
0xa9: {  	s28 =	simm.s32 $_size_execute0_lowered;
	s5 =	sadd.s32 s5, s7;
	[dreg:$0x0] =	wrdreg $0x0  }
0xaa: {  	s7 =	sshll.u32 s28, $0x1;
	[dreg:$0x2] =	wrdreg s5  }
0xab: {  	[dreg:$0x3] =	wrdreg s7  }
0xac: {  	[dreg:$0x4] =	wrdreg $0xC0  }
0xad: {  	_ =	task [dreg:s9], $0x5FFFF  }
0xae: {  	[dreg:$0x1] =	wrdreg $0xFFFFFFFF  }
0xaf: {  	[dreg:$0x0] =	wrdreg $0x60  }
0xb0: {  	[dreg:$0x2] =	wrdreg s2  }
0xb1: {  	[dreg:$0x3] =	wrdreg s18  }
0xb2: {  	[dreg:$0x4] =	wrdreg s24  }
0xb3: {  	[dreg:$0x5] =	wrdreg s4  }
0xb4: {  	[dreg:$0x6] =	wrdreg $0x50000  }
0xb5: {  	[dreg:$0x7] =	wrdreg $0x64000  }
0xb6: {  	[dreg:$0x8] =	wrdreg $0x78000  }
0xb7: {  	[dreg:$0x9] =	wrdreg $0x8C000  }
0xb8: {  	[dreg:$0xa] =	wrdreg $0x9  }
0xb9: {  	_ =	task.clear_ibuf [dreg:s9], $0xBFFFF;
	_ =	strace $0x90000046  }
0xba: {  	s29 =	simm.s32 $0x9;
	_ =	strace $0x80000048  }
0xbb: {  	_ =	swait.ge [sflag:s29], $0x1  }
0xbc: {  	[sflag:s29] =	ssyncadd.s32 $0xFFFFFFFF  }
0xbd: {  	_ =	strace $0x90000048  }
0xbe: {  	_ =	sfence  }
0xbf: {  	s30 =	sld [smem:$0x0];
	_ =	sdelay $0x2  }
0xc0: {  	s31 =	sshll.u32 s1, $0xD;
	s1 =	sshrl.u32 s1, $0x2  }
0xc1: {  	s3 =	sand.u32 $0x4000, s31;
	s1 =	sadd.s32 s1, s30  }
0xc2: {  	s0 =	sor.u32 s3, s0;
	s1 =	sshll.u32 s1, $0x11  }
0xc3: {  	s0 =	sor.u32 s1, s0  }
0xc4: {  	s0 =	sadd.s32 $0x8F2B, s0  }
0xc5: {  	[sflag:s0] =	ssyncadd.remote.s32 $0x1  }
0xc6: {  	_ =	sfence.sel $0xFFFF  }
0xc7: {  	[dreg:$0x0] =	wrdreg $0xFFFFFFFF;
	(pc) =	sbr.abs _section_cstart, $3  }
0xc8: {  	[dreg:$0x1] =	wrdreg $0xFFFFFFFF  }
0xc9: {  	_ =	task.clear_ibuf [dreg:s9], $0x2FFFF;
	_ =	strace $0x9FFFFFFF  }
0xca: {  	(tm) =	ssettm $0x7FFFFFFF  }
0xcb: {  	_ =	shalt  }
tec
execute0_lowered:
.L_overlay_start_1:
0x0: {  	(tag) =	ssettag $0x1  }
0x1: {  	s1 =	srdreg.scid  }
0x2: {  	s2 =	sand.u32 $0x1, s1  }
0x3: {  	s13 =	stileid.u32;
	s7 =	sshll.u32 s2, $0x4  }
0x4: {  	s4 =	rddreg [dreg:$0x0];
	s7 =	sor.u32 s13, s7  }
0x5: {  	s5 =	rddreg [dreg:$0x1];
	s7 =	smul.u32 $0x2710, s7  }
0x6: {  	s0 =	rddreg [dreg:$0x2]  }
0x7: {  	s6 =	rddreg [dreg:$0x3];
	s1 =	simm.s32 $0x0;
	s7 =	sshrl.u32 s7, $0x3  }
0x8: {  	[smem:$0x7FF] =	sst s1;
	s18 =	sadd.s32 s4, s7  }
0x9: {  	s8 =	sadd.s32 $0xA800, s0;
	s19 =	sadd.s32 s5, s7;
	[dreg:$0x9] =	wrdreg s18  }
0xa: {  	s10 =	sadd.s32 $0xA00, s0;
	s20 =	sadd.s32 s8, s7;
	[dreg:$0xa] =	wrdreg s19  }
0xb: {  	s21 =	sadd.s32 $0xFA, s7;
	s12 =	sadd.s32 s10, s7;
	[dreg:$0xb] =	wrdreg s20  }
0xc: {  	s9 =	smul.u32 $0x5000, s2;
	[dreg:$0xc] =	wrdreg s12;
	s22 =	sadd.s32 s4, s21  }
0xd: {  	s2 =	ssub.s32 $0x2, s2;
	s23 =	sadd.s32 s5, s21;
	[dreg:$0xd] =	wrdreg s22  }
0xe: {  	s11 =	sshrl.u32 s2, $0x1;
	s24 =	sadd.s32 s8, s21;
	[dreg:$0xe] =	wrdreg s23  }
0xf: {  	s2 =	ssub.s32 s2, s11;
	s25 =	sadd.s32 s10, s21;
	[dreg:$0xf] =	wrdreg s24  }
0x10: {  	s26 =	sadd.s32 $0x1F4, s7;
	s11 =	sadd.s32 s6, s21;
	[dreg:$0x10] =	wrdreg s25  }
0x11: {  	s31 =	sadd.s32 s4, s26;
	[dreg:$0x11] =	wrdreg s11  }
0x12: {  	s14 =	sadd.s32 s5, s26;
	[dreg:$0x12] =	wrdreg s31  }
0x13: {  	s15 =	sadd.s32 s8, s26;
	[dreg:$0x13] =	wrdreg s14  }
0x14: {  	s16 =	sadd.s32 s10, s26;
	[dreg:$0x14] =	wrdreg s15  }
0x15: {  	s17 =	sadd.s32 s6, s26;
	[dreg:$0x15] =	wrdreg s16  }
0x16: {  	s18 =	sadd.s32 s6, s7;
	s19 =	sadd.s32 $0x2EE, s7;
	[dreg:$0x16] =	wrdreg s17  }
0x17: {  	s7 =	sadd.s32 $0x3E8, s7;
	[dreg:$0x17] =	wrdreg s18;
	s20 =	sadd.s32 s4, s19  }
0x18: {  	s23 =	sadd.s32 s10, s19;
	s26 =	sadd.s32 s10, s7;
	s10 =	rddreg [dreg:$0x5]  }
0x19: {  	s11 =	sadd.s32 s6, s19;
	s12 =	sadd.s32 s6, s7;
	s6 =	rddreg [dreg:$0x6]  }
0x1a: {  	s21 =	sadd.s32 s5, s19;
	[dreg:$0x18] =	wrdreg s20  }
0x1b: {  	s22 =	sadd.s32 s8, s19;
	[dreg:$0x19] =	wrdreg s21  }
0x1c: {  	[dreg:$0x1a] =	wrdreg s22  }
0x1d: {  	[dreg:$0x1b] =	wrdreg s23  }
0x1e: {  	s4 =	sadd.s32 s4, s7;
	[dreg:$0x1c] =	wrdreg s11  }
0x1f: {  	s24 =	sadd.s32 s5, s7;
	[dreg:$0x1d] =	wrdreg s4  }
0x20: {  	s25 =	sadd.s32 s8, s7;
	[dreg:$0x1e] =	wrdreg s24  }
0x21: {  	[dreg:$0x1f] =	wrdreg s25  }
0x22: {  	s11 =	rddreg [dreg:$0x4]  }
0x23: {  	s31 =	smul.u32 $0x1400, s13;
	[smem:$0x7B9] =	sst s26  }
0x24: {  	[smem:$0x7BA] =	sst s12  }
0x25: {  	s3 =	smul.u32 $0x140, s13;
	s4 =	rddreg [dreg:$0x7];
	s13 =	sadd.s32 s31, s11  }
0x26: {  	s14 =	sadd.s32 s31, s10;
	[smem:$0x7BB] =	sst s13  }
0x27: {  	s9 =	sadd.s32 s3, s9;
	s15 =	sadd.s32 s31, s6;
	[smem:$0x7BC] =	sst s14  }
0x28: {  	s5 =	sshrl.u32 s9, $0x3;
	s16 =	sadd.s32 s31, s4;
	[smem:$0x7BD] =	sst s15  }
0x29: {  	s7 =	sadd.s32 $0x1400, s3;
	s17 =	sadd.s32 s3, s11;
	[smem:$0x7BE] =	sst s16  }
0x2a: {  	s8 =	sadd.s32 $0x2800, s3;
	s18 =	sadd.s32 s7, s11;
	[smem:$0x7BF] =	sst s17  }
0x2b: {  	s9 =	sadd.s32 $0x3C00, s3;
	s19 =	sadd.s32 s8, s11;
	[smem:$0x7C0] =	sst s18  }
0x2c: {  	s12 =	sadd.s32 $0x5000, s3;
	s20 =	sadd.s32 s9, s11;
	[smem:$0x7C1] =	sst s19  }
0x2d: {  	[smem:$0x7C2] =	sst s20;
	s13 =	sadd.s32 $0x6400, s3;
	s15 =	sadd.s32 s12, s11  }
0x2e: {  	s14 =	sadd.s32 $0x7800, s3;
	[smem:$0x7C3] =	sst s15;
	s21 =	sadd.s32 s13, s11  }
0x2f: {  	s16 =	sor.u32 $0xA000, s3;
	s22 =	sadd.s32 s14, s11;
	[smem:$0x7C4] =	sst s21  }
0x30: {  	s17 =	sadd.s32 $0xB400, s3;
	s23 =	sadd.s32 s16, s11;
	[smem:$0x7C5] =	sst s22  }
0x31: {  	s19 =	sadd.s32 $0xDC00, s3;
	s24 =	sadd.s32 s17, s11;
	[smem:$0x7C7] =	sst s23  }
0x32: {  	s20 =	sadd.s32 $0xF000, s3;
	s25 =	sadd.s32 s19, s11;
	[smem:$0x7C8] =	sst s24  }
0x33: {  	s15 =	sadd.s32 $0x8C00, s3;
	s26 =	sadd.s32 s20, s11;
	[smem:$0x7CA] =	sst s25  }
0x34: {  	s18 =	sadd.s32 s15, s11;
	[smem:$0x7CB] =	sst s26  }
0x35: {  	s25 =	sadd.s32 s3, s10;
	[smem:$0x7C6] =	sst s18  }
0x36: {  	s22 =	sadd.s32 $0x11800, s3;
	s26 =	sadd.s32 s7, s10;
	[smem:$0x7CF] =	sst s25  }
0x37: {  	s31 =	sadd.s32 s22, s11;
	[smem:$0x7D0] =	sst s26  }
0x38: {  	s25 =	sadd.s32 s12, s10;
	[smem:$0x7CD] =	sst s31  }
0x39: {  	s18 =	sadd.s32 $0xC800, s3;
	s26 =	sadd.s32 s13, s10;
	[smem:$0x7D3] =	sst s25  }
0x3a: {  	s21 =	sadd.s32 s18, s11;
	[smem:$0x7D4] =	sst s26  }
0x3b: {  	s31 =	sadd.s32 s8, s10;
	[smem:$0x7C9] =	sst s21  }
0x3c: {  	s25 =	sadd.s32 s16, s10;
	[smem:$0x7D1] =	sst s31  }
0x3d: {  	s26 =	sadd.s32 s17, s10;
	[smem:$0x7D7] =	sst s25  }
0x3e: {  	s31 =	sadd.s32 s14, s10;
	[smem:$0x7D8] =	sst s26  }
0x3f: {  	s21 =	sadd.s32 $0x10400, s3;
	s25 =	sadd.s32 s20, s10;
	[smem:$0x7D5] =	sst s31  }
0x40: {  	s23 =	sadd.s32 $0x12C00, s3;
	s24 =	sadd.s32 s21, s11;
	[smem:$0x7DB] =	sst s25  }
0x41: {  	s11 =	sadd.s32 s23, s11;
	[smem:$0x7CC] =	sst s24  }
0x42: {  	s31 =	sadd.s32 s18, s10;
	[smem:$0x7CE] =	sst s11  }
0x43: {  	s26 =	sadd.s32 s21, s10;
	[smem:$0x7D9] =	sst s31  }
0x44: {  	s25 =	sadd.s32 s8, s6;
	[smem:$0x7DC] =	sst s26  }
0x45: {  	s24 =	sadd.s32 s9, s10;
	[smem:$0x7E1] =	sst s25  }
0x46: {  	s31 =	sadd.s32 s22, s10;
	[smem:$0x7D2] =	sst s24  }
0x47: {  	s11 =	sadd.s32 s3, s6;
	[smem:$0x7DD] =	sst s31  }
0x48: {  	s26 =	sadd.s32 s9, s6;
	[smem:$0x7DF] =	sst s11  }
0x49: {  	s25 =	sadd.s32 s15, s6;
	[smem:$0x7E2] =	sst s26  }
0x4a: {  	s3 =	sadd.s32 s3, s4;
	[smem:$0x7E6] =	sst s25  }
0x4b: {  	s24 =	sadd.s32 s15, s10;
	[smem:$0x7EF] =	sst s3  }
0x4c: {  	s31 =	sadd.s32 s12, s6;
	[smem:$0x7D6] =	sst s24  }
0x4d: {  	s11 =	sadd.s32 s13, s6;
	[smem:$0x7E3] =	sst s31  }
0x4e: {  	s26 =	sadd.s32 s16, s6;
	[smem:$0x7E4] =	sst s11  }
0x4f: {  	s25 =	sadd.s32 s20, s6;
	[smem:$0x7E7] =	sst s26  }
0x50: {  	s12 =	sadd.s32 s12, s4;
	[smem:$0x7EB] =	sst s25  }
0x51: {  	s13 =	sadd.s32 s13, s4;
	[smem:$0x7F3] =	sst s12  }
0x52: {  	s15 =	sadd.s32 s15, s4;
	[smem:$0x7F4] =	sst s13  }
0x53: {  	s16 =	sadd.s32 s16, s4;
	[smem:$0x7F6] =	sst s15  }
0x54: {  	s28 =	simm.s32 $0x3;
	s24 =	sadd.s32 s19, s10;
	[smem:$0x7F7] =	sst s16  }
0x55: {  	s29 =	simm.s32 $0x1;
	s10 =	sadd.s32 s23, s10;
	[smem:$0x7DA] =	sst s24  }
0x56: {  	s30 =	simm.s32 $0x0;
	s31 =	sadd.s32 s17, s6;
	[smem:$0x7DE] =	sst s10  }
0x57: {  	s11 =	sadd.s32 s18, s6;
	s26 =	sadd.s32 s21, s6;
	[smem:$0x7E8] =	sst s31  }
0x58: {  	s17 =	sadd.s32 s17, s4;
	s18 =	sadd.s32 s18, s4;
	[smem:$0x7E9] =	sst s11  }
0x59: {  	s25 =	sadd.s32 s21, s4;
	s12 =	simm.s32 $0x4;
	[smem:$0x7EC] =	sst s26  }
0x5a: {  	s13 =	simm.s32 $0xF600;
	s15 =	simm.s32 $0x11600;
	[smem:$0x7F8] =	sst s17  }
0x5b: {  	s16 =	simm.s32 $0x12600;
	s21 =	simm.s32 $0x12DD0;
	[smem:$0x7F9] =	sst s18  }
0x5c: {  	s24 =	sadd.s32 s7, s6;
	s31 =	sadd.s32 s22, s6;
	[smem:$0x7FC] =	sst s25  }
0x5d: {  	s7 =	sadd.s32 s7, s4;
	s10 =	sadd.s32 s8, s4;
	[smem:$0x7E0] =	sst s24  }
0x5e: {  	s11 =	sadd.s32 s9, s4;
	s26 =	sadd.s32 s22, s4;
	[smem:$0x7ED] =	sst s31  }
0x5f: {  	s17 =	simm.s32 $0x13600;
	s18 =	simm.s32 $0xFDD0;
	[smem:$0x7F0] =	sst s7  }
0x60: {  	s22 =	simm.s32 $0x13DD0;
	s25 =	simm.s32 $0x2800;
	[smem:$0x7F1] =	sst s10  }
0x61: {  	s24 =	sadd.s32 s14, s6;
	[smem:$0x7F2] =	sst s11;
	s14 =	sadd.s32 s14, s4  }
0x62: {  	[smem:$0x7FD] =	sst s26;
	s31 =	sadd.s32 s5, s0;
	s5 =	sadd.s32 $0x14600, s0  }
0x63: {  	s10 =	smax.u32 s2, $0x1;
	s11 =	simm.s32 $0x14600;
	[smem:$0x7E5] =	sst s24  }
0x64: {  	s26 =	simm.s32 $0x3C00;
	s24 =	sadd.s32 s19, s6;
	[smem:$0x7F5] =	sst s14  }
0x65: {  	s6 =	sadd.s32 s23, s6;
	s19 =	sadd.s32 s19, s4;
	[smem:$0x7EA] =	sst s24  }
0x66: {  	s7 =	sadd.s32 $0x14A80, s31;
	s8 =	sadd.s32 $0x14D00, s31;
	[smem:$0x7EE] =	sst s6  }
0x67: {  	s9 =	sadd.s32 $0x14F80, s31;
	s14 =	simm.s32 $0x10600;
	[smem:$0x7FA] =	sst s19  }
0x68: {  	s24 =	sadd.s32 s20, s4;
	s4 =	sadd.s32 s23, s4;
	s6 =	sadd.s32 $0x14800, s31  }
0x69: {  	s19 =	simm.s32 $0x10DD0;
	s20 =	simm.s32 $0x11DD0;
	[smem:$0x7FB] =	sst s24  }
0x6a: {  	v0 =	vimm.f32 $0.0e+00;
	s23 =	simm.s32 $0x2;
	s24 =	simm.s32 $0x1400;
	_ =	strace $0x80000047  }
.LBB2_1:
0x6b: {  	[tilespmem:s11], [sflag:$0x4] =	stream.linear.gather [hbm4b:s5+s1], $0x80, $0x38;
	[tilespmem:$0x14680] =	vst v63  }
0x6c: {  	_ =	swait.ge [sflag:s12], $0x80  }
0x6d: {  	[sflag:s12] =	ssyncset.done $0x0  }
0x6e: {  	s0 =	rddreg [dreg:$0x9];
	[sflag:s12] =	ssyncadd.s32 $0xFFFFFF80  }
0x6f: {  	[tilespmem:s13], [sflag:$0x2] =	stream.linear.gather [hbm4b:s0+s1], $0x7D0, $0x38;
	[tilespmem:$0x14680] =	vst v63  }
0x70: {  	s31 =	rddreg [dreg:$0xa]  }
0x71: {  	[tilespmem:s14], [sflag:$0x2] =	stream.linear.gather [hbm4b:s31+s1], $0x7D0, $0x38;
	[tilespmem:$0x14680] =	vst v63  }
0x72: {  	s2 =	rddreg [dreg:$0xb]  }
0x73: {  	[tilespmem:s15], [sflag:$0x2] =	stream.linear.gather [hbm4b:s2+s1], $0x7D0, $0x38;
	[tilespmem:$0x14680] =	vst v63  }
0x74: {  	s3 =	rddreg [dreg:$0xc]  }
0x75: {  	[tilespmem:s16], [sflag:$0x2] =	stream.linear.gather [hbm4b:s3+s1], $0x7D0, $0x38;
	[tilespmem:$0x14680] =	vst v63  }
0x76: {  	s0 =	simm.s32 $0x0;
	s31 =	rddreg [dreg:$0x17];
	s2 =	simm.s32 $0x40  }
0x77: {  	[tilespmem:s17], [sflag:$0x2] =	stream.linear.gather [hbm4b:s31+s1], $0x7D0, $0x38;
	[tilespmem:$0x14680] =	vst v63  }
.LBB2_2:
0x78: {  	p0 =	sne.s32 s2, $0x4FC0;
	[tilespmem:s0+$0x3C00] =	vst v0;
	s3 =	smov.u32 s2;
	s2 =	sadd.s32 $0x40, s2  }
.Ltmp0:
0x79: {  	[tilespmem:s0+$0x2800] =	vst v0;
	(pc) =	sbr.rel @p0 .LBB2_2-.Ltmp0, $3  }
0x7a: {  	[tilespmem:s0+$0x0] =	vst v0  }
0x7b: {  	[tilespmem:s0+$0x1400] =	vst v0;
	_ =	sdelay $0x1  }
0x7c: {  	s0 =	sshra.s32 s3, $0x2  }
0x7d: {  	[tilespmem:s0+$0x3C00] =	vst v0  }
0x7e: {  	[tilespmem:s0+$0x2800] =	vst v0  }
0x7f: {  	[tilespmem:s0+$0x0] =	vst v0  }
0x80: {  	[tilespmem:s0+$0x1400] =	vst v0;
	s0 =	simm.s32 $0x0;
	s2 =	rddreg [dreg:$0xd]  }
0x81: {  	[tilespmem:s18], [sflag:$0x3] =	stream.linear.gather [hbm4b:s2+s0], $0x7D0, $0x38;
	[tilespmem:$0x14680] =	vst v63  }
0x82: {  	s3 =	rddreg [dreg:$0xe]  }
0x83: {  	[tilespmem:s19], [sflag:$0x3] =	stream.linear.gather [hbm4b:s3+s0], $0x7D0, $0x38;
	[tilespmem:$0x14680] =	vst v63  }
0x84: {  	s31 =	rddreg [dreg:$0xf]  }
0x85: {  	[tilespmem:s20], [sflag:$0x3] =	stream.linear.gather [hbm4b:s31+s0], $0x7D0, $0x38;
	[tilespmem:$0x14680] =	vst v63  }
0x86: {  	s3 =	rddreg [dreg:$0x10]  }
0x87: {  	[tilespmem:s21], [sflag:$0x3] =	stream.linear.gather [hbm4b:s3+s0], $0x7D0, $0x38;
	[tilespmem:$0x14680] =	vst v63  }
0x88: {  	s31 =	rddreg [dreg:$0x11]  }
0x89: {  	[tilespmem:s22], [sflag:$0x3] =	stream.linear.gather [hbm4b:s31+s0], $0x7D0, $0x38;
	[tilespmem:$0x14680] =	vst v63  }
0x8a: {  	_ =	swait.ge [sflag:s23], $0x7D0  }
0x8b: {  	[sflag:s23] =	ssyncset.done $0x0  }
0x8c: {  	[sflag:s23] =	ssyncadd.s32 $0xFFFFF830  }
0x8d: {  	_ =	swait.ge [sflag:s23], $0x7D0  }
0x8e: {  	[sflag:s23] =	ssyncset.done $0x0  }
0x8f: {  	[sflag:s23] =	ssyncadd.s32 $0xFFFFF830  }
0x90: {  	_ =	swait.ge [sflag:s23], $0x7D0  }
0x91: {  	[sflag:s23] =	ssyncset.done $0x0  }
0x92: {  	[sflag:s23] =	ssyncadd.s32 $0xFFFFF830  }
0x93: {  	_ =	swait.ge [sflag:s23], $0x7D0  }
0x94: {  	[sflag:s23] =	ssyncset.done $0x0  }
0x95: {  	[sflag:s23] =	ssyncadd.s32 $0xFFFFF830  }
0x96: {  	_ =	swait.ge [sflag:s23], $0x7D0  }
0x97: {  	[sflag:s23] =	ssyncset.done $0x0  }
0x98: {  	s0 =	simm.s32 $0x0;
	[sflag:s23] =	ssyncadd.s32 $0xFFFFF830  }
0x99: {  	s2 =	simm.s32 $0x40;
	v1 =	vld [tilespmem:s0+$0xF600]  }
.LBB2_4:
0x9a: {  	p0 =	sne.s32 s2, $0x1F00;
	v2 =	vld [tilespmem:s0+$0x11600]  }
0x9b: {  	v3 =	vld [tilespmem:s0+$0x10600];
	_ =	sdelay $0x5  }
0x9c: {  	v1 =	vld.idx.msk [tilespmem:v1+s11+$0x0], $0xffff;
	_ =	sdelay $0x5  }
0x9d: {  	v2 =	vmul.f32 v2, v1;
	_ =	sdelay $0x1  }
0x9e: {  	[tilespmem:v3+s1+$0x0] =	vst.idx.add.f32.msk $0xffff, v2  }
0x9f: {  	v2 =	vld [tilespmem:s0+$0x12600];
	_ =	sdelay $0x4  }
0xa0: {  	v2 =	vmul.f32 v2, v1;
	_ =	sdelay $0x1  }
0xa1: {  	[tilespmem:v3+s24+$0x0] =	vst.idx.add.f32.msk $0xffff, v2  }
0xa2: {  	v2 =	vld [tilespmem:s0+$0x13600];
	_ =	sdelay $0x4  }
.Ltmp1:
0xa3: {  	v2 =	vmul.f32 v2, v1;
	(pc) =	sbr.rel @p0 .LBB2_4-.Ltmp1, $4  }
0xa4: {  	_ = 	snop  }
0xa5: {  	[tilespmem:v3+s25+$0x0] =	vst.idx.add.f32.msk $0xffff, v2  }
0xa6: {  	s0 =	sshra.s32 s2, $0x2;
	[tilespmem:v3+s26+$0x0] =	vst.idx.add.f32.msk $0xffff, v1  }
0xa7: {  	s2 =	sadd.s32 $0x40, s2;
	v1 =	vld [tilespmem:s0+$0xF600]  }
0xa8: {  	_ =	sdelay $0x5  }
0xa9: {  	v2 =	vld [tilespmem:s0+$0x11600]  }
0xaa: {  	v3 =	vld [tilespmem:s0+$0x10600]  }
0xab: {  	v1 =	vld.idx.msk [tilespmem:v1+s11+$0x0], $0xffff;
	_ =	sdelay $0x4  }
0xac: {  	v2 =	vmul.f32 v2, v1;
	_ =	sdelay $0x1  }
0xad: {  	[tilespmem:v3+s1+$0x0] =	vst.idx.add.f32.msk $0xffff, v2  }
0xae: {  	v2 =	vld [tilespmem:s0+$0x12600];
	_ =	sdelay $0x4  }
0xaf: {  	v2 =	vmul.f32 v2, v1;
	_ =	sdelay $0x1  }
0xb0: {  	[tilespmem:v3+s24+$0x0] =	vst.idx.add.f32.msk $0xffff, v2  }
0xb1: {  	v2 =	vld [tilespmem:s0+$0x13600];
	_ =	sdelay $0x4  }
0xb2: {  	v2 =	vmul.f32 v2, v1;
	_ =	sdelay $0x1  }
0xb3: {  	[tilespmem:v3+s25+$0x0] =	vst.idx.add.f32.msk $0xffff, v2  }
0xb4: {  	s2 =	rddreg [dreg:$0x12];
	s0 =	simm.s32 $0x0;
	[tilespmem:v3+s26+$0x0] =	vst.idx.add.f32.msk $0xffff, v1  }
0xb5: {  	[tilespmem:s13], [sflag:$0x2] =	stream.linear.gather [hbm4b:s2+s0], $0x7D0, $0x38;
	[tilespmem:$0x14680] =	vst v63  }
0xb6: {  	s3 =	rddreg [dreg:$0x13]  }
0xb7: {  	[tilespmem:s14], [sflag:$0x2] =	stream.linear.gather [hbm4b:s3+s0], $0x7D0, $0x38;
	[tilespmem:$0x14680] =	vst v63  }
0xb8: {  	s31 =	rddreg [dreg:$0x14]  }
0xb9: {  	[tilespmem:s15], [sflag:$0x2] =	stream.linear.gather [hbm4b:s31+s0], $0x7D0, $0x38;
	[tilespmem:$0x14680] =	vst v63  }
0xba: {  	s3 =	rddreg [dreg:$0x15]  }
0xbb: {  	[tilespmem:s16], [sflag:$0x2] =	stream.linear.gather [hbm4b:s3+s0], $0x7D0, $0x38;
	[tilespmem:$0x14680] =	vst v63  }
0xbc: {  	s31 =	rddreg [dreg:$0x16]  }
0xbd: {  	[tilespmem:s17], [sflag:$0x2] =	stream.linear.gather [hbm4b:s31+s0], $0x7D0, $0x38;
	[tilespmem:$0x14680] =	vst v63  }
0xbe: {  	_ =	swait.ge [sflag:s28], $0x7D0  }
0xbf: {  	[sflag:s28] =	ssyncset.done $0x0  }
0xc0: {  	[sflag:s28] =	ssyncadd.s32 $0xFFFFF830  }
0xc1: {  	_ =	swait.ge [sflag:s28], $0x7D0  }
0xc2: {  	[sflag:s28] =	ssyncset.done $0x0  }
0xc3: {  	[sflag:s28] =	ssyncadd.s32 $0xFFFFF830  }
0xc4: {  	_ =	swait.ge [sflag:s28], $0x7D0  }
0xc5: {  	[sflag:s28] =	ssyncset.done $0x0  }
0xc6: {  	[sflag:s28] =	ssyncadd.s32 $0xFFFFF830  }
0xc7: {  	_ =	swait.ge [sflag:s28], $0x7D0  }
0xc8: {  	[sflag:s28] =	ssyncset.done $0x0  }
0xc9: {  	[sflag:s28] =	ssyncadd.s32 $0xFFFFF830  }
0xca: {  	_ =	swait.ge [sflag:s28], $0x7D0  }
0xcb: {  	[sflag:s28] =	ssyncset.done $0x0  }
0xcc: {  	s0 =	simm.s32 $0x0;
	[sflag:s28] =	ssyncadd.s32 $0xFFFFF830  }
0xcd: {  	s2 =	simm.s32 $0x40;
	v1 =	vld [tilespmem:s0+$0xFDD0]  }
.LBB2_6:
0xce: {  	p0 =	sne.s32 s2, $0x1F00;
	v2 =	vld [tilespmem:s0+$0x11DD0]  }
0xcf: {  	v3 =	vld [tilespmem:s0+$0x10DD0];
	_ =	sdelay $0x5  }
0xd0: {  	v1 =	vld.idx.msk [tilespmem:v1+s11+$0x0], $0xffff;
	_ =	sdelay $0x5  }
0xd1: {  	v2 =	vmul.f32 v2, v1;
	_ =	sdelay $0x1  }
0xd2: {  	[tilespmem:v3+s1+$0x0] =	vst.idx.add.f32.msk $0xffff, v2  }
0xd3: {  	v2 =	vld [tilespmem:s0+$0x12DD0];
	_ =	sdelay $0x4  }
0xd4: {  	v2 =	vmul.f32 v2, v1;
	_ =	sdelay $0x1  }
0xd5: {  	[tilespmem:v3+s24+$0x0] =	vst.idx.add.f32.msk $0xffff, v2  }
0xd6: {  	v2 =	vld [tilespmem:s0+$0x13DD0];
	_ =	sdelay $0x4  }
.Ltmp2:
0xd7: {  	v2 =	vmul.f32 v2, v1;
	(pc) =	sbr.rel @p0 .LBB2_6-.Ltmp2, $4  }
0xd8: {  	_ = 	snop  }
0xd9: {  	[tilespmem:v3+s25+$0x0] =	vst.idx.add.f32.msk $0xffff, v2  }
0xda: {  	s0 =	sshra.s32 s2, $0x2;
	[tilespmem:v3+s26+$0x0] =	vst.idx.add.f32.msk $0xffff, v1  }
0xdb: {  	s2 =	sadd.s32 $0x40, s2;
	v1 =	vld [tilespmem:s0+$0xFDD0]  }
0xdc: {  	_ =	sdelay $0x5  }
0xdd: {  	v2 =	vld [tilespmem:s0+$0x11DD0]  }
0xde: {  	v3 =	vld [tilespmem:s0+$0x10DD0]  }
0xdf: {  	v1 =	vld.idx.msk [tilespmem:v1+s11+$0x0], $0xffff;
	_ =	sdelay $0x4  }
0xe0: {  	v2 =	vmul.f32 v2, v1;
	_ =	sdelay $0x1  }
0xe1: {  	[tilespmem:v3+s1+$0x0] =	vst.idx.add.f32.msk $0xffff, v2  }
0xe2: {  	v2 =	vld [tilespmem:s0+$0x12DD0];
	_ =	sdelay $0x4  }
0xe3: {  	v2 =	vmul.f32 v2, v1;
	_ =	sdelay $0x1  }
0xe4: {  	[tilespmem:v3+s24+$0x0] =	vst.idx.add.f32.msk $0xffff, v2  }
0xe5: {  	v2 =	vld [tilespmem:s0+$0x13DD0];
	_ =	sdelay $0x4  }
0xe6: {  	v2 =	vmul.f32 v2, v1;
	_ =	sdelay $0x1  }
0xe7: {  	[tilespmem:v3+s25+$0x0] =	vst.idx.add.f32.msk $0xffff, v2  }
0xe8: {  	s2 =	rddreg [dreg:$0x18];
	s0 =	simm.s32 $0x0;
	[tilespmem:v3+s26+$0x0] =	vst.idx.add.f32.msk $0xffff, v1  }
0xe9: {  	[tilespmem:s18], [sflag:$0x3] =	stream.linear.gather [hbm4b:s2+s0], $0x7D0, $0x38;
	[tilespmem:$0x14680] =	vst v63  }
0xea: {  	s3 =	rddreg [dreg:$0x19]  }
0xeb: {  	[tilespmem:s19], [sflag:$0x3] =	stream.linear.gather [hbm4b:s3+s0], $0x7D0, $0x38;
	[tilespmem:$0x14680] =	vst v63  }
0xec: {  	s18 =	rddreg [dreg:$0x1a]  }
0xed: {  	[tilespmem:s20], [sflag:$0x3] =	stream.linear.gather [hbm4b:s18+s0], $0x7D0, $0x38;
	[tilespmem:$0x14680] =	vst v63  }
0xee: {  	s19 =	rddreg [dreg:$0x1b]  }
0xef: {  	[tilespmem:s21], [sflag:$0x3] =	stream.linear.gather [hbm4b:s19+s0], $0x7D0, $0x38;
	[tilespmem:$0x14680] =	vst v63  }
0xf0: {  	s31 =	rddreg [dreg:$0x1c]  }
0xf1: {  	[tilespmem:s22], [sflag:$0x3] =	stream.linear.gather [hbm4b:s31+s0], $0x7D0, $0x38;
	[tilespmem:$0x14680] =	vst v63  }
0xf2: {  	_ =	swait.ge [sflag:s23], $0x7D0  }
0xf3: {  	[sflag:s23] =	ssyncset.done $0x0  }
0xf4: {  	[sflag:s23] =	ssyncadd.s32 $0xFFFFF830  }
0xf5: {  	_ =	swait.ge [sflag:s23], $0x7D0  }
0xf6: {  	[sflag:s23] =	ssyncset.done $0x0  }
0xf7: {  	[sflag:s23] =	ssyncadd.s32 $0xFFFFF830  }
0xf8: {  	_ =	swait.ge [sflag:s23], $0x7D0  }
0xf9: {  	[sflag:s23] =	ssyncset.done $0x0  }
0xfa: {  	[sflag:s23] =	ssyncadd.s32 $0xFFFFF830  }
0xfb: {  	_ =	swait.ge [sflag:s23], $0x7D0  }
0xfc: {  	[sflag:s23] =	ssyncset.done $0x0  }
0xfd: {  	[sflag:s23] =	ssyncadd.s32 $0xFFFFF830  }
0xfe: {  	_ =	swait.ge [sflag:s23], $0x7D0  }
0xff: {  	[sflag:s23] =	ssyncset.done $0x0  }
0x100: {  	s0 =	simm.s32 $0x0;
	[sflag:s23] =	ssyncadd.s32 $0xFFFFF830  }
0x101: {  	s2 =	simm.s32 $0x40;
	v1 =	vld [tilespmem:s0+$0xF600]  }
.LBB2_8:
0x102: {  	p0 =	sne.s32 s2, $0x1F00;
	v2 =	vld [tilespmem:s0+$0x11600]  }
0x103: {  	v3 =	vld [tilespmem:s0+$0x10600];
	_ =	sdelay $0x5  }
0x104: {  	v1 =	vld.idx.msk [tilespmem:v1+s11+$0x0], $0xffff;
	_ =	sdelay $0x5  }
0x105: {  	v2 =	vmul.f32 v2, v1;
	_ =	sdelay $0x1  }
0x106: {  	[tilespmem:v3+s1+$0x0] =	vst.idx.add.f32.msk $0xffff, v2  }
0x107: {  	v2 =	vld [tilespmem:s0+$0x12600];
	_ =	sdelay $0x4  }
0x108: {  	v2 =	vmul.f32 v2, v1;
	_ =	sdelay $0x1  }
0x109: {  	[tilespmem:v3+s24+$0x0] =	vst.idx.add.f32.msk $0xffff, v2  }
0x10a: {  	v2 =	vld [tilespmem:s0+$0x13600];
	_ =	sdelay $0x4  }
.Ltmp3:
0x10b: {  	v2 =	vmul.f32 v2, v1;
	(pc) =	sbr.rel @p0 .LBB2_8-.Ltmp3, $4  }
0x10c: {  	_ = 	snop  }
0x10d: {  	[tilespmem:v3+s25+$0x0] =	vst.idx.add.f32.msk $0xffff, v2  }
0x10e: {  	s0 =	sshra.s32 s2, $0x2;
	[tilespmem:v3+s26+$0x0] =	vst.idx.add.f32.msk $0xffff, v1  }
0x10f: {  	s2 =	sadd.s32 $0x40, s2;
	v1 =	vld [tilespmem:s0+$0xF600]  }
0x110: {  	_ =	sdelay $0x5  }
0x111: {  	v2 =	vld [tilespmem:s0+$0x11600]  }
0x112: {  	v3 =	vld [tilespmem:s0+$0x10600]  }
0x113: {  	v1 =	vld.idx.msk [tilespmem:v1+s11+$0x0], $0xffff;
	_ =	sdelay $0x4  }
0x114: {  	v2 =	vmul.f32 v2, v1;
	_ =	sdelay $0x1  }
0x115: {  	[tilespmem:v3+s1+$0x0] =	vst.idx.add.f32.msk $0xffff, v2  }
0x116: {  	v2 =	vld [tilespmem:s0+$0x12600];
	_ =	sdelay $0x4  }
0x117: {  	v2 =	vmul.f32 v2, v1;
	_ =	sdelay $0x1  }
0x118: {  	[tilespmem:v3+s24+$0x0] =	vst.idx.add.f32.msk $0xffff, v2  }
0x119: {  	v2 =	vld [tilespmem:s0+$0x13600];
	_ =	sdelay $0x4  }
0x11a: {  	v2 =	vmul.f32 v2, v1;
	_ =	sdelay $0x1  }
0x11b: {  	s2 =	rddreg [dreg:$0x1d];
	[tilespmem:v3+s25+$0x0] =	vst.idx.add.f32.msk $0xffff, v2  }
0x11c: {  	s3 =	rddreg [dreg:$0x1e];
	s0 =	simm.s32 $0x0;
	[tilespmem:v3+s26+$0x0] =	vst.idx.add.f32.msk $0xffff, v1  }
0x11d: {  	[tilespmem:s13], [sflag:$0x2] =	stream.linear.gather [hbm4b:s2+s0], $0x7D0, $0x38;
	[tilespmem:$0x14680] =	vst v63  }
0x11e: {  	s18 =	rddreg [dreg:$0x1f]  }
0x11f: {  	[tilespmem:s14], [sflag:$0x2] =	stream.linear.gather [hbm4b:s3+s0], $0x7D0, $0x38;
	[tilespmem:$0x14680] =	vst v63  }
0x120: {  	s19 =	sld [smem:$0x7B9]  }
0x121: {  	[tilespmem:s15], [sflag:$0x2] =	stream.linear.gather [hbm4b:s18+s0], $0x7D0, $0x38;
	[tilespmem:$0x14680] =	vst v63  }
0x122: {  	s31 =	sld [smem:$0x7BA]  }
0x123: {  	[tilespmem:s16], [sflag:$0x2] =	stream.linear.gather [hbm4b:s19+s0], $0x7D0, $0x38;
	[tilespmem:$0x14680] =	vst v63  }
0x124: {  	_ = 	snop  }
0x125: {  	[tilespmem:s17], [sflag:$0x2] =	stream.linear.gather [hbm4b:s31+s0], $0x7D0, $0x38;
	[tilespmem:$0x14680] =	vst v63  }
0x126: {  	_ =	swait.ge [sflag:s28], $0x7D0  }
0x127: {  	[sflag:s28] =	ssyncset.done $0x0  }
0x128: {  	[sflag:s28] =	ssyncadd.s32 $0xFFFFF830  }
0x129: {  	_ =	swait.ge [sflag:s28], $0x7D0  }
0x12a: {  	[sflag:s28] =	ssyncset.done $0x0  }
0x12b: {  	[sflag:s28] =	ssyncadd.s32 $0xFFFFF830  }
0x12c: {  	_ =	swait.ge [sflag:s28], $0x7D0  }
0x12d: {  	[sflag:s28] =	ssyncset.done $0x0  }
0x12e: {  	[sflag:s28] =	ssyncadd.s32 $0xFFFFF830  }
0x12f: {  	_ =	swait.ge [sflag:s28], $0x7D0  }
0x130: {  	[sflag:s28] =	ssyncset.done $0x0  }
0x131: {  	[sflag:s28] =	ssyncadd.s32 $0xFFFFF830  }
0x132: {  	_ =	swait.ge [sflag:s28], $0x7D0  }
0x133: {  	[sflag:s28] =	ssyncset.done $0x0  }
0x134: {  	s0 =	simm.s32 $0x0;
	[sflag:s28] =	ssyncadd.s32 $0xFFFFF830  }
0x135: {  	s2 =	simm.s32 $0x40;
	v1 =	vld [tilespmem:s0+$0xFDD0]  }
.LBB2_10:
0x136: {  	p0 =	sne.s32 s2, $0x1F00;
	v2 =	vld [tilespmem:s0+$0x11DD0]  }
0x137: {  	v3 =	vld [tilespmem:s0+$0x10DD0];
	_ =	sdelay $0x5  }
0x138: {  	v1 =	vld.idx.msk [tilespmem:v1+s11+$0x0], $0xffff;
	_ =	sdelay $0x5  }
0x139: {  	v2 =	vmul.f32 v2, v1;
	_ =	sdelay $0x1  }
0x13a: {  	[tilespmem:v3+s1+$0x0] =	vst.idx.add.f32.msk $0xffff, v2  }
0x13b: {  	v2 =	vld [tilespmem:s0+$0x12DD0];
	_ =	sdelay $0x4  }
0x13c: {  	v2 =	vmul.f32 v2, v1;
	_ =	sdelay $0x1  }
0x13d: {  	[tilespmem:v3+s24+$0x0] =	vst.idx.add.f32.msk $0xffff, v2  }
0x13e: {  	v2 =	vld [tilespmem:s0+$0x13DD0];
	_ =	sdelay $0x4  }
.Ltmp4:
0x13f: {  	v2 =	vmul.f32 v2, v1;
	(pc) =	sbr.rel @p0 .LBB2_10-.Ltmp4, $4  }
0x140: {  	_ = 	snop  }
0x141: {  	[tilespmem:v3+s25+$0x0] =	vst.idx.add.f32.msk $0xffff, v2  }
0x142: {  	s0 =	sshra.s32 s2, $0x2;
	[tilespmem:v3+s26+$0x0] =	vst.idx.add.f32.msk $0xffff, v1  }
0x143: {  	s2 =	sadd.s32 $0x40, s2;
	v1 =	vld [tilespmem:s0+$0xFDD0]  }
0x144: {  	_ =	sdelay $0x5  }
0x145: {  	v2 =	vld [tilespmem:s0+$0x11DD0]  }
0x146: {  	v3 =	vld [tilespmem:s0+$0x10DD0]  }
0x147: {  	v1 =	vld.idx.msk [tilespmem:v1+s11+$0x0], $0xffff;
	_ =	sdelay $0x4  }
0x148: {  	v2 =	vmul.f32 v2, v1;
	_ =	sdelay $0x1  }
0x149: {  	[tilespmem:v3+s1+$0x0] =	vst.idx.add.f32.msk $0xffff, v2  }
0x14a: {  	v2 =	vld [tilespmem:s0+$0x12DD0];
	_ =	sdelay $0x4  }
0x14b: {  	v2 =	vmul.f32 v2, v1;
	_ =	sdelay $0x1  }
0x14c: {  	[tilespmem:v3+s24+$0x0] =	vst.idx.add.f32.msk $0xffff, v2  }
0x14d: {  	v2 =	vld [tilespmem:s0+$0x13DD0];
	_ =	sdelay $0x4  }
0x14e: {  	v2 =	vmul.f32 v2, v1;
	_ =	sdelay $0x1  }
0x14f: {  	[tilespmem:v3+s25+$0x0] =	vst.idx.add.f32.msk $0xffff, v2  }
0x150: {  	[tilespmem:v3+s26+$0x0] =	vst.idx.add.f32.msk $0xffff, v1  }
0x151: {  	_ =	swait.ge [sflag:s23], $0x7D0  }
0x152: {  	[sflag:s23] =	ssyncset.done $0x0  }
0x153: {  	[sflag:s23] =	ssyncadd.s32 $0xFFFFF830  }
0x154: {  	_ =	swait.ge [sflag:s23], $0x7D0  }
0x155: {  	[sflag:s23] =	ssyncset.done $0x0  }
0x156: {  	[sflag:s23] =	ssyncadd.s32 $0xFFFFF830  }
0x157: {  	_ =	swait.ge [sflag:s23], $0x7D0  }
0x158: {  	[sflag:s23] =	ssyncset.done $0x0  }
0x159: {  	[sflag:s23] =	ssyncadd.s32 $0xFFFFF830  }
0x15a: {  	_ =	swait.ge [sflag:s23], $0x7D0  }
0x15b: {  	[sflag:s23] =	ssyncset.done $0x0  }
0x15c: {  	[sflag:s23] =	ssyncadd.s32 $0xFFFFF830  }
0x15d: {  	_ =	swait.ge [sflag:s23], $0x7D0  }
0x15e: {  	[sflag:s23] =	ssyncset.done $0x0  }
0x15f: {  	s0 =	simm.s32 $0x0;
	[sflag:s23] =	ssyncadd.s32 $0xFFFFF830  }
0x160: {  	s2 =	simm.s32 $0x40;
	v1 =	vld [tilespmem:s0+$0xF600]  }
.LBB2_12:
0x161: {  	p0 =	sne.s32 s2, $0x1F00;
	v2 =	vld [tilespmem:s0+$0x11600]  }
0x162: {  	v3 =	vld [tilespmem:s0+$0x10600];
	_ =	sdelay $0x5  }
0x163: {  	v1 =	vld.idx.msk [tilespmem:v1+s11+$0x0], $0xffff;
	_ =	sdelay $0x5  }
0x164: {  	v2 =	vmul.f32 v2, v1;
	_ =	sdelay $0x1  }
0x165: {  	[tilespmem:v3+s1+$0x0] =	vst.idx.add.f32.msk $0xffff, v2  }
0x166: {  	v2 =	vld [tilespmem:s0+$0x12600];
	_ =	sdelay $0x4  }
0x167: {  	v2 =	vmul.f32 v2, v1;
	_ =	sdelay $0x1  }
0x168: {  	[tilespmem:v3+s24+$0x0] =	vst.idx.add.f32.msk $0xffff, v2  }
0x169: {  	v2 =	vld [tilespmem:s0+$0x13600];
	_ =	sdelay $0x4  }
.Ltmp5:
0x16a: {  	v2 =	vmul.f32 v2, v1;
	(pc) =	sbr.rel @p0 .LBB2_12-.Ltmp5, $4  }
0x16b: {  	_ = 	snop  }
0x16c: {  	[tilespmem:v3+s25+$0x0] =	vst.idx.add.f32.msk $0xffff, v2  }
0x16d: {  	s0 =	sshra.s32 s2, $0x2;
	[tilespmem:v3+s26+$0x0] =	vst.idx.add.f32.msk $0xffff, v1  }
0x16e: {  	s2 =	sadd.s32 $0x40, s2;
	v1 =	vld [tilespmem:s0+$0xF600]  }
0x16f: {  	_ =	sdelay $0x5  }
0x170: {  	v2 =	vld [tilespmem:s0+$0x11600]  }
0x171: {  	v3 =	vld [tilespmem:s0+$0x10600]  }
0x172: {  	v1 =	vld.idx.msk [tilespmem:v1+s11+$0x0], $0xffff;
	_ =	sdelay $0x4  }
0x173: {  	v2 =	vmul.f32 v2, v1;
	_ =	sdelay $0x1  }
0x174: {  	[tilespmem:v3+s1+$0x0] =	vst.idx.add.f32.msk $0xffff, v2  }
0x175: {  	v2 =	vld [tilespmem:s0+$0x12600];
	_ =	sdelay $0x4  }
0x176: {  	v2 =	vmul.f32 v2, v1;
	_ =	sdelay $0x1  }
0x177: {  	[tilespmem:v3+s24+$0x0] =	vst.idx.add.f32.msk $0xffff, v2  }
0x178: {  	v2 =	vld [tilespmem:s0+$0x13600];
	_ =	sdelay $0x4  }
0x179: {  	v2 =	vmul.f32 v2, v1  }
0x17a: {  	s3 =	sld [smem:$0x7BB]  }
0x17b: {  	[tilespmem:v3+s25+$0x0] =	vst.idx.add.f32.msk $0xffff, v2  }
0x17c: {  	s31 =	simm.s32 $0x0;
	[tilespmem:v3+s26+$0x0] =	vst.idx.add.f32.msk $0xffff, v1  }
0x17d: {  	[spmem:s3] =	stream.linear.scatter [tilespmem:s31], [sflag:$0x4], $0x1400, $0x38;
	[tilespmem:$0x14680] =	vst v63  }
0x17e: {  	_ =	swait.ge [sflag:s12], $0x1400  }
0x17f: {  	s18 =	sld [smem:$0x7BC]  }
0x180: {  	[sflag:s12] =	ssyncset.done $0x0  }
0x181: {  	[sflag:s12] =	ssyncadd.s32 $0xFFFFEC00  }
0x182: {  	[spmem:s18] =	stream.linear.scatter [tilespmem:s24], [sflag:$0x4], $0x1400, $0x38;
	[tilespmem:$0x14680] =	vst v63  }
0x183: {  	_ =	swait.ge [sflag:s12], $0x1400  }
0x184: {  	s19 =	sld [smem:$0x7BD]  }
0x185: {  	[sflag:s12] =	ssyncset.done $0x0  }
0x186: {  	[sflag:s12] =	ssyncadd.s32 $0xFFFFEC00  }
0x187: {  	[spmem:s19] =	stream.linear.scatter [tilespmem:s25], [sflag:$0x4], $0x1400, $0x38;
	[tilespmem:$0x14680] =	vst v63  }
0x188: {  	_ =	swait.ge [sflag:s12], $0x1400  }
0x189: {  	s2 =	sld [smem:$0x7BE]  }
0x18a: {  	[sflag:s12] =	ssyncset.done $0x0  }
0x18b: {  	[sflag:s12] =	ssyncadd.s32 $0xFFFFEC00  }
0x18c: {  	[spmem:s2] =	stream.linear.scatter [tilespmem:s26], [sflag:$0x4], $0x1400, $0x38;
	[tilespmem:$0x14680] =	vst v63  }
0x18d: {  	_ =	swait.ge [sflag:s12], $0x1400  }
0x18e: {  	[sflag:s12] =	ssyncset.done $0x0  }
0x18f: {  	[sflag:s12] =	ssyncadd.s32 $0xFFFFEC00  }
0x190: {  	[bflag:$0x0] =	sbarrier.arrive $0xFFFF  }
0x191: {  	s3 =	sld [smem:$0x7BF];
	_ =	sdelay $0x1  }
0x192: {  	s2 =	simm.s32 $0xA000;
	s18 =	sld [smem:$0x7C0]  }
0x193: {  	[tilespmem:s2], [sflag:$0x1] =	stream.linear.gather [spmem:s3], $0x140, $0x38;
	[tilespmem:$0x14680] =	vst v63  }
0x194: {  	s19 =	simm.s32 $0xA140;
	s2 =	sld [smem:$0x7C1]  }
0x195: {  	[tilespmem:s19], [sflag:$0x1] =	stream.linear.gather [spmem:s18], $0x140, $0x38;
	[tilespmem:$0x14680] =	vst v63  }
0x196: {  	s3 =	simm.s32 $0xA280;
	s18 =	sld [smem:$0x7C2]  }
0x197: {  	[tilespmem:s3], [sflag:$0x1] =	stream.linear.gather [spmem:s2], $0x140, $0x38;
	[tilespmem:$0x14680] =	vst v63  }
0x198: {  	s19 =	simm.s32 $0xA3C0;
	s2 =	sld [smem:$0x7C3]  }
0x199: {  	[tilespmem:s19], [sflag:$0x1] =	stream.linear.gather [spmem:s18], $0x140, $0x38;
	[tilespmem:$0x14680] =	vst v63  }
0x19a: {  	s3 =	simm.s32 $0xA500;
	s18 =	sld [smem:$0x7C4]  }
0x19b: {  	[tilespmem:s3], [sflag:$0x1] =	stream.linear.gather [spmem:s2], $0x140, $0x38;
	[tilespmem:$0x14680] =	vst v63  }
0x19c: {  	s19 =	simm.s32 $0xA640;
	s2 =	sld [smem:$0x7C5]  }
0x19d: {  	[tilespmem:s19], [sflag:$0x1] =	stream.linear.gather [spmem:s18], $0x140, $0x38;
	[tilespmem:$0x14680] =	vst v63  }
0x19e: {  	s3 =	simm.s32 $0xA780;
	s18 =	sld [smem:$0x7C6]  }
0x19f: {  	[tilespmem:s3], [sflag:$0x1] =	stream.linear.gather [spmem:s2], $0x140, $0x38;
	[tilespmem:$0x14680] =	vst v63  }
0x1a0: {  	s19 =	simm.s32 $0xA8C0;
	s2 =	sld [smem:$0x7C7]  }
0x1a1: {  	[tilespmem:s19], [sflag:$0x1] =	stream.linear.gather [spmem:s18], $0x140, $0x38;
	[tilespmem:$0x14680] =	vst v63  }
0x1a2: {  	s3 =	simm.s32 $0xAA00;
	s18 =	sld [smem:$0x7C8]  }
0x1a3: {  	[tilespmem:s3], [sflag:$0x1] =	stream.linear.gather [spmem:s2], $0x140, $0x38;
	[tilespmem:$0x14680] =	vst v63  }
0x1a4: {  	s19 =	simm.s32 $0xAB40;
	s2 =	sld [smem:$0x7C9]  }
0x1a5: {  	[tilespmem:s19], [sflag:$0x1] =	stream.linear.gather [spmem:s18], $0x140, $0x38;
	[tilespmem:$0x14680] =	vst v63  }
0x1a6: {  	s3 =	simm.s32 $0xAC80;
	s18 =	sld [smem:$0x7CA]  }
0x1a7: {  	[tilespmem:s3], [sflag:$0x1] =	stream.linear.gather [spmem:s2], $0x140, $0x38;
	[tilespmem:$0x14680] =	vst v63  }
0x1a8: {  	s19 =	simm.s32 $0xADC0;
	s2 =	sld [smem:$0x7CB]  }
0x1a9: {  	[tilespmem:s19], [sflag:$0x1] =	stream.linear.gather [spmem:s18], $0x140, $0x38;
	[tilespmem:$0x14680] =	vst v63  }
0x1aa: {  	s3 =	simm.s32 $0xAF00;
	s18 =	sld [smem:$0x7CC]  }
0x1ab: {  	[tilespmem:s3], [sflag:$0x1] =	stream.linear.gather [spmem:s2], $0x140, $0x38;
	[tilespmem:$0x14680] =	vst v63  }
0x1ac: {  	s19 =	simm.s32 $0xB040;
	s2 =	sld [smem:$0x7CD]  }
0x1ad: {  	[tilespmem:s19], [sflag:$0x1] =	stream.linear.gather [spmem:s18], $0x140, $0x38;
	[tilespmem:$0x14680] =	vst v63  }
0x1ae: {  	s3 =	simm.s32 $0xB180;
	s18 =	sld [smem:$0x7CE]  }
0x1af: {  	[tilespmem:s3], [sflag:$0x1] =	stream.linear.gather [spmem:s2], $0x140, $0x38;
	[tilespmem:$0x14680] =	vst v63  }
0x1b0: {  	s19 =	simm.s32 $0xB2C0;
	s2 =	sld [smem:$0x7CF]  }
0x1b1: {  	[tilespmem:s19], [sflag:$0x1] =	stream.linear.gather [spmem:s18], $0x140, $0x38;
	[tilespmem:$0x14680] =	vst v63  }
0x1b2: {  	s3 =	simm.s32 $0xB400;
	s18 =	sld [smem:$0x7D0]  }
0x1b3: {  	[tilespmem:s3], [sflag:$0x1] =	stream.linear.gather [spmem:s2], $0x140, $0x38;
	[tilespmem:$0x14680] =	vst v63  }
0x1b4: {  	s19 =	simm.s32 $0xB540;
	s2 =	sld [smem:$0x7D1]  }
0x1b5: {  	[tilespmem:s19], [sflag:$0x1] =	stream.linear.gather [spmem:s18], $0x140, $0x38;
	[tilespmem:$0x14680] =	vst v63  }
0x1b6: {  	s3 =	simm.s32 $0xB680;
	s18 =	sld [smem:$0x7D2]  }
0x1b7: {  	[tilespmem:s3], [sflag:$0x1] =	stream.linear.gather [spmem:s2], $0x140, $0x38;
	[tilespmem:$0x14680] =	vst v63  }
0x1b8: {  	s19 =	simm.s32 $0xB7C0;
	s2 =	sld [smem:$0x7D3]  }
0x1b9: {  	[tilespmem:s19], [sflag:$0x1] =	stream.linear.gather [spmem:s18], $0x140, $0x38;
	[tilespmem:$0x14680] =	vst v63  }
0x1ba: {  	s3 =	simm.s32 $0xB900;
	s18 =	sld [smem:$0x7D4]  }
0x1bb: {  	[tilespmem:s3], [sflag:$0x1] =	stream.linear.gather [spmem:s2], $0x140, $0x38;
	[tilespmem:$0x14680] =	vst v63  }
0x1bc: {  	s19 =	simm.s32 $0xBA40;
	s2 =	sld [smem:$0x7D5]  }
0x1bd: {  	[tilespmem:s19], [sflag:$0x1] =	stream.linear.gather [spmem:s18], $0x140, $0x38;
	[tilespmem:$0x14680] =	vst v63  }
0x1be: {  	s3 =	simm.s32 $0xBB80;
	s18 =	sld [smem:$0x7D6]  }
0x1bf: {  	[tilespmem:s3], [sflag:$0x1] =	stream.linear.gather [spmem:s2], $0x140, $0x38;
	[tilespmem:$0x14680] =	vst v63  }
0x1c0: {  	s19 =	simm.s32 $0xBCC0;
	s2 =	sld [smem:$0x7D7]  }
0x1c1: {  	[tilespmem:s19], [sflag:$0x1] =	stream.linear.gather [spmem:s18], $0x140, $0x38;
	[tilespmem:$0x14680] =	vst v63  }
0x1c2: {  	s3 =	simm.s32 $0xBE00;
	s18 =	sld [smem:$0x7D8]  }
0x1c3: {  	[tilespmem:s3], [sflag:$0x1] =	stream.linear.gather [spmem:s2], $0x140, $0x38;
	[tilespmem:$0x14680] =	vst v63  }
0x1c4: {  	s19 =	simm.s32 $0xBF40;
	s2 =	sld [smem:$0x7D9]  }
0x1c5: {  	[tilespmem:s19], [sflag:$0x1] =	stream.linear.gather [spmem:s18], $0x140, $0x38;
	[tilespmem:$0x14680] =	vst v63  }
0x1c6: {  	s3 =	simm.s32 $0xC080;
	s18 =	sld [smem:$0x7DA]  }
0x1c7: {  	[tilespmem:s3], [sflag:$0x1] =	stream.linear.gather [spmem:s2], $0x140, $0x38;
	[tilespmem:$0x14680] =	vst v63  }
0x1c8: {  	s19 =	simm.s32 $0xC1C0;
	s2 =	sld [smem:$0x7DB]  }
0x1c9: {  	[tilespmem:s19], [sflag:$0x1] =	stream.linear.gather [spmem:s18], $0x140, $0x38;
	[tilespmem:$0x14680] =	vst v63  }
0x1ca: {  	s3 =	simm.s32 $0xC300;
	s18 =	sld [smem:$0x7DC]  }
0x1cb: {  	[tilespmem:s3], [sflag:$0x1] =	stream.linear.gather [spmem:s2], $0x140, $0x38;
	[tilespmem:$0x14680] =	vst v63  }
0x1cc: {  	s19 =	simm.s32 $0xC440;
	s2 =	sld [smem:$0x7DD]  }
0x1cd: {  	[tilespmem:s19], [sflag:$0x1] =	stream.linear.gather [spmem:s18], $0x140, $0x38;
	[tilespmem:$0x14680] =	vst v63  }
0x1ce: {  	s3 =	simm.s32 $0xC580;
	s18 =	sld [smem:$0x7DE]  }
0x1cf: {  	[tilespmem:s3], [sflag:$0x1] =	stream.linear.gather [spmem:s2], $0x140, $0x38;
	[tilespmem:$0x14680] =	vst v63  }
0x1d0: {  	s19 =	simm.s32 $0xC6C0;
	s2 =	sld [smem:$0x7DF]  }
0x1d1: {  	[tilespmem:s19], [sflag:$0x1] =	stream.linear.gather [spmem:s18], $0x140, $0x38;
	[tilespmem:$0x14680] =	vst v63  }
0x1d2: {  	s3 =	simm.s32 $0xC800;
	s18 =	sld [smem:$0x7E0]  }
0x1d3: {  	[tilespmem:s3], [sflag:$0x1] =	stream.linear.gather [spmem:s2], $0x140, $0x38;
	[tilespmem:$0x14680] =	vst v63  }
0x1d4: {  	s19 =	simm.s32 $0xC940;
	s2 =	sld [smem:$0x7E1]  }
0x1d5: {  	[tilespmem:s19], [sflag:$0x1] =	stream.linear.gather [spmem:s18], $0x140, $0x38;
	[tilespmem:$0x14680] =	vst v63  }
0x1d6: {  	s3 =	simm.s32 $0xCA80;
	s18 =	sld [smem:$0x7E2]  }
0x1d7: {  	[tilespmem:s3], [sflag:$0x1] =	stream.linear.gather [spmem:s2], $0x140, $0x38;
	[tilespmem:$0x14680] =	vst v63  }
0x1d8: {  	s19 =	simm.s32 $0xCBC0;
	s2 =	sld [smem:$0x7E3]  }
0x1d9: {  	[tilespmem:s19], [sflag:$0x1] =	stream.linear.gather [spmem:s18], $0x140, $0x38;
	[tilespmem:$0x14680] =	vst v63  }
0x1da: {  	s3 =	simm.s32 $0xCD00;
	s18 =	sld [smem:$0x7E4]  }
0x1db: {  	[tilespmem:s3], [sflag:$0x1] =	stream.linear.gather [spmem:s2], $0x140, $0x38;
	[tilespmem:$0x14680] =	vst v63  }
0x1dc: {  	s19 =	simm.s32 $0xCE40;
	s2 =	sld [smem:$0x7E5]  }
0x1dd: {  	[tilespmem:s19], [sflag:$0x1] =	stream.linear.gather [spmem:s18], $0x140, $0x38;
	[tilespmem:$0x14680] =	vst v63  }
0x1de: {  	s3 =	simm.s32 $0xCF80;
	s18 =	sld [smem:$0x7E6]  }
0x1df: {  	[tilespmem:s3], [sflag:$0x1] =	stream.linear.gather [spmem:s2], $0x140, $0x38;
	[tilespmem:$0x14680] =	vst v63  }
0x1e0: {  	s19 =	simm.s32 $0xD0C0;
	s2 =	sld [smem:$0x7E7]  }
0x1e1: {  	[tilespmem:s19], [sflag:$0x1] =	stream.linear.gather [spmem:s18], $0x140, $0x38;
	[tilespmem:$0x14680] =	vst v63  }
0x1e2: {  	s3 =	simm.s32 $0xD200;
	s18 =	sld [smem:$0x7E8]  }
0x1e3: {  	[tilespmem:s3], [sflag:$0x1] =	stream.linear.gather [spmem:s2], $0x140, $0x38;
	[tilespmem:$0x14680] =	vst v63  }
0x1e4: {  	s19 =	simm.s32 $0xD340;
	s2 =	sld [smem:$0x7E9]  }
0x1e5: {  	[tilespmem:s19], [sflag:$0x1] =	stream.linear.gather [spmem:s18], $0x140, $0x38;
	[tilespmem:$0x14680] =	vst v63  }
0x1e6: {  	s3 =	simm.s32 $0xD480;
	s18 =	sld [smem:$0x7EA]  }
0x1e7: {  	[tilespmem:s3], [sflag:$0x1] =	stream.linear.gather [spmem:s2], $0x140, $0x38;
	[tilespmem:$0x14680] =	vst v63  }
0x1e8: {  	s19 =	simm.s32 $0xD5C0;
	s2 =	sld [smem:$0x7EB]  }
0x1e9: {  	[tilespmem:s19], [sflag:$0x1] =	stream.linear.gather [spmem:s18], $0x140, $0x38;
	[tilespmem:$0x14680] =	vst v63  }
0x1ea: {  	s3 =	simm.s32 $0xD700;
	s18 =	sld [smem:$0x7EC]  }
0x1eb: {  	[tilespmem:s3], [sflag:$0x1] =	stream.linear.gather [spmem:s2], $0x140, $0x38;
	[tilespmem:$0x14680] =	vst v63  }
0x1ec: {  	s19 =	simm.s32 $0xD840;
	s2 =	sld [smem:$0x7ED]  }
0x1ed: {  	[tilespmem:s19], [sflag:$0x1] =	stream.linear.gather [spmem:s18], $0x140, $0x38;
	[tilespmem:$0x14680] =	vst v63  }
0x1ee: {  	s3 =	simm.s32 $0xD980;
	s18 =	sld [smem:$0x7EE]  }
0x1ef: {  	[tilespmem:s3], [sflag:$0x1] =	stream.linear.gather [spmem:s2], $0x140, $0x38;
	[tilespmem:$0x14680] =	vst v63  }
0x1f0: {  	s19 =	simm.s32 $0xDAC0;
	s2 =	sld [smem:$0x7EF]  }
0x1f1: {  	[tilespmem:s19], [sflag:$0x1] =	stream.linear.gather [spmem:s18], $0x140, $0x38;
	[tilespmem:$0x14680] =	vst v63  }
0x1f2: {  	s3 =	simm.s32 $0xDC00;
	s18 =	sld [smem:$0x7F0]  }
0x1f3: {  	[tilespmem:s3], [sflag:$0x1] =	stream.linear.gather [spmem:s2], $0x140, $0x38;
	[tilespmem:$0x14680] =	vst v63  }
0x1f4: {  	s19 =	simm.s32 $0xDD40;
	s2 =	sld [smem:$0x7F1]  }
0x1f5: {  	[tilespmem:s19], [sflag:$0x1] =	stream.linear.gather [spmem:s18], $0x140, $0x38;
	[tilespmem:$0x14680] =	vst v63  }
0x1f6: {  	s3 =	simm.s32 $0xDE80;
	s18 =	sld [smem:$0x7F2]  }
0x1f7: {  	[tilespmem:s3], [sflag:$0x1] =	stream.linear.gather [spmem:s2], $0x140, $0x38;
	[tilespmem:$0x14680] =	vst v63  }
0x1f8: {  	s19 =	simm.s32 $0xDFC0;
	s2 =	sld [smem:$0x7F3]  }
0x1f9: {  	[tilespmem:s19], [sflag:$0x1] =	stream.linear.gather [spmem:s18], $0x140, $0x38;
	[tilespmem:$0x14680] =	vst v63  }
0x1fa: {  	s3 =	simm.s32 $0xE100;
	s18 =	sld [smem:$0x7F4]  }
0x1fb: {  	[tilespmem:s3], [sflag:$0x1] =	stream.linear.gather [spmem:s2], $0x140, $0x38;
	[tilespmem:$0x14680] =	vst v63  }
0x1fc: {  	s19 =	simm.s32 $0xE240;
	s2 =	sld [smem:$0x7F5]  }
0x1fd: {  	[tilespmem:s19], [sflag:$0x1] =	stream.linear.gather [spmem:s18], $0x140, $0x38;
	[tilespmem:$0x14680] =	vst v63  }
0x1fe: {  	s3 =	simm.s32 $0xE380;
	s18 =	sld [smem:$0x7F6]  }
0x1ff: {  	[tilespmem:s3], [sflag:$0x1] =	stream.linear.gather [spmem:s2], $0x140, $0x38;
	[tilespmem:$0x14680] =	vst v63  }
0x200: {  	s19 =	simm.s32 $0xE4C0;
	s2 =	sld [smem:$0x7F7]  }
0x201: {  	[tilespmem:s19], [sflag:$0x1] =	stream.linear.gather [spmem:s18], $0x140, $0x38;
	[tilespmem:$0x14680] =	vst v63  }
0x202: {  	s3 =	simm.s32 $0xE600;
	s18 =	sld [smem:$0x7F8]  }
0x203: {  	[tilespmem:s3], [sflag:$0x1] =	stream.linear.gather [spmem:s2], $0x140, $0x38;
	[tilespmem:$0x14680] =	vst v63  }
0x204: {  	s19 =	simm.s32 $0xE740;
	s2 =	sld [smem:$0x7F9]  }
0x205: {  	[tilespmem:s19], [sflag:$0x1] =	stream.linear.gather [spmem:s18], $0x140, $0x38;
	[tilespmem:$0x14680] =	vst v63  }
0x206: {  	s3 =	simm.s32 $0xE880;
	s18 =	sld [smem:$0x7FA]  }
0x207: {  	[tilespmem:s3], [sflag:$0x1] =	stream.linear.gather [spmem:s2], $0x140, $0x38;
	[tilespmem:$0x14680] =	vst v63  }
0x208: {  	s19 =	simm.s32 $0xE9C0;
	s2 =	sld [smem:$0x7FB]  }
0x209: {  	[tilespmem:s19], [sflag:$0x1] =	stream.linear.gather [spmem:s18], $0x140, $0x38;
	[tilespmem:$0x14680] =	vst v63  }
0x20a: {  	s3 =	simm.s32 $0xEB00;
	s18 =	sld [smem:$0x7FC]  }
0x20b: {  	[tilespmem:s3], [sflag:$0x1] =	stream.linear.gather [spmem:s2], $0x140, $0x38;
	[tilespmem:$0x14680] =	vst v63  }
0x20c: {  	s19 =	simm.s32 $0xEC40;
	s3 =	sld [smem:$0x7FD]  }
0x20d: {  	[tilespmem:s19], [sflag:$0x1] =	stream.linear.gather [spmem:s18], $0x140, $0x38;
	[tilespmem:$0x14680] =	vst v63  }
0x20e: {  	s18 =	simm.s32 $0xED80  }
0x20f: {  	[tilespmem:s18], [sflag:$0x1] =	stream.linear.gather [spmem:s3], $0x140, $0x38;
	[tilespmem:$0x14680] =	vst v63  }
0x210: {  	s19 =	simm.s32 $0xEEC0  }
0x211: {  	[tilespmem:s19], [sflag:$0x1] =	stream.linear.gather [spmem:s4], $0x140, $0x38;
	[tilespmem:$0x14680] =	vst v63  }
0x212: {  	_ =	swait.ge [sflag:s29], $0x140  }
0x213: {  	[sflag:s29] =	ssyncset.done $0x0  }
0x214: {  	[sflag:s29] =	ssyncadd.s32 $0xFFFFFEC0  }
0x215: {  	_ =	swait.ge [sflag:s29], $0x140  }
0x216: {  	[sflag:s29] =	ssyncset.done $0x0  }
0x217: {  	[sflag:s29] =	ssyncadd.s32 $0xFFFFFEC0  }
0x218: {  	_ =	swait.ge [sflag:s29], $0x140  }
0x219: {  	[sflag:s29] =	ssyncset.done $0x0  }
0x21a: {  	[sflag:s29] =	ssyncadd.s32 $0xFFFFFEC0  }
0x21b: {  	_ =	swait.ge [sflag:s29], $0x140  }
0x21c: {  	[sflag:s29] =	ssyncset.done $0x0  }
0x21d: {  	[sflag:s29] =	ssyncadd.s32 $0xFFFFFEC0  }
0x21e: {  	_ =	swait.ge [sflag:s29], $0x140  }
0x21f: {  	[sflag:s29] =	ssyncset.done $0x0  }
0x220: {  	[sflag:s29] =	ssyncadd.s32 $0xFFFFFEC0  }
0x221: {  	_ =	swait.ge [sflag:s29], $0x140  }
0x222: {  	[sflag:s29] =	ssyncset.done $0x0  }
0x223: {  	[sflag:s29] =	ssyncadd.s32 $0xFFFFFEC0  }
0x224: {  	_ =	swait.ge [sflag:s29], $0x140  }
0x225: {  	[sflag:s29] =	ssyncset.done $0x0  }
0x226: {  	[sflag:s29] =	ssyncadd.s32 $0xFFFFFEC0  }
0x227: {  	_ =	swait.ge [sflag:s29], $0x140  }
0x228: {  	[sflag:s29] =	ssyncset.done $0x0  }
0x229: {  	[sflag:s29] =	ssyncadd.s32 $0xFFFFFEC0  }
0x22a: {  	_ =	swait.ge [sflag:s29], $0x140  }
0x22b: {  	[sflag:s29] =	ssyncset.done $0x0  }
0x22c: {  	[sflag:s29] =	ssyncadd.s32 $0xFFFFFEC0  }
0x22d: {  	_ =	swait.ge [sflag:s29], $0x140  }
0x22e: {  	[sflag:s29] =	ssyncset.done $0x0  }
0x22f: {  	[sflag:s29] =	ssyncadd.s32 $0xFFFFFEC0  }
0x230: {  	_ =	swait.ge [sflag:s29], $0x140  }
0x231: {  	[sflag:s29] =	ssyncset.done $0x0  }
0x232: {  	[sflag:s29] =	ssyncadd.s32 $0xFFFFFEC0  }
0x233: {  	_ =	swait.ge [sflag:s29], $0x140  }
0x234: {  	[sflag:s29] =	ssyncset.done $0x0  }
0x235: {  	[sflag:s29] =	ssyncadd.s32 $0xFFFFFEC0  }
0x236: {  	_ =	swait.ge [sflag:s29], $0x140  }
0x237: {  	[sflag:s29] =	ssyncset.done $0x0  }
0x238: {  	[sflag:s29] =	ssyncadd.s32 $0xFFFFFEC0  }
0x239: {  	_ =	swait.ge [sflag:s29], $0x140  }
0x23a: {  	[sflag:s29] =	ssyncset.done $0x0  }
0x23b: {  	[sflag:s29] =	ssyncadd.s32 $0xFFFFFEC0  }
0x23c: {  	_ =	swait.ge [sflag:s29], $0x140  }
0x23d: {  	[sflag:s29] =	ssyncset.done $0x0  }
0x23e: {  	[sflag:s29] =	ssyncadd.s32 $0xFFFFFEC0  }
0x23f: {  	_ =	swait.ge [sflag:s29], $0x140  }
0x240: {  	[sflag:s29] =	ssyncset.done $0x0  }
0x241: {  	[sflag:s29] =	ssyncadd.s32 $0xFFFFFEC0  }
0x242: {  	_ =	swait.ge [sflag:s29], $0x140  }
0x243: {  	[sflag:s29] =	ssyncset.done $0x0  }
0x244: {  	[sflag:s29] =	ssyncadd.s32 $0xFFFFFEC0  }
0x245: {  	_ =	swait.ge [sflag:s29], $0x140  }
0x246: {  	[sflag:s29] =	ssyncset.done $0x0  }
0x247: {  	[sflag:s29] =	ssyncadd.s32 $0xFFFFFEC0  }
0x248: {  	_ =	swait.ge [sflag:s29], $0x140  }
0x249: {  	[sflag:s29] =	ssyncset.done $0x0  }
0x24a: {  	[sflag:s29] =	ssyncadd.s32 $0xFFFFFEC0  }
0x24b: {  	_ =	swait.ge [sflag:s29], $0x140  }
0x24c: {  	[sflag:s29] =	ssyncset.done $0x0  }
0x24d: {  	[sflag:s29] =	ssyncadd.s32 $0xFFFFFEC0  }
0x24e: {  	_ =	swait.ge [sflag:s29], $0x140  }
0x24f: {  	[sflag:s29] =	ssyncset.done $0x0  }
0x250: {  	[sflag:s29] =	ssyncadd.s32 $0xFFFFFEC0  }
0x251: {  	_ =	swait.ge [sflag:s29], $0x140  }
0x252: {  	[sflag:s29] =	ssyncset.done $0x0  }
0x253: {  	[sflag:s29] =	ssyncadd.s32 $0xFFFFFEC0  }
0x254: {  	_ =	swait.ge [sflag:s29], $0x140  }
0x255: {  	[sflag:s29] =	ssyncset.done $0x0  }
0x256: {  	[sflag:s29] =	ssyncadd.s32 $0xFFFFFEC0  }
0x257: {  	_ =	swait.ge [sflag:s29], $0x140  }
0x258: {  	[sflag:s29] =	ssyncset.done $0x0  }
0x259: {  	[sflag:s29] =	ssyncadd.s32 $0xFFFFFEC0  }
0x25a: {  	_ =	swait.ge [sflag:s29], $0x140  }
0x25b: {  	[sflag:s29] =	ssyncset.done $0x0  }
0x25c: {  	[sflag:s29] =	ssyncadd.s32 $0xFFFFFEC0  }
0x25d: {  	_ =	swait.ge [sflag:s29], $0x140  }
0x25e: {  	[sflag:s29] =	ssyncset.done $0x0  }
0x25f: {  	[sflag:s29] =	ssyncadd.s32 $0xFFFFFEC0  }
0x260: {  	_ =	swait.ge [sflag:s29], $0x140  }
0x261: {  	[sflag:s29] =	ssyncset.done $0x0  }
0x262: {  	[sflag:s29] =	ssyncadd.s32 $0xFFFFFEC0  }
0x263: {  	_ =	swait.ge [sflag:s29], $0x140  }
0x264: {  	[sflag:s29] =	ssyncset.done $0x0  }
0x265: {  	[sflag:s29] =	ssyncadd.s32 $0xFFFFFEC0  }
0x266: {  	_ =	swait.ge [sflag:s29], $0x140  }
0x267: {  	[sflag:s29] =	ssyncset.done $0x0  }
0x268: {  	[sflag:s29] =	ssyncadd.s32 $0xFFFFFEC0  }
0x269: {  	_ =	swait.ge [sflag:s29], $0x140  }
0x26a: {  	[sflag:s29] =	ssyncset.done $0x0  }
0x26b: {  	[sflag:s29] =	ssyncadd.s32 $0xFFFFFEC0  }
0x26c: {  	_ =	swait.ge [sflag:s29], $0x140  }
0x26d: {  	[sflag:s29] =	ssyncset.done $0x0  }
0x26e: {  	[sflag:s29] =	ssyncadd.s32 $0xFFFFFEC0  }
0x26f: {  	_ =	swait.ge [sflag:s29], $0x140  }
0x270: {  	[sflag:s29] =	ssyncset.done $0x0  }
0x271: {  	[sflag:s29] =	ssyncadd.s32 $0xFFFFFEC0  }
0x272: {  	_ =	swait.ge [sflag:s29], $0x140  }
0x273: {  	[sflag:s29] =	ssyncset.done $0x0  }
0x274: {  	[sflag:s29] =	ssyncadd.s32 $0xFFFFFEC0  }
0x275: {  	_ =	swait.ge [sflag:s29], $0x140  }
0x276: {  	[sflag:s29] =	ssyncset.done $0x0  }
0x277: {  	[sflag:s29] =	ssyncadd.s32 $0xFFFFFEC0  }
0x278: {  	_ =	swait.ge [sflag:s29], $0x140  }
0x279: {  	[sflag:s29] =	ssyncset.done $0x0  }
0x27a: {  	[sflag:s29] =	ssyncadd.s32 $0xFFFFFEC0  }
0x27b: {  	_ =	swait.ge [sflag:s29], $0x140  }
0x27c: {  	[sflag:s29] =	ssyncset.done $0x0  }
0x27d: {  	[sflag:s29] =	ssyncadd.s32 $0xFFFFFEC0  }
0x27e: {  	_ =	swait.ge [sflag:s29], $0x140  }
0x27f: {  	[sflag:s29] =	ssyncset.done $0x0  }
0x280: {  	[sflag:s29] =	ssyncadd.s32 $0xFFFFFEC0  }
0x281: {  	_ =	swait.ge [sflag:s29], $0x140  }
0x282: {  	[sflag:s29] =	ssyncset.done $0x0  }
0x283: {  	[sflag:s29] =	ssyncadd.s32 $0xFFFFFEC0  }
0x284: {  	_ =	swait.ge [sflag:s29], $0x140  }
0x285: {  	[sflag:s29] =	ssyncset.done $0x0  }
0x286: {  	[sflag:s29] =	ssyncadd.s32 $0xFFFFFEC0  }
0x287: {  	_ =	swait.ge [sflag:s29], $0x140  }
0x288: {  	[sflag:s29] =	ssyncset.done $0x0  }
0x289: {  	[sflag:s29] =	ssyncadd.s32 $0xFFFFFEC0  }
0x28a: {  	_ =	swait.ge [sflag:s29], $0x140  }
0x28b: {  	[sflag:s29] =	ssyncset.done $0x0  }
0x28c: {  	[sflag:s29] =	ssyncadd.s32 $0xFFFFFEC0  }
0x28d: {  	_ =	swait.ge [sflag:s29], $0x140  }
0x28e: {  	[sflag:s29] =	ssyncset.done $0x0  }
0x28f: {  	[sflag:s29] =	ssyncadd.s32 $0xFFFFFEC0  }
0x290: {  	_ =	swait.ge [sflag:s29], $0x140  }
0x291: {  	[sflag:s29] =	ssyncset.done $0x0  }
0x292: {  	[sflag:s29] =	ssyncadd.s32 $0xFFFFFEC0  }
0x293: {  	_ =	swait.ge [sflag:s29], $0x140  }
0x294: {  	[sflag:s29] =	ssyncset.done $0x0  }
0x295: {  	[sflag:s29] =	ssyncadd.s32 $0xFFFFFEC0  }
0x296: {  	_ =	swait.ge [sflag:s29], $0x140  }
0x297: {  	[sflag:s29] =	ssyncset.done $0x0  }
0x298: {  	[sflag:s29] =	ssyncadd.s32 $0xFFFFFEC0  }
0x299: {  	_ =	swait.ge [sflag:s29], $0x140  }
0x29a: {  	[sflag:s29] =	ssyncset.done $0x0  }
0x29b: {  	[sflag:s29] =	ssyncadd.s32 $0xFFFFFEC0  }
0x29c: {  	_ =	swait.ge [sflag:s29], $0x140  }
0x29d: {  	[sflag:s29] =	ssyncset.done $0x0  }
0x29e: {  	[sflag:s29] =	ssyncadd.s32 $0xFFFFFEC0  }
0x29f: {  	_ =	swait.ge [sflag:s29], $0x140  }
0x2a0: {  	[sflag:s29] =	ssyncset.done $0x0  }
0x2a1: {  	[sflag:s29] =	ssyncadd.s32 $0xFFFFFEC0  }
0x2a2: {  	_ =	swait.ge [sflag:s29], $0x140  }
0x2a3: {  	[sflag:s29] =	ssyncset.done $0x0  }
0x2a4: {  	[sflag:s29] =	ssyncadd.s32 $0xFFFFFEC0  }
0x2a5: {  	_ =	swait.ge [sflag:s29], $0x140  }
0x2a6: {  	[sflag:s29] =	ssyncset.done $0x0  }
0x2a7: {  	[sflag:s29] =	ssyncadd.s32 $0xFFFFFEC0  }
0x2a8: {  	_ =	swait.ge [sflag:s29], $0x140  }
0x2a9: {  	[sflag:s29] =	ssyncset.done $0x0  }
0x2aa: {  	[sflag:s29] =	ssyncadd.s32 $0xFFFFFEC0  }
0x2ab: {  	_ =	swait.ge [sflag:s29], $0x140  }
0x2ac: {  	[sflag:s29] =	ssyncset.done $0x0  }
0x2ad: {  	[sflag:s29] =	ssyncadd.s32 $0xFFFFFEC0  }
0x2ae: {  	_ =	swait.ge [sflag:s29], $0x140  }
0x2af: {  	[sflag:s29] =	ssyncset.done $0x0  }
0x2b0: {  	[sflag:s29] =	ssyncadd.s32 $0xFFFFFEC0  }
0x2b1: {  	_ =	swait.ge [sflag:s29], $0x140  }
0x2b2: {  	[sflag:s29] =	ssyncset.done $0x0  }
0x2b3: {  	[sflag:s29] =	ssyncadd.s32 $0xFFFFFEC0  }
0x2b4: {  	_ =	swait.ge [sflag:s29], $0x140  }
0x2b5: {  	[sflag:s29] =	ssyncset.done $0x0  }
0x2b6: {  	[sflag:s29] =	ssyncadd.s32 $0xFFFFFEC0  }
0x2b7: {  	_ =	swait.ge [sflag:s29], $0x140  }
0x2b8: {  	[sflag:s29] =	ssyncset.done $0x0  }
0x2b9: {  	[sflag:s29] =	ssyncadd.s32 $0xFFFFFEC0  }
0x2ba: {  	_ =	swait.ge [sflag:s29], $0x140  }
0x2bb: {  	[sflag:s29] =	ssyncset.done $0x0  }
0x2bc: {  	[sflag:s29] =	ssyncadd.s32 $0xFFFFFEC0  }
0x2bd: {  	_ =	swait.ge [sflag:s29], $0x140  }
0x2be: {  	[sflag:s29] =	ssyncset.done $0x0  }
0x2bf: {  	[sflag:s29] =	ssyncadd.s32 $0xFFFFFEC0  }
0x2c0: {  	_ =	swait.ge [sflag:s29], $0x140  }
0x2c1: {  	[sflag:s29] =	ssyncset.done $0x0  }
0x2c2: {  	[sflag:s29] =	ssyncadd.s32 $0xFFFFFEC0  }
0x2c3: {  	_ =	swait.ge [sflag:s29], $0x140  }
0x2c4: {  	[sflag:s29] =	ssyncset.done $0x0  }
0x2c5: {  	[sflag:s29] =	ssyncadd.s32 $0xFFFFFEC0  }
0x2c6: {  	_ =	swait.ge [sflag:s29], $0x140  }
0x2c7: {  	[sflag:s29] =	ssyncset.done $0x0  }
0x2c8: {  	[sflag:s29] =	ssyncadd.s32 $0xFFFFFEC0  }
0x2c9: {  	_ =	swait.ge [sflag:s29], $0x140  }
0x2ca: {  	[sflag:s29] =	ssyncset.done $0x0  }
0x2cb: {  	[sflag:s29] =	ssyncadd.s32 $0xFFFFFEC0  }
0x2cc: {  	_ =	swait.ge [sflag:s29], $0x140  }
0x2cd: {  	[sflag:s29] =	ssyncset.done $0x0  }
0x2ce: {  	[sflag:s29] =	ssyncadd.s32 $0xFFFFFEC0  }
0x2cf: {  	_ =	swait.ge [sflag:s29], $0x140  }
0x2d0: {  	[sflag:s29] =	ssyncset.done $0x0  }
0x2d1: {  	s0 =	simm.s32 $0x0;
	[sflag:s29] =	ssyncadd.s32 $0xFFFFFEC0  }
0x2d2: {  	v3 =	vld [tilespmem:s0+$0xD200]  }
0x2d3: {  	v1 =	vld [tilespmem:s0+$0xD840]  }
0x2d4: {  	v4 =	vld [tilespmem:s0+$0xD0C0]  }
0x2d5: {  	v5 =	vld [tilespmem:s0+$0xE600]  }
0x2d6: {  	v6 =	vld [tilespmem:s0+$0xA000]  }
0x2d7: {  	v7 =	vld [tilespmem:s0+$0xE4C0]  }
0x2d8: {  	v8 =	vld [tilespmem:s0+$0xA640]  }
0x2d9: {  	v11 =	vld [tilespmem:s0+$0xD340]  }
0x2da: {  	v9 =	vld [tilespmem:s0+$0xBCC0]  }
0x2db: {  	v10 =	vld [tilespmem:s0+$0xB400]  }
0x2dc: {  	v12 =	vld [tilespmem:s0+$0xDC00]  }
0x2dd: {  	v13 =	vld [tilespmem:s0+$0xC800]  }
0x2de: {  	v14 =	vld [tilespmem:s0+$0xE240]  }
0x2df: {  	v15 =	vld [tilespmem:s0+$0xBA40]  }
0x2e0: {  	v16 =	vld [tilespmem:s0+$0xDFC0]  }
0x2e1: {  	v17 =	vld [tilespmem:s0+$0xCBC0]  }
0x2e2: {  	s2 =	sand.u32 $0x1F0, s31;
	v2 =	vld [tilespmem:s0+$0xEEC0]  }
0x2e3: {  	v18 =	vld [tilespmem:s2+$0xA780]  }
0x2e4: {  	v20 =	vld [tilespmem:s2+$0xEB00]  }
0x2e5: {  	v19 =	vld [tilespmem:s2+$0xC080]  }
0x2e6: {  	v21 =	vld [tilespmem:s0+$0xCE40]  }
0x2e7: {  	v22 =	vld [tilespmem:s2+$0xD480]  }
0x2e8: {  	v23 =	vld [tilespmem:s2+$0xA500]  }
0x2e9: {  	v24 =	vld [tilespmem:s2+$0xE880]  }
0x2ea: {  	v25 =	vld [tilespmem:s0+$0xA3C0]  }
0x2eb: {  	v26 =	vld [tilespmem:s0+$0xB7C0]  }
0x2ec: {  	v27 =	vld [tilespmem:s0+$0xDD40]  }
0x2ed: {  	v28 =	vld [tilespmem:s2+$0xE380]  }
0x2ee: {  	v29 =	vld [tilespmem:s2+$0xCF80]  }
0x2ef: {  	v30 =	vld [tilespmem:s2+$0xBB80]  }
0x2f0: {  	v31 =	vld [tilespmem:s0+$0xC940]  }
0x2f1: {  	v32 =	vld [tilespmem:s0+$0xB540]  }
0x2f2: {  	v33 =	vld [tilespmem:s2+$0xE100]  }
0x2f3: {  	v34 =	vld [tilespmem:s2+$0xCD00]  }
0x2f4: {  	v35 =	vld [tilespmem:s2+$0xB900]  }
0x2f5: {  	v36 =	vld [tilespmem:s0+$0xA140]  }
0x2f6: {  	v37 =	vld [tilespmem:s2+$0xDE80]  }
0x2f7: {  	v38 =	vld [tilespmem:s2+$0xB680]  }
0x2f8: {  	v39 =	vld [tilespmem:s2+$0xCA80]  }
0x2f9: {  	v40 =	vld [tilespmem:s2+$0xA280]  }
0x2fa: {  	v54 =	vld [tilespmem:s0+$0xA8C0];
	v12 =	vadd.f32 v27, v12  }
0x2fb: {  	v55 =	vld [tilespmem:s0+$0xBE00];
	v13 =	vadd.f32 v31, v13;
	v10 =	vadd.f32 v32, v10  }
0x2fc: {  	v56 =	vld [tilespmem:s0+$0xAA00];
	v6 =	vadd.f32 v36, v6;
	v12 =	vadd.f32 v37, v12  }
0x2fd: {  	v57 =	vld [tilespmem:s0+$0xE740];
	v10 =	vadd.f32 v38, v10;
	v13 =	vadd.f32 v39, v13  }
0x2fe: {  	v58 =	vld [tilespmem:s2+$0xAC80];
	v6 =	vadd.f32 v40, v6;
	v12 =	vadd.f32 v16, v12  }
0x2ff: {  	v59 =	vld [tilespmem:s0+$0xE9C0];
	v10 =	vadd.f32 v26, v10;
	v13 =	vadd.f32 v17, v13  }
0x300: {  	v60 =	vld [tilespmem:s0+$0xD5C0];
	v6 =	vadd.f32 v25, v6;
	v12 =	vadd.f32 v33, v12  }
0x301: {  	v61 =	vld [tilespmem:s0+$0xC1C0];
	v10 =	vadd.f32 v35, v10;
	v13 =	vadd.f32 v34, v13  }
0x302: {  	v62 =	vld [tilespmem:s0+$0xADC0];
	v6 =	vadd.f32 v23, v6;
	v12 =	vadd.f32 v14, v12  }
0x303: {  	v16 =	vld [tilespmem:s0+$0xAB40];
	v10 =	vadd.f32 v15, v10;
	v13 =	vadd.f32 v21, v13  }
0x304: {  	v17 =	vld [tilespmem:s0+$0xBF40];
	v6 =	vadd.f32 v8, v6;
	v8 =	vadd.f32 v28, v12  }
0x305: {  	v14 =	vld [tilespmem:s2+$0xAF00];
	v10 =	vadd.f32 v30, v10;
	v12 =	vadd.f32 v29, v13  }
0x306: {  	v15 =	vld [tilespmem:s2+$0xB180];
	v6 =	vadd.f32 v18, v6;
	v8 =	vadd.f32 v7, v8  }
0x307: {  	v13 =	vld [tilespmem:s0+$0xEC40];
	v10 =	vadd.f32 v9, v10;
	v4 =	vadd.f32 v4, v12  }
0x308: {  	v7 =	vld [tilespmem:s2+$0xED80];
	v6 =	vadd.f32 v54, v6;
	v5 =	vadd.f32 v5, v8  }
0x309: {  	v9 =	vld [tilespmem:s2+$0xD980];
	v8 =	vadd.f32 v55, v10;
	v3 =	vadd.f32 v3, v4  }
0x30a: {  	v12 =	vld [tilespmem:s0+$0xC6C0];
	v4 =	vadd.f32 v56, v6;
	v5 =	vadd.f32 v57, v5  }
0x30b: {  	v10 =	vld [tilespmem:s2+$0xC580];
	v6 =	vadd.f32 v17, v8;
	v3 =	vadd.f32 v11, v3  }
0x30c: {  	v11 =	vld [tilespmem:s0+$0xDAC0];
	v4 =	vadd.f32 v16, v4;
	v5 =	vadd.f32 v24, v5  }
0x30d: {  	v16 =	vld [tilespmem:s0+$0xC440];
	v8 =	vadd.f32 v19, v6;
	v3 =	vadd.f32 v22, v3  }
0x30e: {  	v4 =	vadd.f32 v58, v4;
	v6 =	vld [tilespmem:s0+$0xB2C0];
	v63 =	vadd.f32 v59, v5  }
0x30f: {  	v19 =	vld [tilespmem:s2+$0xD700];
	v18 =	vadd.f32 v61, v8;
	v17 =	vadd.f32 v60, v3  }
0x310: {  	s18 =	simm.s32 $0x40;
	v5 =	vld [tilespmem:s0+$0xB040];
	v4 =	vadd.f32 v62, v4;
	v8 =	vadd.f32 v20, v63  }
.LBB2_14:
0x311: {  	s19 =	sshra.s32 s18, $0x2  }
0x312: {  	v20 =	vld [tilespmem:s2+$0xC300];
	s31 =	sadd.s32 $0x10, s31;
	s2 =	smov.u32 s18;
	s3 =	sadd.s32 $0x40, s18  }
0x313: {  	p0 =	sne.s32 s18, $0x4C0;
	v3 =	vld [tilespmem:s19+$0xD200];
	v14 =	vadd.f32 v14, v4;
	v8 =	vadd.f32 v13, v8  }
0x314: {  	v13 =	vld [tilespmem:s19+$0xD840]  }
0x315: {  	v4 =	vld [tilespmem:s19+$0xD0C0];
	v14 =	vadd.f32 v5, v14;
	v7 =	vadd.f32 v7, v8  }
0x316: {  	v5 =	vld [tilespmem:s19+$0xE600]  }
0x317: {  	v21 =	vld [tilespmem:s19+$0xA000];
	v8 =	vadd.f32 v15, v14;
	v2 =	vadd.f32 v2, v7  }
0x318: {  	v7 =	vld [tilespmem:s19+$0xE4C0]  }
0x319: {  	v14 =	vld [tilespmem:s19+$0xA640];
	v8 =	vadd.f32 v6, v8;
	[tilespmem:s0+$0xF480] =	vst v2  }
0x31a: {  	s2 =	sand.u32 $0x1F0, s31;
	v15 =	vadd.f32 v19, v17;
	v2 =	vadd.f32 v20, v18;
	v6 =	vld [tilespmem:s19+$0xD340]  }
0x31b: {  	v17 =	vld [tilespmem:s19+$0xBCC0];
	[tilespmem:s0+$0xF000] =	vst v8  }
0x31c: {  	v2 =	vadd.f32 v16, v2;
	v8 =	vadd.f32 v1, v15;
	v1 =	vmov v13;
	v18 =	vld [tilespmem:s19+$0xB400]  }
0x31d: {  	v13 =	vld [tilespmem:s19+$0xDC00]  }
0x31e: {  	v2 =	vadd.f32 v10, v2;
	v8 =	vadd.f32 v9, v8;
	v15 =	vld [tilespmem:s19+$0xC800]  }
0x31f: {  	v9 =	vld [tilespmem:s19+$0xE240]  }
0x320: {  	v2 =	vadd.f32 v12, v2;
	v8 =	vadd.f32 v11, v8;
	v10 =	vld [tilespmem:s19+$0xBA40]  }
0x321: {  	v11 =	vld [tilespmem:s19+$0xDFC0]  }
0x322: {  	v12 =	vld [tilespmem:s19+$0xCBC0];
	[tilespmem:s0+$0xF180] =	vst v2  }
0x323: {  	v2 =	vld [tilespmem:s19+$0xEEC0];
	[tilespmem:s0+$0xF300] =	vst v8;
	s0 =	smov.u32 s19  }
0x324: {  	v16 =	vld [tilespmem:s2+$0xA780]  }
0x325: {  	v8 =	vld [tilespmem:s2+$0xEB00]  }
0x326: {  	v19 =	vld [tilespmem:s2+$0xC080]  }
0x327: {  	v20 =	vld [tilespmem:s0+$0xCE40]  }
0x328: {  	v22 =	vld [tilespmem:s2+$0xD480]  }
0x329: {  	v23 =	vld [tilespmem:s2+$0xA500]  }
0x32a: {  	v24 =	vld [tilespmem:s2+$0xE880]  }
0x32b: {  	v25 =	vld [tilespmem:s0+$0xA3C0]  }
0x32c: {  	v26 =	vld [tilespmem:s0+$0xB7C0]  }
0x32d: {  	v27 =	vld [tilespmem:s0+$0xDD40]  }
0x32e: {  	v28 =	vld [tilespmem:s2+$0xE380]  }
0x32f: {  	v29 =	vld [tilespmem:s2+$0xCF80]  }
0x330: {  	v30 =	vld [tilespmem:s2+$0xBB80]  }
0x331: {  	v31 =	vld [tilespmem:s0+$0xC940]  }
0x332: {  	v32 =	vld [tilespmem:s0+$0xB540]  }
0x333: {  	v33 =	vld [tilespmem:s2+$0xE100]  }
0x334: {  	v13 =	vadd.f32 v27, v13;
	v27 =	vld [tilespmem:s2+$0xCD00]  }
0x335: {  	v34 =	vld [tilespmem:s2+$0xB900]  }
0x336: {  	v35 =	vld [tilespmem:s0+$0xA140];
	v15 =	vadd.f32 v31, v15  }
0x337: {  	v18 =	vadd.f32 v32, v18;
	v31 =	vld [tilespmem:s2+$0xDE80]  }
0x338: {  	v32 =	vld [tilespmem:s2+$0xB680]  }
0x339: {  	v36 =	vld [tilespmem:s2+$0xCA80]  }
0x33a: {  	v37 =	vld [tilespmem:s2+$0xA280]  }
0x33b: {  	v21 =	vadd.f32 v35, v21;
	v35 =	vld [tilespmem:s0+$0xA8C0]  }
0x33c: {  	v13 =	vadd.f32 v31, v13;
	v31 =	vld [tilespmem:s0+$0xBE00]  }
0x33d: {  	v18 =	vadd.f32 v32, v18;
	v32 =	vld [tilespmem:s0+$0xAA00]  }
0x33e: {  	v15 =	vadd.f32 v36, v15;
	v11 =	vadd.f32 v11, v13;
	v36 =	vld [tilespmem:s0+$0xE740]  }
0x33f: {  	v13 =	vadd.f32 v37, v21;
	v21 =	vld [tilespmem:s0+$0xAB40]  }
0x340: {  	v18 =	vadd.f32 v26, v18;
	v12 =	vadd.f32 v12, v15;
	v26 =	vld [tilespmem:s0+$0xBF40]  }
0x341: {  	v11 =	vadd.f32 v33, v11;
	v13 =	vadd.f32 v25, v13;
	v25 =	vld [tilespmem:s2+$0xAC80]  }
0x342: {  	v15 =	vadd.f32 v34, v18;
	v12 =	vadd.f32 v27, v12;
	v18 =	vld [tilespmem:s0+$0xE9C0]  }
0x343: {  	v9 =	vadd.f32 v9, v11;
	v13 =	vadd.f32 v23, v13;
	v23 =	vld [tilespmem:s0+$0xD5C0]  }
0x344: {  	v10 =	vadd.f32 v10, v15;
	v11 =	vadd.f32 v20, v12;
	v20 =	vld [tilespmem:s0+$0xC1C0]  }
0x345: {  	v9 =	vadd.f32 v28, v9;
	v12 =	vadd.f32 v14, v13;
	v27 =	vld [tilespmem:s0+$0xADC0]  }
0x346: {  	v10 =	vadd.f32 v30, v10;
	v11 =	vadd.f32 v29, v11;
	v13 =	vld [tilespmem:s0+$0xEC40]  }
0x347: {  	v9 =	vadd.f32 v7, v9;
	v12 =	vadd.f32 v16, v12;
	v14 =	vld [tilespmem:s2+$0xAF00]  }
0x348: {  	v10 =	vadd.f32 v17, v10;
	v4 =	vadd.f32 v4, v11;
	v7 =	vld [tilespmem:s2+$0xED80]  }
0x349: {  	v5 =	vadd.f32 v5, v9;
	v11 =	vadd.f32 v35, v12;
	v9 =	vld [tilespmem:s2+$0xD980]  }
0x34a: {  	v12 =	vadd.f32 v31, v10;
	v3 =	vadd.f32 v3, v4;
	v10 =	vld [tilespmem:s2+$0xC580]  }
0x34b: {  	v5 =	vadd.f32 v36, v5;
	v4 =	vadd.f32 v32, v11;
	v15 =	vld [tilespmem:s2+$0xB180]  }
0x34c: {  	v16 =	vadd.f32 v26, v12;
	v3 =	vadd.f32 v6, v3;
	v11 =	vld [tilespmem:s0+$0xDAC0]  }
.Ltmp6:
0x34d: {  	v5 =	vadd.f32 v24, v5;
	v4 =	vadd.f32 v21, v4;
	v12 =	vld [tilespmem:s0+$0xC6C0];
	(pc) =	sbr.rel @p0 .LBB2_14-.Ltmp6, $4  }
0x34e: {  	v17 =	vadd.f32 v19, v16;
	v3 =	vadd.f32 v22, v3;
	v16 =	vld [tilespmem:s0+$0xC440]  }
0x34f: {  	v21 =	vadd.f32 v18, v5;
	v4 =	vadd.f32 v25, v4;
	v6 =	vld [tilespmem:s0+$0xB2C0]  }
0x350: {  	v18 =	vadd.f32 v20, v17;
	v17 =	vadd.f32 v23, v3;
	v5 =	vld [tilespmem:s0+$0xB040]  }
0x351: {  	s18 =	smov.u32 s3;
	v8 =	vadd.f32 v8, v21;
	v4 =	vadd.f32 v27, v4;
	v19 =	vld [tilespmem:s2+$0xD700]  }
0x352: {  	v3 =	vld [tilespmem:s2+$0xC300];
	_ =	sdelay $0x2  }
0x353: {  	v4 =	vadd.f32 v14, v4  }
0x354: {  	v8 =	vadd.f32 v13, v8;
	v63 =	vadd.f32 v19, v17  }
0x355: {  	v4 =	vadd.f32 v5, v4;
	v3 =	vadd.f32 v3, v18  }
0x356: {  	v7 =	vadd.f32 v7, v8;
	v1 =	vadd.f32 v1, v63  }
0x357: {  	v4 =	vadd.f32 v15, v4;
	v3 =	vadd.f32 v16, v3  }
0x358: {  	v2 =	vadd.f32 v2, v7;
	v1 =	vadd.f32 v9, v1  }
0x359: {  	v4 =	vadd.f32 v6, v4;
	v3 =	vadd.f32 v10, v3  }
0x35a: {  	[tilespmem:s0+$0xF480] =	vst v2;
	v1 =	vadd.f32 v11, v1  }
0x35b: {  	[tilespmem:s0+$0xF000] =	vst v4;
	v2 =	vadd.f32 v12, v3  }
0x35c: {  	[tilespmem:s0+$0xF300] =	vst v1  }
0x35d: {  	s3 =	simm.s32 $0xF000;
	[tilespmem:s0+$0xF180] =	vst v2  }
0x35e: {  	[hbm4b:s6+s1] =	stream.linear.scatter [tilespmem:s3], [sflag:$0x4], $0x140, $0x38;
	[tilespmem:$0x14680] =	vst v63  }
0x35f: {  	_ =	swait.ge [sflag:s12], $0x140  }
0x360: {  	[sflag:s12] =	ssyncset.done $0x0  }
0x361: {  	s18 =	simm.s32 $0xF180;
	[sflag:s12] =	ssyncadd.s32 $0xFFFFFEC0  }
0x362: {  	[hbm4b:s7+s1] =	stream.linear.scatter [tilespmem:s18], [sflag:$0x4], $0x140, $0x38;
	[tilespmem:$0x14680] =	vst v63  }
0x363: {  	_ =	swait.ge [sflag:s12], $0x140  }
0x364: {  	[sflag:s12] =	ssyncset.done $0x0  }
0x365: {  	s19 =	simm.s32 $0xF300;
	[sflag:s12] =	ssyncadd.s32 $0xFFFFFEC0  }
0x366: {  	[hbm4b:s8+s1] =	stream.linear.scatter [tilespmem:s19], [sflag:$0x4], $0x140, $0x38;
	[tilespmem:$0x14680] =	vst v63  }
0x367: {  	s30 =	sadd.s32 $0x1, s30;
	_ =	swait.ge [sflag:s12], $0x140  }
0x368: {  	p0 =	sne.s32 s30, s10;
	[sflag:s12] =	ssyncset.done $0x0  }
.Ltmp7:
0x369: {  	s31 =	simm.s32 $0xF480;
	[sflag:s12] =	ssyncadd.s32 $0xFFFFFEC0;
	(pc) =	sbr.rel @p0 .LBB2_1-.Ltmp7, $4  }
0x36a: {  	[hbm4b:s9+s1] =	stream.linear.scatter [tilespmem:s31], [sflag:$0x4], $0x140, $0x38;
	[tilespmem:$0x14680] =	vst v63  }
0x36b: {  	_ =	swait.ge [sflag:s12], $0x140  }
0x36c: {  	[sflag:s12] =	ssyncset.done $0x0  }
0x36d: {  	s18 =	simm.s32 $0xFDD0;
	s19 =	simm.s32 $0x10DD0;
	[sflag:s12] =	ssyncadd.s32 $0xFFFFFEC0  }
0x36e: {  	_ =	sfence.sel $0x180000  }
0x36f: {  	[bflag:$0x0] =	sbarrier.arrive $0xFFFF  }
0x370: {  	_ =	strace $0x90000047  }
0x371: {  	s0 =	stileid.u32;
	[bflag:$0x2] =	sbarrier.arrive $0xFFFF  }
0x372: {  	p0 =	sne.s32 s0, $0x0;
	s0 =	rddreg [dreg:$0x8]  }
0x373: {  	s0 =	sadd.s32 @!p0 $0x100000, s0  }
0x374: {  	[sflag:s0] =	ssyncadd.tile.s32 @!p0 $0x1;
	_ =	shalt  }
.Lfunc_end2:
_tile_overlayer_lowered:
.L_overlay_start_2:
0x375: {  	(tag) =	ssettag $0x2  }
0x376: {  	s0 =	rddreg [dreg:$0x0];
	s2 =	stileid.u32  }
0x377: {  	s1 =	rddreg [dreg:$0x1];
	p0 =	sne.s32 s2, $0x0  }
0x378: {  	s3 =	rddreg [dreg:$0x2];
	[bflag:$0x3] =	sbarrier.arrive $0xFFFF;
	s2 =	simm.s32 @!p0 $0x1C04  }
0x379: {  	[timem:s3], [sflag:s2] =	dma.local @!p0 [hbm:s0], s1  }
0x37a: {  	s0 =	simm.s32 @!p0 $0x4  }
0x37b: {  	_ =	swait.ge @!p0 [sflag:s0], s1  }
0x37c: {  	s1 =	ssub.s32 @!p0 $0x0, s1;
	[sflag:s0] =	ssyncset.done @!p0 $0x0  }
0x37d: {  	[sflag:s0] =	ssyncadd.s32 @!p0 s1  }
0x37e: {  	[bflag:$0x3] =	sbarrier.arrive $0xFFFF  }
0x37f: {  	_ =	shalt  }

// kernel: kernel.8.cloned.1.call-start
scs
__scs_entry_jumppad:
0x0: {  	(pc) =	sbr.rel $0x88, $3  }
0x1: {  	(tag) =	ssettag $0x0;
	lr =	simm.s32 $0x1  }
0x2: {  	[smem:$0x3F98] =	sst lr;
	_ =	strace $0xD0000000  }
0x3: {  	_ = 	snop  }
0x4: {  	_ = 	snop  }
0x5: {  	_ = 	snop  }
0x6: {  	_ = 	snop  }
0x7: {  	_ = 	snop  }
__scs_overlays_trampoline_lowered:
0x8: {  	[smem:$0x3FA7] =	sst s0  }
0x9: {  	[smem:$0x3FA8] =	sst s1  }
0xa: {  	[smem:$0x3FA9] =	sst s2  }
0xb: {  	[smem:$0x3FAA] =	sst s3  }
0xc: {  	[smem:$0x3FAB] =	sst s4  }
0xd: {  	[smem:$0x3FAC] =	sst s5  }
0xe: {  	[smem:$0x3FAD] =	sst s6  }
0xf: {  	[smem:$0x3FAE] =	sst s7  }
0x10: {  	[smem:$0x3FAF] =	sst s8  }
0x11: {  	[smem:$0x3FB0] =	sst s9;
	s0 =	simm.s32 @!p0 $0x0  }
0x12: {  	s1 =	sld [smem:$0x3F96];
	s0 =	simm.s32 @p0 $0x1  }
0x13: {  	[smem:$0x3FB1] =	sst s0;
	s0 =	simm.s32 @!p1 $0x0  }
0x14: {  	s2 =	sld [smem:$0x3F95];
	s0 =	simm.s32 @p1 $0x1  }
0x15: {  	[smem:$0x3FB2] =	sst s0;
	s0 =	simm.s32 @!p2 $0x0  }
0x16: {  	s3 =	sld [smem:$0x3FDB];
	s0 =	simm.s32 @p2 $0x1  }
0x17: {  	s4 =	simm.s32 $0x1BF5;
	[smem:$0x3FB4] =	sst s0  }
0x18: {  	s0 =	sld [smem:$0x3F97];
	_ =	swait.ge [sflag:s4], $0x0  }
0x19: {  	s7 =	sld [smem:$0x3F98]  }
0x1a: {  	s8 =	sadd.s32 $0xFFFFE003, lr  }
0x1b: {  	s9 =	sadd.s32 $0xFFFFFEF7, lr;
	s5 =	simm.s32 $0xFFFFFFFF;
	p2 =	slt.u32 s8, $0xFFFFF086  }
0x1c: {  	p1 =	slt.u32 s9, $0xF7A;
	s5 =	simm.s32 @!p2 $0x0  }
0x1d: {  	s5 =	simm.s32 @p1 $0x1;
	p0 =	seq.s32 s7, s2  }
0x1e: {  	s7 =	smul.u32 @!p0 $0xF7A, s2;
	p2 =	seq.s32 @!p0 s5, $0x0  }
0x1f: {  	s9 =	smul.u32 $0xF7A, s1;
	s8 =	simm.s32 @!p0 $0x1BF5;
	p2 =	por !p2, p0  }
0x20: {  	[sflag:s8] =	ssyncset.s32 @!p0 $0xFFFFF086;
	s6 =	sadd.s32 @!p0 s3, s7;
	s7 =	simm.s32 @!p0 $0x108  }
0x21: {  	s3 =	sadd.s32 s3, s9;
	s6 =	sadd.s32 @!p0 $0x88, s6;
	s7 =	simm.s32 @p2 $0x1082  }
0x22: {  	[simem:s7], [sflag:s8] =	dma.local @!p0 [hbm:s6], $0xF7A  }
0x23: {  	s9 =	sor.u32 $0xD0000000, s2;
	s6 =	simm.s32 $0x108;
	_ =	swait.ge @!p0 [sflag:s8], $0x0  }
0x24: {  	s3 =	sadd.s32 $0x88, s3;
	s6 =	simm.s32 @!p1 $0x1082;
	[sflag:s4] =	ssyncset.s32 $0xFFFFF086  }
0x25: {  	[simem:s6], [sflag:s4] =	dma.local [hbm:s3], $0xF7A  }
0x26: {  	[smem:$0x3F98] =	sst s1;
	(tag) =	ssettag s2;
	_ =	strace s9  }
0x27: {  	s1 =	sld [smem:$0x3FA8]  }
0x28: {  	s2 =	sld [smem:$0x3FA9]  }
0x29: {  	s4 =	sld [smem:$0x3FAB]  }
0x2a: {  	p0 =	seq.s32 s5, $0x0;
	s5 =	sld [smem:$0x3FAC]  }
0x2b: {  	s6 =	sld [smem:$0x3FAD]  }
0x2c: {  	s7 =	sld [smem:$0x3FAE]  }
0x2d: {  	s3 =	simm.s32 $0x108;
	s8 =	sld [smem:$0x3FAF]  }
0x2e: {  	s3 =	simm.s32 @!p0 $0x1082;
	s9 =	sld [smem:$0x3FB0]  }
0x2f: {  	lr =	sadd.s32 s0, s3;
	s0 =	sld [smem:$0x3FA7]  }
0x30: {  	s3 =	sld [smem:$0x3FAA]  }
0x31: {  	[smem:$0x3FB3] =	sst s10  }
0x32: {  	s10 =	sld [smem:$0x3FB1];
	_ =	sdelay $0x3  }
0x33: {  	p0 =	seq.s32 s10, $0x1;
	s10 =	sld [smem:$0x3FB3];
	_ =	sdelay $0x3  }
0x34: {  	[smem:$0x3FB3] =	sst s10  }
0x35: {  	s10 =	sld [smem:$0x3FB2];
	_ =	sdelay $0x3  }
0x36: {  	p1 =	seq.s32 s10, $0x1;
	s10 =	sld [smem:$0x3FB3];
	_ =	sdelay $0x3  }
0x37: {  	[smem:$0x3FB3] =	sst s10  }
0x38: {  	s10 =	sld [smem:$0x3FB4]  }
0x39: {  	_ = 	snop;
	(pc) =	sbr.ind lr, $3  }
0x3a: {  	_ = 	snop  }
0x3b: {  	_ = 	snop  }
0x3c: {  	p2 =	seq.s32 s10, $0x1;
	s10 =	sld [smem:$0x3FB3]  }
0x3d: {  	_ =	shalt  }
0x3e: {  	_ =	shalt  }
0x3f: {  	_ =	shalt  }
0x40: {  	_ =	shalt  }
0x41: {  	_ =	shalt  }
0x42: {  	_ =	shalt  }
0x43: {  	_ =	shalt  }
0x44: {  	_ =	shalt  }
0x45: {  	_ =	shalt  }
0x46: {  	_ =	shalt  }
0x47: {  	_ =	shalt  }
0x48: {  	_ =	shalt  }
0x49: {  	_ =	shalt  }
0x4a: {  	_ =	shalt  }
0x4b: {  	_ =	shalt  }
0x4c: {  	_ =	shalt  }
0x4d: {  	_ =	shalt  }
0x4e: {  	_ =	shalt  }
0x4f: {  	_ =	shalt  }
0x50: {  	_ =	shalt  }
0x51: {  	_ =	shalt  }
0x52: {  	_ =	shalt  }
0x53: {  	_ =	shalt  }
0x54: {  	_ =	shalt  }
0x55: {  	_ =	shalt  }
0x56: {  	_ =	shalt  }
0x57: {  	_ =	shalt  }
0x58: {  	_ =	shalt  }
0x59: {  	_ =	shalt  }
0x5a: {  	_ =	shalt  }
0x5b: {  	_ =	shalt  }
0x5c: {  	_ =	shalt  }
0x5d: {  	_ =	shalt  }
0x5e: {  	_ =	shalt  }
0x5f: {  	_ =	shalt  }
0x60: {  	_ =	shalt  }
0x61: {  	_ =	shalt  }
0x62: {  	_ =	shalt  }
0x63: {  	_ =	shalt  }
0x64: {  	_ =	shalt  }
0x65: {  	_ =	shalt  }
0x66: {  	_ =	shalt  }
0x67: {  	_ =	shalt  }
0x68: {  	_ =	shalt  }
0x69: {  	_ =	shalt  }
0x6a: {  	_ =	shalt  }
0x6b: {  	_ =	shalt  }
0x6c: {  	_ =	shalt  }
0x6d: {  	_ =	shalt  }
0x6e: {  	_ =	shalt  }
0x6f: {  	_ =	shalt  }
0x70: {  	_ =	shalt  }
0x71: {  	_ =	shalt  }
0x72: {  	_ =	shalt  }
0x73: {  	_ =	shalt  }
0x74: {  	_ =	shalt  }
0x75: {  	_ =	shalt  }
0x76: {  	_ =	shalt  }
0x77: {  	_ =	shalt  }
0x78: {  	_ =	shalt  }
0x79: {  	_ =	shalt  }
0x7a: {  	_ =	shalt  }
0x7b: {  	_ =	shalt  }
0x7c: {  	_ =	shalt  }
0x7d: {  	_ =	shalt  }
0x7e: {  	_ =	shalt  }
0x7f: {  	_ =	shalt  }
0x80: {  	_ =	shalt  }
0x81: {  	_ =	shalt  }
0x82: {  	_ =	shalt  }
0x83: {  	_ =	shalt  }
0x84: {  	_ =	shalt  }
0x85: {  	_ =	shalt  }
0x86: {  	_ =	shalt  }
0x87: {  	_ =	shalt  }
.Lfunc_end0:
.L_simem_size_0:
called_computation.1_lowered:
.L_overlay_start_0:
0x88: {  	s2 =	sld [smem:$0x3FD9]  }
0x89: {  	s3 =	sld [smem:$0x3FFE];
	_ =	sdelay $0x1  }
0x8a: {  	s1 =	srdreg.scid  }
0x8b: {  	s0 =	sand.u32 $0x1, s1  }
0x8c: {  	s17 =	sshll.u32 s0, $0xA;
	s2 =	sadd.s32 s3, s2  }
0x8d: {  	s2 =	sadd.s32 s2, s17  }
0x8e: {  	[smem:$0x3FBF] =	sst s2  }
0x8f: {  	_ = 	snop  }
0x90: {  	s2 =	sld [smem:$0x3FC6]  }
0x91: {  	s18 =	sld [smem:$0x3FD0];
	(tm) =	ssettm $0x1  }
0x92: {  	s4 =	sld [smem:$0x3FFB];
	_ =	sdelay $0x3  }
0x93: {  	_ =	strace s4  }
0x94: {  	s4 =	sld [smem:$0x3FFC];
	_ =	sdelay $0x3  }
0x95: {  	_ =	strace s4  }
0x96: {  	s4 =	sld [smem:$0x3FFD];
	_ =	sdelay $0x3  }
0x97: {  	_ =	strace s4  }
0x98: {  	_ =	strace $0x8FFFFFFF  }
0x99: {  	s19 =	sld [smem:$0x3FDB];
	_ =	sdelay $0x1  }
0x9a: {  	s5 =	simm.s32 $_scs_section_size  }
0x9b: {  	s6 =	simm.s32 $_size__tile_overlayer_lowered;
	s7 =	simm.s32 $_tile_overlayer_lowered  }
0x9c: {  	s22 =	simm.s32 $0x1BFF;
	s21 =	sshll.u32 s7, $0x1;
	s4 =	sadd.s32 s5, s19  }
0x9d: {  	s8 =	simm.s32 $0x0;
	s20 =	sshll.u32 s6, $0x1;
	s6 =	sadd.s32 s21, s4  }
0x9e: {  	[timem:s8], [sflag:s22] =	dma.local [hbm:s6], s20  }
0x9f: {  	_ =	swait.ge [sflag:s22], s20  }
0xa0: {  	s5 =	ssub.s32 $0x0, s20;
	[sflag:s22] =	ssyncset.done $0x0  }
0xa1: {  	[sflag:s22] =	ssyncadd.s32 s5;
	_ =	sdelay $0x1  }
0xa2: {  	s23 =	simm.s32 $0x1B8B  }
0xa3: {  	_ =	swait.ge [sflag:s23], $0x1  }
0xa4: {  	[sflag:s23] =	ssyncset.done $0x0  }
0xa5: {  	s25 =	simm.s32 $0x1B8E;
	s24 =	sld [smem:$0x3FFE];
	[sflag:s23] =	ssyncadd.s32 $0xFFFFFFFF  }
0xa6: {  	s26 =	simm.s32 $execute0_lowered;
	[smem:$0x3FD2] =	sst s25  }
0xa7: {  	s6 =	sshll.u32 s26, $0x1;
	_ =	strace $0x80000049;
	[dreg:$0x1] =	wrdreg $0xFFFFFFFF  }
0xa8: {  	s28 =	simm.s32 $_size_execute0_lowered;
	s4 =	sadd.s32 s4, s6;
	[dreg:$0x0] =	wrdreg $0x0  }
0xa9: {  	s6 =	sshll.u32 s28, $0x1;
	[dreg:$0x2] =	wrdreg s4  }
0xaa: {  	[dreg:$0x3] =	wrdreg s6  }
0xab: {  	[dreg:$0x4] =	wrdreg $0xC0  }
0xac: {  	_ =	task [dreg:s8], $0x5FFFF  }
0xad: {  	[dreg:$0x1] =	wrdreg $0xFFFFFFFF  }
0xae: {  	[dreg:$0x0] =	wrdreg $0x60  }
0xaf: {  	[dreg:$0x2] =	wrdreg s24  }
0xb0: {  	[dreg:$0x3] =	wrdreg s2  }
0xb1: {  	[dreg:$0x4] =	wrdreg s18  }
0xb2: {  	[dreg:$0x5] =	wrdreg $0x47000  }
0xb3: {  	[dreg:$0x6] =	wrdreg $0x48400  }
0xb4: {  	[dreg:$0x7] =	wrdreg $0x49800  }
0xb5: {  	[dreg:$0x8] =	wrdreg $0x9  }
0xb6: {  	_ =	task.clear_ibuf [dreg:s8], $0x9FFFF;
	_ =	strace $0x90000049  }
0xb7: {  	s29 =	simm.s32 $0x9;
	_ =	strace $0x8000004B  }
0xb8: {  	_ =	swait.ge [sflag:s29], $0x1  }
0xb9: {  	[sflag:s29] =	ssyncadd.s32 $0xFFFFFFFF  }
0xba: {  	_ =	strace $0x9000004B  }
0xbb: {  	_ =	sfence  }
0xbc: {  	s30 =	sld [smem:$0x0];
	_ =	sdelay $0x2  }
0xbd: {  	s31 =	sshll.u32 s1, $0xD;
	s1 =	sshrl.u32 s1, $0x2  }
0xbe: {  	s3 =	sand.u32 $0x4000, s31;
	s1 =	sadd.s32 s1, s30  }
0xbf: {  	s0 =	sor.u32 s3, s0;
	s1 =	sshll.u32 s1, $0x11  }
0xc0: {  	s0 =	sor.u32 s1, s0  }
0xc1: {  	s0 =	sadd.s32 $0x8F2B, s0  }
0xc2: {  	[sflag:s0] =	ssyncadd.remote.s32 $0x1  }
0xc3: {  	_ =	sfence.sel $0xFFFF  }
0xc4: {  	[dreg:$0x0] =	wrdreg $0xFFFFFFFF;
	(pc) =	sbr.abs _section_cstart, $3  }
0xc5: {  	[dreg:$0x1] =	wrdreg $0xFFFFFFFF  }
0xc6: {  	_ =	task.clear_ibuf [dreg:s8], $0x2FFFF;
	_ =	strace $0x9FFFFFFF  }
0xc7: {  	(tm) =	ssettm $0x7FFFFFFF  }
tec
execute0_lowered:
.L_overlay_start_1:
0x0: {  	(tag) =	ssettag $0x1  }
0x1: {  	s1 =	srdreg.scid  }
0x2: {  	s6 =	sand.u32 $0x1, s1  }
0x3: {  	s8 =	stileid.u32;
	s7 =	sshll.u32 s6, $0x4  }
0x4: {  	s7 =	sor.u32 s8, s7  }
0x5: {  	s3 =	rddreg [dreg:$0x0];
	s7 =	smul.u32 $0x2710, s7  }
0x6: {  	s4 =	rddreg [dreg:$0x1]  }
0x7: {  	s5 =	rddreg [dreg:$0x2];
	s0 =	smul.u32 $0x140, s8;
	s7 =	sshrl.u32 s7, $0x3  }
0x8: {  	s1 =	simm.s32 $0x0;
	s9 =	sadd.s32 $0xA00, s3;
	s17 =	sadd.s32 $0xFA, s7  }
0x9: {  	[smem:$0x7FF] =	sst s1;
	s8 =	sadd.s32 $0xA800, s3;
	s14 =	sadd.s32 s4, s17  }
0xa: {  	s10 =	sadd.s32 $0x15C00, s3;
	s18 =	sadd.s32 s8, s17;
	[dreg:$0x7] =	wrdreg s14  }
0xb: {  	s11 =	sadd.s32 $0x1FA00, s3;
	s19 =	sadd.s32 s9, s17;
	[dreg:$0x8] =	wrdreg s18  }
0xc: {  	s12 =	sadd.s32 $0x29800, s3;
	s20 =	sadd.s32 s5, s17;
	[dreg:$0x9] =	wrdreg s19  }
0xd: {  	s22 =	sadd.s32 $0x1F4, s7;
	s21 =	sadd.s32 s10, s17;
	[dreg:$0xa] =	wrdreg s20  }
0xe: {  	s6 =	ssub.s32 $0x2, s6;
	s15 =	sadd.s32 s4, s22;
	[dreg:$0xb] =	wrdreg s21  }
0xf: {  	s2 =	sshrl.u32 s0, $0x3;
	s23 =	sadd.s32 s8, s22;
	[dreg:$0xc] =	wrdreg s15  }
0x10: {  	s13 =	sshrl.u32 s6, $0x1;
	s24 =	sadd.s32 s9, s22;
	[dreg:$0xd] =	wrdreg s23  }
0x11: {  	s2 =	sadd.s32 s2, s3;
	s25 =	sadd.s32 s11, s17;
	[dreg:$0xe] =	wrdreg s24  }
0x12: {  	s3 =	sadd.s32 $0x33600, s3;
	s26 =	sadd.s32 s12, s17;
	[dreg:$0xf] =	wrdreg s25  }
0x13: {  	s6 =	ssub.s32 s6, s13;
	s13 =	sadd.s32 s3, s17;
	[dreg:$0x10] =	wrdreg s26  }
0x14: {  	s16 =	sadd.s32 s10, s22;
	[dreg:$0x11] =	wrdreg s13  }
0x15: {  	s17 =	sadd.s32 s11, s22;
	[dreg:$0x13] =	wrdreg s16  }
0x16: {  	s15 =	sadd.s32 s5, s22;
	[dreg:$0x14] =	wrdreg s17  }
0x17: {  	s18 =	sadd.s32 s12, s22;
	[dreg:$0x12] =	wrdreg s15  }
0x18: {  	s19 =	sadd.s32 s3, s22;
	[dreg:$0x15] =	wrdreg s18  }
0x19: {  	s20 =	sadd.s32 s4, s7;
	[dreg:$0x16] =	wrdreg s19  }
0x1a: {  	s21 =	sadd.s32 s8, s7;
	[dreg:$0x17] =	wrdreg s20  }
0x1b: {  	s22 =	sadd.s32 s9, s7;
	[dreg:$0x18] =	wrdreg s21  }
0x1c: {  	s23 =	sadd.s32 s5, s7;
	[dreg:$0x19] =	wrdreg s22  }
0x1d: {  	s24 =	sadd.s32 s10, s7;
	[dreg:$0x1a] =	wrdreg s23  }
0x1e: {  	s25 =	sadd.s32 s11, s7;
	[dreg:$0x1b] =	wrdreg s24  }
0x1f: {  	s26 =	sadd.s32 s12, s7;
	[dreg:$0x1c] =	wrdreg s25  }
0x20: {  	s14 =	sadd.s32 s3, s7;
	[dreg:$0x1d] =	wrdreg s26  }
0x21: {  	[dreg:$0x1e] =	wrdreg s14;
	s15 =	sadd.s32 $0x2EE, s7  }
0x22: {  	s7 =	sadd.s32 $0x3E8, s7;
	s25 =	rddreg [dreg:$0x4];
	s16 =	sadd.s32 s4, s15  }
0x23: {  	s17 =	sadd.s32 s8, s15;
	s18 =	sadd.s32 s8, s7;
	s8 =	rddreg [dreg:$0x5]  }
0x24: {  	s4 =	sadd.s32 s4, s7;
	[dreg:$0x1f] =	wrdreg s16  }
0x25: {  	[smem:$0x7E3] =	sst s4  }
0x26: {  	[smem:$0x7E4] =	sst s17  }
0x27: {  	s19 =	sadd.s32 s9, s15;
	[smem:$0x7E5] =	sst s18  }
0x28: {  	s20 =	sadd.s32 s9, s7;
	[smem:$0x7E6] =	sst s19  }
0x29: {  	s21 =	sadd.s32 s5, s15;
	[smem:$0x7E7] =	sst s20  }
0x2a: {  	s22 =	sadd.s32 s5, s7;
	[smem:$0x7E8] =	sst s21  }
0x2b: {  	[smem:$0x7E9] =	sst s22  }
0x2c: {  	s23 =	sadd.s32 s10, s15;
	s4 =	rddreg [dreg:$0x3]  }
0x2d: {  	s24 =	sadd.s32 s10, s7;
	[smem:$0x7EA] =	sst s23  }
0x2e: {  	s26 =	sadd.s32 s11, s15;
	[smem:$0x7EB] =	sst s24  }
0x2f: {  	s10 =	sadd.s32 s12, s15;
	[smem:$0x7EC] =	sst s26  }
0x30: {  	s28 =	simm.s32 $0x2800;
	s14 =	sadd.s32 s3, s15;
	[smem:$0x7ED] =	sst s10  }
0x31: {  	s29 =	simm.s32 $0x4F40;
	s15 =	sadd.s32 s11, s7;
	[smem:$0x7EE] =	sst s14  }
0x32: {  	s30 =	simm.s32 $0x5F40;
	s3 =	sadd.s32 s3, s7;
	[smem:$0x7EF] =	sst s15  }
0x33: {  	s31 =	simm.s32 $0x6F40;
	s16 =	sadd.s32 s12, s7;
	[smem:$0x7F1] =	sst s3  }
0x34: {  	s13 =	simm.s32 $0xA710;
	s17 =	sadd.s32 $0x14F80, s2;
	[smem:$0x7F0] =	sst s16  }
0x35: {  	s18 =	sadd.s32 $0x15980, s2;
	_ =	strace $0x8000004A;
	[smem:$0x7F2] =	sst s17  }
0x36: {  	s25 =	sadd.s32 s0, s25;
	s19 =	sadd.s32 $0x14800, s2;
	[smem:$0x7F3] =	sst s18  }
0x37: {  	s5 =	simm.s32 $0x7710;
	s20 =	sadd.s32 $0x15200, s2;
	[smem:$0x7F4] =	sst s19  }
0x38: {  	s9 =	simm.s32 $0x9F40;
	s21 =	sadd.s32 $0x14A80, s2;
	[smem:$0x7F5] =	sst s20  }
0x39: {  	s11 =	simm.s32 $0xBF40;
	s22 =	sadd.s32 $0x15480, s2;
	[smem:$0x7F6] =	sst s21  }
0x3a: {  	s23 =	sadd.s32 $0x14D00, s2;
	s2 =	sadd.s32 $0x15700, s2;
	[smem:$0x7F7] =	sst s22  }
0x3b: {  	s26 =	smax.u32 s6, $0x1;
	s6 =	simm.s32 $0x8710;
	[smem:$0x7F8] =	sst s23  }
0x3c: {  	s7 =	simm.s32 $0x9710;
	s24 =	sadd.s32 s0, s4;
	[smem:$0x7F9] =	sst s2  }
0x3d: {  	s10 =	simm.s32 $0xAF40;
	s12 =	simm.s32 $0x3;
	[smem:$0x7FA] =	sst s24  }
0x3e: {  	s14 =	simm.s32 $0xB710;
	s0 =	sadd.s32 s0, s8;
	[smem:$0x7FB] =	sst s25  }
0x3f: {  	s15 =	simm.s32 $0xC710;
	s8 =	simm.s32 $0x2;
	[smem:$0x7FC] =	sst s0  }
0x40: {  	s16 =	simm.s32 $0x4;
	[smem:$0x7FD] =	sst s26;
	s24 =	simm.s32 $0x1  }
0x41: {  	s25 =	simm.s32 $0x6;
	s26 =	simm.s32 $0x1400;
	s0 =	simm.s32 $0x7F40  }
0x42: {  	s2 =	simm.s32 $0x8F40;
	s17 =	simm.s32 $0x5;
	s18 =	simm.s32 $0x0  }
.LBB2_1:
0x43: {  	s3 =	sld [smem:$0x7F2];
	_ =	sdelay $0x1  }
0x44: {  	s4 =	simm.s32 $0x4400;
	s22 =	sld [smem:$0x7F3]  }
0x45: {  	[tilespmem:s4], [sflag:$0x1] =	stream.linear.gather [hbm4b:s3+s1], $0x140, $0x38;
	[tilespmem:$0xCF40] =	vst v63  }
0x46: {  	s23 =	simm.s32 $0x4580;
	s4 =	sld [smem:$0x7F4]  }
0x47: {  	[tilespmem:s23], [sflag:$0x1] =	stream.linear.gather [hbm4b:s22+s1], $0x140, $0x38;
	[tilespmem:$0xCF40] =	vst v63  }
0x48: {  	s19 =	simm.s32 $0x3C00;
	s20 =	sld [smem:$0x7F5]  }
0x49: {  	[tilespmem:s19], [sflag:$0x1] =	stream.linear.gather [hbm4b:s4+s1], $0x140, $0x38;
	[tilespmem:$0xCF40] =	vst v63  }
0x4a: {  	s21 =	simm.s32 $0x4000;
	s22 =	sld [smem:$0x7F6]  }
0x4b: {  	[tilespmem:s21], [sflag:$0x1] =	stream.linear.gather [hbm4b:s20+s1], $0x140, $0x38;
	[tilespmem:$0xCF40] =	vst v63  }
0x4c: {  	s23 =	simm.s32 $0x3D40;
	s4 =	sld [smem:$0x7F7]  }
0x4d: {  	[tilespmem:s23], [sflag:$0x1] =	stream.linear.gather [hbm4b:s22+s1], $0x140, $0x38;
	[tilespmem:$0xCF40] =	vst v63  }
0x4e: {  	s19 =	simm.s32 $0x4140;
	s20 =	sld [smem:$0x7F8]  }
0x4f: {  	[tilespmem:s19], [sflag:$0x1] =	stream.linear.gather [hbm4b:s4+s1], $0x140, $0x38;
	[tilespmem:$0xCF40] =	vst v63  }
0x50: {  	s21 =	simm.s32 $0x3E80;
	s22 =	sld [smem:$0x7F9]  }
0x51: {  	[tilespmem:s21], [sflag:$0x1] =	stream.linear.gather [hbm4b:s20+s1], $0x140, $0x38;
	[tilespmem:$0xCF40] =	vst v63  }
0x52: {  	s23 =	simm.s32 $0x4280  }
0x53: {  	[tilespmem:s23], [sflag:$0x1] =	stream.linear.gather [hbm4b:s22+s1], $0x140, $0x38;
	[tilespmem:$0xCF40] =	vst v63  }
0x54: {  	_ =	swait.ge [sflag:s24], $0x140  }
0x55: {  	[sflag:s24] =	ssyncset.done $0x0  }
0x56: {  	[sflag:s24] =	ssyncadd.s32 $0xFFFFFEC0  }
0x57: {  	_ =	swait.ge [sflag:s24], $0x140  }
0x58: {  	[sflag:s24] =	ssyncset.done $0x0  }
0x59: {  	[sflag:s24] =	ssyncadd.s32 $0xFFFFFEC0  }
0x5a: {  	_ =	swait.ge [sflag:s24], $0x140  }
0x5b: {  	[sflag:s24] =	ssyncset.done $0x0  }
0x5c: {  	[sflag:s24] =	ssyncadd.s32 $0xFFFFFEC0  }
0x5d: {  	_ =	swait.ge [sflag:s24], $0x140  }
0x5e: {  	[sflag:s24] =	ssyncset.done $0x0  }
0x5f: {  	[sflag:s24] =	ssyncadd.s32 $0xFFFFFEC0  }
0x60: {  	_ =	swait.ge [sflag:s24], $0x140  }
0x61: {  	[sflag:s24] =	ssyncset.done $0x0  }
0x62: {  	[sflag:s24] =	ssyncadd.s32 $0xFFFFFEC0  }
0x63: {  	_ =	swait.ge [sflag:s24], $0x140  }
0x64: {  	[sflag:s24] =	ssyncset.done $0x0  }
0x65: {  	[sflag:s24] =	ssyncadd.s32 $0xFFFFFEC0  }
0x66: {  	_ =	swait.ge [sflag:s24], $0x140  }
0x67: {  	[sflag:s24] =	ssyncset.done $0x0  }
0x68: {  	[sflag:s24] =	ssyncadd.s32 $0xFFFFFEC0  }
0x69: {  	_ =	swait.ge [sflag:s24], $0x140  }
0x6a: {  	[sflag:s24] =	ssyncset.done $0x0  }
0x6b: {  	s20 =	simm.s32 $0x0;
	[sflag:s24] =	ssyncadd.s32 $0xFFFFFEC0  }
0x6c: {  	v0 =	vld [tilespmem:s20+$0x4400]  }
0x6d: {  	v1 =	vld [tilespmem:s20+$0x4580];
	_ =	sdelay $0x4  }
0x6e: {  	v0 =	vadd.f32 v1, v0;
	_ =	sdelay $0x1  }
0x6f: {  	s19 =	simm.s32 $0x10;
	vm0 =	veq.f32 v0, $0.0e+00  }
0x70: {  	v2 =	vld [tilespmem:s19+$0x4580];
	v0 =	vsel vm0, $0x3F800000, v0  }
0x71: {  	v3 =	vld [tilespmem:s20+$0x4000];
	(erf) = vrcp.f32 v0  }
0x72: {  	v4 =	vld [tilespmem:s20+$0x3D40]  }
0x73: {  	v0 =	vld [tilespmem:s19+$0x4400]  }
0x74: {  	v1 =	vld [tilespmem:s20+$0x3C00]  }
0x75: {  	v5 =	vld [tilespmem:s20+$0x4140];
	_ =	sdelay $0x2  }
0x76: {  	v2 =	vadd.f32 v2, v0  }
0x77: {  	v1 =	vadd.f32 v3, v1  }
0x78: {  	v4 =	vadd.f32 v5, v4;
	vm14 =	veq.f32 v2, $0.0e+00;
	v0 =	vpop (erf)  }
0x79: {  	v6 =	vld [tilespmem:s19+$0x4000];
	v2 =	vsel vm14, $0x3F800000, v2;
	v1 =	vmul.f32 v0, v1  }
0x7a: {  	s21 =	simm.s32 $0x20;
	v3 =	vld [tilespmem:s19+$0x3C00];
	(erf) = vrcp.f32 v2;
	v4 =	vmul.f32 v4, v0  }
0x7b: {  	v2 =	vld [tilespmem:s21+$0x4400];
	[tilespmem:s20+$0x4AC0] =	vst v1  }
0x7c: {  	v1 =	vld [tilespmem:s21+$0x4580];
	[tilespmem:s20+$0x4C40] =	vst v4  }
0x7d: {  	v4 =	vld [tilespmem:s19+$0x3D40]  }
0x7e: {  	v5 =	vld [tilespmem:s19+$0x4140];
	_ =	sdelay $0x2  }
0x7f: {  	v7 =	vadd.f32 v1, v2  }
0x80: {  	v8 =	vadd.f32 v6, v3;
	v3 =	vld [tilespmem:s21+$0x4000]  }
0x81: {  	s3 =	sand.u32 $0x1F0, s1;
	v1 =	vld [tilespmem:s21+$0x3C00];
	v2 =	vpop (erf);
	v5 =	vadd.f32 v5, v4;
	vm15 =	veq.f32 v7, $0.0e+00  }
0x82: {  	s23 =	simm.s32 $0xC0;
	s22 =	simm.s32 $0x0;
	v4 =	vld [tilespmem:s3+$0x3E80];
	v6 =	vsel vm15, $0x3F800000, v7;
	v7 =	vmul.f32 v2, v8  }
.LBB2_2:
0x83: {  	s4 =	sshra.s32 s23, $0x2;
	p0 =	sne.s32 s23, $0x4C0;
	(erf) = vrcp.f32 v6;
	v5 =	vmul.f32 v5, v2;
	v6 =	vld [tilespmem:s3+$0x4280]  }
0x84: {  	v8 =	vld [tilespmem:s4+$0x4400];
	[tilespmem:s19+$0x4AC0] =	vst v7  }
0x85: {  	v7 =	vld [tilespmem:s4+$0x4580];
	[tilespmem:s19+$0x4C40] =	vst v5  }
0x86: {  	v5 =	vld [tilespmem:s21+$0x3D40]  }
0x87: {  	v9 =	vld [tilespmem:s21+$0x4140]  }
0x88: {  	v4 =	vadd.f32 v6, v4  }
.Ltmp0:
0x89: {  	(pc) =	sbr.rel @p0 .LBB2_2-.Ltmp0, $4  }
0x8a: {  	v6 =	vadd.f32 v7, v8;
	v4 =	vmul.f32 v4, v0;
	v0 =	vmov v2  }
0x8b: {  	s22 =	sadd.s32 $0x10, s22;
	v7 =	vadd.f32 v3, v1;
	v1 =	vld [tilespmem:s4+$0x3C00]  }
0x8c: {  	s3 =	sand.u32 $0x1F0, s22;
	vm0 =	veq.f32 v6, $0.0e+00;
	v3 =	vld [tilespmem:s4+$0x4000];
	v5 =	vadd.f32 v9, v5;
	v2 =	vpop (erf);
	[tilespmem:s20+$0x4DC0] =	vst v4;
	s20 =	smov.u32 s19;
	s19 =	smov.u32 s21  }
0x8d: {  	s23 =	sadd.s32 $0x40, s23;
	s21 =	smov.u32 s4;
	v6 =	vsel vm0, $0x3F800000, v6;
	v7 =	vmul.f32 v2, v7;
	v4 =	vld [tilespmem:s3+$0x3E80]  }
0x8e: {  	v8 =	vld [tilespmem:s3+$0x4280];
	_ =	sdelay $0x4  }
0x8f: {  	v5 =	vmul.f32 v5, v2;
	v4 =	vadd.f32 v8, v4  }
0x90: {  	(erf) = vrcp.f32 v6;
	[tilespmem:s19+$0x4AC0] =	vst v7  }
0x91: {  	[tilespmem:s19+$0x4C40] =	vst v5;
	v0 =	vmul.f32 v4, v0  }
0x92: {  	s23 =	sadd.s32 $0x10, s22;
	v5 =	vld [tilespmem:s21+$0x3D40]  }
0x93: {  	s4 =	sand.u32 $0x1F0, s23;
	v61 =	vld [tilespmem:s21+$0x4140];
	[tilespmem:s20+$0x4DC0] =	vst v0  }
0x94: {  	v0 =	vld [tilespmem:s4+$0x3E80]  }
0x95: {  	v62 =	vld [tilespmem:s4+$0x4280];
	_ =	sdelay $0x2  }
0x96: {  	v1 =	vadd.f32 v3, v1  }
0x97: {  	v3 =	vadd.f32 v61, v5;
	v63 =	vpop (erf)  }
0x98: {  	v1 =	vmul.f32 v63, v1;
	v0 =	vadd.f32 v62, v0  }
0x99: {  	v3 =	vmul.f32 v3, v63  }
0x9a: {  	[tilespmem:s21+$0x4AC0] =	vst v1;
	v0 =	vmul.f32 v0, v2  }
0x9b: {  	s3 =	sadd.s32 $0x10, s23;
	[tilespmem:s21+$0x4C40] =	vst v3  }
0x9c: {  	s3 =	sand.u32 $0x1F0, s3;
	[tilespmem:s19+$0x4DC0] =	vst v0  }
0x9d: {  	v0 =	vld [tilespmem:s3+$0x3E80]  }
0x9e: {  	v1 =	vld [tilespmem:s3+$0x4280];
	_ =	sdelay $0x4  }
0x9f: {  	v0 =	vadd.f32 v1, v0;
	_ =	sdelay $0x1  }
0xa0: {  	s22 =	sld [smem:$0x7FA];
	v0 =	vmul.f32 v0, v63;
	_ =	sdelay $0x1  }
0xa1: {  	s23 =	simm.s32 $0x4AC0;
	[tilespmem:s21+$0x4DC0] =	vst v0  }
0xa2: {  	[spmem:s22] =	stream.linear.scatter [tilespmem:s23], [sflag:$0x6], $0x140, $0x38;
	[tilespmem:$0xCF40] =	vst v63  }
0xa3: {  	_ =	swait.ge [sflag:s25], $0x140  }
0xa4: {  	s4 =	sld [smem:$0x7FB]  }
0xa5: {  	[sflag:s25] =	ssyncset.done $0x0  }
0xa6: {  	s19 =	simm.s32 $0x4C40;
	[sflag:s25] =	ssyncadd.s32 $0xFFFFFEC0  }
0xa7: {  	[spmem:s4] =	stream.linear.scatter [tilespmem:s19], [sflag:$0x6], $0x140, $0x38;
	[tilespmem:$0xCF40] =	vst v63  }
0xa8: {  	_ =	swait.ge [sflag:s25], $0x140  }
0xa9: {  	s20 =	sld [smem:$0x7FC]  }
0xaa: {  	[sflag:s25] =	ssyncset.done $0x0  }
0xab: {  	s21 =	simm.s32 $0x4DC0;
	[sflag:s25] =	ssyncadd.s32 $0xFFFFFEC0  }
0xac: {  	[spmem:s20] =	stream.linear.scatter [tilespmem:s21], [sflag:$0x6], $0x140, $0x38;
	[tilespmem:$0xCF40] =	vst v63  }
0xad: {  	_ =	swait.ge [sflag:s25], $0x140  }
0xae: {  	[sflag:s25] =	ssyncset.done $0x0  }
0xaf: {  	[sflag:s25] =	ssyncadd.s32 $0xFFFFFEC0  }
0xb0: {  	[bflag:$0x0] =	sbarrier.arrive $0xFFFF  }
0xb1: {  	s3 =	simm.s32 $0x0;
	s22 =	rddreg [dreg:$0x3]  }
0xb2: {  	[tilespmem:s3], [sflag:$0x6] =	stream.linear.gather [spmem:s22], $0x1400, $0x38;
	[tilespmem:$0xCF40] =	vst v63  }
0xb3: {  	_ =	swait.ge [sflag:s25], $0x1400  }
0xb4: {  	[sflag:s25] =	ssyncset.done $0x0  }
0xb5: {  	[sflag:s25] =	ssyncadd.s32 $0xFFFFEC00  }
0xb6: {  	s23 =	rddreg [dreg:$0x4]  }
0xb7: {  	[tilespmem:s26], [sflag:$0x6] =	stream.linear.gather [spmem:s23], $0x1400, $0x38;
	[tilespmem:$0xCF40] =	vst v63  }
0xb8: {  	_ =	swait.ge [sflag:s25], $0x1400  }
0xb9: {  	[sflag:s25] =	ssyncset.done $0x0  }
0xba: {  	[sflag:s25] =	ssyncadd.s32 $0xFFFFEC00  }
0xbb: {  	s19 =	rddreg [dreg:$0x5]  }
0xbc: {  	[tilespmem:s28], [sflag:$0x6] =	stream.linear.gather [spmem:s19], $0x1400, $0x38;
	[tilespmem:$0xCF40] =	vst v63  }
0xbd: {  	_ =	swait.ge [sflag:s25], $0x1400  }
0xbe: {  	[sflag:s25] =	ssyncset.done $0x0  }
0xbf: {  	s20 =	rddreg [dreg:$0x17];
	[sflag:s25] =	ssyncadd.s32 $0xFFFFEC00  }
0xc0: {  	[tilespmem:s29], [sflag:$0x2] =	stream.linear.gather [hbm4b:s20+s3], $0x7D0, $0x38;
	[tilespmem:$0xCF40] =	vst v63  }
0xc1: {  	s21 =	rddreg [dreg:$0x18]  }
0xc2: {  	[tilespmem:s30], [sflag:$0x2] =	stream.linear.gather [hbm4b:s21+s3], $0x7D0, $0x38;
	[tilespmem:$0xCF40] =	vst v63  }
0xc3: {  	s22 =	rddreg [dreg:$0x19]  }
0xc4: {  	[tilespmem:s31], [sflag:$0x2] =	stream.linear.gather [hbm4b:s22+s3], $0x7D0, $0x38;
	[tilespmem:$0xCF40] =	vst v63  }
0xc5: {  	s23 =	rddreg [dreg:$0x1a]  }
0xc6: {  	[tilespmem:s0], [sflag:$0x2] =	stream.linear.gather [hbm4b:s23+s3], $0x7D0, $0x38;
	[tilespmem:$0xCF40] =	vst v63  }
0xc7: {  	s19 =	rddreg [dreg:$0x1b]  }
0xc8: {  	[tilespmem:s2], [sflag:$0x2] =	stream.linear.gather [hbm4b:s19+s3], $0x7D0, $0x38;
	[tilespmem:$0xCF40] =	vst v63  }
0xc9: {  	s20 =	rddreg [dreg:$0x7];
	s22 =	simm.s32 $0x5710  }
0xca: {  	[tilespmem:s22], [sflag:$0x3] =	stream.linear.gather [hbm4b:s20+s3], $0x7D0, $0x38;
	[tilespmem:$0xCF40] =	vst v63  }
0xcb: {  	s21 =	rddreg [dreg:$0x8];
	s23 =	simm.s32 $0x6710  }
0xcc: {  	[tilespmem:s23], [sflag:$0x3] =	stream.linear.gather [hbm4b:s21+s3], $0x7D0, $0x38;
	[tilespmem:$0xCF40] =	vst v63  }
0xcd: {  	s19 =	rddreg [dreg:$0x9]  }
0xce: {  	[tilespmem:s5], [sflag:$0x3] =	stream.linear.gather [hbm4b:s19+s3], $0x7D0, $0x38;
	[tilespmem:$0xCF40] =	vst v63  }
0xcf: {  	s20 =	rddreg [dreg:$0xa]  }
0xd0: {  	[tilespmem:s6], [sflag:$0x3] =	stream.linear.gather [hbm4b:s20+s3], $0x7D0, $0x38;
	[tilespmem:$0xCF40] =	vst v63  }
0xd1: {  	s21 =	rddreg [dreg:$0xb]  }
0xd2: {  	[tilespmem:s7], [sflag:$0x3] =	stream.linear.gather [hbm4b:s21+s3], $0x7D0, $0x38;
	[tilespmem:$0xCF40] =	vst v63  }
0xd3: {  	_ =	swait.ge [sflag:s8], $0x7D0  }
0xd4: {  	[sflag:s8] =	ssyncset.done $0x0  }
0xd5: {  	[sflag:s8] =	ssyncadd.s32 $0xFFFFF830  }
0xd6: {  	_ =	swait.ge [sflag:s8], $0x7D0  }
0xd7: {  	[sflag:s8] =	ssyncset.done $0x0  }
0xd8: {  	[sflag:s8] =	ssyncadd.s32 $0xFFFFF830  }
0xd9: {  	_ =	swait.ge [sflag:s8], $0x7D0  }
0xda: {  	[sflag:s8] =	ssyncset.done $0x0  }
0xdb: {  	[sflag:s8] =	ssyncadd.s32 $0xFFFFF830  }
0xdc: {  	_ =	swait.ge [sflag:s8], $0x7D0  }
0xdd: {  	[sflag:s8] =	ssyncset.done $0x0  }
0xde: {  	[sflag:s8] =	ssyncadd.s32 $0xFFFFF830  }
0xdf: {  	_ =	swait.ge [sflag:s8], $0x7D0  }
0xe0: {  	[sflag:s8] =	ssyncset.done $0x0  }
0xe1: {  	s19 =	simm.s32 $0x0;
	[sflag:s8] =	ssyncadd.s32 $0xFFFFF830  }
0xe2: {  	v1 =	vld [tilespmem:s19+$0x4F40];
	_ =	sdelay $0x6  }
0xe3: {  	v3 =	vld [tilespmem:s19+$0x5F40]  }
0xe4: {  	v2 =	vld.idx.msk [tilespmem:v1+s1+$0x0], $0xffff;
	_ =	sdelay $0x1  }
0xe5: {  	v0 =	vld [tilespmem:s19+$0x8F40];
	_ =	sdelay $0x2  }
0xe6: {  	v2 =	vsub.f32 v3, v2;
	_ =	sdelay $0x1  }
0xe7: {  	v2 =	vmul.f32 v2, v0;
	_ =	sdelay $0x1  }
0xe8: {  	v3 =	vld [tilespmem:s19+$0x6F40];
	[tilespmem:s19+$0x9F40] =	vst v2  }
0xe9: {  	v2 =	vld.idx.msk [tilespmem:v1+s26+$0x0], $0xffff;
	_ =	sdelay $0x4  }
0xea: {  	v2 =	vsub.f32 v3, v2;
	_ =	sdelay $0x1  }
0xeb: {  	v2 =	vmul.f32 v2, v0;
	_ =	sdelay $0x1  }
0xec: {  	[tilespmem:s19+$0xAF40] =	vst v2;
	v2 =	vld [tilespmem:s19+$0x7F40]  }
0xed: {  	v1 =	vld.idx.msk [tilespmem:v1+s28+$0x0], $0xffff  }
0xee: {  	s20 =	simm.s32 $0x80;
	s21 =	simm.s32 $0x10  }
.LBB2_4:
0xef: {  	p0 =	sne.s32 s20, $0x1F00;
	v3 =	vld [tilespmem:s21+$0x4F40];
	_ =	sdelay $0x2  }
0xf0: {  	v1 =	vsub.f32 v2, v1;
	_ =	sdelay $0x1  }
0xf1: {  	v0 =	vmul.f32 v1, v0;
	_ =	sdelay $0x1  }
0xf2: {  	[tilespmem:s19+$0xBF40] =	vst v0;
	s19 =	smov.u32 s21  }
0xf3: {  	v1 =	vld.idx.msk [tilespmem:v3+s1+$0x0], $0xffff  }
0xf4: {  	v2 =	vld [tilespmem:s19+$0x5F40];
	_ =	sdelay $0x1  }
0xf5: {  	v0 =	vld [tilespmem:s19+$0x8F40];
	_ =	sdelay $0x2  }
0xf6: {  	v1 =	vsub.f32 v2, v1;
	_ =	sdelay $0x1  }
0xf7: {  	v1 =	vmul.f32 v1, v0;
	_ =	sdelay $0x1  }
0xf8: {  	[tilespmem:s19+$0x9F40] =	vst v1  }
0xf9: {  	v1 =	vld.idx.msk [tilespmem:v3+s26+$0x0], $0xffff  }
0xfa: {  	v2 =	vld [tilespmem:s19+$0x6F40];
	_ =	sdelay $0x4  }
0xfb: {  	v1 =	vsub.f32 v2, v1;
	_ =	sdelay $0x1  }
0xfc: {  	v1 =	vmul.f32 v1, v0  }
.Ltmp1:
0xfd: {  	(pc) =	sbr.rel @p0 .LBB2_4-.Ltmp1, $4  }
0xfe: {  	[tilespmem:s19+$0xAF40] =	vst v1  }
0xff: {  	v1 =	vld.idx.msk [tilespmem:v3+s28+$0x0], $0xffff  }
0x100: {  	v2 =	vld [tilespmem:s19+$0x7F40]  }
0x101: {  	s21 =	sshra.s32 s20, $0x2;
	s20 =	sadd.s32 $0x40, s20  }
0x102: {  	v3 =	vld [tilespmem:s21+$0x4F40];
	_ =	sdelay $0x2  }
0x103: {  	v1 =	vsub.f32 v2, v1;
	_ =	sdelay $0x1  }
0x104: {  	v0 =	vmul.f32 v1, v0;
	_ =	sdelay $0x1  }
0x105: {  	[tilespmem:s19+$0xBF40] =	vst v0  }
0x106: {  	v0 =	vld.idx.msk [tilespmem:v3+s1+$0x0], $0xffff  }
0x107: {  	v1 =	vld [tilespmem:s21+$0x5F40];
	_ =	sdelay $0x1  }
0x108: {  	v2 =	vld [tilespmem:s21+$0x8F40];
	_ =	sdelay $0x2  }
0x109: {  	v0 =	vsub.f32 v1, v0;
	_ =	sdelay $0x1  }
0x10a: {  	v0 =	vmul.f32 v0, v2;
	_ =	sdelay $0x1  }
0x10b: {  	v1 =	vld [tilespmem:s21+$0x6F40];
	[tilespmem:s21+$0x9F40] =	vst v0  }
0x10c: {  	v0 =	vld.idx.msk [tilespmem:v3+s26+$0x0], $0xffff;
	_ =	sdelay $0x4  }
0x10d: {  	v0 =	vsub.f32 v1, v0;
	_ =	sdelay $0x1  }
0x10e: {  	v0 =	vmul.f32 v0, v2;
	_ =	sdelay $0x1  }
0x10f: {  	v1 =	vld [tilespmem:s21+$0x7F40];
	[tilespmem:s21+$0xAF40] =	vst v0  }
0x110: {  	v0 =	vld.idx.msk [tilespmem:v3+s28+$0x0], $0xffff;
	_ =	sdelay $0x4  }
0x111: {  	v0 =	vsub.f32 v1, v0;
	_ =	sdelay $0x1  }
0x112: {  	v0 =	vmul.f32 v0, v2;
	_ =	sdelay $0x1  }
0x113: {  	s3 =	rddreg [dreg:$0x1c];
	[tilespmem:s21+$0xBF40] =	vst v0  }
0x114: {  	[hbm4b:s3+s1] =	stream.linear.scatter [tilespmem:s9], [sflag:$0x4], $0x7D0, $0x38;
	[tilespmem:$0xCF40] =	vst v63  }
0x115: {  	s19 =	rddreg [dreg:$0x1d]  }
0x116: {  	[hbm4b:s19+s1] =	stream.linear.scatter [tilespmem:s10], [sflag:$0x4], $0x7D0, $0x38;
	[tilespmem:$0xCF40] =	vst v63  }
0x117: {  	s20 =	rddreg [dreg:$0x1e]  }
0x118: {  	[hbm4b:s20+s1] =	stream.linear.scatter [tilespmem:s11], [sflag:$0x4], $0x7D0, $0x38;
	[tilespmem:$0xCF40] =	vst v63  }
0x119: {  	s21 =	rddreg [dreg:$0xc]  }
0x11a: {  	[tilespmem:s29], [sflag:$0x2] =	stream.linear.gather [hbm4b:s21+s1], $0x7D0, $0x38;
	[tilespmem:$0xCF40] =	vst v63  }
0x11b: {  	s4 =	rddreg [dreg:$0xd]  }
0x11c: {  	[tilespmem:s30], [sflag:$0x2] =	stream.linear.gather [hbm4b:s4+s1], $0x7D0, $0x38;
	[tilespmem:$0xCF40] =	vst v63  }
0x11d: {  	s19 =	rddreg [dreg:$0xe]  }
0x11e: {  	[tilespmem:s31], [sflag:$0x2] =	stream.linear.gather [hbm4b:s19+s1], $0x7D0, $0x38;
	[tilespmem:$0xCF40] =	vst v63  }
0x11f: {  	s20 =	rddreg [dreg:$0x12]  }
0x120: {  	[tilespmem:s0], [sflag:$0x2] =	stream.linear.gather [hbm4b:s20+s1], $0x7D0, $0x38;
	[tilespmem:$0xCF40] =	vst v63  }
0x121: {  	s21 =	rddreg [dreg:$0x13]  }
0x122: {  	[tilespmem:s2], [sflag:$0x2] =	stream.linear.gather [hbm4b:s21+s1], $0x7D0, $0x38;
	[tilespmem:$0xCF40] =	vst v63  }
0x123: {  	_ =	swait.ge [sflag:s12], $0x7D0  }
0x124: {  	[sflag:s12] =	ssyncset.done $0x0  }
0x125: {  	[sflag:s12] =	ssyncadd.s32 $0xFFFFF830  }
0x126: {  	_ =	swait.ge [sflag:s12], $0x7D0  }
0x127: {  	[sflag:s12] =	ssyncset.done $0x0  }
0x128: {  	[sflag:s12] =	ssyncadd.s32 $0xFFFFF830  }
0x129: {  	_ =	swait.ge [sflag:s12], $0x7D0  }
0x12a: {  	[sflag:s12] =	ssyncset.done $0x0  }
0x12b: {  	[sflag:s12] =	ssyncadd.s32 $0xFFFFF830  }
0x12c: {  	_ =	swait.ge [sflag:s12], $0x7D0  }
0x12d: {  	[sflag:s12] =	ssyncset.done $0x0  }
0x12e: {  	[sflag:s12] =	ssyncadd.s32 $0xFFFFF830  }
0x12f: {  	_ =	swait.ge [sflag:s12], $0x7D0  }
0x130: {  	[sflag:s12] =	ssyncset.done $0x0  }
0x131: {  	s19 =	simm.s32 $0x7D0;
	[sflag:s12] =	ssyncadd.s32 $0xFFFFF830  }
0x132: {  	v1 =	vld [tilespmem:s19+$0x4F40];
	_ =	sdelay $0x6  }
0x133: {  	v3 =	vld [tilespmem:s19+$0x5F40]  }
0x134: {  	v2 =	vld.idx.msk [tilespmem:v1+s1+$0x0], $0xffff;
	_ =	sdelay $0x1  }
0x135: {  	v0 =	vld [tilespmem:s19+$0x8F40];
	_ =	sdelay $0x2  }
0x136: {  	v2 =	vsub.f32 v3, v2;
	_ =	sdelay $0x1  }
0x137: {  	v2 =	vmul.f32 v2, v0;
	_ =	sdelay $0x1  }
0x138: {  	v3 =	vld [tilespmem:s19+$0x6F40];
	[tilespmem:s19+$0x9F40] =	vst v2  }
0x139: {  	v2 =	vld.idx.msk [tilespmem:v1+s26+$0x0], $0xffff;
	_ =	sdelay $0x4  }
0x13a: {  	v2 =	vsub.f32 v3, v2;
	_ =	sdelay $0x1  }
0x13b: {  	v2 =	vmul.f32 v2, v0;
	_ =	sdelay $0x1  }
0x13c: {  	[tilespmem:s19+$0xAF40] =	vst v2;
	v2 =	vld [tilespmem:s19+$0x7F40]  }
0x13d: {  	v1 =	vld.idx.msk [tilespmem:v1+s28+$0x0], $0xffff  }
0x13e: {  	s20 =	simm.s32 $0x1FC0;
	s21 =	simm.s32 $0x7E0  }
.LBB2_6:
0x13f: {  	p0 =	sne.s32 s20, $0x3E40;
	v3 =	vld [tilespmem:s21+$0x4F40];
	_ =	sdelay $0x2  }
0x140: {  	v1 =	vsub.f32 v2, v1;
	_ =	sdelay $0x1  }
0x141: {  	v0 =	vmul.f32 v1, v0;
	_ =	sdelay $0x1  }
0x142: {  	[tilespmem:s19+$0xBF40] =	vst v0;
	s19 =	smov.u32 s21  }
0x143: {  	v1 =	vld.idx.msk [tilespmem:v3+s1+$0x0], $0xffff  }
0x144: {  	v2 =	vld [tilespmem:s19+$0x5F40];
	_ =	sdelay $0x1  }
0x145: {  	v0 =	vld [tilespmem:s19+$0x8F40];
	_ =	sdelay $0x2  }
0x146: {  	v1 =	vsub.f32 v2, v1;
	_ =	sdelay $0x1  }
0x147: {  	v1 =	vmul.f32 v1, v0;
	_ =	sdelay $0x1  }
0x148: {  	[tilespmem:s19+$0x9F40] =	vst v1  }
0x149: {  	v1 =	vld.idx.msk [tilespmem:v3+s26+$0x0], $0xffff  }
0x14a: {  	v2 =	vld [tilespmem:s19+$0x6F40];
	_ =	sdelay $0x4  }
0x14b: {  	v1 =	vsub.f32 v2, v1;
	_ =	sdelay $0x1  }
0x14c: {  	v1 =	vmul.f32 v1, v0  }
.Ltmp2:
0x14d: {  	(pc) =	sbr.rel @p0 .LBB2_6-.Ltmp2, $4  }
0x14e: {  	[tilespmem:s19+$0xAF40] =	vst v1  }
0x14f: {  	v1 =	vld.idx.msk [tilespmem:v3+s28+$0x0], $0xffff  }
0x150: {  	v2 =	vld [tilespmem:s19+$0x7F40]  }
0x151: {  	s21 =	sshra.s32 s20, $0x2;
	s20 =	sadd.s32 $0x40, s20  }
0x152: {  	v3 =	vld [tilespmem:s21+$0x4F40];
	_ =	sdelay $0x2  }
0x153: {  	v1 =	vsub.f32 v2, v1;
	_ =	sdelay $0x1  }
0x154: {  	v0 =	vmul.f32 v1, v0;
	_ =	sdelay $0x1  }
0x155: {  	[tilespmem:s19+$0xBF40] =	vst v0  }
0x156: {  	v0 =	vld.idx.msk [tilespmem:v3+s1+$0x0], $0xffff  }
0x157: {  	v1 =	vld [tilespmem:s21+$0x5F40];
	_ =	sdelay $0x1  }
0x158: {  	v2 =	vld [tilespmem:s21+$0x8F40];
	_ =	sdelay $0x2  }
0x159: {  	v0 =	vsub.f32 v1, v0;
	_ =	sdelay $0x1  }
0x15a: {  	v0 =	vmul.f32 v0, v2;
	_ =	sdelay $0x1  }
0x15b: {  	v1 =	vld [tilespmem:s21+$0x6F40];
	[tilespmem:s21+$0x9F40] =	vst v0  }
0x15c: {  	v0 =	vld.idx.msk [tilespmem:v3+s26+$0x0], $0xffff;
	_ =	sdelay $0x4  }
0x15d: {  	v0 =	vsub.f32 v1, v0;
	_ =	sdelay $0x1  }
0x15e: {  	v0 =	vmul.f32 v0, v2;
	_ =	sdelay $0x1  }
0x15f: {  	v1 =	vld [tilespmem:s21+$0x7F40];
	[tilespmem:s21+$0xAF40] =	vst v0  }
0x160: {  	v0 =	vld.idx.msk [tilespmem:v3+s28+$0x0], $0xffff;
	_ =	sdelay $0x4  }
0x161: {  	v0 =	vsub.f32 v1, v0;
	_ =	sdelay $0x1  }
0x162: {  	v0 =	vmul.f32 v0, v2  }
0x163: {  	s4 =	rddreg [dreg:$0xf]  }
0x164: {  	s3 =	simm.s32 $0x0;
	s20 =	rddreg [dreg:$0x10];
	[tilespmem:s21+$0xBF40] =	vst v0  }
0x165: {  	[hbm4b:s4+s3] =	stream.linear.scatter [tilespmem:s13], [sflag:$0x5], $0x7D0, $0x38;
	[tilespmem:$0xCF40] =	vst v63  }
0x166: {  	s19 =	rddreg [dreg:$0x1f]  }
0x167: {  	[hbm4b:s20+s3] =	stream.linear.scatter [tilespmem:s14], [sflag:$0x5], $0x7D0, $0x38;
	[tilespmem:$0xCF40] =	vst v63  }
0x168: {  	s21 =	rddreg [dreg:$0x11]  }
0x169: {  	[hbm4b:s21+s3] =	stream.linear.scatter [tilespmem:s15], [sflag:$0x5], $0x7D0, $0x38;
	[tilespmem:$0xCF40] =	vst v63  }
0x16a: {  	s20 =	sld [smem:$0x7E4]  }
0x16b: {  	[tilespmem:s22], [sflag:$0x3] =	stream.linear.gather [hbm4b:s19+s3], $0x7D0, $0x38;
	[tilespmem:$0xCF40] =	vst v63  }
0x16c: {  	s21 =	sld [smem:$0x7E6]  }
0x16d: {  	[tilespmem:s23], [sflag:$0x3] =	stream.linear.gather [hbm4b:s20+s3], $0x7D0, $0x38;
	[tilespmem:$0xCF40] =	vst v63  }
0x16e: {  	s22 =	sld [smem:$0x7E8]  }
0x16f: {  	[tilespmem:s5], [sflag:$0x3] =	stream.linear.gather [hbm4b:s21+s3], $0x7D0, $0x38;
	[tilespmem:$0xCF40] =	vst v63  }
0x170: {  	s23 =	sld [smem:$0x7EA]  }
0x171: {  	[tilespmem:s6], [sflag:$0x3] =	stream.linear.gather [hbm4b:s22+s3], $0x7D0, $0x38;
	[tilespmem:$0xCF40] =	vst v63  }
0x172: {  	_ = 	snop  }
0x173: {  	[tilespmem:s7], [sflag:$0x3] =	stream.linear.gather [hbm4b:s23+s3], $0x7D0, $0x38;
	[tilespmem:$0xCF40] =	vst v63  }
0x174: {  	_ =	swait.ge [sflag:s8], $0x7D0  }
0x175: {  	[sflag:s8] =	ssyncset.done $0x0  }
0x176: {  	[sflag:s8] =	ssyncadd.s32 $0xFFFFF830  }
0x177: {  	_ =	swait.ge [sflag:s8], $0x7D0  }
0x178: {  	[sflag:s8] =	ssyncset.done $0x0  }
0x179: {  	[sflag:s8] =	ssyncadd.s32 $0xFFFFF830  }
0x17a: {  	_ =	swait.ge [sflag:s8], $0x7D0  }
0x17b: {  	[sflag:s8] =	ssyncset.done $0x0  }
0x17c: {  	[sflag:s8] =	ssyncadd.s32 $0xFFFFF830  }
0x17d: {  	_ =	swait.ge [sflag:s8], $0x7D0  }
0x17e: {  	[sflag:s8] =	ssyncset.done $0x0  }
0x17f: {  	[sflag:s8] =	ssyncadd.s32 $0xFFFFF830  }
0x180: {  	_ =	swait.ge [sflag:s8], $0x7D0  }
0x181: {  	[sflag:s8] =	ssyncset.done $0x0  }
0x182: {  	[sflag:s8] =	ssyncadd.s32 $0xFFFFF830  }
0x183: {  	_ =	swait.ge [sflag:s16], $0x7D0  }
0x184: {  	[sflag:s16] =	ssyncset.done $0x0  }
0x185: {  	[sflag:s16] =	ssyncadd.s32 $0xFFFFF830  }
0x186: {  	_ =	swait.ge [sflag:s16], $0x7D0  }
0x187: {  	[sflag:s16] =	ssyncset.done $0x0  }
0x188: {  	[sflag:s16] =	ssyncadd.s32 $0xFFFFF830  }
0x189: {  	_ =	swait.ge [sflag:s16], $0x7D0  }
0x18a: {  	[sflag:s16] =	ssyncset.done $0x0  }
0x18b: {  	s19 =	simm.s32 $0x0;
	[sflag:s16] =	ssyncadd.s32 $0xFFFFF830  }
0x18c: {  	v1 =	vld [tilespmem:s19+$0x4F40];
	_ =	sdelay $0x6  }
0x18d: {  	v3 =	vld [tilespmem:s19+$0x5F40]  }
0x18e: {  	v2 =	vld.idx.msk [tilespmem:v1+s1+$0x0], $0xffff;
	_ =	sdelay $0x1  }
0x18f: {  	v0 =	vld [tilespmem:s19+$0x8F40];
	_ =	sdelay $0x2  }
0x190: {  	v2 =	vsub.f32 v3, v2;
	_ =	sdelay $0x1  }
0x191: {  	v2 =	vmul.f32 v2, v0;
	_ =	sdelay $0x1  }
0x192: {  	v3 =	vld [tilespmem:s19+$0x6F40];
	[tilespmem:s19+$0x9F40] =	vst v2  }
0x193: {  	v2 =	vld.idx.msk [tilespmem:v1+s26+$0x0], $0xffff;
	_ =	sdelay $0x4  }
0x194: {  	v2 =	vsub.f32 v3, v2;
	_ =	sdelay $0x1  }
0x195: {  	v2 =	vmul.f32 v2, v0;
	_ =	sdelay $0x1  }
0x196: {  	[tilespmem:s19+$0xAF40] =	vst v2;
	v2 =	vld [tilespmem:s19+$0x7F40]  }
0x197: {  	v1 =	vld.idx.msk [tilespmem:v1+s28+$0x0], $0xffff  }
0x198: {  	s20 =	simm.s32 $0x80;
	s21 =	simm.s32 $0x10  }
.LBB2_8:
0x199: {  	p0 =	sne.s32 s20, $0x1F00;
	v3 =	vld [tilespmem:s21+$0x4F40];
	_ =	sdelay $0x2  }
0x19a: {  	v1 =	vsub.f32 v2, v1;
	_ =	sdelay $0x1  }
0x19b: {  	v0 =	vmul.f32 v1, v0;
	_ =	sdelay $0x1  }
0x19c: {  	[tilespmem:s19+$0xBF40] =	vst v0;
	s19 =	smov.u32 s21  }
0x19d: {  	v1 =	vld.idx.msk [tilespmem:v3+s1+$0x0], $0xffff  }
0x19e: {  	v2 =	vld [tilespmem:s19+$0x5F40];
	_ =	sdelay $0x1  }
0x19f: {  	v0 =	vld [tilespmem:s19+$0x8F40];
	_ =	sdelay $0x2  }
0x1a0: {  	v1 =	vsub.f32 v2, v1;
	_ =	sdelay $0x1  }
0x1a1: {  	v1 =	vmul.f32 v1, v0;
	_ =	sdelay $0x1  }
0x1a2: {  	[tilespmem:s19+$0x9F40] =	vst v1  }
0x1a3: {  	v1 =	vld.idx.msk [tilespmem:v3+s26+$0x0], $0xffff  }
0x1a4: {  	v2 =	vld [tilespmem:s19+$0x6F40];
	_ =	sdelay $0x4  }
0x1a5: {  	v1 =	vsub.f32 v2, v1;
	_ =	sdelay $0x1  }
0x1a6: {  	v1 =	vmul.f32 v1, v0  }
.Ltmp3:
0x1a7: {  	(pc) =	sbr.rel @p0 .LBB2_8-.Ltmp3, $4  }
0x1a8: {  	[tilespmem:s19+$0xAF40] =	vst v1  }
0x1a9: {  	v1 =	vld.idx.msk [tilespmem:v3+s28+$0x0], $0xffff  }
0x1aa: {  	v2 =	vld [tilespmem:s19+$0x7F40]  }
0x1ab: {  	s21 =	sshra.s32 s20, $0x2;
	s20 =	sadd.s32 $0x40, s20  }
0x1ac: {  	v3 =	vld [tilespmem:s21+$0x4F40];
	_ =	sdelay $0x2  }
0x1ad: {  	v1 =	vsub.f32 v2, v1;
	_ =	sdelay $0x1  }
0x1ae: {  	v0 =	vmul.f32 v1, v0;
	_ =	sdelay $0x1  }
0x1af: {  	[tilespmem:s19+$0xBF40] =	vst v0  }
0x1b0: {  	v0 =	vld.idx.msk [tilespmem:v3+s1+$0x0], $0xffff  }
0x1b1: {  	v1 =	vld [tilespmem:s21+$0x5F40];
	_ =	sdelay $0x1  }
0x1b2: {  	v2 =	vld [tilespmem:s21+$0x8F40];
	_ =	sdelay $0x2  }
0x1b3: {  	v0 =	vsub.f32 v1, v0;
	_ =	sdelay $0x1  }
0x1b4: {  	v0 =	vmul.f32 v0, v2;
	_ =	sdelay $0x1  }
0x1b5: {  	v1 =	vld [tilespmem:s21+$0x6F40];
	[tilespmem:s21+$0x9F40] =	vst v0  }
0x1b6: {  	v0 =	vld.idx.msk [tilespmem:v3+s26+$0x0], $0xffff;
	_ =	sdelay $0x4  }
0x1b7: {  	v0 =	vsub.f32 v1, v0;
	_ =	sdelay $0x1  }
0x1b8: {  	v0 =	vmul.f32 v0, v2;
	_ =	sdelay $0x1  }
0x1b9: {  	v1 =	vld [tilespmem:s21+$0x7F40];
	[tilespmem:s21+$0xAF40] =	vst v0  }
0x1ba: {  	v0 =	vld.idx.msk [tilespmem:v3+s28+$0x0], $0xffff;
	_ =	sdelay $0x4  }
0x1bb: {  	v0 =	vsub.f32 v1, v0;
	_ =	sdelay $0x1  }
0x1bc: {  	v0 =	vmul.f32 v0, v2  }
0x1bd: {  	s3 =	rddreg [dreg:$0x14]  }
0x1be: {  	s23 =	rddreg [dreg:$0x15];
	[tilespmem:s21+$0xBF40] =	vst v0  }
0x1bf: {  	[hbm4b:s3+s1] =	stream.linear.scatter [tilespmem:s9], [sflag:$0x4], $0x7D0, $0x38;
	[tilespmem:$0xCF40] =	vst v63  }
0x1c0: {  	s4 =	rddreg [dreg:$0x16]  }
0x1c1: {  	[hbm4b:s23+s1] =	stream.linear.scatter [tilespmem:s10], [sflag:$0x4], $0x7D0, $0x38;
	[tilespmem:$0xCF40] =	vst v63  }
0x1c2: {  	s19 =	sld [smem:$0x7E3]  }
0x1c3: {  	[hbm4b:s4+s1] =	stream.linear.scatter [tilespmem:s11], [sflag:$0x4], $0x7D0, $0x38;
	[tilespmem:$0xCF40] =	vst v63  }
0x1c4: {  	s20 =	sld [smem:$0x7E5]  }
0x1c5: {  	[tilespmem:s29], [sflag:$0x2] =	stream.linear.gather [hbm4b:s19+s1], $0x7D0, $0x38;
	[tilespmem:$0xCF40] =	vst v63  }
0x1c6: {  	s21 =	sld [smem:$0x7E7]  }
0x1c7: {  	[tilespmem:s30], [sflag:$0x2] =	stream.linear.gather [hbm4b:s20+s1], $0x7D0, $0x38;
	[tilespmem:$0xCF40] =	vst v63  }
0x1c8: {  	s22 =	sld [smem:$0x7E9]  }
0x1c9: {  	[tilespmem:s31], [sflag:$0x2] =	stream.linear.gather [hbm4b:s21+s1], $0x7D0, $0x38;
	[tilespmem:$0xCF40] =	vst v63  }
0x1ca: {  	s23 =	sld [smem:$0x7EB]  }
0x1cb: {  	[tilespmem:s0], [sflag:$0x2] =	stream.linear.gather [hbm4b:s22+s1], $0x7D0, $0x38;
	[tilespmem:$0xCF40] =	vst v63  }
0x1cc: {  	_ = 	snop  }
0x1cd: {  	[tilespmem:s2], [sflag:$0x2] =	stream.linear.gather [hbm4b:s23+s1], $0x7D0, $0x38;
	[tilespmem:$0xCF40] =	vst v63  }
0x1ce: {  	_ =	swait.ge [sflag:s12], $0x7D0  }
0x1cf: {  	[sflag:s12] =	ssyncset.done $0x0  }
0x1d0: {  	[sflag:s12] =	ssyncadd.s32 $0xFFFFF830  }
0x1d1: {  	_ =	swait.ge [sflag:s12], $0x7D0  }
0x1d2: {  	[sflag:s12] =	ssyncset.done $0x0  }
0x1d3: {  	[sflag:s12] =	ssyncadd.s32 $0xFFFFF830  }
0x1d4: {  	_ =	swait.ge [sflag:s12], $0x7D0  }
0x1d5: {  	[sflag:s12] =	ssyncset.done $0x0  }
0x1d6: {  	[sflag:s12] =	ssyncadd.s32 $0xFFFFF830  }
0x1d7: {  	_ =	swait.ge [sflag:s12], $0x7D0  }
0x1d8: {  	[sflag:s12] =	ssyncset.done $0x0  }
0x1d9: {  	[sflag:s12] =	ssyncadd.s32 $0xFFFFF830  }
0x1da: {  	_ =	swait.ge [sflag:s12], $0x7D0  }
0x1db: {  	[sflag:s12] =	ssyncset.done $0x0  }
0x1dc: {  	[sflag:s12] =	ssyncadd.s32 $0xFFFFF830  }
0x1dd: {  	_ =	swait.ge [sflag:s17], $0x7D0  }
0x1de: {  	[sflag:s17] =	ssyncset.done $0x0  }
0x1df: {  	[sflag:s17] =	ssyncadd.s32 $0xFFFFF830  }
0x1e0: {  	_ =	swait.ge [sflag:s17], $0x7D0  }
0x1e1: {  	[sflag:s17] =	ssyncset.done $0x0  }
0x1e2: {  	[sflag:s17] =	ssyncadd.s32 $0xFFFFF830  }
0x1e3: {  	_ =	swait.ge [sflag:s17], $0x7D0  }
0x1e4: {  	[sflag:s17] =	ssyncset.done $0x0  }
0x1e5: {  	s19 =	simm.s32 $0x7D0;
	[sflag:s17] =	ssyncadd.s32 $0xFFFFF830  }
0x1e6: {  	v1 =	vld [tilespmem:s19+$0x4F40];
	_ =	sdelay $0x6  }
0x1e7: {  	v3 =	vld [tilespmem:s19+$0x5F40]  }
0x1e8: {  	v2 =	vld.idx.msk [tilespmem:v1+s1+$0x0], $0xffff;
	_ =	sdelay $0x1  }
0x1e9: {  	v0 =	vld [tilespmem:s19+$0x8F40];
	_ =	sdelay $0x2  }
0x1ea: {  	v2 =	vsub.f32 v3, v2;
	_ =	sdelay $0x1  }
0x1eb: {  	v2 =	vmul.f32 v2, v0;
	_ =	sdelay $0x1  }
0x1ec: {  	v3 =	vld [tilespmem:s19+$0x6F40];
	[tilespmem:s19+$0x9F40] =	vst v2  }
0x1ed: {  	v2 =	vld.idx.msk [tilespmem:v1+s26+$0x0], $0xffff;
	_ =	sdelay $0x4  }
0x1ee: {  	v2 =	vsub.f32 v3, v2;
	_ =	sdelay $0x1  }
0x1ef: {  	v2 =	vmul.f32 v2, v0;
	_ =	sdelay $0x1  }
0x1f0: {  	[tilespmem:s19+$0xAF40] =	vst v2;
	v2 =	vld [tilespmem:s19+$0x7F40]  }
0x1f1: {  	v1 =	vld.idx.msk [tilespmem:v1+s28+$0x0], $0xffff  }
0x1f2: {  	s20 =	simm.s32 $0x1FC0;
	s21 =	simm.s32 $0x7E0  }
.LBB2_10:
0x1f3: {  	p0 =	sne.s32 s20, $0x3E40;
	v3 =	vld [tilespmem:s21+$0x4F40];
	_ =	sdelay $0x2  }
0x1f4: {  	v1 =	vsub.f32 v2, v1;
	_ =	sdelay $0x1  }
0x1f5: {  	v0 =	vmul.f32 v1, v0;
	_ =	sdelay $0x1  }
0x1f6: {  	[tilespmem:s19+$0xBF40] =	vst v0;
	s19 =	smov.u32 s21  }
0x1f7: {  	v1 =	vld.idx.msk [tilespmem:v3+s1+$0x0], $0xffff  }
0x1f8: {  	v2 =	vld [tilespmem:s19+$0x5F40];
	_ =	sdelay $0x1  }
0x1f9: {  	v0 =	vld [tilespmem:s19+$0x8F40];
	_ =	sdelay $0x2  }
0x1fa: {  	v1 =	vsub.f32 v2, v1;
	_ =	sdelay $0x1  }
0x1fb: {  	v1 =	vmul.f32 v1, v0;
	_ =	sdelay $0x1  }
0x1fc: {  	[tilespmem:s19+$0x9F40] =	vst v1  }
0x1fd: {  	v1 =	vld.idx.msk [tilespmem:v3+s26+$0x0], $0xffff  }
0x1fe: {  	v2 =	vld [tilespmem:s19+$0x6F40];
	_ =	sdelay $0x4  }
0x1ff: {  	v1 =	vsub.f32 v2, v1;
	_ =	sdelay $0x1  }
0x200: {  	v1 =	vmul.f32 v1, v0  }
.Ltmp4:
0x201: {  	(pc) =	sbr.rel @p0 .LBB2_10-.Ltmp4, $4  }
0x202: {  	[tilespmem:s19+$0xAF40] =	vst v1  }
0x203: {  	v1 =	vld.idx.msk [tilespmem:v3+s28+$0x0], $0xffff  }
0x204: {  	v2 =	vld [tilespmem:s19+$0x7F40]  }
0x205: {  	s21 =	sshra.s32 s20, $0x2;
	s20 =	sadd.s32 $0x40, s20  }
0x206: {  	v3 =	vld [tilespmem:s21+$0x4F40];
	_ =	sdelay $0x2  }
0x207: {  	v1 =	vsub.f32 v2, v1;
	_ =	sdelay $0x1  }
0x208: {  	v0 =	vmul.f32 v1, v0;
	_ =	sdelay $0x1  }
0x209: {  	[tilespmem:s19+$0xBF40] =	vst v0  }
0x20a: {  	v0 =	vld.idx.msk [tilespmem:v3+s1+$0x0], $0xffff  }
0x20b: {  	v1 =	vld [tilespmem:s21+$0x5F40];
	_ =	sdelay $0x1  }
0x20c: {  	v2 =	vld [tilespmem:s21+$0x8F40];
	_ =	sdelay $0x2  }
0x20d: {  	v0 =	vsub.f32 v1, v0;
	_ =	sdelay $0x1  }
0x20e: {  	v0 =	vmul.f32 v0, v2;
	_ =	sdelay $0x1  }
0x20f: {  	v1 =	vld [tilespmem:s21+$0x6F40];
	[tilespmem:s21+$0x9F40] =	vst v0  }
0x210: {  	v0 =	vld.idx.msk [tilespmem:v3+s26+$0x0], $0xffff;
	_ =	sdelay $0x4  }
0x211: {  	v0 =	vsub.f32 v1, v0;
	_ =	sdelay $0x1  }
0x212: {  	v0 =	vmul.f32 v0, v2;
	_ =	sdelay $0x1  }
0x213: {  	v1 =	vld [tilespmem:s21+$0x7F40];
	[tilespmem:s21+$0xAF40] =	vst v0  }
0x214: {  	v0 =	vld.idx.msk [tilespmem:v3+s28+$0x0], $0xffff;
	_ =	sdelay $0x4  }
0x215: {  	v0 =	vsub.f32 v1, v0;
	_ =	sdelay $0x1  }
0x216: {  	s4 =	sld [smem:$0x7EC];
	v0 =	vmul.f32 v0, v2;
	_ =	sdelay $0x1  }
0x217: {  	s3 =	simm.s32 $0x0;
	s22 =	sld [smem:$0x7ED];
	[tilespmem:s21+$0xBF40] =	vst v0  }
0x218: {  	[hbm4b:s4+s3] =	stream.linear.scatter [tilespmem:s13], [sflag:$0x5], $0x7D0, $0x38;
	[tilespmem:$0xCF40] =	vst v63  }
0x219: {  	s23 =	sld [smem:$0x7EE]  }
0x21a: {  	[hbm4b:s22+s3] =	stream.linear.scatter [tilespmem:s14], [sflag:$0x5], $0x7D0, $0x38;
	[tilespmem:$0xCF40] =	vst v63  }
0x21b: {  	_ = 	snop  }
0x21c: {  	[hbm4b:s23+s3] =	stream.linear.scatter [tilespmem:s15], [sflag:$0x5], $0x7D0, $0x38;
	[tilespmem:$0xCF40] =	vst v63  }
0x21d: {  	_ =	swait.ge [sflag:s8], $0x7D0  }
0x21e: {  	[sflag:s8] =	ssyncset.done $0x0  }
0x21f: {  	[sflag:s8] =	ssyncadd.s32 $0xFFFFF830  }
0x220: {  	_ =	swait.ge [sflag:s8], $0x7D0  }
0x221: {  	[sflag:s8] =	ssyncset.done $0x0  }
0x222: {  	[sflag:s8] =	ssyncadd.s32 $0xFFFFF830  }
0x223: {  	_ =	swait.ge [sflag:s8], $0x7D0  }
0x224: {  	[sflag:s8] =	ssyncset.done $0x0  }
0x225: {  	[sflag:s8] =	ssyncadd.s32 $0xFFFFF830  }
0x226: {  	_ =	swait.ge [sflag:s8], $0x7D0  }
0x227: {  	[sflag:s8] =	ssyncset.done $0x0  }
0x228: {  	[sflag:s8] =	ssyncadd.s32 $0xFFFFF830  }
0x229: {  	_ =	swait.ge [sflag:s8], $0x7D0  }
0x22a: {  	[sflag:s8] =	ssyncset.done $0x0  }
0x22b: {  	[sflag:s8] =	ssyncadd.s32 $0xFFFFF830  }
0x22c: {  	_ =	swait.ge [sflag:s16], $0x7D0  }
0x22d: {  	[sflag:s16] =	ssyncset.done $0x0  }
0x22e: {  	[sflag:s16] =	ssyncadd.s32 $0xFFFFF830  }
0x22f: {  	_ =	swait.ge [sflag:s16], $0x7D0  }
0x230: {  	[sflag:s16] =	ssyncset.done $0x0  }
0x231: {  	[sflag:s16] =	ssyncadd.s32 $0xFFFFF830  }
0x232: {  	_ =	swait.ge [sflag:s16], $0x7D0  }
0x233: {  	[sflag:s16] =	ssyncset.done $0x0  }
0x234: {  	s19 =	simm.s32 $0x0;
	[sflag:s16] =	ssyncadd.s32 $0xFFFFF830  }
0x235: {  	v1 =	vld [tilespmem:s19+$0x4F40];
	_ =	sdelay $0x6  }
0x236: {  	v3 =	vld [tilespmem:s19+$0x5F40]  }
0x237: {  	v2 =	vld.idx.msk [tilespmem:v1+s1+$0x0], $0xffff;
	_ =	sdelay $0x1  }
0x238: {  	v0 =	vld [tilespmem:s19+$0x8F40];
	_ =	sdelay $0x2  }
0x239: {  	v2 =	vsub.f32 v3, v2;
	_ =	sdelay $0x1  }
0x23a: {  	v2 =	vmul.f32 v2, v0;
	_ =	sdelay $0x1  }
0x23b: {  	v3 =	vld [tilespmem:s19+$0x6F40];
	[tilespmem:s19+$0x9F40] =	vst v2  }
0x23c: {  	v2 =	vld.idx.msk [tilespmem:v1+s26+$0x0], $0xffff;
	_ =	sdelay $0x4  }
0x23d: {  	v2 =	vsub.f32 v3, v2;
	_ =	sdelay $0x1  }
0x23e: {  	v2 =	vmul.f32 v2, v0;
	_ =	sdelay $0x1  }
0x23f: {  	[tilespmem:s19+$0xAF40] =	vst v2;
	v2 =	vld [tilespmem:s19+$0x7F40]  }
0x240: {  	v1 =	vld.idx.msk [tilespmem:v1+s28+$0x0], $0xffff  }
0x241: {  	s20 =	simm.s32 $0x80;
	s21 =	simm.s32 $0x10  }
.LBB2_12:
0x242: {  	p0 =	sne.s32 s20, $0x1F00;
	v3 =	vld [tilespmem:s21+$0x4F40];
	_ =	sdelay $0x2  }
0x243: {  	v1 =	vsub.f32 v2, v1;
	_ =	sdelay $0x1  }
0x244: {  	v0 =	vmul.f32 v1, v0;
	_ =	sdelay $0x1  }
0x245: {  	[tilespmem:s19+$0xBF40] =	vst v0;
	s19 =	smov.u32 s21  }
0x246: {  	v1 =	vld.idx.msk [tilespmem:v3+s1+$0x0], $0xffff  }
0x247: {  	v2 =	vld [tilespmem:s19+$0x5F40];
	_ =	sdelay $0x1  }
0x248: {  	v0 =	vld [tilespmem:s19+$0x8F40];
	_ =	sdelay $0x2  }
0x249: {  	v1 =	vsub.f32 v2, v1;
	_ =	sdelay $0x1  }
0x24a: {  	v1 =	vmul.f32 v1, v0;
	_ =	sdelay $0x1  }
0x24b: {  	[tilespmem:s19+$0x9F40] =	vst v1  }
0x24c: {  	v1 =	vld.idx.msk [tilespmem:v3+s26+$0x0], $0xffff  }
0x24d: {  	v2 =	vld [tilespmem:s19+$0x6F40];
	_ =	sdelay $0x4  }
0x24e: {  	v1 =	vsub.f32 v2, v1;
	_ =	sdelay $0x1  }
0x24f: {  	v1 =	vmul.f32 v1, v0  }
.Ltmp5:
0x250: {  	(pc) =	sbr.rel @p0 .LBB2_12-.Ltmp5, $4  }
0x251: {  	[tilespmem:s19+$0xAF40] =	vst v1  }
0x252: {  	v1 =	vld.idx.msk [tilespmem:v3+s28+$0x0], $0xffff  }
0x253: {  	v2 =	vld [tilespmem:s19+$0x7F40]  }
0x254: {  	s21 =	sshra.s32 s20, $0x2;
	s20 =	sadd.s32 $0x40, s20  }
0x255: {  	v3 =	vld [tilespmem:s21+$0x4F40];
	_ =	sdelay $0x2  }
0x256: {  	v1 =	vsub.f32 v2, v1;
	_ =	sdelay $0x1  }
0x257: {  	v0 =	vmul.f32 v1, v0;
	_ =	sdelay $0x1  }
0x258: {  	[tilespmem:s19+$0xBF40] =	vst v0  }
0x259: {  	v0 =	vld.idx.msk [tilespmem:v3+s1+$0x0], $0xffff  }
0x25a: {  	v60 =	vld [tilespmem:s21+$0x5F40];
	_ =	sdelay $0x1  }
0x25b: {  	v61 =	vld [tilespmem:s21+$0x8F40];
	_ =	sdelay $0x2  }
0x25c: {  	v0 =	vsub.f32 v60, v0;
	_ =	sdelay $0x1  }
0x25d: {  	v0 =	vmul.f32 v0, v61;
	_ =	sdelay $0x1  }
0x25e: {  	v62 =	vld [tilespmem:s21+$0x6F40];
	[tilespmem:s21+$0x9F40] =	vst v0  }
0x25f: {  	v0 =	vld.idx.msk [tilespmem:v3+s26+$0x0], $0xffff;
	_ =	sdelay $0x4  }
0x260: {  	v0 =	vsub.f32 v62, v0;
	_ =	sdelay $0x1  }
0x261: {  	v0 =	vmul.f32 v0, v61;
	_ =	sdelay $0x1  }
0x262: {  	v63 =	vld [tilespmem:s21+$0x7F40];
	[tilespmem:s21+$0xAF40] =	vst v0  }
0x263: {  	v0 =	vld.idx.msk [tilespmem:v3+s28+$0x0], $0xffff;
	_ =	sdelay $0x4  }
0x264: {  	v0 =	vsub.f32 v63, v0;
	_ =	sdelay $0x1  }
0x265: {  	s3 =	sld [smem:$0x7EF];
	v0 =	vmul.f32 v0, v61;
	_ =	sdelay $0x1  }
0x266: {  	[tilespmem:s21+$0xBF40] =	vst v0;
	s21 =	sld [smem:$0x7F0]  }
0x267: {  	[hbm4b:s3+s1] =	stream.linear.scatter [tilespmem:s9], [sflag:$0x4], $0x7D0, $0x38;
	[tilespmem:$0xCF40] =	vst v63  }
0x268: {  	s22 =	sld [smem:$0x7F1]  }
0x269: {  	[hbm4b:s21+s1] =	stream.linear.scatter [tilespmem:s10], [sflag:$0x4], $0x7D0, $0x38;
	[tilespmem:$0xCF40] =	vst v63  }
0x26a: {  	_ = 	snop  }
0x26b: {  	[hbm4b:s22+s1] =	stream.linear.scatter [tilespmem:s11], [sflag:$0x4], $0x7D0, $0x38;
	[tilespmem:$0xCF40] =	vst v63  }
0x26c: {  	_ =	swait.ge [sflag:s16], $0x7D0  }
0x26d: {  	[sflag:s16] =	ssyncset.done $0x0  }
0x26e: {  	[sflag:s16] =	ssyncadd.s32 $0xFFFFF830  }
0x26f: {  	_ =	swait.ge [sflag:s16], $0x7D0  }
0x270: {  	[sflag:s16] =	ssyncset.done $0x0  }
0x271: {  	[sflag:s16] =	ssyncadd.s32 $0xFFFFF830  }
0x272: {  	_ =	swait.ge [sflag:s16], $0x7D0  }
0x273: {  	[sflag:s16] =	ssyncset.done $0x0  }
0x274: {  	[sflag:s16] =	ssyncadd.s32 $0xFFFFF830  }
0x275: {  	_ =	swait.ge [sflag:s17], $0x7D0  }
0x276: {  	[sflag:s17] =	ssyncset.done $0x0  }
0x277: {  	[sflag:s17] =	ssyncadd.s32 $0xFFFFF830  }
0x278: {  	_ =	swait.ge [sflag:s17], $0x7D0  }
0x279: {  	[sflag:s17] =	ssyncset.done $0x0  }
0x27a: {  	[sflag:s17] =	ssyncadd.s32 $0xFFFFF830  }
0x27b: {  	_ =	swait.ge [sflag:s17], $0x7D0  }
0x27c: {  	s23 =	sld [smem:$0x7FD];
	_ =	sdelay $0x1  }
0x27d: {  	s18 =	sadd.s32 $0x1, s18  }
0x27e: {  	p0 =	sne.s32 s18, s23  }
.Ltmp6:
0x27f: {  	_ = 	snop;
	(pc) =	sbr.rel @p0 .LBB2_1-.Ltmp6, $3  }
0x280: {  	_ =	sdelay $0x1  }
0x281: {  	[sflag:s17] =	ssyncset.done $0x0  }
0x282: {  	[sflag:s17] =	ssyncadd.s32 $0xFFFFF830  }
0x283: {  	_ =	sfence.sel $0x180000  }
0x284: {  	[bflag:$0x0] =	sbarrier.arrive $0xFFFF  }
0x285: {  	_ =	strace $0x9000004A  }
0x286: {  	s0 =	stileid.u32;
	[bflag:$0x2] =	sbarrier.arrive $0xFFFF  }
0x287: {  	p0 =	sne.s32 s0, $0x0;
	s0 =	rddreg [dreg:$0x6]  }
0x288: {  	s0 =	sadd.s32 @!p0 $0x100000, s0  }
0x289: {  	[sflag:s0] =	ssyncadd.tile.s32 @!p0 $0x1;
	_ =	shalt  }
.Lfunc_end2:
_tile_overlayer_lowered:
.L_overlay_start_2:
0x28a: {  	(tag) =	ssettag $0x2  }
0x28b: {  	s0 =	rddreg [dreg:$0x0];
	s2 =	stileid.u32  }
0x28c: {  	s1 =	rddreg [dreg:$0x1];
	p0 =	sne.s32 s2, $0x0  }
0x28d: {  	s3 =	rddreg [dreg:$0x2];
	[bflag:$0x3] =	sbarrier.arrive $0xFFFF;
	s2 =	simm.s32 @!p0 $0x1C06  }
0x28e: {  	[timem:s3], [sflag:s2] =	dma.local @!p0 [hbm:s0], s1  }
0x28f: {  	s0 =	simm.s32 @!p0 $0x6  }
0x290: {  	_ =	swait.ge @!p0 [sflag:s0], s1  }
0x291: {  	s1 =	ssub.s32 @!p0 $0x0, s1;
	[sflag:s0] =	ssyncset.done @!p0 $0x0  }
0x292: {  	[sflag:s0] =	ssyncadd.s32 @!p0 s1  }
0x293: {  	[bflag:$0x3] =	sbarrier.arrive $0xFFFF  }
0x294: {  	_ =	shalt  }

</sc_bundles>
